<compile_context>
chip_gen: v7x
topology: tpu7x:2x2x1
jax: 0.10.2.dev20260603
libtpu: 0.0.44.dev20260713+nightly
codegen_flags: <defaults>
</compile_context>

<pallas_src>
import functools

import jax
import jax.numpy as jnp
from jax import lax
from jax.experimental import pallas as pl
from jax.experimental.pallas import tpu as pltpu
from jax.experimental.pallas import tpu_sc as plsc

_REPACK_CH = 8192


def _repack_body(*refs):
    n = len(refs) // 2
    for in_ref, out_ref in zip(refs[:n], refs[n:]):
        x = in_ref[...]
        x3 = x.reshape(16, 8, _REPACK_CH // 8)
        x8 = jnp.transpose(x3, (1, 0, 2)).reshape(128, _REPACK_CH // 8)
        out_ref[...] = jnp.transpose(x8)


def _tc_repack(*tables_t):
    n_rows = tables_t[0].shape[1]
    nblk = (n_rows + _REPACK_CH - 1) // _REPACK_CH
    np_rows = nblk * (_REPACK_CH // 8)
    n = len(tables_t)
    return pl.pallas_call(
        _repack_body,
        grid=(nblk,),
        in_specs=[pl.BlockSpec((16, _REPACK_CH), lambda i: (0, i))] * n,
        out_specs=[
            pl.BlockSpec((_REPACK_CH // 8, 128), lambda i: (i, 0))
        ] * n,
        out_shape=[jax.ShapeDtypeStruct((np_rows, 128), jnp.float32)] * n,
    )(*tables_t)


_CHG = 64


def _sc_gather_body(pu_hbm, pi_hbm, t0_hbm, t1_hbm, t2_hbm, t3_hbm,
                    o0_hbm, o1_hbm, o2_hbm, o3_hbm,
                    pu_v, pi_v, bufs, sem, *, nc):
    wid = lax.axis_index("s") * nc + lax.axis_index("c")
    n_chunk = pu_v.shape[0] * (pu_v.shape[1] // _CHG)
    bpw = n_chunk * _CHG
    base = wid * bpw
    pltpu.sync_copy(pu_hbm.at[wid], pu_v)
    pltpu.sync_copy(pi_hbm.at[wid], pi_v)
    tables = (t0_hbm, t1_hbm, t2_hbm, t3_hbm)
    outs = (o0_hbm, o1_hbm, o2_hbm, o3_hbm)
    per_row = pu_v.shape[1] // _CHG

    def idx_slice(iv, j):
        return iv.at[j // per_row, pl.ds((j % per_row) * _CHG, _CHG)]

    def fire(j):
        p = j % 2
        cps = []
        for t in range(4):
            iv = pu_v if t % 2 == 0 else pi_v
            cps.append(pltpu.async_copy(
                tables[t].at[idx_slice(iv, j)], bufs.at[t, p], sem))
        return cps

    pend = fire(0)
    for j in range(n_chunk):
        cur, pend = pend, (fire(j + 1) if j + 1 < n_chunk else [])
        for c in cur:
            c.wait()
        p = j % 2
        for t in range(4):
            pltpu.sync_copy(
                bufs.at[t, p], outs[t].at[pl.ds(base + j * _CHG, _CHG)])


def _sc_gather(pu3, pi3, p0, p1, p2, p3):
    info = plsc.get_sparse_core_info()
    nc = info.num_cores
    b = pu3.size
    f32 = jnp.float32
    run = pl.kernel(
        functools.partial(_sc_gather_body, nc=nc),
        mesh=plsc.VectorSubcoreMesh(core_axis_name="c", subcore_axis_name="s"),
        out_type=(
            jax.ShapeDtypeStruct((b, 128), f32),
            jax.ShapeDtypeStruct((b, 128), f32),
            jax.ShapeDtypeStruct((b, 128), f32),
            jax.ShapeDtypeStruct((b, 128), f32),
        ),
        scratch_types=[
            pltpu.VMEM(pu3.shape[1:], jnp.int32),
            pltpu.VMEM(pu3.shape[1:], jnp.int32),
            pltpu.VMEM((4, 2, _CHG, 128), f32),
            pltpu.SemaphoreType.DMA,
        ],
        compiler_params=pltpu.CompilerParams(use_tc_tiling_on_sc=True),
    )
    return run(pu3, pi3, p0, p1, p2, p3)


def _tc_dense_body(gumf_ref, gimf_ref, gumlp_ref, gimlp_ref, su_ref, si_ref,
                   w1u_ref, w1i_ref, b1_ref, w2_ref, b2_ref,
                   wpmf_ref, wph_ref, bp_ref, out_ref):
    f32 = jnp.float32
    bb = gumf_ref.shape[0]
    lane_grp = lax.broadcasted_iota(jnp.int32, (bb, 128), 1) // 16
    sel = (lax.broadcasted_iota(jnp.int32, (128, 16), 0) % 16
           == lax.broadcasted_iota(jnp.int32, (128, 16), 1)).astype(f32)
    mu = (lane_grp == su_ref[...]).astype(f32)
    mi = (lane_grp == si_ref[...]).astype(f32)

    def extract(g_ref, m):
        return jnp.dot(g_ref[...] * m, sel, preferred_element_type=f32)

    umf = extract(gumf_ref, mu)
    imf = extract(gimf_ref, mi)
    umlp = extract(gumlp_ref, mu)
    imlp = extract(gimlp_ref, mi)

    h1 = jnp.dot(umlp, w1u_ref[...], preferred_element_type=f32)
    h1 = h1 + jnp.dot(imlp, w1i_ref[...], preferred_element_type=f32)
    h1 = jnp.maximum(h1 + b1_ref[...], 0.0)
    h2 = jnp.dot(h1, w2_ref[...], preferred_element_type=f32) + b2_ref[...]
    h2 = jnp.maximum(h2, 0.0)
    mf = umf * imf
    z = (jnp.sum(mf * wpmf_ref[...], axis=1, keepdims=True)
         + jnp.sum(h2 * wph_ref[...], axis=1, keepdims=True)
         + bp_ref[0, 0])
    out_ref[...] = 1.0 / (1.0 + jnp.exp(-z))


def _tc_dense(gumf, gimf, gumlp, gimlp, su, si, W1, b1, W2, b2, Wp, bp):
    b = gumf.shape[0]
    dmf = 16
    dmlp = 16
    h1d = W1.shape[1]
    h2d = W2.shape[1]
    n_blocks = 8
    bb = b // n_blocks

    w1u = W1[:dmlp, :]
    w1i = W1[dmlp:, :]
    b1r = b1.reshape(1, h1d)
    b2r = b2.reshape(1, h2d)
    wpmf = Wp[:dmf, 0].reshape(1, dmf)
    wph = Wp[dmf:, 0].reshape(1, h2d)
    bpr = bp.reshape(1, 1)

    row = lambda i: (i, 0)
    fix = lambda i: (0, 0)
    return pl.pallas_call(
        _tc_dense_body,
        grid=(n_blocks,),
        in_specs=[
            pl.BlockSpec((bb, 128), row),
            pl.BlockSpec((bb, 128), row),
            pl.BlockSpec((bb, 128), row),
            pl.BlockSpec((bb, 128), row),
            pl.BlockSpec((bb, 1), row),
            pl.BlockSpec((bb, 1), row),
            pl.BlockSpec((dmlp, h1d), fix),
            pl.BlockSpec((dmlp, h1d), fix),
            pl.BlockSpec((1, h1d), fix),
            pl.BlockSpec((h1d, h2d), fix),
            pl.BlockSpec((1, h2d), fix),
            pl.BlockSpec((1, dmf), fix),
            pl.BlockSpec((1, h2d), fix),
            pl.BlockSpec((1, 1), fix),
        ],
        out_specs=pl.BlockSpec((bb, 1), row),
        out_shape=jax.ShapeDtypeStruct((b, 1), jnp.float32),
    )(gumf, gimf, gumlp, gimlp, su, si, w1u, w1i, b1r, W2, b2r, wpmf, wph, bpr)


def kernel(user, item, u_mf_table, i_mf_table, u_mlp_table, i_mlp_table,
           W1, b1, W2, b2, Wp, bp):
    info = plsc.get_sparse_core_info()
    nw = info.num_cores * info.num_subcores
    b = user.shape[0]
    bpw = b // nw

    user = user.astype(jnp.int32)
    item = item.astype(jnp.int32)
    pu = (user >> 13) * 1024 + (user & 1023)
    pi = (item >> 13) * 1024 + (item & 1023)
    pu3 = pu.reshape(nw, bpw // 128, 128)
    pi3 = pi.reshape(nw, bpw // 128, 128)
    su = ((user >> 10) & 7).reshape(b, 1)
    si = ((item >> 10) & 7).reshape(b, 1)

    p_umf, p_imf, p_umlp, p_imlp = _tc_repack(
        u_mf_table.T, i_mf_table.T, u_mlp_table.T, i_mlp_table.T)
    gumf, gimf, gumlp, gimlp = _sc_gather(
        pu3, pi3, p_umf, p_imf, p_umlp, p_imlp)
    return _tc_dense(gumf, gimf, gumlp, gimlp, su, si, W1, b1, W2, b2, Wp, bp)

# --- scband reference (transcript-rebuilt; emitter-appended) ---
"""Pipeline reference for scband-ncf-7533372637499 (READ-ONLY COPY).

The authoritative reference and input builder live on the scoring server;
editing this copy changes nothing except your own understanding.
"""

import jax, jax.numpy as jnp
import numpy as np

NU = 1000000
NI = 1000000
DMF = 16
DMLP = 16
H1 = 64
H2 = 32
B = 16384


def setup_inputs(seed: int = 0) -> dict:
    key = jax.random.key(seed)
    ks = jax.random.split(key, 12)
    user = jax.random.randint(ks[0], (B,), 0, NU, dtype=jnp.int64 if jax.config.jax_enable_x64 else jnp.int32)
    item = jax.random.randint(ks[1], (B,), 0, NI, dtype=jnp.int64 if jax.config.jax_enable_x64 else jnp.int32)
    # embedding tables (GlorotUniform-like scale)
    u_mf_table = jax.random.normal(ks[2], (NU, DMF), dtype=jnp.float32) * 0.05
    i_mf_table = jax.random.normal(ks[3], (NI, DMF), dtype=jnp.float32) * 0.05
    u_mlp_table = jax.random.normal(ks[4], (NU, DMLP), dtype=jnp.float32) * 0.05
    i_mlp_table = jax.random.normal(ks[5], (NI, DMLP), dtype=jnp.float32) * 0.05
    # MLP tower weights
    W1 = jax.random.normal(ks[6], (2 * DMLP, H1), dtype=jnp.float32) * (1.0 / np.sqrt(2 * DMLP))
    b1 = jnp.zeros((H1,), dtype=jnp.float32)
    W2 = jax.random.normal(ks[7], (H1, H2), dtype=jnp.float32) * (1.0 / np.sqrt(H1))
    b2 = jnp.zeros((H2,), dtype=jnp.float32)
    # prediction layer over concat([mf_output, mlp_output]) -> DMF + H2
    Wp = jax.random.normal(ks[8], (DMF + H2, 1), dtype=jnp.float32) * (1.0 / np.sqrt(DMF + H2))
    bp = jnp.zeros((1,), dtype=jnp.float32)
    return {
        "user": user, "item": item,
        "u_mf_table": u_mf_table, "i_mf_table": i_mf_table,
        "u_mlp_table": u_mlp_table, "i_mlp_table": i_mlp_table,
        "W1": W1, "b1": b1, "W2": W2, "b2": b2, "Wp": Wp, "bp": bp,
    }


def reference(user, item, u_mf_table, i_mf_table, u_mlp_table, i_mlp_table, W1, b1, W2, b2, Wp, bp):
    # embedding lookups
    user_mf_e = jnp.take(u_mf_table, user, axis=0)
    item_mf_e = jnp.take(i_mf_table, item, axis=0)
    user_mlp_e = jnp.take(u_mlp_table, user, axis=0)
    item_mlp_e = jnp.take(i_mlp_table, item, axis=0)
    # GMF branch
    mf_output = user_mf_e * item_mf_e
    # MLP branch (dropout is identity at inference / dropout=0.0)
    h = jnp.concatenate([user_mlp_e, item_mlp_e], axis=-1)
    h = jax.nn.relu(h @ W1 + b1)
    h = jax.nn.relu(h @ W2 + b2)
    # fusion + prediction
    fused = jnp.concatenate([mf_output, h], axis=-1)
    output = jax.nn.sigmoid(fused @ Wp + bp)
    return output

if __name__ == "__main__":
    import jax
    _d = setup_inputs()
    print(jax.jit(kernel)(*tuple(_d.values())))

</pallas_src>

<mosaic_0001>
#map = affine_map<(d0, d1) -> (0, 0, 0)>
#map1 = affine_map<(d0, d1) -> (0, 0)>
module attributes {stable_mosaic.version = 14 : i64} {
  func.func @_sc_gather_body(%arg0: i32, %arg1: i32, %arg2: memref<32x4x128xi32, #tpu.memory_space<hbm>>, %arg3: memref<32x4x128xi32, #tpu.memory_space<hbm>>, %arg4: memref<125952x128xf32, #tpu.memory_space<hbm>>, %arg5: memref<125952x128xf32, #tpu.memory_space<hbm>>, %arg6: memref<125952x128xf32, #tpu.memory_space<hbm>>, %arg7: memref<125952x128xf32, #tpu.memory_space<hbm>>, %arg8: memref<16384x128xf32, #tpu.memory_space<hbm>>, %arg9: memref<16384x128xf32, #tpu.memory_space<hbm>>, %arg10: memref<16384x128xf32, #tpu.memory_space<hbm>>, %arg11: memref<16384x128xf32, #tpu.memory_space<hbm>>, %arg12: memref<4x128xi32, #tpu.memory_space<vmem>>, %arg13: memref<4x128xi32, #tpu.memory_space<vmem>>, %arg14: memref<4x2x64x128xf32, #tpu.memory_space<vmem>>, %arg15: memref<!tpu.dma_semaphore, #tpu.memory_space<semaphore_mem>>) attributes {dimension_semantics = [#tpu.dimension_semantics<core_parallel>, #tpu.dimension_semantics<subcore_parallel>], iteration_bounds = array<i64: 2, 16>, scalar_prefetch = 0 : i64, scratch_operands = 4 : i64, tpu.core_type = #tpu.core_type<sc_vector_subcore>, window_params = [{transform_indices = #map}, {transform_indices = #map}, {transform_indices = #map1}, {transform_indices = #map1}, {transform_indices = #map1}, {transform_indices = #map1}, {transform_indices = #map1}, {transform_indices = #map1}, {transform_indices = #map1}, {transform_indices = #map1}]} {
    %mul3A = arith.constant 2 : i32
    %mul3A_0 = arith.muli %arg1, %mul3A : i32
    %add3A = arith.addi %mul3A_0, %arg0 : i32
    %mul3A_1 = arith.constant 512 : i32
    %mul3A_2 = arith.muli %add3A, %mul3A_1 : i32
    "tpu.region"() ({
      %run_scoped3A_960 = tpu.sem_alloc : memref<!tpu.dma_semaphore, #tpu.memory_space<semaphore_mem>>
      %dma_start3A_961 = arith.constant 0 : i32
      %dma_start3A_962 = arith.constant 0 : i32
      %dma_start3A_963 = tpu.memref_slice %arg2[%add3A, %dma_start3A_961, %dma_start3A_962] : memref<32x4x128xi32, #tpu.memory_space<hbm>> -> memref<1x4x128xi32, #tpu.memory_space<hbm>>
      %dma_start3A_964 = tpu.memref_squeeze %dma_start3A_963 : memref<1x4x128xi32, #tpu.memory_space<hbm>> -> memref<4x128xi32, #tpu.memory_space<hbm>>
      %dma_start3A_965 = arith.constant 0 : i32
      %dma_start3A_966 = arith.constant 0 : i32
      %dma_start3A_967 = tpu.memref_slice %arg2[%add3A, %dma_start3A_965, %dma_start3A_966] : memref<32x4x128xi32, #tpu.memory_space<hbm>> -> memref<1x4x128xi32, #tpu.memory_space<hbm>>
      %dma_start3A_968 = tpu.memref_squeeze %dma_start3A_967 : memref<1x4x128xi32, #tpu.memory_space<hbm>> -> memref<4x128xi32, #tpu.memory_space<hbm>>
      tpu.enqueue_dma source(%dma_start3A_968 : memref<4x128xi32, #tpu.memory_space<hbm>>) target(%arg12 : memref<4x128xi32, #tpu.memory_space<vmem>>) target_semaphore(%run_scoped3A_960 : memref<!tpu.dma_semaphore, #tpu.memory_space<semaphore_mem>>)
      %dma_wait3A_969 = arith.constant 0 : i32
      %dma_wait3A_970 = arith.constant 0 : i32
      %dma_wait3A_971 = tpu.memref_slice %arg2[%add3A, %dma_wait3A_969, %dma_wait3A_970] : memref<32x4x128xi32, #tpu.memory_space<hbm>> -> memref<1x4x128xi32, #tpu.memory_space<hbm>>
      %dma_wait3A_972 = tpu.memref_squeeze %dma_wait3A_971 : memref<1x4x128xi32, #tpu.memory_space<hbm>> -> memref<4x128xi32, #tpu.memory_space<hbm>>
      %dma_wait3A_973 = arith.constant 0 : i32
      %dma_wait3A_974 = arith.constant 0 : i32
      %dma_wait3A_975 = tpu.memref_slice %arg2[%add3A, %dma_wait3A_973, %dma_wait3A_974] : memref<32x4x128xi32, #tpu.memory_space<hbm>> -> memref<1x4x128xi32, #tpu.memory_space<hbm>>
      %dma_wait3A_976 = tpu.memref_squeeze %dma_wait3A_975 : memref<1x4x128xi32, #tpu.memory_space<hbm>> -> memref<4x128xi32, #tpu.memory_space<hbm>>
      tpu.wait_dma2 semaphore(%run_scoped3A_960 : memref<!tpu.dma_semaphore, #tpu.memory_space<semaphore_mem>>) src(%dma_wait3A_976 : memref<4x128xi32, #tpu.memory_space<hbm>>) dst(%arg12 : memref<4x128xi32, #tpu.memory_space<vmem>>)
      tpu.yield
    }) : () -> ()
    "tpu.region"() ({
      %run_scoped3A_960 = tpu.sem_alloc : memref<!tpu.dma_semaphore, #tpu.memory_space<semaphore_mem>>
      %dma_start3A_961 = arith.constant 0 : i32
      %dma_start3A_962 = arith.constant 0 : i32
      %dma_start3A_963 = tpu.memref_slice %arg3[%add3A, %dma_start3A_961, %dma_start3A_962] : memref<32x4x128xi32, #tpu.memory_space<hbm>> -> memref<1x4x128xi32, #tpu.memory_space<hbm>>
      %dma_start3A_964 = tpu.memref_squeeze %dma_start3A_963 : memref<1x4x128xi32, #tpu.memory_space<hbm>> -> memref<4x128xi32, #tpu.memory_space<hbm>>
      %dma_start3A_965 = arith.constant 0 : i32
      %dma_start3A_966 = arith.constant 0 : i32
      %dma_start3A_967 = tpu.memref_slice %arg3[%add3A, %dma_start3A_965, %dma_start3A_966] : memref<32x4x128xi32, #tpu.memory_space<hbm>> -> memref<1x4x128xi32, #tpu.memory_space<hbm>>
      %dma_start3A_968 = tpu.memref_squeeze %dma_start3A_967 : memref<1x4x128xi32, #tpu.memory_space<hbm>> -> memref<4x128xi32, #tpu.memory_space<hbm>>
      tpu.enqueue_dma source(%dma_start3A_968 : memref<4x128xi32, #tpu.memory_space<hbm>>) target(%arg13 : memref<4x128xi32, #tpu.memory_space<vmem>>) target_semaphore(%run_scoped3A_960 : memref<!tpu.dma_semaphore, #tpu.memory_space<semaphore_mem>>)
      %dma_wait3A_969 = arith.constant 0 : i32
      %dma_wait3A_970 = arith.constant 0 : i32
      %dma_wait3A_971 = tpu.memref_slice %arg3[%add3A, %dma_wait3A_969, %dma_wait3A_970] : memref<32x4x128xi32, #tpu.memory_space<hbm>> -> memref<1x4x128xi32, #tpu.memory_space<hbm>>
      %dma_wait3A_972 = tpu.memref_squeeze %dma_wait3A_971 : memref<1x4x128xi32, #tpu.memory_space<hbm>> -> memref<4x128xi32, #tpu.memory_space<hbm>>
      %dma_wait3A_973 = arith.constant 0 : i32
      %dma_wait3A_974 = arith.constant 0 : i32
      %dma_wait3A_975 = tpu.memref_slice %arg3[%add3A, %dma_wait3A_973, %dma_wait3A_974] : memref<32x4x128xi32, #tpu.memory_space<hbm>> -> memref<1x4x128xi32, #tpu.memory_space<hbm>>
      %dma_wait3A_976 = tpu.memref_squeeze %dma_wait3A_975 : memref<1x4x128xi32, #tpu.memory_space<hbm>> -> memref<4x128xi32, #tpu.memory_space<hbm>>
      tpu.wait_dma2 semaphore(%run_scoped3A_960 : memref<!tpu.dma_semaphore, #tpu.memory_space<semaphore_mem>>) src(%dma_wait3A_976 : memref<4x128xi32, #tpu.memory_space<hbm>>) dst(%arg13 : memref<4x128xi32, #tpu.memory_space<vmem>>)
      tpu.yield
    }) : () -> ()
    %dma_start3A = arith.constant 0 : i32
    %dma_start3A_3 = arith.constant 0 : i32
    %dma_start3A_4 = arith.constant 0 : i32
    %dma_start3A_5 = arith.constant 0 : i32
    %dma_start3A_6 = arith.constant 0 : i32
    %dma_start3A_7 = tpu.memref_slice %arg14[%dma_start3A_3, %dma_start3A_4, %dma_start3A_5, %dma_start3A_6] : memref<4x2x64x128xf32, #tpu.memory_space<vmem>> -> memref<1x1x64x128xf32, #tpu.memory_space<vmem>>
    %dma_start3A_8 = tpu.memref_squeeze %dma_start3A_7 : memref<1x1x64x128xf32, #tpu.memory_space<vmem>> -> memref<64x128xf32, #tpu.memory_space<vmem>>
    %dma_start3A_9 = arith.constant 0 : i32
    %dma_start3A_10 = tpu.memref_slice %arg12[%dma_start3A, %dma_start3A_9] : memref<4x128xi32, #tpu.memory_space<vmem>> -> memref<1x64xi32, #tpu.memory_space<vmem>>
    %dma_start3A_11 = tpu.memref_squeeze %dma_start3A_10 : memref<1x64xi32, #tpu.memory_space<vmem>> -> memref<64xi32, #tpu.memory_space<vmem>>
    %dma_start3A_12 = arith.constant 0 : i32
    %dma_start3A_13 = arith.constant 0 : i32
    %dma_start3A_14 = tpu.memref_slice %arg4[%dma_start3A_12, %dma_start3A_13] : memref<125952x128xf32, #tpu.memory_space<hbm>> -> memref<125952x128xf32, #tpu.memory_space<hbm>>
    tpu.enqueue_indirect_dma source(%dma_start3A_14 : memref<125952x128xf32, #tpu.memory_space<hbm>>) target(%dma_start3A_8 : memref<64x128xf32, #tpu.memory_space<vmem>>) offsets(%dma_start3A_11 : memref<64xi32, #tpu.memory_space<vmem>>) semaphore(%arg15 : memref<!tpu.dma_semaphore, #tpu.memory_space<semaphore_mem>>)
    %dma_start3A_15 = arith.constant 0 : i32
    %dma_start3A_16 = arith.constant 1 : i32
    %dma_start3A_17 = arith.constant 0 : i32
    %dma_start3A_18 = arith.constant 0 : i32
    %dma_start3A_19 = arith.constant 0 : i32
    %dma_start3A_20 = tpu.memref_slice %arg14[%dma_start3A_16, %dma_start3A_17, %dma_start3A_18, %dma_start3A_19] : memref<4x2x64x128xf32, #tpu.memory_space<vmem>> -> memref<1x1x64x128xf32, #tpu.memory_space<vmem>>
    %dma_start3A_21 = tpu.memref_squeeze %dma_start3A_20 : memref<1x1x64x128xf32, #tpu.memory_space<vmem>> -> memref<64x128xf32, #tpu.memory_space<vmem>>
    %dma_start3A_22 = arith.constant 0 : i32
    %dma_start3A_23 = tpu.memref_slice %arg13[%dma_start3A_15, %dma_start3A_22] : memref<4x128xi32, #tpu.memory_space<vmem>> -> memref<1x64xi32, #tpu.memory_space<vmem>>
    %dma_start3A_24 = tpu.memref_squeeze %dma_start3A_23 : memref<1x64xi32, #tpu.memory_space<vmem>> -> memref<64xi32, #tpu.memory_space<vmem>>
    %dma_start3A_25 = arith.constant 0 : i32
    %dma_start3A_26 = arith.constant 0 : i32
    %dma_start3A_27 = tpu.memref_slice %arg5[%dma_start3A_25, %dma_start3A_26] : memref<125952x128xf32, #tpu.memory_space<hbm>> -> memref<125952x128xf32, #tpu.memory_space<hbm>>
    tpu.enqueue_indirect_dma source(%dma_start3A_27 : memref<125952x128xf32, #tpu.memory_space<hbm>>) target(%dma_start3A_21 : memref<64x128xf32, #tpu.memory_space<vmem>>) offsets(%dma_start3A_24 : memref<64xi32, #tpu.memory_space<vmem>>) semaphore(%arg15 : memref<!tpu.dma_semaphore, #tpu.memory_space<semaphore_mem>>)
    %dma_start3A_28 = arith.constant 0 : i32
    %dma_start3A_29 = arith.constant 2 : i32
    %dma_start3A_30 = arith.constant 0 : i32
    %dma_start3A_31 = arith.constant 0 : i32
    %dma_start3A_32 = arith.constant 0 : i32
    %dma_start3A_33 = tpu.memref_slice %arg14[%dma_start3A_29, %dma_start3A_30, %dma_start3A_31, %dma_start3A_32] : memref<4x2x64x128xf32, #tpu.memory_space<vmem>> -> memref<1x1x64x128xf32, #tpu.memory_space<vmem>>
    %dma_start3A_34 = tpu.memref_squeeze %dma_start3A_33 : memref<1x1x64x128xf32, #tpu.memory_space<vmem>> -> memref<64x128xf32, #tpu.memory_space<vmem>>
    %dma_start3A_35 = arith.constant 0 : i32
    %dma_start3A_36 = tpu.memref_slice %arg12[%dma_start3A_28, %dma_start3A_35] : memref<4x128xi32, #tpu.memory_space<vmem>> -> memref<1x64xi32, #tpu.memory_space<vmem>>
    %dma_start3A_37 = tpu.memref_squeeze %dma_start3A_36 : memref<1x64xi32, #tpu.memory_space<vmem>> -> memref<64xi32, #tpu.memory_space<vmem>>
    %dma_start3A_38 = arith.constant 0 : i32
    %dma_start3A_39 = arith.constant 0 : i32
    %dma_start3A_40 = tpu.memref_slice %arg6[%dma_start3A_38, %dma_start3A_39] : memref<125952x128xf32, #tpu.memory_space<hbm>> -> memref<125952x128xf32, #tpu.memory_space<hbm>>
    tpu.enqueue_indirect_dma source(%dma_start3A_40 : memref<125952x128xf32, #tpu.memory_space<hbm>>) target(%dma_start3A_34 : memref<64x128xf32, #tpu.memory_space<vmem>>) offsets(%dma_start3A_37 : memref<64xi32, #tpu.memory_space<vmem>>) semaphore(%arg15 : memref<!tpu.dma_semaphore, #tpu.memory_space<semaphore_mem>>)
    %dma_start3A_41 = arith.constant 0 : i32
    %dma_start3A_42 = arith.constant 3 : i32
    %dma_start3A_43 = arith.constant 0 : i32
    %dma_start3A_44 = arith.constant 0 : i32
    %dma_start3A_45 = arith.constant 0 : i32
    %dma_start3A_46 = tpu.memref_slice %arg14[%dma_start3A_42, %dma_start3A_43, %dma_start3A_44, %dma_start3A_45] : memref<4x2x64x128xf32, #tpu.memory_space<vmem>> -> memref<1x1x64x128xf32, #tpu.memory_space<vmem>>
    %dma_start3A_47 = tpu.memref_squeeze %dma_start3A_46 : memref<1x1x64x128xf32, #tpu.memory_space<vmem>> -> memref<64x128xf32, #tpu.memory_space<vmem>>
    %dma_start3A_48 = arith.constant 0 : i32
    %dma_start3A_49 = tpu.memref_slice %arg13[%dma_start3A_41, %dma_start3A_48] : memref<4x128xi32, #tpu.memory_space<vmem>> -> memref<1x64xi32, #tpu.memory_space<vmem>>
    %dma_start3A_50 = tpu.memref_squeeze %dma_start3A_49 : memref<1x64xi32, #tpu.memory_space<vmem>> -> memref<64xi32, #tpu.memory_space<vmem>>
    %dma_start3A_51 = arith.constant 0 : i32
    %dma_start3A_52 = arith.constant 0 : i32
    %dma_start3A_53 = tpu.memref_slice %arg7[%dma_start3A_51, %dma_start3A_52] : memref<125952x128xf32, #tpu.memory_space<hbm>> -> memref<125952x128xf32, #tpu.memory_space<hbm>>
    tpu.enqueue_indirect_dma source(%dma_start3A_53 : memref<125952x128xf32, #tpu.memory_space<hbm>>) target(%dma_start3A_47 : memref<64x128xf32, #tpu.memory_space<vmem>>) offsets(%dma_start3A_50 : memref<64xi32, #tpu.memory_space<vmem>>) semaphore(%arg15 : memref<!tpu.dma_semaphore, #tpu.memory_space<semaphore_mem>>)
    %dma_start3A_54 = arith.constant 0 : i32
    %dma_start3A_55 = arith.constant 0 : i32
    %dma_start3A_56 = arith.constant 1 : i32
    %dma_start3A_57 = arith.constant 0 : i32
    %dma_start3A_58 = arith.constant 0 : i32
    %dma_start3A_59 = tpu.memref_slice %arg14[%dma_start3A_55, %dma_start3A_56, %dma_start3A_57, %dma_start3A_58] : memref<4x2x64x128xf32, #tpu.memory_space<vmem>> -> memref<1x1x64x128xf32, #tpu.memory_space<vmem>>
    %dma_start3A_60 = tpu.memref_squeeze %dma_start3A_59 : memref<1x1x64x128xf32, #tpu.memory_space<vmem>> -> memref<64x128xf32, #tpu.memory_space<vmem>>
    %dma_start3A_61 = arith.constant 64 : i32
    %dma_start3A_62 = tpu.memref_slice %arg12[%dma_start3A_54, %dma_start3A_61] : memref<4x128xi32, #tpu.memory_space<vmem>> -> memref<1x64xi32, #tpu.memory_space<vmem>>
    %dma_start3A_63 = tpu.memref_squeeze %dma_start3A_62 : memref<1x64xi32, #tpu.memory_space<vmem>> -> memref<64xi32, #tpu.memory_space<vmem>>
    %dma_start3A_64 = arith.constant 0 : i32
    %dma_start3A_65 = arith.constant 0 : i32
    %dma_start3A_66 = tpu.memref_slice %arg4[%dma_start3A_64, %dma_start3A_65] : memref<125952x128xf32, #tpu.memory_space<hbm>> -> memref<125952x128xf32, #tpu.memory_space<hbm>>
    tpu.enqueue_indirect_dma source(%dma_start3A_66 : memref<125952x128xf32, #tpu.memory_space<hbm>>) target(%dma_start3A_60 : memref<64x128xf32, #tpu.memory_space<vmem>>) offsets(%dma_start3A_63 : memref<64xi32, #tpu.memory_space<vmem>>) semaphore(%arg15 : memref<!tpu.dma_semaphore, #tpu.memory_space<semaphore_mem>>)
    %dma_start3A_67 = arith.constant 0 : i32
    %dma_start3A_68 = arith.constant 1 : i32
    %dma_start3A_69 = arith.constant 1 : i32
    %dma_start3A_70 = arith.constant 0 : i32
    %dma_start3A_71 = arith.constant 0 : i32
    %dma_start3A_72 = tpu.memref_slice %arg14[%dma_start3A_68, %dma_start3A_69, %dma_start3A_70, %dma_start3A_71] : memref<4x2x64x128xf32, #tpu.memory_space<vmem>> -> memref<1x1x64x128xf32, #tpu.memory_space<vmem>>
    %dma_start3A_73 = tpu.memref_squeeze %dma_start3A_72 : memref<1x1x64x128xf32, #tpu.memory_space<vmem>> -> memref<64x128xf32, #tpu.memory_space<vmem>>
    %dma_start3A_74 = arith.constant 64 : i32
    %dma_start3A_75 = tpu.memref_slice %arg13[%dma_start3A_67, %dma_start3A_74] : memref<4x128xi32, #tpu.memory_space<vmem>> -> memref<1x64xi32, #tpu.memory_space<vmem>>
    %dma_start3A_76 = tpu.memref_squeeze %dma_start3A_75 : memref<1x64xi32, #tpu.memory_space<vmem>> -> memref<64xi32, #tpu.memory_space<vmem>>
    %dma_start3A_77 = arith.constant 0 : i32
    %dma_start3A_78 = arith.constant 0 : i32
    %dma_start3A_79 = tpu.memref_slice %arg5[%dma_start3A_77, %dma_start3A_78] : memref<125952x128xf32, #tpu.memory_space<hbm>> -> memref<125952x128xf32, #tpu.memory_space<hbm>>
    tpu.enqueue_indirect_dma source(%dma_start3A_79 : memref<125952x128xf32, #tpu.memory_space<hbm>>) target(%dma_start3A_73 : memref<64x128xf32, #tpu.memory_space<vmem>>) offsets(%dma_start3A_76 : memref<64xi32, #tpu.memory_space<vmem>>) semaphore(%arg15 : memref<!tpu.dma_semaphore, #tpu.memory_space<semaphore_mem>>)
    %dma_start3A_80 = arith.constant 0 : i32
    %dma_start3A_81 = arith.constant 2 : i32
    %dma_start3A_82 = arith.constant 1 : i32
    %dma_start3A_83 = arith.constant 0 : i32
    %dma_start3A_84 = arith.constant 0 : i32
    %dma_start3A_85 = tpu.memref_slice %arg14[%dma_start3A_81, %dma_start3A_82, %dma_start3A_83, %dma_start3A_84] : memref<4x2x64x128xf32, #tpu.memory_space<vmem>> -> memref<1x1x64x128xf32, #tpu.memory_space<vmem>>
    %dma_start3A_86 = tpu.memref_squeeze %dma_start3A_85 : memref<1x1x64x128xf32, #tpu.memory_space<vmem>> -> memref<64x128xf32, #tpu.memory_space<vmem>>
    %dma_start3A_87 = arith.constant 64 : i32
    %dma_start3A_88 = tpu.memref_slice %arg12[%dma_start3A_80, %dma_start3A_87] : memref<4x128xi32, #tpu.memory_space<vmem>> -> memref<1x64xi32, #tpu.memory_space<vmem>>
    %dma_start3A_89 = tpu.memref_squeeze %dma_start3A_88 : memref<1x64xi32, #tpu.memory_space<vmem>> -> memref<64xi32, #tpu.memory_space<vmem>>
    %dma_start3A_90 = arith.constant 0 : i32
    %dma_start3A_91 = arith.constant 0 : i32
    %dma_start3A_92 = tpu.memref_slice %arg6[%dma_start3A_90, %dma_start3A_91] : memref<125952x128xf32, #tpu.memory_space<hbm>> -> memref<125952x128xf32, #tpu.memory_space<hbm>>
    tpu.enqueue_indirect_dma source(%dma_start3A_92 : memref<125952x128xf32, #tpu.memory_space<hbm>>) target(%dma_start3A_86 : memref<64x128xf32, #tpu.memory_space<vmem>>) offsets(%dma_start3A_89 : memref<64xi32, #tpu.memory_space<vmem>>) semaphore(%arg15 : memref<!tpu.dma_semaphore, #tpu.memory_space<semaphore_mem>>)
    %dma_start3A_93 = arith.constant 0 : i32
    %dma_start3A_94 = arith.constant 3 : i32
    %dma_start3A_95 = arith.constant 1 : i32
    %dma_start3A_96 = arith.constant 0 : i32
    %dma_start3A_97 = arith.constant 0 : i32
    %dma_start3A_98 = tpu.memref_slice %arg14[%dma_start3A_94, %dma_start3A_95, %dma_start3A_96, %dma_start3A_97] : memref<4x2x64x128xf32, #tpu.memory_space<vmem>> -> memref<1x1x64x128xf32, #tpu.memory_space<vmem>>
    %dma_start3A_99 = tpu.memref_squeeze %dma_start3A_98 : memref<1x1x64x128xf32, #tpu.memory_space<vmem>> -> memref<64x128xf32, #tpu.memory_space<vmem>>
    %dma_start3A_100 = arith.constant 64 : i32
    %dma_start3A_101 = tpu.memref_slice %arg13[%dma_start3A_93, %dma_start3A_100] : memref<4x128xi32, #tpu.memory_space<vmem>> -> memref<1x64xi32, #tpu.memory_space<vmem>>
    %dma_start3A_102 = tpu.memref_squeeze %dma_start3A_101 : memref<1x64xi32, #tpu.memory_space<vmem>> -> memref<64xi32, #tpu.memory_space<vmem>>
    %dma_start3A_103 = arith.constant 0 : i32
    %dma_start3A_104 = arith.constant 0 : i32
    %dma_start3A_105 = tpu.memref_slice %arg7[%dma_start3A_103, %dma_start3A_104] : memref<125952x128xf32, #tpu.memory_space<hbm>> -> memref<125952x128xf32, #tpu.memory_space<hbm>>
    tpu.enqueue_indirect_dma source(%dma_start3A_105 : memref<125952x128xf32, #tpu.memory_space<hbm>>) target(%dma_start3A_99 : memref<64x128xf32, #tpu.memory_space<vmem>>) offsets(%dma_start3A_102 : memref<64xi32, #tpu.memory_space<vmem>>) semaphore(%arg15 : memref<!tpu.dma_semaphore, #tpu.memory_space<semaphore_mem>>)
    %dma_wait3A = arith.constant 0 : i32
    %dma_wait3A_106 = arith.constant 0 : i32
    %dma_wait3A_107 = arith.constant 0 : i32
    %dma_wait3A_108 = arith.constant 0 : i32
    %dma_wait3A_109 = arith.constant 0 : i32
    %dma_wait3A_110 = tpu.memref_slice %arg14[%dma_wait3A_106, %dma_wait3A_107, %dma_wait3A_108, %dma_wait3A_109] : memref<4x2x64x128xf32, #tpu.memory_space<vmem>> -> memref<1x1x64x128xf32, #tpu.memory_space<vmem>>
    %dma_wait3A_111 = tpu.memref_squeeze %dma_wait3A_110 : memref<1x1x64x128xf32, #tpu.memory_space<vmem>> -> memref<64x128xf32, #tpu.memory_space<vmem>>
    %dma_wait3A_112 = arith.constant 0 : i32
    %dma_wait3A_113 = tpu.memref_slice %arg12[%dma_wait3A, %dma_wait3A_112] : memref<4x128xi32, #tpu.memory_space<vmem>> -> memref<1x64xi32, #tpu.memory_space<vmem>>
    %dma_wait3A_114 = tpu.memref_squeeze %dma_wait3A_113 : memref<1x64xi32, #tpu.memory_space<vmem>> -> memref<64xi32, #tpu.memory_space<vmem>>
    %dma_wait3A_115 = arith.constant 0 : i32
    %dma_wait3A_116 = arith.constant 0 : i32
    %dma_wait3A_117 = tpu.memref_slice %arg4[%dma_wait3A_115, %dma_wait3A_116] : memref<125952x128xf32, #tpu.memory_space<hbm>> -> memref<125952x128xf32, #tpu.memory_space<hbm>>
    tpu.wait_indirect_dma semaphore(%arg15 : memref<!tpu.dma_semaphore, #tpu.memory_space<semaphore_mem>>) src(%dma_wait3A_117 : memref<125952x128xf32, #tpu.memory_space<hbm>>) dst(%dma_wait3A_111 : memref<64x128xf32, #tpu.memory_space<vmem>>)
    %dma_wait3A_118 = arith.constant 0 : i32
    %dma_wait3A_119 = arith.constant 1 : i32
    %dma_wait3A_120 = arith.constant 0 : i32
    %dma_wait3A_121 = arith.constant 0 : i32
    %dma_wait3A_122 = arith.constant 0 : i32
    %dma_wait3A_123 = tpu.memref_slice %arg14[%dma_wait3A_119, %dma_wait3A_120, %dma_wait3A_121, %dma_wait3A_122] : memref<4x2x64x128xf32, #tpu.memory_space<vmem>> -> memref<1x1x64x128xf32, #tpu.memory_space<vmem>>
    %dma_wait3A_124 = tpu.memref_squeeze %dma_wait3A_123 : memref<1x1x64x128xf32, #tpu.memory_space<vmem>> -> memref<64x128xf32, #tpu.memory_space<vmem>>
    %dma_wait3A_125 = arith.constant 0 : i32
    %dma_wait3A_126 = tpu.memref_slice %arg13[%dma_wait3A_118, %dma_wait3A_125] : memref<4x128xi32, #tpu.memory_space<vmem>> -> memref<1x64xi32, #tpu.memory_space<vmem>>
    %dma_wait3A_127 = tpu.memref_squeeze %dma_wait3A_126 : memref<1x64xi32, #tpu.memory_space<vmem>> -> memref<64xi32, #tpu.memory_space<vmem>>
    %dma_wait3A_128 = arith.constant 0 : i32
    %dma_wait3A_129 = arith.constant 0 : i32
    %dma_wait3A_130 = tpu.memref_slice %arg5[%dma_wait3A_128, %dma_wait3A_129] : memref<125952x128xf32, #tpu.memory_space<hbm>> -> memref<125952x128xf32, #tpu.memory_space<hbm>>
    tpu.wait_indirect_dma semaphore(%arg15 : memref<!tpu.dma_semaphore, #tpu.memory_space<semaphore_mem>>) src(%dma_wait3A_130 : memref<125952x128xf32, #tpu.memory_space<hbm>>) dst(%dma_wait3A_124 : memref<64x128xf32, #tpu.memory_space<vmem>>)
    %dma_wait3A_131 = arith.constant 0 : i32
    %dma_wait3A_132 = arith.constant 2 : i32
    %dma_wait3A_133 = arith.constant 0 : i32
    %dma_wait3A_134 = arith.constant 0 : i32
    %dma_wait3A_135 = arith.constant 0 : i32
    %dma_wait3A_136 = tpu.memref_slice %arg14[%dma_wait3A_132, %dma_wait3A_133, %dma_wait3A_134, %dma_wait3A_135] : memref<4x2x64x128xf32, #tpu.memory_space<vmem>> -> memref<1x1x64x128xf32, #tpu.memory_space<vmem>>
    %dma_wait3A_137 = tpu.memref_squeeze %dma_wait3A_136 : memref<1x1x64x128xf32, #tpu.memory_space<vmem>> -> memref<64x128xf32, #tpu.memory_space<vmem>>
    %dma_wait3A_138 = arith.constant 0 : i32
    %dma_wait3A_139 = tpu.memref_slice %arg12[%dma_wait3A_131, %dma_wait3A_138] : memref<4x128xi32, #tpu.memory_space<vmem>> -> memref<1x64xi32, #tpu.memory_space<vmem>>
    %dma_wait3A_140 = tpu.memref_squeeze %dma_wait3A_139 : memref<1x64xi32, #tpu.memory_space<vmem>> -> memref<64xi32, #tpu.memory_space<vmem>>
    %dma_wait3A_141 = arith.constant 0 : i32
    %dma_wait3A_142 = arith.constant 0 : i32
    %dma_wait3A_143 = tpu.memref_slice %arg6[%dma_wait3A_141, %dma_wait3A_142] : memref<125952x128xf32, #tpu.memory_space<hbm>> -> memref<125952x128xf32, #tpu.memory_space<hbm>>
    tpu.wait_indirect_dma semaphore(%arg15 : memref<!tpu.dma_semaphore, #tpu.memory_space<semaphore_mem>>) src(%dma_wait3A_143 : memref<125952x128xf32, #tpu.memory_space<hbm>>) dst(%dma_wait3A_137 : memref<64x128xf32, #tpu.memory_space<vmem>>)
    %dma_wait3A_144 = arith.constant 0 : i32
    %dma_wait3A_145 = arith.constant 3 : i32
    %dma_wait3A_146 = arith.constant 0 : i32
    %dma_wait3A_147 = arith.constant 0 : i32
    %dma_wait3A_148 = arith.constant 0 : i32
    %dma_wait3A_149 = tpu.memref_slice %arg14[%dma_wait3A_145, %dma_wait3A_146, %dma_wait3A_147, %dma_wait3A_148] : memref<4x2x64x128xf32, #tpu.memory_space<vmem>> -> memref<1x1x64x128xf32, #tpu.memory_space<vmem>>
    %dma_wait3A_150 = tpu.memref_squeeze %dma_wait3A_149 : memref<1x1x64x128xf32, #tpu.memory_space<vmem>> -> memref<64x128xf32, #tpu.memory_space<vmem>>
    %dma_wait3A_151 = arith.constant 0 : i32
    %dma_wait3A_152 = tpu.memref_slice %arg13[%dma_wait3A_144, %dma_wait3A_151] : memref<4x128xi32, #tpu.memory_space<vmem>> -> memref<1x64xi32, #tpu.memory_space<vmem>>
    %dma_wait3A_153 = tpu.memref_squeeze %dma_wait3A_152 : memref<1x64xi32, #tpu.memory_space<vmem>> -> memref<64xi32, #tpu.memory_space<vmem>>
    %dma_wait3A_154 = arith.constant 0 : i32
    %dma_wait3A_155 = arith.constant 0 : i32
    %dma_wait3A_156 = tpu.memref_slice %arg7[%dma_wait3A_154, %dma_wait3A_155] : memref<125952x128xf32, #tpu.memory_space<hbm>> -> memref<125952x128xf32, #tpu.memory_space<hbm>>
    tpu.wait_indirect_dma semaphore(%arg15 : memref<!tpu.dma_semaphore, #tpu.memory_space<semaphore_mem>>) src(%dma_wait3A_156 : memref<125952x128xf32, #tpu.memory_space<hbm>>) dst(%dma_wait3A_150 : memref<64x128xf32, #tpu.memory_space<vmem>>)
    %add3A_157 = arith.constant 0 : i32
    %add3A_158 = arith.addi %mul3A_2, %add3A_157 : i32
    %run_scoped3A = arith.constant 0 : i32
    %run_scoped3A_159 = arith.constant 0 : i32
    "tpu.region"() ({
      %run_scoped3A_960 = tpu.sem_alloc : memref<!tpu.dma_semaphore, #tpu.memory_space<semaphore_mem>>
      %dma_start3A_961 = arith.constant 0 : i32
      %dma_start3A_962 = arith.constant 0 : i32
      %dma_start3A_963 = tpu.memref_slice %arg14[%run_scoped3A, %run_scoped3A_159, %dma_start3A_961, %dma_start3A_962] : memref<4x2x64x128xf32, #tpu.memory_space<vmem>> -> memref<1x1x64x128xf32, #tpu.memory_space<vmem>>
      %dma_start3A_964 = tpu.memref_squeeze %dma_start3A_963 : memref<1x1x64x128xf32, #tpu.memory_space<vmem>> -> memref<64x128xf32, #tpu.memory_space<vmem>>
      %dma_start3A_965 = arith.constant 0 : i32
      %dma_start3A_966 = tpu.memref_slice %arg8[%add3A_158, %dma_start3A_965] : memref<16384x128xf32, #tpu.memory_space<hbm>> -> memref<64x128xf32, #tpu.memory_space<hbm>>
      %dma_start3A_967 = arith.constant 0 : i32
      %dma_start3A_968 = tpu.memref_slice %arg8[%add3A_158, %dma_start3A_967] : memref<16384x128xf32, #tpu.memory_space<hbm>> -> memref<64x128xf32, #tpu.memory_space<hbm>>
      %dma_start3A_969 = arith.constant 0 : i32
      %dma_start3A_970 = arith.constant 0 : i32
      %dma_start3A_971 = tpu.memref_slice %arg14[%run_scoped3A, %run_scoped3A_159, %dma_start3A_969, %dma_start3A_970] : memref<4x2x64x128xf32, #tpu.memory_space<vmem>> -> memref<1x1x64x128xf32, #tpu.memory_space<vmem>>
      %dma_start3A_972 = tpu.memref_squeeze %dma_start3A_971 : memref<1x1x64x128xf32, #tpu.memory_space<vmem>> -> memref<64x128xf32, #tpu.memory_space<vmem>>
      tpu.enqueue_dma source(%dma_start3A_972 : memref<64x128xf32, #tpu.memory_space<vmem>>) target(%dma_start3A_968 : memref<64x128xf32, #tpu.memory_space<hbm>>) target_semaphore(%run_scoped3A_960 : memref<!tpu.dma_semaphore, #tpu.memory_space<semaphore_mem>>)
      %dma_wait3A_973 = arith.constant 0 : i32
      %dma_wait3A_974 = arith.constant 0 : i32
      %dma_wait3A_975 = tpu.memref_slice %arg14[%run_scoped3A, %run_scoped3A_159, %dma_wait3A_973, %dma_wait3A_974] : memref<4x2x64x128xf32, #tpu.memory_space<vmem>> -> memref<1x1x64x128xf32, #tpu.memory_space<vmem>>
      %dma_wait3A_976 = tpu.memref_squeeze %dma_wait3A_975 : memref<1x1x64x128xf32, #tpu.memory_space<vmem>> -> memref<64x128xf32, #tpu.memory_space<vmem>>
      %dma_wait3A_977 = arith.constant 0 : i32
      %dma_wait3A_978 = tpu.memref_slice %arg8[%add3A_158, %dma_wait3A_977] : memref<16384x128xf32, #tpu.memory_space<hbm>> -> memref<64x128xf32, #tpu.memory_space<hbm>>
      %dma_wait3A_979 = arith.constant 0 : i32
      %dma_wait3A_980 = tpu.memref_slice %arg8[%add3A_158, %dma_wait3A_979] : memref<16384x128xf32, #tpu.memory_space<hbm>> -> memref<64x128xf32, #tpu.memory_space<hbm>>
      %dma_wait3A_981 = arith.constant 0 : i32
      %dma_wait3A_982 = arith.constant 0 : i32
      %dma_wait3A_983 = tpu.memref_slice %arg14[%run_scoped3A, %run_scoped3A_159, %dma_wait3A_981, %dma_wait3A_982] : memref<4x2x64x128xf32, #tpu.memory_space<vmem>> -> memref<1x1x64x128xf32, #tpu.memory_space<vmem>>
      %dma_wait3A_984 = tpu.memref_squeeze %dma_wait3A_983 : memref<1x1x64x128xf32, #tpu.memory_space<vmem>> -> memref<64x128xf32, #tpu.memory_space<vmem>>
      tpu.wait_dma2 semaphore(%run_scoped3A_960 : memref<!tpu.dma_semaphore, #tpu.memory_space<semaphore_mem>>) src(%dma_wait3A_984 : memref<64x128xf32, #tpu.memory_space<vmem>>) dst(%dma_wait3A_980 : memref<64x128xf32, #tpu.memory_space<hbm>>)
      tpu.yield
    }) : () -> ()
    %add3A_160 = arith.constant 0 : i32
    %add3A_161 = arith.addi %mul3A_2, %add3A_160 : i32
    %run_scoped3A_162 = arith.constant 1 : i32
    %run_scoped3A_163 = arith.constant 0 : i32
    "tpu.region"() ({
      %run_scoped3A_960 = tpu.sem_alloc : memref<!tpu.dma_semaphore, #tpu.memory_space<semaphore_mem>>
      %dma_start3A_961 = arith.constant 0 : i32
      %dma_start3A_962 = arith.constant 0 : i32
      %dma_start3A_963 = tpu.memref_slice %arg14[%run_scoped3A_162, %run_scoped3A_163, %dma_start3A_961, %dma_start3A_962] : memref<4x2x64x128xf32, #tpu.memory_space<vmem>> -> memref<1x1x64x128xf32, #tpu.memory_space<vmem>>
      %dma_start3A_964 = tpu.memref_squeeze %dma_start3A_963 : memref<1x1x64x128xf32, #tpu.memory_space<vmem>> -> memref<64x128xf32, #tpu.memory_space<vmem>>
      %dma_start3A_965 = arith.constant 0 : i32
      %dma_start3A_966 = tpu.memref_slice %arg9[%add3A_161, %dma_start3A_965] : memref<16384x128xf32, #tpu.memory_space<hbm>> -> memref<64x128xf32, #tpu.memory_space<hbm>>
      %dma_start3A_967 = arith.constant 0 : i32
      %dma_start3A_968 = tpu.memref_slice %arg9[%add3A_161, %dma_start3A_967] : memref<16384x128xf32, #tpu.memory_space<hbm>> -> memref<64x128xf32, #tpu.memory_space<hbm>>
      %dma_start3A_969 = arith.constant 0 : i32
      %dma_start3A_970 = arith.constant 0 : i32
      %dma_start3A_971 = tpu.memref_slice %arg14[%run_scoped3A_162, %run_scoped3A_163, %dma_start3A_969, %dma_start3A_970] : memref<4x2x64x128xf32, #tpu.memory_space<vmem>> -> memref<1x1x64x128xf32, #tpu.memory_space<vmem>>
      %dma_start3A_972 = tpu.memref_squeeze %dma_start3A_971 : memref<1x1x64x128xf32, #tpu.memory_space<vmem>> -> memref<64x128xf32, #tpu.memory_space<vmem>>
      tpu.enqueue_dma source(%dma_start3A_972 : memref<64x128xf32, #tpu.memory_space<vmem>>) target(%dma_start3A_968 : memref<64x128xf32, #tpu.memory_space<hbm>>) target_semaphore(%run_scoped3A_960 : memref<!tpu.dma_semaphore, #tpu.memory_space<semaphore_mem>>)
      %dma_wait3A_973 = arith.constant 0 : i32
      %dma_wait3A_974 = arith.constant 0 : i32
      %dma_wait3A_975 = tpu.memref_slice %arg14[%run_scoped3A_162, %run_scoped3A_163, %dma_wait3A_973, %dma_wait3A_974] : memref<4x2x64x128xf32, #tpu.memory_space<vmem>> -> memref<1x1x64x128xf32, #tpu.memory_space<vmem>>
      %dma_wait3A_976 = tpu.memref_squeeze %dma_wait3A_975 : memref<1x1x64x128xf32, #tpu.memory_space<vmem>> -> memref<64x128xf32, #tpu.memory_space<vmem>>
      %dma_wait3A_977 = arith.constant 0 : i32
      %dma_wait3A_978 = tpu.memref_slice %arg9[%add3A_161, %dma_wait3A_977] : memref<16384x128xf32, #tpu.memory_space<hbm>> -> memref<64x128xf32, #tpu.memory_space<hbm>>
      %dma_wait3A_979 = arith.constant 0 : i32
      %dma_wait3A_980 = tpu.memref_slice %arg9[%add3A_161, %dma_wait3A_979] : memref<16384x128xf32, #tpu.memory_space<hbm>> -> memref<64x128xf32, #tpu.memory_space<hbm>>
      %dma_wait3A_981 = arith.constant 0 : i32
      %dma_wait3A_982 = arith.constant 0 : i32
      %dma_wait3A_983 = tpu.memref_slice %arg14[%run_scoped3A_162, %run_scoped3A_163, %dma_wait3A_981, %dma_wait3A_982] : memref<4x2x64x128xf32, #tpu.memory_space<vmem>> -> memref<1x1x64x128xf32, #tpu.memory_space<vmem>>
      %dma_wait3A_984 = tpu.memref_squeeze %dma_wait3A_983 : memref<1x1x64x128xf32, #tpu.memory_space<vmem>> -> memref<64x128xf32, #tpu.memory_space<vmem>>
      tpu.wait_dma2 semaphore(%run_scoped3A_960 : memref<!tpu.dma_semaphore, #tpu.memory_space<semaphore_mem>>) src(%dma_wait3A_984 : memref<64x128xf32, #tpu.memory_space<vmem>>) dst(%dma_wait3A_980 : memref<64x128xf32, #tpu.memory_space<hbm>>)
      tpu.yield
    }) : () -> ()
    %add3A_164 = arith.constant 0 : i32
    %add3A_165 = arith.addi %mul3A_2, %add3A_164 : i32
    %run_scoped3A_166 = arith.constant 2 : i32
    %run_scoped3A_167 = arith.constant 0 : i32
    "tpu.region"() ({
      %run_scoped3A_960 = tpu.sem_alloc : memref<!tpu.dma_semaphore, #tpu.memory_space<semaphore_mem>>
      %dma_start3A_961 = arith.constant 0 : i32
      %dma_start3A_962 = arith.constant 0 : i32
      %dma_start3A_963 = tpu.memref_slice %arg14[%run_scoped3A_166, %run_scoped3A_167, %dma_start3A_961, %dma_start3A_962] : memref<4x2x64x128xf32, #tpu.memory_space<vmem>> -> memref<1x1x64x128xf32, #tpu.memory_space<vmem>>
      %dma_start3A_964 = tpu.memref_squeeze %dma_start3A_963 : memref<1x1x64x128xf32, #tpu.memory_space<vmem>> -> memref<64x128xf32, #tpu.memory_space<vmem>>
      %dma_start3A_965 = arith.constant 0 : i32
      %dma_start3A_966 = tpu.memref_slice %arg10[%add3A_165, %dma_start3A_965] : memref<16384x128xf32, #tpu.memory_space<hbm>> -> memref<64x128xf32, #tpu.memory_space<hbm>>
      %dma_start3A_967 = arith.constant 0 : i32
      %dma_start3A_968 = tpu.memref_slice %arg10[%add3A_165, %dma_start3A_967] : memref<16384x128xf32, #tpu.memory_space<hbm>> -> memref<64x128xf32, #tpu.memory_space<hbm>>
      %dma_start3A_969 = arith.constant 0 : i32
      %dma_start3A_970 = arith.constant 0 : i32
      %dma_start3A_971 = tpu.memref_slice %arg14[%run_scoped3A_166, %run_scoped3A_167, %dma_start3A_969, %dma_start3A_970] : memref<4x2x64x128xf32, #tpu.memory_space<vmem>> -> memref<1x1x64x128xf32, #tpu.memory_space<vmem>>
      %dma_start3A_972 = tpu.memref_squeeze %dma_start3A_971 : memref<1x1x64x128xf32, #tpu.memory_space<vmem>> -> memref<64x128xf32, #tpu.memory_space<vmem>>
      tpu.enqueue_dma source(%dma_start3A_972 : memref<64x128xf32, #tpu.memory_space<vmem>>) target(%dma_start3A_968 : memref<64x128xf32, #tpu.memory_space<hbm>>) target_semaphore(%run_scoped3A_960 : memref<!tpu.dma_semaphore, #tpu.memory_space<semaphore_mem>>)
      %dma_wait3A_973 = arith.constant 0 : i32
      %dma_wait3A_974 = arith.constant 0 : i32
      %dma_wait3A_975 = tpu.memref_slice %arg14[%run_scoped3A_166, %run_scoped3A_167, %dma_wait3A_973, %dma_wait3A_974] : memref<4x2x64x128xf32, #tpu.memory_space<vmem>> -> memref<1x1x64x128xf32, #tpu.memory_space<vmem>>
      %dma_wait3A_976 = tpu.memref_squeeze %dma_wait3A_975 : memref<1x1x64x128xf32, #tpu.memory_space<vmem>> -> memref<64x128xf32, #tpu.memory_space<vmem>>
      %dma_wait3A_977 = arith.constant 0 : i32
      %dma_wait3A_978 = tpu.memref_slice %arg10[%add3A_165, %dma_wait3A_977] : memref<16384x128xf32, #tpu.memory_space<hbm>> -> memref<64x128xf32, #tpu.memory_space<hbm>>
      %dma_wait3A_979 = arith.constant 0 : i32
      %dma_wait3A_980 = tpu.memref_slice %arg10[%add3A_165, %dma_wait3A_979] : memref<16384x128xf32, #tpu.memory_space<hbm>> -> memref<64x128xf32, #tpu.memory_space<hbm>>
      %dma_wait3A_981 = arith.constant 0 : i32
      %dma_wait3A_982 = arith.constant 0 : i32
      %dma_wait3A_983 = tpu.memref_slice %arg14[%run_scoped3A_166, %run_scoped3A_167, %dma_wait3A_981, %dma_wait3A_982] : memref<4x2x64x128xf32, #tpu.memory_space<vmem>> -> memref<1x1x64x128xf32, #tpu.memory_space<vmem>>
      %dma_wait3A_984 = tpu.memref_squeeze %dma_wait3A_983 : memref<1x1x64x128xf32, #tpu.memory_space<vmem>> -> memref<64x128xf32, #tpu.memory_space<vmem>>
      tpu.wait_dma2 semaphore(%run_scoped3A_960 : memref<!tpu.dma_semaphore, #tpu.memory_space<semaphore_mem>>) src(%dma_wait3A_984 : memref<64x128xf32, #tpu.memory_space<vmem>>) dst(%dma_wait3A_980 : memref<64x128xf32, #tpu.memory_space<hbm>>)
      tpu.yield
    }) : () -> ()
    %add3A_168 = arith.constant 0 : i32
    %add3A_169 = arith.addi %mul3A_2, %add3A_168 : i32
    %run_scoped3A_170 = arith.constant 3 : i32
    %run_scoped3A_171 = arith.constant 0 : i32
    "tpu.region"() ({
      %run_scoped3A_960 = tpu.sem_alloc : memref<!tpu.dma_semaphore, #tpu.memory_space<semaphore_mem>>
      %dma_start3A_961 = arith.constant 0 : i32
      %dma_start3A_962 = arith.constant 0 : i32
      %dma_start3A_963 = tpu.memref_slice %arg14[%run_scoped3A_170, %run_scoped3A_171, %dma_start3A_961, %dma_start3A_962] : memref<4x2x64x128xf32, #tpu.memory_space<vmem>> -> memref<1x1x64x128xf32, #tpu.memory_space<vmem>>
      %dma_start3A_964 = tpu.memref_squeeze %dma_start3A_963 : memref<1x1x64x128xf32, #tpu.memory_space<vmem>> -> memref<64x128xf32, #tpu.memory_space<vmem>>
      %dma_start3A_965 = arith.constant 0 : i32
      %dma_start3A_966 = tpu.memref_slice %arg11[%add3A_169, %dma_start3A_965] : memref<16384x128xf32, #tpu.memory_space<hbm>> -> memref<64x128xf32, #tpu.memory_space<hbm>>
      %dma_start3A_967 = arith.constant 0 : i32
      %dma_start3A_968 = tpu.memref_slice %arg11[%add3A_169, %dma_start3A_967] : memref<16384x128xf32, #tpu.memory_space<hbm>> -> memref<64x128xf32, #tpu.memory_space<hbm>>
      %dma_start3A_969 = arith.constant 0 : i32
      %dma_start3A_970 = arith.constant 0 : i32
      %dma_start3A_971 = tpu.memref_slice %arg14[%run_scoped3A_170, %run_scoped3A_171, %dma_start3A_969, %dma_start3A_970] : memref<4x2x64x128xf32, #tpu.memory_space<vmem>> -> memref<1x1x64x128xf32, #tpu.memory_space<vmem>>
      %dma_start3A_972 = tpu.memref_squeeze %dma_start3A_971 : memref<1x1x64x128xf32, #tpu.memory_space<vmem>> -> memref<64x128xf32, #tpu.memory_space<vmem>>
      tpu.enqueue_dma source(%dma_start3A_972 : memref<64x128xf32, #tpu.memory_space<vmem>>) target(%dma_start3A_968 : memref<64x128xf32, #tpu.memory_space<hbm>>) target_semaphore(%run_scoped3A_960 : memref<!tpu.dma_semaphore, #tpu.memory_space<semaphore_mem>>)
      %dma_wait3A_973 = arith.constant 0 : i32
      %dma_wait3A_974 = arith.constant 0 : i32
      %dma_wait3A_975 = tpu.memref_slice %arg14[%run_scoped3A_170, %run_scoped3A_171, %dma_wait3A_973, %dma_wait3A_974] : memref<4x2x64x128xf32, #tpu.memory_space<vmem>> -> memref<1x1x64x128xf32, #tpu.memory_space<vmem>>
      %dma_wait3A_976 = tpu.memref_squeeze %dma_wait3A_975 : memref<1x1x64x128xf32, #tpu.memory_space<vmem>> -> memref<64x128xf32, #tpu.memory_space<vmem>>
      %dma_wait3A_977 = arith.constant 0 : i32
      %dma_wait3A_978 = tpu.memref_slice %arg11[%add3A_169, %dma_wait3A_977] : memref<16384x128xf32, #tpu.memory_space<hbm>> -> memref<64x128xf32, #tpu.memory_space<hbm>>
      %dma_wait3A_979 = arith.constant 0 : i32
      %dma_wait3A_980 = tpu.memref_slice %arg11[%add3A_169, %dma_wait3A_979] : memref<16384x128xf32, #tpu.memory_space<hbm>> -> memref<64x128xf32, #tpu.memory_space<hbm>>
      %dma_wait3A_981 = arith.constant 0 : i32
      %dma_wait3A_982 = arith.constant 0 : i32
      %dma_wait3A_983 = tpu.memref_slice %arg14[%run_scoped3A_170, %run_scoped3A_171, %dma_wait3A_981, %dma_wait3A_982] : memref<4x2x64x128xf32, #tpu.memory_space<vmem>> -> memref<1x1x64x128xf32, #tpu.memory_space<vmem>>
      %dma_wait3A_984 = tpu.memref_squeeze %dma_wait3A_983 : memref<1x1x64x128xf32, #tpu.memory_space<vmem>> -> memref<64x128xf32, #tpu.memory_space<vmem>>
      tpu.wait_dma2 semaphore(%run_scoped3A_960 : memref<!tpu.dma_semaphore, #tpu.memory_space<semaphore_mem>>) src(%dma_wait3A_984 : memref<64x128xf32, #tpu.memory_space<vmem>>) dst(%dma_wait3A_980 : memref<64x128xf32, #tpu.memory_space<hbm>>)
      tpu.yield
    }) : () -> ()
    %dma_start3A_172 = arith.constant 1 : i32
    %dma_start3A_173 = arith.constant 0 : i32
    %dma_start3A_174 = arith.constant 0 : i32
    %dma_start3A_175 = arith.constant 0 : i32
    %dma_start3A_176 = arith.constant 0 : i32
    %dma_start3A_177 = tpu.memref_slice %arg14[%dma_start3A_173, %dma_start3A_174, %dma_start3A_175, %dma_start3A_176] : memref<4x2x64x128xf32, #tpu.memory_space<vmem>> -> memref<1x1x64x128xf32, #tpu.memory_space<vmem>>
    %dma_start3A_178 = tpu.memref_squeeze %dma_start3A_177 : memref<1x1x64x128xf32, #tpu.memory_space<vmem>> -> memref<64x128xf32, #tpu.memory_space<vmem>>
    %dma_start3A_179 = arith.constant 0 : i32
    %dma_start3A_180 = tpu.memref_slice %arg12[%dma_start3A_172, %dma_start3A_179] : memref<4x128xi32, #tpu.memory_space<vmem>> -> memref<1x64xi32, #tpu.memory_space<vmem>>
    %dma_start3A_181 = tpu.memref_squeeze %dma_start3A_180 : memref<1x64xi32, #tpu.memory_space<vmem>> -> memref<64xi32, #tpu.memory_space<vmem>>
    %dma_start3A_182 = arith.constant 0 : i32
    %dma_start3A_183 = arith.constant 0 : i32
    %dma_start3A_184 = tpu.memref_slice %arg4[%dma_start3A_182, %dma_start3A_183] : memref<125952x128xf32, #tpu.memory_space<hbm>> -> memref<125952x128xf32, #tpu.memory_space<hbm>>
    tpu.enqueue_indirect_dma source(%dma_start3A_184 : memref<125952x128xf32, #tpu.memory_space<hbm>>) target(%dma_start3A_178 : memref<64x128xf32, #tpu.memory_space<vmem>>) offsets(%dma_start3A_181 : memref<64xi32, #tpu.memory_space<vmem>>) semaphore(%arg15 : memref<!tpu.dma_semaphore, #tpu.memory_space<semaphore_mem>>)
    %dma_start3A_185 = arith.constant 1 : i32
    %dma_start3A_186 = arith.constant 1 : i32
    %dma_start3A_187 = arith.constant 0 : i32
    %dma_start3A_188 = arith.constant 0 : i32
    %dma_start3A_189 = arith.constant 0 : i32
    %dma_start3A_190 = tpu.memref_slice %arg14[%dma_start3A_186, %dma_start3A_187, %dma_start3A_188, %dma_start3A_189] : memref<4x2x64x128xf32, #tpu.memory_space<vmem>> -> memref<1x1x64x128xf32, #tpu.memory_space<vmem>>
    %dma_start3A_191 = tpu.memref_squeeze %dma_start3A_190 : memref<1x1x64x128xf32, #tpu.memory_space<vmem>> -> memref<64x128xf32, #tpu.memory_space<vmem>>
    %dma_start3A_192 = arith.constant 0 : i32
    %dma_start3A_193 = tpu.memref_slice %arg13[%dma_start3A_185, %dma_start3A_192] : memref<4x128xi32, #tpu.memory_space<vmem>> -> memref<1x64xi32, #tpu.memory_space<vmem>>
    %dma_start3A_194 = tpu.memref_squeeze %dma_start3A_193 : memref<1x64xi32, #tpu.memory_space<vmem>> -> memref<64xi32, #tpu.memory_space<vmem>>
    %dma_start3A_195 = arith.constant 0 : i32
    %dma_start3A_196 = arith.constant 0 : i32
    %dma_start3A_197 = tpu.memref_slice %arg5[%dma_start3A_195, %dma_start3A_196] : memref<125952x128xf32, #tpu.memory_space<hbm>> -> memref<125952x128xf32, #tpu.memory_space<hbm>>
    tpu.enqueue_indirect_dma source(%dma_start3A_197 : memref<125952x128xf32, #tpu.memory_space<hbm>>) target(%dma_start3A_191 : memref<64x128xf32, #tpu.memory_space<vmem>>) offsets(%dma_start3A_194 : memref<64xi32, #tpu.memory_space<vmem>>) semaphore(%arg15 : memref<!tpu.dma_semaphore, #tpu.memory_space<semaphore_mem>>)
    %dma_start3A_198 = arith.constant 1 : i32
    %dma_start3A_199 = arith.constant 2 : i32
    %dma_start3A_200 = arith.constant 0 : i32
    %dma_start3A_201 = arith.constant 0 : i32
    %dma_start3A_202 = arith.constant 0 : i32
    %dma_start3A_203 = tpu.memref_slice %arg14[%dma_start3A_199, %dma_start3A_200, %dma_start3A_201, %dma_start3A_202] : memref<4x2x64x128xf32, #tpu.memory_space<vmem>> -> memref<1x1x64x128xf32, #tpu.memory_space<vmem>>
    %dma_start3A_204 = tpu.memref_squeeze %dma_start3A_203 : memref<1x1x64x128xf32, #tpu.memory_space<vmem>> -> memref<64x128xf32, #tpu.memory_space<vmem>>
    %dma_start3A_205 = arith.constant 0 : i32
    %dma_start3A_206 = tpu.memref_slice %arg12[%dma_start3A_198, %dma_start3A_205] : memref<4x128xi32, #tpu.memory_space<vmem>> -> memref<1x64xi32, #tpu.memory_space<vmem>>
    %dma_start3A_207 = tpu.memref_squeeze %dma_start3A_206 : memref<1x64xi32, #tpu.memory_space<vmem>> -> memref<64xi32, #tpu.memory_space<vmem>>
    %dma_start3A_208 = arith.constant 0 : i32
    %dma_start3A_209 = arith.constant 0 : i32
    %dma_start3A_210 = tpu.memref_slice %arg6[%dma_start3A_208, %dma_start3A_209] : memref<125952x128xf32, #tpu.memory_space<hbm>> -> memref<125952x128xf32, #tpu.memory_space<hbm>>
    tpu.enqueue_indirect_dma source(%dma_start3A_210 : memref<125952x128xf32, #tpu.memory_space<hbm>>) target(%dma_start3A_204 : memref<64x128xf32, #tpu.memory_space<vmem>>) offsets(%dma_start3A_207 : memref<64xi32, #tpu.memory_space<vmem>>) semaphore(%arg15 : memref<!tpu.dma_semaphore, #tpu.memory_space<semaphore_mem>>)
    %dma_start3A_211 = arith.constant 1 : i32
    %dma_start3A_212 = arith.constant 3 : i32
    %dma_start3A_213 = arith.constant 0 : i32
    %dma_start3A_214 = arith.constant 0 : i32
    %dma_start3A_215 = arith.constant 0 : i32
    %dma_start3A_216 = tpu.memref_slice %arg14[%dma_start3A_212, %dma_start3A_213, %dma_start3A_214, %dma_start3A_215] : memref<4x2x64x128xf32, #tpu.memory_space<vmem>> -> memref<1x1x64x128xf32, #tpu.memory_space<vmem>>
    %dma_start3A_217 = tpu.memref_squeeze %dma_start3A_216 : memref<1x1x64x128xf32, #tpu.memory_space<vmem>> -> memref<64x128xf32, #tpu.memory_space<vmem>>
    %dma_start3A_218 = arith.constant 0 : i32
    %dma_start3A_219 = tpu.memref_slice %arg13[%dma_start3A_211, %dma_start3A_218] : memref<4x128xi32, #tpu.memory_space<vmem>> -> memref<1x64xi32, #tpu.memory_space<vmem>>
    %dma_start3A_220 = tpu.memref_squeeze %dma_start3A_219 : memref<1x64xi32, #tpu.memory_space<vmem>> -> memref<64xi32, #tpu.memory_space<vmem>>
    %dma_start3A_221 = arith.constant 0 : i32
    %dma_start3A_222 = arith.constant 0 : i32
    %dma_start3A_223 = tpu.memref_slice %arg7[%dma_start3A_221, %dma_start3A_222] : memref<125952x128xf32, #tpu.memory_space<hbm>> -> memref<125952x128xf32, #tpu.memory_space<hbm>>
    tpu.enqueue_indirect_dma source(%dma_start3A_223 : memref<125952x128xf32, #tpu.memory_space<hbm>>) target(%dma_start3A_217 : memref<64x128xf32, #tpu.memory_space<vmem>>) offsets(%dma_start3A_220 : memref<64xi32, #tpu.memory_space<vmem>>) semaphore(%arg15 : memref<!tpu.dma_semaphore, #tpu.memory_space<semaphore_mem>>)
    %dma_wait3A_224 = arith.constant 0 : i32
    %dma_wait3A_225 = arith.constant 0 : i32
    %dma_wait3A_226 = arith.constant 1 : i32
    %dma_wait3A_227 = arith.constant 0 : i32
    %dma_wait3A_228 = arith.constant 0 : i32
    %dma_wait3A_229 = tpu.memref_slice %arg14[%dma_wait3A_225, %dma_wait3A_226, %dma_wait3A_227, %dma_wait3A_228] : memref<4x2x64x128xf32, #tpu.memory_space<vmem>> -> memref<1x1x64x128xf32, #tpu.memory_space<vmem>>
    %dma_wait3A_230 = tpu.memref_squeeze %dma_wait3A_229 : memref<1x1x64x128xf32, #tpu.memory_space<vmem>> -> memref<64x128xf32, #tpu.memory_space<vmem>>
    %dma_wait3A_231 = arith.constant 64 : i32
    %dma_wait3A_232 = tpu.memref_slice %arg12[%dma_wait3A_224, %dma_wait3A_231] : memref<4x128xi32, #tpu.memory_space<vmem>> -> memref<1x64xi32, #tpu.memory_space<vmem>>
    %dma_wait3A_233 = tpu.memref_squeeze %dma_wait3A_232 : memref<1x64xi32, #tpu.memory_space<vmem>> -> memref<64xi32, #tpu.memory_space<vmem>>
    %dma_wait3A_234 = arith.constant 0 : i32
    %dma_wait3A_235 = arith.constant 0 : i32
    %dma_wait3A_236 = tpu.memref_slice %arg4[%dma_wait3A_234, %dma_wait3A_235] : memref<125952x128xf32, #tpu.memory_space<hbm>> -> memref<125952x128xf32, #tpu.memory_space<hbm>>
    tpu.wait_indirect_dma semaphore(%arg15 : memref<!tpu.dma_semaphore, #tpu.memory_space<semaphore_mem>>) src(%dma_wait3A_236 : memref<125952x128xf32, #tpu.memory_space<hbm>>) dst(%dma_wait3A_230 : memref<64x128xf32, #tpu.memory_space<vmem>>)
    %dma_wait3A_237 = arith.constant 0 : i32
    %dma_wait3A_238 = arith.constant 1 : i32
    %dma_wait3A_239 = arith.constant 1 : i32
    %dma_wait3A_240 = arith.constant 0 : i32
    %dma_wait3A_241 = arith.constant 0 : i32
    %dma_wait3A_242 = tpu.memref_slice %arg14[%dma_wait3A_238, %dma_wait3A_239, %dma_wait3A_240, %dma_wait3A_241] : memref<4x2x64x128xf32, #tpu.memory_space<vmem>> -> memref<1x1x64x128xf32, #tpu.memory_space<vmem>>
    %dma_wait3A_243 = tpu.memref_squeeze %dma_wait3A_242 : memref<1x1x64x128xf32, #tpu.memory_space<vmem>> -> memref<64x128xf32, #tpu.memory_space<vmem>>
    %dma_wait3A_244 = arith.constant 64 : i32
    %dma_wait3A_245 = tpu.memref_slice %arg13[%dma_wait3A_237, %dma_wait3A_244] : memref<4x128xi32, #tpu.memory_space<vmem>> -> memref<1x64xi32, #tpu.memory_space<vmem>>
    %dma_wait3A_246 = tpu.memref_squeeze %dma_wait3A_245 : memref<1x64xi32, #tpu.memory_space<vmem>> -> memref<64xi32, #tpu.memory_space<vmem>>
    %dma_wait3A_247 = arith.constant 0 : i32
    %dma_wait3A_248 = arith.constant 0 : i32
    %dma_wait3A_249 = tpu.memref_slice %arg5[%dma_wait3A_247, %dma_wait3A_248] : memref<125952x128xf32, #tpu.memory_space<hbm>> -> memref<125952x128xf32, #tpu.memory_space<hbm>>
    tpu.wait_indirect_dma semaphore(%arg15 : memref<!tpu.dma_semaphore, #tpu.memory_space<semaphore_mem>>) src(%dma_wait3A_249 : memref<125952x128xf32, #tpu.memory_space<hbm>>) dst(%dma_wait3A_243 : memref<64x128xf32, #tpu.memory_space<vmem>>)
    %dma_wait3A_250 = arith.constant 0 : i32
    %dma_wait3A_251 = arith.constant 2 : i32
    %dma_wait3A_252 = arith.constant 1 : i32
    %dma_wait3A_253 = arith.constant 0 : i32
    %dma_wait3A_254 = arith.constant 0 : i32
    %dma_wait3A_255 = tpu.memref_slice %arg14[%dma_wait3A_251, %dma_wait3A_252, %dma_wait3A_253, %dma_wait3A_254] : memref<4x2x64x128xf32, #tpu.memory_space<vmem>> -> memref<1x1x64x128xf32, #tpu.memory_space<vmem>>
    %dma_wait3A_256 = tpu.memref_squeeze %dma_wait3A_255 : memref<1x1x64x128xf32, #tpu.memory_space<vmem>> -> memref<64x128xf32, #tpu.memory_space<vmem>>
    %dma_wait3A_257 = arith.constant 64 : i32
    %dma_wait3A_258 = tpu.memref_slice %arg12[%dma_wait3A_250, %dma_wait3A_257] : memref<4x128xi32, #tpu.memory_space<vmem>> -> memref<1x64xi32, #tpu.memory_space<vmem>>
    %dma_wait3A_259 = tpu.memref_squeeze %dma_wait3A_258 : memref<1x64xi32, #tpu.memory_space<vmem>> -> memref<64xi32, #tpu.memory_space<vmem>>
    %dma_wait3A_260 = arith.constant 0 : i32
    %dma_wait3A_261 = arith.constant 0 : i32
    %dma_wait3A_262 = tpu.memref_slice %arg6[%dma_wait3A_260, %dma_wait3A_261] : memref<125952x128xf32, #tpu.memory_space<hbm>> -> memref<125952x128xf32, #tpu.memory_space<hbm>>
    tpu.wait_indirect_dma semaphore(%arg15 : memref<!tpu.dma_semaphore, #tpu.memory_space<semaphore_mem>>) src(%dma_wait3A_262 : memref<125952x128xf32, #tpu.memory_space<hbm>>) dst(%dma_wait3A_256 : memref<64x128xf32, #tpu.memory_space<vmem>>)
    %dma_wait3A_263 = arith.constant 0 : i32
    %dma_wait3A_264 = arith.constant 3 : i32
    %dma_wait3A_265 = arith.constant 1 : i32
    %dma_wait3A_266 = arith.constant 0 : i32
    %dma_wait3A_267 = arith.constant 0 : i32
    %dma_wait3A_268 = tpu.memref_slice %arg14[%dma_wait3A_264, %dma_wait3A_265, %dma_wait3A_266, %dma_wait3A_267] : memref<4x2x64x128xf32, #tpu.memory_space<vmem>> -> memref<1x1x64x128xf32, #tpu.memory_space<vmem>>
    %dma_wait3A_269 = tpu.memref_squeeze %dma_wait3A_268 : memref<1x1x64x128xf32, #tpu.memory_space<vmem>> -> memref<64x128xf32, #tpu.memory_space<vmem>>
    %dma_wait3A_270 = arith.constant 64 : i32
    %dma_wait3A_271 = tpu.memref_slice %arg13[%dma_wait3A_263, %dma_wait3A_270] : memref<4x128xi32, #tpu.memory_space<vmem>> -> memref<1x64xi32, #tpu.memory_space<vmem>>
    %dma_wait3A_272 = tpu.memref_squeeze %dma_wait3A_271 : memref<1x64xi32, #tpu.memory_space<vmem>> -> memref<64xi32, #tpu.memory_space<vmem>>
    %dma_wait3A_273 = arith.constant 0 : i32
    %dma_wait3A_274 = arith.constant 0 : i32
    %dma_wait3A_275 = tpu.memref_slice %arg7[%dma_wait3A_273, %dma_wait3A_274] : memref<125952x128xf32, #tpu.memory_space<hbm>> -> memref<125952x128xf32, #tpu.memory_space<hbm>>
    tpu.wait_indirect_dma semaphore(%arg15 : memref<!tpu.dma_semaphore, #tpu.memory_space<semaphore_mem>>) src(%dma_wait3A_275 : memref<125952x128xf32, #tpu.memory_space<hbm>>) dst(%dma_wait3A_269 : memref<64x128xf32, #tpu.memory_space<vmem>>)
    %add3A_276 = arith.constant 64 : i32
    %add3A_277 = arith.addi %mul3A_2, %add3A_276 : i32
    %run_scoped3A_278 = arith.constant 0 : i32
    %run_scoped3A_279 = arith.constant 1 : i32
    "tpu.region"() ({
      %run_scoped3A_960 = tpu.sem_alloc : memref<!tpu.dma_semaphore, #tpu.memory_space<semaphore_mem>>
      %dma_start3A_961 = arith.constant 0 : i32
      %dma_start3A_962 = arith.constant 0 : i32
      %dma_start3A_963 = tpu.memref_slice %arg14[%run_scoped3A_278, %run_scoped3A_279, %dma_start3A_961, %dma_start3A_962] : memref<4x2x64x128xf32, #tpu.memory_space<vmem>> -> memref<1x1x64x128xf32, #tpu.memory_space<vmem>>
      %dma_start3A_964 = tpu.memref_squeeze %dma_start3A_963 : memref<1x1x64x128xf32, #tpu.memory_space<vmem>> -> memref<64x128xf32, #tpu.memory_space<vmem>>
      %dma_start3A_965 = arith.constant 0 : i32
      %dma_start3A_966 = tpu.memref_slice %arg8[%add3A_277, %dma_start3A_965] : memref<16384x128xf32, #tpu.memory_space<hbm>> -> memref<64x128xf32, #tpu.memory_space<hbm>>
      %dma_start3A_967 = arith.constant 0 : i32
      %dma_start3A_968 = tpu.memref_slice %arg8[%add3A_277, %dma_start3A_967] : memref<16384x128xf32, #tpu.memory_space<hbm>> -> memref<64x128xf32, #tpu.memory_space<hbm>>
      %dma_start3A_969 = arith.constant 0 : i32
      %dma_start3A_970 = arith.constant 0 : i32
      %dma_start3A_971 = tpu.memref_slice %arg14[%run_scoped3A_278, %run_scoped3A_279, %dma_start3A_969, %dma_start3A_970] : memref<4x2x64x128xf32, #tpu.memory_space<vmem>> -> memref<1x1x64x128xf32, #tpu.memory_space<vmem>>
      %dma_start3A_972 = tpu.memref_squeeze %dma_start3A_971 : memref<1x1x64x128xf32, #tpu.memory_space<vmem>> -> memref<64x128xf32, #tpu.memory_space<vmem>>
      tpu.enqueue_dma source(%dma_start3A_972 : memref<64x128xf32, #tpu.memory_space<vmem>>) target(%dma_start3A_968 : memref<64x128xf32, #tpu.memory_space<hbm>>) target_semaphore(%run_scoped3A_960 : memref<!tpu.dma_semaphore, #tpu.memory_space<semaphore_mem>>)
      %dma_wait3A_973 = arith.constant 0 : i32
      %dma_wait3A_974 = arith.constant 0 : i32
      %dma_wait3A_975 = tpu.memref_slice %arg14[%run_scoped3A_278, %run_scoped3A_279, %dma_wait3A_973, %dma_wait3A_974] : memref<4x2x64x128xf32, #tpu.memory_space<vmem>> -> memref<1x1x64x128xf32, #tpu.memory_space<vmem>>
      %dma_wait3A_976 = tpu.memref_squeeze %dma_wait3A_975 : memref<1x1x64x128xf32, #tpu.memory_space<vmem>> -> memref<64x128xf32, #tpu.memory_space<vmem>>
      %dma_wait3A_977 = arith.constant 0 : i32
      %dma_wait3A_978 = tpu.memref_slice %arg8[%add3A_277, %dma_wait3A_977] : memref<16384x128xf32, #tpu.memory_space<hbm>> -> memref<64x128xf32, #tpu.memory_space<hbm>>
      %dma_wait3A_979 = arith.constant 0 : i32
      %dma_wait3A_980 = tpu.memref_slice %arg8[%add3A_277, %dma_wait3A_979] : memref<16384x128xf32, #tpu.memory_space<hbm>> -> memref<64x128xf32, #tpu.memory_space<hbm>>
      %dma_wait3A_981 = arith.constant 0 : i32
      %dma_wait3A_982 = arith.constant 0 : i32
      %dma_wait3A_983 = tpu.memref_slice %arg14[%run_scoped3A_278, %run_scoped3A_279, %dma_wait3A_981, %dma_wait3A_982] : memref<4x2x64x128xf32, #tpu.memory_space<vmem>> -> memref<1x1x64x128xf32, #tpu.memory_space<vmem>>
      %dma_wait3A_984 = tpu.memref_squeeze %dma_wait3A_983 : memref<1x1x64x128xf32, #tpu.memory_space<vmem>> -> memref<64x128xf32, #tpu.memory_space<vmem>>
      tpu.wait_dma2 semaphore(%run_scoped3A_960 : memref<!tpu.dma_semaphore, #tpu.memory_space<semaphore_mem>>) src(%dma_wait3A_984 : memref<64x128xf32, #tpu.memory_space<vmem>>) dst(%dma_wait3A_980 : memref<64x128xf32, #tpu.memory_space<hbm>>)
      tpu.yield
    }) : () -> ()
    %add3A_280 = arith.constant 64 : i32
    %add3A_281 = arith.addi %mul3A_2, %add3A_280 : i32
    %run_scoped3A_282 = arith.constant 1 : i32
    %run_scoped3A_283 = arith.constant 1 : i32
    "tpu.region"() ({
      %run_scoped3A_960 = tpu.sem_alloc : memref<!tpu.dma_semaphore, #tpu.memory_space<semaphore_mem>>
      %dma_start3A_961 = arith.constant 0 : i32
      %dma_start3A_962 = arith.constant 0 : i32
      %dma_start3A_963 = tpu.memref_slice %arg14[%run_scoped3A_282, %run_scoped3A_283, %dma_start3A_961, %dma_start3A_962] : memref<4x2x64x128xf32, #tpu.memory_space<vmem>> -> memref<1x1x64x128xf32, #tpu.memory_space<vmem>>
      %dma_start3A_964 = tpu.memref_squeeze %dma_start3A_963 : memref<1x1x64x128xf32, #tpu.memory_space<vmem>> -> memref<64x128xf32, #tpu.memory_space<vmem>>
      %dma_start3A_965 = arith.constant 0 : i32
      %dma_start3A_966 = tpu.memref_slice %arg9[%add3A_281, %dma_start3A_965] : memref<16384x128xf32, #tpu.memory_space<hbm>> -> memref<64x128xf32, #tpu.memory_space<hbm>>
      %dma_start3A_967 = arith.constant 0 : i32
      %dma_start3A_968 = tpu.memref_slice %arg9[%add3A_281, %dma_start3A_967] : memref<16384x128xf32, #tpu.memory_space<hbm>> -> memref<64x128xf32, #tpu.memory_space<hbm>>
      %dma_start3A_969 = arith.constant 0 : i32
      %dma_start3A_970 = arith.constant 0 : i32
      %dma_start3A_971 = tpu.memref_slice %arg14[%run_scoped3A_282, %run_scoped3A_283, %dma_start3A_969, %dma_start3A_970] : memref<4x2x64x128xf32, #tpu.memory_space<vmem>> -> memref<1x1x64x128xf32, #tpu.memory_space<vmem>>
      %dma_start3A_972 = tpu.memref_squeeze %dma_start3A_971 : memref<1x1x64x128xf32, #tpu.memory_space<vmem>> -> memref<64x128xf32, #tpu.memory_space<vmem>>
      tpu.enqueue_dma source(%dma_start3A_972 : memref<64x128xf32, #tpu.memory_space<vmem>>) target(%dma_start3A_968 : memref<64x128xf32, #tpu.memory_space<hbm>>) target_semaphore(%run_scoped3A_960 : memref<!tpu.dma_semaphore, #tpu.memory_space<semaphore_mem>>)
      %dma_wait3A_973 = arith.constant 0 : i32
      %dma_wait3A_974 = arith.constant 0 : i32
      %dma_wait3A_975 = tpu.memref_slice %arg14[%run_scoped3A_282, %run_scoped3A_283, %dma_wait3A_973, %dma_wait3A_974] : memref<4x2x64x128xf32, #tpu.memory_space<vmem>> -> memref<1x1x64x128xf32, #tpu.memory_space<vmem>>
      %dma_wait3A_976 = tpu.memref_squeeze %dma_wait3A_975 : memref<1x1x64x128xf32, #tpu.memory_space<vmem>> -> memref<64x128xf32, #tpu.memory_space<vmem>>
      %dma_wait3A_977 = arith.constant 0 : i32
      %dma_wait3A_978 = tpu.memref_slice %arg9[%add3A_281, %dma_wait3A_977] : memref<16384x128xf32, #tpu.memory_space<hbm>> -> memref<64x128xf32, #tpu.memory_space<hbm>>
      %dma_wait3A_979 = arith.constant 0 : i32
      %dma_wait3A_980 = tpu.memref_slice %arg9[%add3A_281, %dma_wait3A_979] : memref<16384x128xf32, #tpu.memory_space<hbm>> -> memref<64x128xf32, #tpu.memory_space<hbm>>
      %dma_wait3A_981 = arith.constant 0 : i32
      %dma_wait3A_982 = arith.constant 0 : i32
      %dma_wait3A_983 = tpu.memref_slice %arg14[%run_scoped3A_282, %run_scoped3A_283, %dma_wait3A_981, %dma_wait3A_982] : memref<4x2x64x128xf32, #tpu.memory_space<vmem>> -> memref<1x1x64x128xf32, #tpu.memory_space<vmem>>
      %dma_wait3A_984 = tpu.memref_squeeze %dma_wait3A_983 : memref<1x1x64x128xf32, #tpu.memory_space<vmem>> -> memref<64x128xf32, #tpu.memory_space<vmem>>
      tpu.wait_dma2 semaphore(%run_scoped3A_960 : memref<!tpu.dma_semaphore, #tpu.memory_space<semaphore_mem>>) src(%dma_wait3A_984 : memref<64x128xf32, #tpu.memory_space<vmem>>) dst(%dma_wait3A_980 : memref<64x128xf32, #tpu.memory_space<hbm>>)
      tpu.yield
    }) : () -> ()
    %add3A_284 = arith.constant 64 : i32
    %add3A_285 = arith.addi %mul3A_2, %add3A_284 : i32
    %run_scoped3A_286 = arith.constant 2 : i32
    %run_scoped3A_287 = arith.constant 1 : i32
    "tpu.region"() ({
      %run_scoped3A_960 = tpu.sem_alloc : memref<!tpu.dma_semaphore, #tpu.memory_space<semaphore_mem>>
      %dma_start3A_961 = arith.constant 0 : i32
      %dma_start3A_962 = arith.constant 0 : i32
      %dma_start3A_963 = tpu.memref_slice %arg14[%run_scoped3A_286, %run_scoped3A_287, %dma_start3A_961, %dma_start3A_962] : memref<4x2x64x128xf32, #tpu.memory_space<vmem>> -> memref<1x1x64x128xf32, #tpu.memory_space<vmem>>
      %dma_start3A_964 = tpu.memref_squeeze %dma_start3A_963 : memref<1x1x64x128xf32, #tpu.memory_space<vmem>> -> memref<64x128xf32, #tpu.memory_space<vmem>>
      %dma_start3A_965 = arith.constant 0 : i32
      %dma_start3A_966 = tpu.memref_slice %arg10[%add3A_285, %dma_start3A_965] : memref<16384x128xf32, #tpu.memory_space<hbm>> -> memref<64x128xf32, #tpu.memory_space<hbm>>
      %dma_start3A_967 = arith.constant 0 : i32
      %dma_start3A_968 = tpu.memref_slice %arg10[%add3A_285, %dma_start3A_967] : memref<16384x128xf32, #tpu.memory_space<hbm>> -> memref<64x128xf32, #tpu.memory_space<hbm>>
      %dma_start3A_969 = arith.constant 0 : i32
      %dma_start3A_970 = arith.constant 0 : i32
      %dma_start3A_971 = tpu.memref_slice %arg14[%run_scoped3A_286, %run_scoped3A_287, %dma_start3A_969, %dma_start3A_970] : memref<4x2x64x128xf32, #tpu.memory_space<vmem>> -> memref<1x1x64x128xf32, #tpu.memory_space<vmem>>
      %dma_start3A_972 = tpu.memref_squeeze %dma_start3A_971 : memref<1x1x64x128xf32, #tpu.memory_space<vmem>> -> memref<64x128xf32, #tpu.memory_space<vmem>>
      tpu.enqueue_dma source(%dma_start3A_972 : memref<64x128xf32, #tpu.memory_space<vmem>>) target(%dma_start3A_968 : memref<64x128xf32, #tpu.memory_space<hbm>>) target_semaphore(%run_scoped3A_960 : memref<!tpu.dma_semaphore, #tpu.memory_space<semaphore_mem>>)
      %dma_wait3A_973 = arith.constant 0 : i32
      %dma_wait3A_974 = arith.constant 0 : i32
      %dma_wait3A_975 = tpu.memref_slice %arg14[%run_scoped3A_286, %run_scoped3A_287, %dma_wait3A_973, %dma_wait3A_974] : memref<4x2x64x128xf32, #tpu.memory_space<vmem>> -> memref<1x1x64x128xf32, #tpu.memory_space<vmem>>
      %dma_wait3A_976 = tpu.memref_squeeze %dma_wait3A_975 : memref<1x1x64x128xf32, #tpu.memory_space<vmem>> -> memref<64x128xf32, #tpu.memory_space<vmem>>
      %dma_wait3A_977 = arith.constant 0 : i32
      %dma_wait3A_978 = tpu.memref_slice %arg10[%add3A_285, %dma_wait3A_977] : memref<16384x128xf32, #tpu.memory_space<hbm>> -> memref<64x128xf32, #tpu.memory_space<hbm>>
      %dma_wait3A_979 = arith.constant 0 : i32
      %dma_wait3A_980 = tpu.memref_slice %arg10[%add3A_285, %dma_wait3A_979] : memref<16384x128xf32, #tpu.memory_space<hbm>> -> memref<64x128xf32, #tpu.memory_space<hbm>>
      %dma_wait3A_981 = arith.constant 0 : i32
      %dma_wait3A_982 = arith.constant 0 : i32
      %dma_wait3A_983 = tpu.memref_slice %arg14[%run_scoped3A_286, %run_scoped3A_287, %dma_wait3A_981, %dma_wait3A_982] : memref<4x2x64x128xf32, #tpu.memory_space<vmem>> -> memref<1x1x64x128xf32, #tpu.memory_space<vmem>>
      %dma_wait3A_984 = tpu.memref_squeeze %dma_wait3A_983 : memref<1x1x64x128xf32, #tpu.memory_space<vmem>> -> memref<64x128xf32, #tpu.memory_space<vmem>>
      tpu.wait_dma2 semaphore(%run_scoped3A_960 : memref<!tpu.dma_semaphore, #tpu.memory_space<semaphore_mem>>) src(%dma_wait3A_984 : memref<64x128xf32, #tpu.memory_space<vmem>>) dst(%dma_wait3A_980 : memref<64x128xf32, #tpu.memory_space<hbm>>)
      tpu.yield
    }) : () -> ()
    %add3A_288 = arith.constant 64 : i32
    %add3A_289 = arith.addi %mul3A_2, %add3A_288 : i32
    %run_scoped3A_290 = arith.constant 3 : i32
    %run_scoped3A_291 = arith.constant 1 : i32
    "tpu.region"() ({
      %run_scoped3A_960 = tpu.sem_alloc : memref<!tpu.dma_semaphore, #tpu.memory_space<semaphore_mem>>
      %dma_start3A_961 = arith.constant 0 : i32
      %dma_start3A_962 = arith.constant 0 : i32
      %dma_start3A_963 = tpu.memref_slice %arg14[%run_scoped3A_290, %run_scoped3A_291, %dma_start3A_961, %dma_start3A_962] : memref<4x2x64x128xf32, #tpu.memory_space<vmem>> -> memref<1x1x64x128xf32, #tpu.memory_space<vmem>>
      %dma_start3A_964 = tpu.memref_squeeze %dma_start3A_963 : memref<1x1x64x128xf32, #tpu.memory_space<vmem>> -> memref<64x128xf32, #tpu.memory_space<vmem>>
      %dma_start3A_965 = arith.constant 0 : i32
      %dma_start3A_966 = tpu.memref_slice %arg11[%add3A_289, %dma_start3A_965] : memref<16384x128xf32, #tpu.memory_space<hbm>> -> memref<64x128xf32, #tpu.memory_space<hbm>>
      %dma_start3A_967 = arith.constant 0 : i32
      %dma_start3A_968 = tpu.memref_slice %arg11[%add3A_289, %dma_start3A_967] : memref<16384x128xf32, #tpu.memory_space<hbm>> -> memref<64x128xf32, #tpu.memory_space<hbm>>
      %dma_start3A_969 = arith.constant 0 : i32
      %dma_start3A_970 = arith.constant 0 : i32
      %dma_start3A_971 = tpu.memref_slice %arg14[%run_scoped3A_290, %run_scoped3A_291, %dma_start3A_969, %dma_start3A_970] : memref<4x2x64x128xf32, #tpu.memory_space<vmem>> -> memref<1x1x64x128xf32, #tpu.memory_space<vmem>>
      %dma_start3A_972 = tpu.memref_squeeze %dma_start3A_971 : memref<1x1x64x128xf32, #tpu.memory_space<vmem>> -> memref<64x128xf32, #tpu.memory_space<vmem>>
      tpu.enqueue_dma source(%dma_start3A_972 : memref<64x128xf32, #tpu.memory_space<vmem>>) target(%dma_start3A_968 : memref<64x128xf32, #tpu.memory_space<hbm>>) target_semaphore(%run_scoped3A_960 : memref<!tpu.dma_semaphore, #tpu.memory_space<semaphore_mem>>)
      %dma_wait3A_973 = arith.constant 0 : i32
      %dma_wait3A_974 = arith.constant 0 : i32
      %dma_wait3A_975 = tpu.memref_slice %arg14[%run_scoped3A_290, %run_scoped3A_291, %dma_wait3A_973, %dma_wait3A_974] : memref<4x2x64x128xf32, #tpu.memory_space<vmem>> -> memref<1x1x64x128xf32, #tpu.memory_space<vmem>>
      %dma_wait3A_976 = tpu.memref_squeeze %dma_wait3A_975 : memref<1x1x64x128xf32, #tpu.memory_space<vmem>> -> memref<64x128xf32, #tpu.memory_space<vmem>>
      %dma_wait3A_977 = arith.constant 0 : i32
      %dma_wait3A_978 = tpu.memref_slice %arg11[%add3A_289, %dma_wait3A_977] : memref<16384x128xf32, #tpu.memory_space<hbm>> -> memref<64x128xf32, #tpu.memory_space<hbm>>
      %dma_wait3A_979 = arith.constant 0 : i32
      %dma_wait3A_980 = tpu.memref_slice %arg11[%add3A_289, %dma_wait3A_979] : memref<16384x128xf32, #tpu.memory_space<hbm>> -> memref<64x128xf32, #tpu.memory_space<hbm>>
      %dma_wait3A_981 = arith.constant 0 : i32
      %dma_wait3A_982 = arith.constant 0 : i32
      %dma_wait3A_983 = tpu.memref_slice %arg14[%run_scoped3A_290, %run_scoped3A_291, %dma_wait3A_981, %dma_wait3A_982] : memref<4x2x64x128xf32, #tpu.memory_space<vmem>> -> memref<1x1x64x128xf32, #tpu.memory_space<vmem>>
      %dma_wait3A_984 = tpu.memref_squeeze %dma_wait3A_983 : memref<1x1x64x128xf32, #tpu.memory_space<vmem>> -> memref<64x128xf32, #tpu.memory_space<vmem>>
      tpu.wait_dma2 semaphore(%run_scoped3A_960 : memref<!tpu.dma_semaphore, #tpu.memory_space<semaphore_mem>>) src(%dma_wait3A_984 : memref<64x128xf32, #tpu.memory_space<vmem>>) dst(%dma_wait3A_980 : memref<64x128xf32, #tpu.memory_space<hbm>>)
      tpu.yield
    }) : () -> ()
    %dma_start3A_292 = arith.constant 1 : i32
    %dma_start3A_293 = arith.constant 0 : i32
    %dma_start3A_294 = arith.constant 1 : i32
    %dma_start3A_295 = arith.constant 0 : i32
    %dma_start3A_296 = arith.constant 0 : i32
    %dma_start3A_297 = tpu.memref_slice %arg14[%dma_start3A_293, %dma_start3A_294, %dma_start3A_295, %dma_start3A_296] : memref<4x2x64x128xf32, #tpu.memory_space<vmem>> -> memref<1x1x64x128xf32, #tpu.memory_space<vmem>>
    %dma_start3A_298 = tpu.memref_squeeze %dma_start3A_297 : memref<1x1x64x128xf32, #tpu.memory_space<vmem>> -> memref<64x128xf32, #tpu.memory_space<vmem>>
    %dma_start3A_299 = arith.constant 64 : i32
    %dma_start3A_300 = tpu.memref_slice %arg12[%dma_start3A_292, %dma_start3A_299] : memref<4x128xi32, #tpu.memory_space<vmem>> -> memref<1x64xi32, #tpu.memory_space<vmem>>
    %dma_start3A_301 = tpu.memref_squeeze %dma_start3A_300 : memref<1x64xi32, #tpu.memory_space<vmem>> -> memref<64xi32, #tpu.memory_space<vmem>>
    %dma_start3A_302 = arith.constant 0 : i32
    %dma_start3A_303 = arith.constant 0 : i32
    %dma_start3A_304 = tpu.memref_slice %arg4[%dma_start3A_302, %dma_start3A_303] : memref<125952x128xf32, #tpu.memory_space<hbm>> -> memref<125952x128xf32, #tpu.memory_space<hbm>>
    tpu.enqueue_indirect_dma source(%dma_start3A_304 : memref<125952x128xf32, #tpu.memory_space<hbm>>) target(%dma_start3A_298 : memref<64x128xf32, #tpu.memory_space<vmem>>) offsets(%dma_start3A_301 : memref<64xi32, #tpu.memory_space<vmem>>) semaphore(%arg15 : memref<!tpu.dma_semaphore, #tpu.memory_space<semaphore_mem>>)
    %dma_start3A_305 = arith.constant 1 : i32
    %dma_start3A_306 = arith.constant 1 : i32
    %dma_start3A_307 = arith.constant 1 : i32
    %dma_start3A_308 = arith.constant 0 : i32
    %dma_start3A_309 = arith.constant 0 : i32
    %dma_start3A_310 = tpu.memref_slice %arg14[%dma_start3A_306, %dma_start3A_307, %dma_start3A_308, %dma_start3A_309] : memref<4x2x64x128xf32, #tpu.memory_space<vmem>> -> memref<1x1x64x128xf32, #tpu.memory_space<vmem>>
    %dma_start3A_311 = tpu.memref_squeeze %dma_start3A_310 : memref<1x1x64x128xf32, #tpu.memory_space<vmem>> -> memref<64x128xf32, #tpu.memory_space<vmem>>
    %dma_start3A_312 = arith.constant 64 : i32
    %dma_start3A_313 = tpu.memref_slice %arg13[%dma_start3A_305, %dma_start3A_312] : memref<4x128xi32, #tpu.memory_space<vmem>> -> memref<1x64xi32, #tpu.memory_space<vmem>>
    %dma_start3A_314 = tpu.memref_squeeze %dma_start3A_313 : memref<1x64xi32, #tpu.memory_space<vmem>> -> memref<64xi32, #tpu.memory_space<vmem>>
    %dma_start3A_315 = arith.constant 0 : i32
    %dma_start3A_316 = arith.constant 0 : i32
    %dma_start3A_317 = tpu.memref_slice %arg5[%dma_start3A_315, %dma_start3A_316] : memref<125952x128xf32, #tpu.memory_space<hbm>> -> memref<125952x128xf32, #tpu.memory_space<hbm>>
    tpu.enqueue_indirect_dma source(%dma_start3A_317 : memref<125952x128xf32, #tpu.memory_space<hbm>>) target(%dma_start3A_311 : memref<64x128xf32, #tpu.memory_space<vmem>>) offsets(%dma_start3A_314 : memref<64xi32, #tpu.memory_space<vmem>>) semaphore(%arg15 : memref<!tpu.dma_semaphore, #tpu.memory_space<semaphore_mem>>)
    %dma_start3A_318 = arith.constant 1 : i32
    %dma_start3A_319 = arith.constant 2 : i32
    %dma_start3A_320 = arith.constant 1 : i32
    %dma_start3A_321 = arith.constant 0 : i32
    %dma_start3A_322 = arith.constant 0 : i32
    %dma_start3A_323 = tpu.memref_slice %arg14[%dma_start3A_319, %dma_start3A_320, %dma_start3A_321, %dma_start3A_322] : memref<4x2x64x128xf32, #tpu.memory_space<vmem>> -> memref<1x1x64x128xf32, #tpu.memory_space<vmem>>
    %dma_start3A_324 = tpu.memref_squeeze %dma_start3A_323 : memref<1x1x64x128xf32, #tpu.memory_space<vmem>> -> memref<64x128xf32, #tpu.memory_space<vmem>>
    %dma_start3A_325 = arith.constant 64 : i32
    %dma_start3A_326 = tpu.memref_slice %arg12[%dma_start3A_318, %dma_start3A_325] : memref<4x128xi32, #tpu.memory_space<vmem>> -> memref<1x64xi32, #tpu.memory_space<vmem>>
    %dma_start3A_327 = tpu.memref_squeeze %dma_start3A_326 : memref<1x64xi32, #tpu.memory_space<vmem>> -> memref<64xi32, #tpu.memory_space<vmem>>
    %dma_start3A_328 = arith.constant 0 : i32
    %dma_start3A_329 = arith.constant 0 : i32
    %dma_start3A_330 = tpu.memref_slice %arg6[%dma_start3A_328, %dma_start3A_329] : memref<125952x128xf32, #tpu.memory_space<hbm>> -> memref<125952x128xf32, #tpu.memory_space<hbm>>
    tpu.enqueue_indirect_dma source(%dma_start3A_330 : memref<125952x128xf32, #tpu.memory_space<hbm>>) target(%dma_start3A_324 : memref<64x128xf32, #tpu.memory_space<vmem>>) offsets(%dma_start3A_327 : memref<64xi32, #tpu.memory_space<vmem>>) semaphore(%arg15 : memref<!tpu.dma_semaphore, #tpu.memory_space<semaphore_mem>>)
    %dma_start3A_331 = arith.constant 1 : i32
    %dma_start3A_332 = arith.constant 3 : i32
    %dma_start3A_333 = arith.constant 1 : i32
    %dma_start3A_334 = arith.constant 0 : i32
    %dma_start3A_335 = arith.constant 0 : i32
    %dma_start3A_336 = tpu.memref_slice %arg14[%dma_start3A_332, %dma_start3A_333, %dma_start3A_334, %dma_start3A_335] : memref<4x2x64x128xf32, #tpu.memory_space<vmem>> -> memref<1x1x64x128xf32, #tpu.memory_space<vmem>>
    %dma_start3A_337 = tpu.memref_squeeze %dma_start3A_336 : memref<1x1x64x128xf32, #tpu.memory_space<vmem>> -> memref<64x128xf32, #tpu.memory_space<vmem>>
    %dma_start3A_338 = arith.constant 64 : i32
    %dma_start3A_339 = tpu.memref_slice %arg13[%dma_start3A_331, %dma_start3A_338] : memref<4x128xi32, #tpu.memory_space<vmem>> -> memref<1x64xi32, #tpu.memory_space<vmem>>
    %dma_start3A_340 = tpu.memref_squeeze %dma_start3A_339 : memref<1x64xi32, #tpu.memory_space<vmem>> -> memref<64xi32, #tpu.memory_space<vmem>>
    %dma_start3A_341 = arith.constant 0 : i32
    %dma_start3A_342 = arith.constant 0 : i32
    %dma_start3A_343 = tpu.memref_slice %arg7[%dma_start3A_341, %dma_start3A_342] : memref<125952x128xf32, #tpu.memory_space<hbm>> -> memref<125952x128xf32, #tpu.memory_space<hbm>>
    tpu.enqueue_indirect_dma source(%dma_start3A_343 : memref<125952x128xf32, #tpu.memory_space<hbm>>) target(%dma_start3A_337 : memref<64x128xf32, #tpu.memory_space<vmem>>) offsets(%dma_start3A_340 : memref<64xi32, #tpu.memory_space<vmem>>) semaphore(%arg15 : memref<!tpu.dma_semaphore, #tpu.memory_space<semaphore_mem>>)
    %dma_wait3A_344 = arith.constant 1 : i32
    %dma_wait3A_345 = arith.constant 0 : i32
    %dma_wait3A_346 = arith.constant 0 : i32
    %dma_wait3A_347 = arith.constant 0 : i32
    %dma_wait3A_348 = arith.constant 0 : i32
    %dma_wait3A_349 = tpu.memref_slice %arg14[%dma_wait3A_345, %dma_wait3A_346, %dma_wait3A_347, %dma_wait3A_348] : memref<4x2x64x128xf32, #tpu.memory_space<vmem>> -> memref<1x1x64x128xf32, #tpu.memory_space<vmem>>
    %dma_wait3A_350 = tpu.memref_squeeze %dma_wait3A_349 : memref<1x1x64x128xf32, #tpu.memory_space<vmem>> -> memref<64x128xf32, #tpu.memory_space<vmem>>
    %dma_wait3A_351 = arith.constant 0 : i32
    %dma_wait3A_352 = tpu.memref_slice %arg12[%dma_wait3A_344, %dma_wait3A_351] : memref<4x128xi32, #tpu.memory_space<vmem>> -> memref<1x64xi32, #tpu.memory_space<vmem>>
    %dma_wait3A_353 = tpu.memref_squeeze %dma_wait3A_352 : memref<1x64xi32, #tpu.memory_space<vmem>> -> memref<64xi32, #tpu.memory_space<vmem>>
    %dma_wait3A_354 = arith.constant 0 : i32
    %dma_wait3A_355 = arith.constant 0 : i32
    %dma_wait3A_356 = tpu.memref_slice %arg4[%dma_wait3A_354, %dma_wait3A_355] : memref<125952x128xf32, #tpu.memory_space<hbm>> -> memref<125952x128xf32, #tpu.memory_space<hbm>>
    tpu.wait_indirect_dma semaphore(%arg15 : memref<!tpu.dma_semaphore, #tpu.memory_space<semaphore_mem>>) src(%dma_wait3A_356 : memref<125952x128xf32, #tpu.memory_space<hbm>>) dst(%dma_wait3A_350 : memref<64x128xf32, #tpu.memory_space<vmem>>)
    %dma_wait3A_357 = arith.constant 1 : i32
    %dma_wait3A_358 = arith.constant 1 : i32
    %dma_wait3A_359 = arith.constant 0 : i32
    %dma_wait3A_360 = arith.constant 0 : i32
    %dma_wait3A_361 = arith.constant 0 : i32
    %dma_wait3A_362 = tpu.memref_slice %arg14[%dma_wait3A_358, %dma_wait3A_359, %dma_wait3A_360, %dma_wait3A_361] : memref<4x2x64x128xf32, #tpu.memory_space<vmem>> -> memref<1x1x64x128xf32, #tpu.memory_space<vmem>>
    %dma_wait3A_363 = tpu.memref_squeeze %dma_wait3A_362 : memref<1x1x64x128xf32, #tpu.memory_space<vmem>> -> memref<64x128xf32, #tpu.memory_space<vmem>>
    %dma_wait3A_364 = arith.constant 0 : i32
    %dma_wait3A_365 = tpu.memref_slice %arg13[%dma_wait3A_357, %dma_wait3A_364] : memref<4x128xi32, #tpu.memory_space<vmem>> -> memref<1x64xi32, #tpu.memory_space<vmem>>
    %dma_wait3A_366 = tpu.memref_squeeze %dma_wait3A_365 : memref<1x64xi32, #tpu.memory_space<vmem>> -> memref<64xi32, #tpu.memory_space<vmem>>
    %dma_wait3A_367 = arith.constant 0 : i32
    %dma_wait3A_368 = arith.constant 0 : i32
    %dma_wait3A_369 = tpu.memref_slice %arg5[%dma_wait3A_367, %dma_wait3A_368] : memref<125952x128xf32, #tpu.memory_space<hbm>> -> memref<125952x128xf32, #tpu.memory_space<hbm>>
    tpu.wait_indirect_dma semaphore(%arg15 : memref<!tpu.dma_semaphore, #tpu.memory_space<semaphore_mem>>) src(%dma_wait3A_369 : memref<125952x128xf32, #tpu.memory_space<hbm>>) dst(%dma_wait3A_363 : memref<64x128xf32, #tpu.memory_space<vmem>>)
    %dma_wait3A_370 = arith.constant 1 : i32
    %dma_wait3A_371 = arith.constant 2 : i32
    %dma_wait3A_372 = arith.constant 0 : i32
    %dma_wait3A_373 = arith.constant 0 : i32
    %dma_wait3A_374 = arith.constant 0 : i32
    %dma_wait3A_375 = tpu.memref_slice %arg14[%dma_wait3A_371, %dma_wait3A_372, %dma_wait3A_373, %dma_wait3A_374] : memref<4x2x64x128xf32, #tpu.memory_space<vmem>> -> memref<1x1x64x128xf32, #tpu.memory_space<vmem>>
    %dma_wait3A_376 = tpu.memref_squeeze %dma_wait3A_375 : memref<1x1x64x128xf32, #tpu.memory_space<vmem>> -> memref<64x128xf32, #tpu.memory_space<vmem>>
    %dma_wait3A_377 = arith.constant 0 : i32
    %dma_wait3A_378 = tpu.memref_slice %arg12[%dma_wait3A_370, %dma_wait3A_377] : memref<4x128xi32, #tpu.memory_space<vmem>> -> memref<1x64xi32, #tpu.memory_space<vmem>>
    %dma_wait3A_379 = tpu.memref_squeeze %dma_wait3A_378 : memref<1x64xi32, #tpu.memory_space<vmem>> -> memref<64xi32, #tpu.memory_space<vmem>>
    %dma_wait3A_380 = arith.constant 0 : i32
    %dma_wait3A_381 = arith.constant 0 : i32
    %dma_wait3A_382 = tpu.memref_slice %arg6[%dma_wait3A_380, %dma_wait3A_381] : memref<125952x128xf32, #tpu.memory_space<hbm>> -> memref<125952x128xf32, #tpu.memory_space<hbm>>
    tpu.wait_indirect_dma semaphore(%arg15 : memref<!tpu.dma_semaphore, #tpu.memory_space<semaphore_mem>>) src(%dma_wait3A_382 : memref<125952x128xf32, #tpu.memory_space<hbm>>) dst(%dma_wait3A_376 : memref<64x128xf32, #tpu.memory_space<vmem>>)
    %dma_wait3A_383 = arith.constant 1 : i32
    %dma_wait3A_384 = arith.constant 3 : i32
    %dma_wait3A_385 = arith.constant 0 : i32
    %dma_wait3A_386 = arith.constant 0 : i32
    %dma_wait3A_387 = arith.constant 0 : i32
    %dma_wait3A_388 = tpu.memref_slice %arg14[%dma_wait3A_384, %dma_wait3A_385, %dma_wait3A_386, %dma_wait3A_387] : memref<4x2x64x128xf32, #tpu.memory_space<vmem>> -> memref<1x1x64x128xf32, #tpu.memory_space<vmem>>
    %dma_wait3A_389 = tpu.memref_squeeze %dma_wait3A_388 : memref<1x1x64x128xf32, #tpu.memory_space<vmem>> -> memref<64x128xf32, #tpu.memory_space<vmem>>
    %dma_wait3A_390 = arith.constant 0 : i32
    %dma_wait3A_391 = tpu.memref_slice %arg13[%dma_wait3A_383, %dma_wait3A_390] : memref<4x128xi32, #tpu.memory_space<vmem>> -> memref<1x64xi32, #tpu.memory_space<vmem>>
    %dma_wait3A_392 = tpu.memref_squeeze %dma_wait3A_391 : memref<1x64xi32, #tpu.memory_space<vmem>> -> memref<64xi32, #tpu.memory_space<vmem>>
    %dma_wait3A_393 = arith.constant 0 : i32
    %dma_wait3A_394 = arith.constant 0 : i32
    %dma_wait3A_395 = tpu.memref_slice %arg7[%dma_wait3A_393, %dma_wait3A_394] : memref<125952x128xf32, #tpu.memory_space<hbm>> -> memref<125952x128xf32, #tpu.memory_space<hbm>>
    tpu.wait_indirect_dma semaphore(%arg15 : memref<!tpu.dma_semaphore, #tpu.memory_space<semaphore_mem>>) src(%dma_wait3A_395 : memref<125952x128xf32, #tpu.memory_space<hbm>>) dst(%dma_wait3A_389 : memref<64x128xf32, #tpu.memory_space<vmem>>)
    %add3A_396 = arith.constant 128 : i32
    %add3A_397 = arith.addi %mul3A_2, %add3A_396 : i32
    %run_scoped3A_398 = arith.constant 0 : i32
    %run_scoped3A_399 = arith.constant 0 : i32
    "tpu.region"() ({
      %run_scoped3A_960 = tpu.sem_alloc : memref<!tpu.dma_semaphore, #tpu.memory_space<semaphore_mem>>
      %dma_start3A_961 = arith.constant 0 : i32
      %dma_start3A_962 = arith.constant 0 : i32
      %dma_start3A_963 = tpu.memref_slice %arg14[%run_scoped3A_398, %run_scoped3A_399, %dma_start3A_961, %dma_start3A_962] : memref<4x2x64x128xf32, #tpu.memory_space<vmem>> -> memref<1x1x64x128xf32, #tpu.memory_space<vmem>>
      %dma_start3A_964 = tpu.memref_squeeze %dma_start3A_963 : memref<1x1x64x128xf32, #tpu.memory_space<vmem>> -> memref<64x128xf32, #tpu.memory_space<vmem>>
      %dma_start3A_965 = arith.constant 0 : i32
      %dma_start3A_966 = tpu.memref_slice %arg8[%add3A_397, %dma_start3A_965] : memref<16384x128xf32, #tpu.memory_space<hbm>> -> memref<64x128xf32, #tpu.memory_space<hbm>>
      %dma_start3A_967 = arith.constant 0 : i32
      %dma_start3A_968 = tpu.memref_slice %arg8[%add3A_397, %dma_start3A_967] : memref<16384x128xf32, #tpu.memory_space<hbm>> -> memref<64x128xf32, #tpu.memory_space<hbm>>
      %dma_start3A_969 = arith.constant 0 : i32
      %dma_start3A_970 = arith.constant 0 : i32
      %dma_start3A_971 = tpu.memref_slice %arg14[%run_scoped3A_398, %run_scoped3A_399, %dma_start3A_969, %dma_start3A_970] : memref<4x2x64x128xf32, #tpu.memory_space<vmem>> -> memref<1x1x64x128xf32, #tpu.memory_space<vmem>>
      %dma_start3A_972 = tpu.memref_squeeze %dma_start3A_971 : memref<1x1x64x128xf32, #tpu.memory_space<vmem>> -> memref<64x128xf32, #tpu.memory_space<vmem>>
      tpu.enqueue_dma source(%dma_start3A_972 : memref<64x128xf32, #tpu.memory_space<vmem>>) target(%dma_start3A_968 : memref<64x128xf32, #tpu.memory_space<hbm>>) target_semaphore(%run_scoped3A_960 : memref<!tpu.dma_semaphore, #tpu.memory_space<semaphore_mem>>)
      %dma_wait3A_973 = arith.constant 0 : i32
      %dma_wait3A_974 = arith.constant 0 : i32
      %dma_wait3A_975 = tpu.memref_slice %arg14[%run_scoped3A_398, %run_scoped3A_399, %dma_wait3A_973, %dma_wait3A_974] : memref<4x2x64x128xf32, #tpu.memory_space<vmem>> -> memref<1x1x64x128xf32, #tpu.memory_space<vmem>>
      %dma_wait3A_976 = tpu.memref_squeeze %dma_wait3A_975 : memref<1x1x64x128xf32, #tpu.memory_space<vmem>> -> memref<64x128xf32, #tpu.memory_space<vmem>>
      %dma_wait3A_977 = arith.constant 0 : i32
      %dma_wait3A_978 = tpu.memref_slice %arg8[%add3A_397, %dma_wait3A_977] : memref<16384x128xf32, #tpu.memory_space<hbm>> -> memref<64x128xf32, #tpu.memory_space<hbm>>
      %dma_wait3A_979 = arith.constant 0 : i32
      %dma_wait3A_980 = tpu.memref_slice %arg8[%add3A_397, %dma_wait3A_979] : memref<16384x128xf32, #tpu.memory_space<hbm>> -> memref<64x128xf32, #tpu.memory_space<hbm>>
      %dma_wait3A_981 = arith.constant 0 : i32
      %dma_wait3A_982 = arith.constant 0 : i32
      %dma_wait3A_983 = tpu.memref_slice %arg14[%run_scoped3A_398, %run_scoped3A_399, %dma_wait3A_981, %dma_wait3A_982] : memref<4x2x64x128xf32, #tpu.memory_space<vmem>> -> memref<1x1x64x128xf32, #tpu.memory_space<vmem>>
      %dma_wait3A_984 = tpu.memref_squeeze %dma_wait3A_983 : memref<1x1x64x128xf32, #tpu.memory_space<vmem>> -> memref<64x128xf32, #tpu.memory_space<vmem>>
      tpu.wait_dma2 semaphore(%run_scoped3A_960 : memref<!tpu.dma_semaphore, #tpu.memory_space<semaphore_mem>>) src(%dma_wait3A_984 : memref<64x128xf32, #tpu.memory_space<vmem>>) dst(%dma_wait3A_980 : memref<64x128xf32, #tpu.memory_space<hbm>>)
      tpu.yield
    }) : () -> ()
    %add3A_400 = arith.constant 128 : i32
    %add3A_401 = arith.addi %mul3A_2, %add3A_400 : i32
    %run_scoped3A_402 = arith.constant 1 : i32
    %run_scoped3A_403 = arith.constant 0 : i32
    "tpu.region"() ({
      %run_scoped3A_960 = tpu.sem_alloc : memref<!tpu.dma_semaphore, #tpu.memory_space<semaphore_mem>>
      %dma_start3A_961 = arith.constant 0 : i32
      %dma_start3A_962 = arith.constant 0 : i32
      %dma_start3A_963 = tpu.memref_slice %arg14[%run_scoped3A_402, %run_scoped3A_403, %dma_start3A_961, %dma_start3A_962] : memref<4x2x64x128xf32, #tpu.memory_space<vmem>> -> memref<1x1x64x128xf32, #tpu.memory_space<vmem>>
      %dma_start3A_964 = tpu.memref_squeeze %dma_start3A_963 : memref<1x1x64x128xf32, #tpu.memory_space<vmem>> -> memref<64x128xf32, #tpu.memory_space<vmem>>
      %dma_start3A_965 = arith.constant 0 : i32
      %dma_start3A_966 = tpu.memref_slice %arg9[%add3A_401, %dma_start3A_965] : memref<16384x128xf32, #tpu.memory_space<hbm>> -> memref<64x128xf32, #tpu.memory_space<hbm>>
      %dma_start3A_967 = arith.constant 0 : i32
      %dma_start3A_968 = tpu.memref_slice %arg9[%add3A_401, %dma_start3A_967] : memref<16384x128xf32, #tpu.memory_space<hbm>> -> memref<64x128xf32, #tpu.memory_space<hbm>>
      %dma_start3A_969 = arith.constant 0 : i32
      %dma_start3A_970 = arith.constant 0 : i32
      %dma_start3A_971 = tpu.memref_slice %arg14[%run_scoped3A_402, %run_scoped3A_403, %dma_start3A_969, %dma_start3A_970] : memref<4x2x64x128xf32, #tpu.memory_space<vmem>> -> memref<1x1x64x128xf32, #tpu.memory_space<vmem>>
      %dma_start3A_972 = tpu.memref_squeeze %dma_start3A_971 : memref<1x1x64x128xf32, #tpu.memory_space<vmem>> -> memref<64x128xf32, #tpu.memory_space<vmem>>
      tpu.enqueue_dma source(%dma_start3A_972 : memref<64x128xf32, #tpu.memory_space<vmem>>) target(%dma_start3A_968 : memref<64x128xf32, #tpu.memory_space<hbm>>) target_semaphore(%run_scoped3A_960 : memref<!tpu.dma_semaphore, #tpu.memory_space<semaphore_mem>>)
      %dma_wait3A_973 = arith.constant 0 : i32
      %dma_wait3A_974 = arith.constant 0 : i32
      %dma_wait3A_975 = tpu.memref_slice %arg14[%run_scoped3A_402, %run_scoped3A_403, %dma_wait3A_973, %dma_wait3A_974] : memref<4x2x64x128xf32, #tpu.memory_space<vmem>> -> memref<1x1x64x128xf32, #tpu.memory_space<vmem>>
      %dma_wait3A_976 = tpu.memref_squeeze %dma_wait3A_975 : memref<1x1x64x128xf32, #tpu.memory_space<vmem>> -> memref<64x128xf32, #tpu.memory_space<vmem>>
      %dma_wait3A_977 = arith.constant 0 : i32
      %dma_wait3A_978 = tpu.memref_slice %arg9[%add3A_401, %dma_wait3A_977] : memref<16384x128xf32, #tpu.memory_space<hbm>> -> memref<64x128xf32, #tpu.memory_space<hbm>>
      %dma_wait3A_979 = arith.constant 0 : i32
      %dma_wait3A_980 = tpu.memref_slice %arg9[%add3A_401, %dma_wait3A_979] : memref<16384x128xf32, #tpu.memory_space<hbm>> -> memref<64x128xf32, #tpu.memory_space<hbm>>
      %dma_wait3A_981 = arith.constant 0 : i32
      %dma_wait3A_982 = arith.constant 0 : i32
      %dma_wait3A_983 = tpu.memref_slice %arg14[%run_scoped3A_402, %run_scoped3A_403, %dma_wait3A_981, %dma_wait3A_982] : memref<4x2x64x128xf32, #tpu.memory_space<vmem>> -> memref<1x1x64x128xf32, #tpu.memory_space<vmem>>
      %dma_wait3A_984 = tpu.memref_squeeze %dma_wait3A_983 : memref<1x1x64x128xf32, #tpu.memory_space<vmem>> -> memref<64x128xf32, #tpu.memory_space<vmem>>
      tpu.wait_dma2 semaphore(%run_scoped3A_960 : memref<!tpu.dma_semaphore, #tpu.memory_space<semaphore_mem>>) src(%dma_wait3A_984 : memref<64x128xf32, #tpu.memory_space<vmem>>) dst(%dma_wait3A_980 : memref<64x128xf32, #tpu.memory_space<hbm>>)
      tpu.yield
    }) : () -> ()
    %add3A_404 = arith.constant 128 : i32
    %add3A_405 = arith.addi %mul3A_2, %add3A_404 : i32
    %run_scoped3A_406 = arith.constant 2 : i32
    %run_scoped3A_407 = arith.constant 0 : i32
    "tpu.region"() ({
      %run_scoped3A_960 = tpu.sem_alloc : memref<!tpu.dma_semaphore, #tpu.memory_space<semaphore_mem>>
      %dma_start3A_961 = arith.constant 0 : i32
      %dma_start3A_962 = arith.constant 0 : i32
      %dma_start3A_963 = tpu.memref_slice %arg14[%run_scoped3A_406, %run_scoped3A_407, %dma_start3A_961, %dma_start3A_962] : memref<4x2x64x128xf32, #tpu.memory_space<vmem>> -> memref<1x1x64x128xf32, #tpu.memory_space<vmem>>
      %dma_start3A_964 = tpu.memref_squeeze %dma_start3A_963 : memref<1x1x64x128xf32, #tpu.memory_space<vmem>> -> memref<64x128xf32, #tpu.memory_space<vmem>>
      %dma_start3A_965 = arith.constant 0 : i32
      %dma_start3A_966 = tpu.memref_slice %arg10[%add3A_405, %dma_start3A_965] : memref<16384x128xf32, #tpu.memory_space<hbm>> -> memref<64x128xf32, #tpu.memory_space<hbm>>
      %dma_start3A_967 = arith.constant 0 : i32
      %dma_start3A_968 = tpu.memref_slice %arg10[%add3A_405, %dma_start3A_967] : memref<16384x128xf32, #tpu.memory_space<hbm>> -> memref<64x128xf32, #tpu.memory_space<hbm>>
      %dma_start3A_969 = arith.constant 0 : i32
      %dma_start3A_970 = arith.constant 0 : i32
      %dma_start3A_971 = tpu.memref_slice %arg14[%run_scoped3A_406, %run_scoped3A_407, %dma_start3A_969, %dma_start3A_970] : memref<4x2x64x128xf32, #tpu.memory_space<vmem>> -> memref<1x1x64x128xf32, #tpu.memory_space<vmem>>
      %dma_start3A_972 = tpu.memref_squeeze %dma_start3A_971 : memref<1x1x64x128xf32, #tpu.memory_space<vmem>> -> memref<64x128xf32, #tpu.memory_space<vmem>>
      tpu.enqueue_dma source(%dma_start3A_972 : memref<64x128xf32, #tpu.memory_space<vmem>>) target(%dma_start3A_968 : memref<64x128xf32, #tpu.memory_space<hbm>>) target_semaphore(%run_scoped3A_960 : memref<!tpu.dma_semaphore, #tpu.memory_space<semaphore_mem>>)
      %dma_wait3A_973 = arith.constant 0 : i32
      %dma_wait3A_974 = arith.constant 0 : i32
      %dma_wait3A_975 = tpu.memref_slice %arg14[%run_scoped3A_406, %run_scoped3A_407, %dma_wait3A_973, %dma_wait3A_974] : memref<4x2x64x128xf32, #tpu.memory_space<vmem>> -> memref<1x1x64x128xf32, #tpu.memory_space<vmem>>
      %dma_wait3A_976 = tpu.memref_squeeze %dma_wait3A_975 : memref<1x1x64x128xf32, #tpu.memory_space<vmem>> -> memref<64x128xf32, #tpu.memory_space<vmem>>
      %dma_wait3A_977 = arith.constant 0 : i32
      %dma_wait3A_978 = tpu.memref_slice %arg10[%add3A_405, %dma_wait3A_977] : memref<16384x128xf32, #tpu.memory_space<hbm>> -> memref<64x128xf32, #tpu.memory_space<hbm>>
      %dma_wait3A_979 = arith.constant 0 : i32
      %dma_wait3A_980 = tpu.memref_slice %arg10[%add3A_405, %dma_wait3A_979] : memref<16384x128xf32, #tpu.memory_space<hbm>> -> memref<64x128xf32, #tpu.memory_space<hbm>>
      %dma_wait3A_981 = arith.constant 0 : i32
      %dma_wait3A_982 = arith.constant 0 : i32
      %dma_wait3A_983 = tpu.memref_slice %arg14[%run_scoped3A_406, %run_scoped3A_407, %dma_wait3A_981, %dma_wait3A_982] : memref<4x2x64x128xf32, #tpu.memory_space<vmem>> -> memref<1x1x64x128xf32, #tpu.memory_space<vmem>>
      %dma_wait3A_984 = tpu.memref_squeeze %dma_wait3A_983 : memref<1x1x64x128xf32, #tpu.memory_space<vmem>> -> memref<64x128xf32, #tpu.memory_space<vmem>>
      tpu.wait_dma2 semaphore(%run_scoped3A_960 : memref<!tpu.dma_semaphore, #tpu.memory_space<semaphore_mem>>) src(%dma_wait3A_984 : memref<64x128xf32, #tpu.memory_space<vmem>>) dst(%dma_wait3A_980 : memref<64x128xf32, #tpu.memory_space<hbm>>)
      tpu.yield
    }) : () -> ()
    %add3A_408 = arith.constant 128 : i32
    %add3A_409 = arith.addi %mul3A_2, %add3A_408 : i32
    %run_scoped3A_410 = arith.constant 3 : i32
    %run_scoped3A_411 = arith.constant 0 : i32
    "tpu.region"() ({
      %run_scoped3A_960 = tpu.sem_alloc : memref<!tpu.dma_semaphore, #tpu.memory_space<semaphore_mem>>
      %dma_start3A_961 = arith.constant 0 : i32
      %dma_start3A_962 = arith.constant 0 : i32
      %dma_start3A_963 = tpu.memref_slice %arg14[%run_scoped3A_410, %run_scoped3A_411, %dma_start3A_961, %dma_start3A_962] : memref<4x2x64x128xf32, #tpu.memory_space<vmem>> -> memref<1x1x64x128xf32, #tpu.memory_space<vmem>>
      %dma_start3A_964 = tpu.memref_squeeze %dma_start3A_963 : memref<1x1x64x128xf32, #tpu.memory_space<vmem>> -> memref<64x128xf32, #tpu.memory_space<vmem>>
      %dma_start3A_965 = arith.constant 0 : i32
      %dma_start3A_966 = tpu.memref_slice %arg11[%add3A_409, %dma_start3A_965] : memref<16384x128xf32, #tpu.memory_space<hbm>> -> memref<64x128xf32, #tpu.memory_space<hbm>>
      %dma_start3A_967 = arith.constant 0 : i32
      %dma_start3A_968 = tpu.memref_slice %arg11[%add3A_409, %dma_start3A_967] : memref<16384x128xf32, #tpu.memory_space<hbm>> -> memref<64x128xf32, #tpu.memory_space<hbm>>
      %dma_start3A_969 = arith.constant 0 : i32
      %dma_start3A_970 = arith.constant 0 : i32
      %dma_start3A_971 = tpu.memref_slice %arg14[%run_scoped3A_410, %run_scoped3A_411, %dma_start3A_969, %dma_start3A_970] : memref<4x2x64x128xf32, #tpu.memory_space<vmem>> -> memref<1x1x64x128xf32, #tpu.memory_space<vmem>>
      %dma_start3A_972 = tpu.memref_squeeze %dma_start3A_971 : memref<1x1x64x128xf32, #tpu.memory_space<vmem>> -> memref<64x128xf32, #tpu.memory_space<vmem>>
      tpu.enqueue_dma source(%dma_start3A_972 : memref<64x128xf32, #tpu.memory_space<vmem>>) target(%dma_start3A_968 : memref<64x128xf32, #tpu.memory_space<hbm>>) target_semaphore(%run_scoped3A_960 : memref<!tpu.dma_semaphore, #tpu.memory_space<semaphore_mem>>)
      %dma_wait3A_973 = arith.constant 0 : i32
      %dma_wait3A_974 = arith.constant 0 : i32
      %dma_wait3A_975 = tpu.memref_slice %arg14[%run_scoped3A_410, %run_scoped3A_411, %dma_wait3A_973, %dma_wait3A_974] : memref<4x2x64x128xf32, #tpu.memory_space<vmem>> -> memref<1x1x64x128xf32, #tpu.memory_space<vmem>>
      %dma_wait3A_976 = tpu.memref_squeeze %dma_wait3A_975 : memref<1x1x64x128xf32, #tpu.memory_space<vmem>> -> memref<64x128xf32, #tpu.memory_space<vmem>>
      %dma_wait3A_977 = arith.constant 0 : i32
      %dma_wait3A_978 = tpu.memref_slice %arg11[%add3A_409, %dma_wait3A_977] : memref<16384x128xf32, #tpu.memory_space<hbm>> -> memref<64x128xf32, #tpu.memory_space<hbm>>
      %dma_wait3A_979 = arith.constant 0 : i32
      %dma_wait3A_980 = tpu.memref_slice %arg11[%add3A_409, %dma_wait3A_979] : memref<16384x128xf32, #tpu.memory_space<hbm>> -> memref<64x128xf32, #tpu.memory_space<hbm>>
      %dma_wait3A_981 = arith.constant 0 : i32
      %dma_wait3A_982 = arith.constant 0 : i32
      %dma_wait3A_983 = tpu.memref_slice %arg14[%run_scoped3A_410, %run_scoped3A_411, %dma_wait3A_981, %dma_wait3A_982] : memref<4x2x64x128xf32, #tpu.memory_space<vmem>> -> memref<1x1x64x128xf32, #tpu.memory_space<vmem>>
      %dma_wait3A_984 = tpu.memref_squeeze %dma_wait3A_983 : memref<1x1x64x128xf32, #tpu.memory_space<vmem>> -> memref<64x128xf32, #tpu.memory_space<vmem>>
      tpu.wait_dma2 semaphore(%run_scoped3A_960 : memref<!tpu.dma_semaphore, #tpu.memory_space<semaphore_mem>>) src(%dma_wait3A_984 : memref<64x128xf32, #tpu.memory_space<vmem>>) dst(%dma_wait3A_980 : memref<64x128xf32, #tpu.memory_space<hbm>>)
      tpu.yield
    }) : () -> ()
    %dma_start3A_412 = arith.constant 2 : i32
    %dma_start3A_413 = arith.constant 0 : i32
    %dma_start3A_414 = arith.constant 0 : i32
    %dma_start3A_415 = arith.constant 0 : i32
    %dma_start3A_416 = arith.constant 0 : i32
    %dma_start3A_417 = tpu.memref_slice %arg14[%dma_start3A_413, %dma_start3A_414, %dma_start3A_415, %dma_start3A_416] : memref<4x2x64x128xf32, #tpu.memory_space<vmem>> -> memref<1x1x64x128xf32, #tpu.memory_space<vmem>>
    %dma_start3A_418 = tpu.memref_squeeze %dma_start3A_417 : memref<1x1x64x128xf32, #tpu.memory_space<vmem>> -> memref<64x128xf32, #tpu.memory_space<vmem>>
    %dma_start3A_419 = arith.constant 0 : i32
    %dma_start3A_420 = tpu.memref_slice %arg12[%dma_start3A_412, %dma_start3A_419] : memref<4x128xi32, #tpu.memory_space<vmem>> -> memref<1x64xi32, #tpu.memory_space<vmem>>
    %dma_start3A_421 = tpu.memref_squeeze %dma_start3A_420 : memref<1x64xi32, #tpu.memory_space<vmem>> -> memref<64xi32, #tpu.memory_space<vmem>>
    %dma_start3A_422 = arith.constant 0 : i32
    %dma_start3A_423 = arith.constant 0 : i32
    %dma_start3A_424 = tpu.memref_slice %arg4[%dma_start3A_422, %dma_start3A_423] : memref<125952x128xf32, #tpu.memory_space<hbm>> -> memref<125952x128xf32, #tpu.memory_space<hbm>>
    tpu.enqueue_indirect_dma source(%dma_start3A_424 : memref<125952x128xf32, #tpu.memory_space<hbm>>) target(%dma_start3A_418 : memref<64x128xf32, #tpu.memory_space<vmem>>) offsets(%dma_start3A_421 : memref<64xi32, #tpu.memory_space<vmem>>) semaphore(%arg15 : memref<!tpu.dma_semaphore, #tpu.memory_space<semaphore_mem>>)
    %dma_start3A_425 = arith.constant 2 : i32
    %dma_start3A_426 = arith.constant 1 : i32
    %dma_start3A_427 = arith.constant 0 : i32
    %dma_start3A_428 = arith.constant 0 : i32
    %dma_start3A_429 = arith.constant 0 : i32
    %dma_start3A_430 = tpu.memref_slice %arg14[%dma_start3A_426, %dma_start3A_427, %dma_start3A_428, %dma_start3A_429] : memref<4x2x64x128xf32, #tpu.memory_space<vmem>> -> memref<1x1x64x128xf32, #tpu.memory_space<vmem>>
    %dma_start3A_431 = tpu.memref_squeeze %dma_start3A_430 : memref<1x1x64x128xf32, #tpu.memory_space<vmem>> -> memref<64x128xf32, #tpu.memory_space<vmem>>
    %dma_start3A_432 = arith.constant 0 : i32
    %dma_start3A_433 = tpu.memref_slice %arg13[%dma_start3A_425, %dma_start3A_432] : memref<4x128xi32, #tpu.memory_space<vmem>> -> memref<1x64xi32, #tpu.memory_space<vmem>>
    %dma_start3A_434 = tpu.memref_squeeze %dma_start3A_433 : memref<1x64xi32, #tpu.memory_space<vmem>> -> memref<64xi32, #tpu.memory_space<vmem>>
    %dma_start3A_435 = arith.constant 0 : i32
    %dma_start3A_436 = arith.constant 0 : i32
    %dma_start3A_437 = tpu.memref_slice %arg5[%dma_start3A_435, %dma_start3A_436] : memref<125952x128xf32, #tpu.memory_space<hbm>> -> memref<125952x128xf32, #tpu.memory_space<hbm>>
    tpu.enqueue_indirect_dma source(%dma_start3A_437 : memref<125952x128xf32, #tpu.memory_space<hbm>>) target(%dma_start3A_431 : memref<64x128xf32, #tpu.memory_space<vmem>>) offsets(%dma_start3A_434 : memref<64xi32, #tpu.memory_space<vmem>>) semaphore(%arg15 : memref<!tpu.dma_semaphore, #tpu.memory_space<semaphore_mem>>)
    %dma_start3A_438 = arith.constant 2 : i32
    %dma_start3A_439 = arith.constant 2 : i32
    %dma_start3A_440 = arith.constant 0 : i32
    %dma_start3A_441 = arith.constant 0 : i32
    %dma_start3A_442 = arith.constant 0 : i32
    %dma_start3A_443 = tpu.memref_slice %arg14[%dma_start3A_439, %dma_start3A_440, %dma_start3A_441, %dma_start3A_442] : memref<4x2x64x128xf32, #tpu.memory_space<vmem>> -> memref<1x1x64x128xf32, #tpu.memory_space<vmem>>
    %dma_start3A_444 = tpu.memref_squeeze %dma_start3A_443 : memref<1x1x64x128xf32, #tpu.memory_space<vmem>> -> memref<64x128xf32, #tpu.memory_space<vmem>>
    %dma_start3A_445 = arith.constant 0 : i32
    %dma_start3A_446 = tpu.memref_slice %arg12[%dma_start3A_438, %dma_start3A_445] : memref<4x128xi32, #tpu.memory_space<vmem>> -> memref<1x64xi32, #tpu.memory_space<vmem>>
    %dma_start3A_447 = tpu.memref_squeeze %dma_start3A_446 : memref<1x64xi32, #tpu.memory_space<vmem>> -> memref<64xi32, #tpu.memory_space<vmem>>
    %dma_start3A_448 = arith.constant 0 : i32
    %dma_start3A_449 = arith.constant 0 : i32
    %dma_start3A_450 = tpu.memref_slice %arg6[%dma_start3A_448, %dma_start3A_449] : memref<125952x128xf32, #tpu.memory_space<hbm>> -> memref<125952x128xf32, #tpu.memory_space<hbm>>
    tpu.enqueue_indirect_dma source(%dma_start3A_450 : memref<125952x128xf32, #tpu.memory_space<hbm>>) target(%dma_start3A_444 : memref<64x128xf32, #tpu.memory_space<vmem>>) offsets(%dma_start3A_447 : memref<64xi32, #tpu.memory_space<vmem>>) semaphore(%arg15 : memref<!tpu.dma_semaphore, #tpu.memory_space<semaphore_mem>>)
    %dma_start3A_451 = arith.constant 2 : i32
    %dma_start3A_452 = arith.constant 3 : i32
    %dma_start3A_453 = arith.constant 0 : i32
    %dma_start3A_454 = arith.constant 0 : i32
    %dma_start3A_455 = arith.constant 0 : i32
    %dma_start3A_456 = tpu.memref_slice %arg14[%dma_start3A_452, %dma_start3A_453, %dma_start3A_454, %dma_start3A_455] : memref<4x2x64x128xf32, #tpu.memory_space<vmem>> -> memref<1x1x64x128xf32, #tpu.memory_space<vmem>>
    %dma_start3A_457 = tpu.memref_squeeze %dma_start3A_456 : memref<1x1x64x128xf32, #tpu.memory_space<vmem>> -> memref<64x128xf32, #tpu.memory_space<vmem>>
    %dma_start3A_458 = arith.constant 0 : i32
    %dma_start3A_459 = tpu.memref_slice %arg13[%dma_start3A_451, %dma_start3A_458] : memref<4x128xi32, #tpu.memory_space<vmem>> -> memref<1x64xi32, #tpu.memory_space<vmem>>
    %dma_start3A_460 = tpu.memref_squeeze %dma_start3A_459 : memref<1x64xi32, #tpu.memory_space<vmem>> -> memref<64xi32, #tpu.memory_space<vmem>>
    %dma_start3A_461 = arith.constant 0 : i32
    %dma_start3A_462 = arith.constant 0 : i32
    %dma_start3A_463 = tpu.memref_slice %arg7[%dma_start3A_461, %dma_start3A_462] : memref<125952x128xf32, #tpu.memory_space<hbm>> -> memref<125952x128xf32, #tpu.memory_space<hbm>>
    tpu.enqueue_indirect_dma source(%dma_start3A_463 : memref<125952x128xf32, #tpu.memory_space<hbm>>) target(%dma_start3A_457 : memref<64x128xf32, #tpu.memory_space<vmem>>) offsets(%dma_start3A_460 : memref<64xi32, #tpu.memory_space<vmem>>) semaphore(%arg15 : memref<!tpu.dma_semaphore, #tpu.memory_space<semaphore_mem>>)
    %dma_wait3A_464 = arith.constant 1 : i32
    %dma_wait3A_465 = arith.constant 0 : i32
    %dma_wait3A_466 = arith.constant 1 : i32
    %dma_wait3A_467 = arith.constant 0 : i32
    %dma_wait3A_468 = arith.constant 0 : i32
    %dma_wait3A_469 = tpu.memref_slice %arg14[%dma_wait3A_465, %dma_wait3A_466, %dma_wait3A_467, %dma_wait3A_468] : memref<4x2x64x128xf32, #tpu.memory_space<vmem>> -> memref<1x1x64x128xf32, #tpu.memory_space<vmem>>
    %dma_wait3A_470 = tpu.memref_squeeze %dma_wait3A_469 : memref<1x1x64x128xf32, #tpu.memory_space<vmem>> -> memref<64x128xf32, #tpu.memory_space<vmem>>
    %dma_wait3A_471 = arith.constant 64 : i32
    %dma_wait3A_472 = tpu.memref_slice %arg12[%dma_wait3A_464, %dma_wait3A_471] : memref<4x128xi32, #tpu.memory_space<vmem>> -> memref<1x64xi32, #tpu.memory_space<vmem>>
    %dma_wait3A_473 = tpu.memref_squeeze %dma_wait3A_472 : memref<1x64xi32, #tpu.memory_space<vmem>> -> memref<64xi32, #tpu.memory_space<vmem>>
    %dma_wait3A_474 = arith.constant 0 : i32
    %dma_wait3A_475 = arith.constant 0 : i32
    %dma_wait3A_476 = tpu.memref_slice %arg4[%dma_wait3A_474, %dma_wait3A_475] : memref<125952x128xf32, #tpu.memory_space<hbm>> -> memref<125952x128xf32, #tpu.memory_space<hbm>>
    tpu.wait_indirect_dma semaphore(%arg15 : memref<!tpu.dma_semaphore, #tpu.memory_space<semaphore_mem>>) src(%dma_wait3A_476 : memref<125952x128xf32, #tpu.memory_space<hbm>>) dst(%dma_wait3A_470 : memref<64x128xf32, #tpu.memory_space<vmem>>)
    %dma_wait3A_477 = arith.constant 1 : i32
    %dma_wait3A_478 = arith.constant 1 : i32
    %dma_wait3A_479 = arith.constant 1 : i32
    %dma_wait3A_480 = arith.constant 0 : i32
    %dma_wait3A_481 = arith.constant 0 : i32
    %dma_wait3A_482 = tpu.memref_slice %arg14[%dma_wait3A_478, %dma_wait3A_479, %dma_wait3A_480, %dma_wait3A_481] : memref<4x2x64x128xf32, #tpu.memory_space<vmem>> -> memref<1x1x64x128xf32, #tpu.memory_space<vmem>>
    %dma_wait3A_483 = tpu.memref_squeeze %dma_wait3A_482 : memref<1x1x64x128xf32, #tpu.memory_space<vmem>> -> memref<64x128xf32, #tpu.memory_space<vmem>>
    %dma_wait3A_484 = arith.constant 64 : i32
    %dma_wait3A_485 = tpu.memref_slice %arg13[%dma_wait3A_477, %dma_wait3A_484] : memref<4x128xi32, #tpu.memory_space<vmem>> -> memref<1x64xi32, #tpu.memory_space<vmem>>
    %dma_wait3A_486 = tpu.memref_squeeze %dma_wait3A_485 : memref<1x64xi32, #tpu.memory_space<vmem>> -> memref<64xi32, #tpu.memory_space<vmem>>
    %dma_wait3A_487 = arith.constant 0 : i32
    %dma_wait3A_488 = arith.constant 0 : i32
    %dma_wait3A_489 = tpu.memref_slice %arg5[%dma_wait3A_487, %dma_wait3A_488] : memref<125952x128xf32, #tpu.memory_space<hbm>> -> memref<125952x128xf32, #tpu.memory_space<hbm>>
    tpu.wait_indirect_dma semaphore(%arg15 : memref<!tpu.dma_semaphore, #tpu.memory_space<semaphore_mem>>) src(%dma_wait3A_489 : memref<125952x128xf32, #tpu.memory_space<hbm>>) dst(%dma_wait3A_483 : memref<64x128xf32, #tpu.memory_space<vmem>>)
    %dma_wait3A_490 = arith.constant 1 : i32
    %dma_wait3A_491 = arith.constant 2 : i32
    %dma_wait3A_492 = arith.constant 1 : i32
    %dma_wait3A_493 = arith.constant 0 : i32
    %dma_wait3A_494 = arith.constant 0 : i32
    %dma_wait3A_495 = tpu.memref_slice %arg14[%dma_wait3A_491, %dma_wait3A_492, %dma_wait3A_493, %dma_wait3A_494] : memref<4x2x64x128xf32, #tpu.memory_space<vmem>> -> memref<1x1x64x128xf32, #tpu.memory_space<vmem>>
    %dma_wait3A_496 = tpu.memref_squeeze %dma_wait3A_495 : memref<1x1x64x128xf32, #tpu.memory_space<vmem>> -> memref<64x128xf32, #tpu.memory_space<vmem>>
    %dma_wait3A_497 = arith.constant 64 : i32
    %dma_wait3A_498 = tpu.memref_slice %arg12[%dma_wait3A_490, %dma_wait3A_497] : memref<4x128xi32, #tpu.memory_space<vmem>> -> memref<1x64xi32, #tpu.memory_space<vmem>>
    %dma_wait3A_499 = tpu.memref_squeeze %dma_wait3A_498 : memref<1x64xi32, #tpu.memory_space<vmem>> -> memref<64xi32, #tpu.memory_space<vmem>>
    %dma_wait3A_500 = arith.constant 0 : i32
    %dma_wait3A_501 = arith.constant 0 : i32
    %dma_wait3A_502 = tpu.memref_slice %arg6[%dma_wait3A_500, %dma_wait3A_501] : memref<125952x128xf32, #tpu.memory_space<hbm>> -> memref<125952x128xf32, #tpu.memory_space<hbm>>
    tpu.wait_indirect_dma semaphore(%arg15 : memref<!tpu.dma_semaphore, #tpu.memory_space<semaphore_mem>>) src(%dma_wait3A_502 : memref<125952x128xf32, #tpu.memory_space<hbm>>) dst(%dma_wait3A_496 : memref<64x128xf32, #tpu.memory_space<vmem>>)
    %dma_wait3A_503 = arith.constant 1 : i32
    %dma_wait3A_504 = arith.constant 3 : i32
    %dma_wait3A_505 = arith.constant 1 : i32
    %dma_wait3A_506 = arith.constant 0 : i32
    %dma_wait3A_507 = arith.constant 0 : i32
    %dma_wait3A_508 = tpu.memref_slice %arg14[%dma_wait3A_504, %dma_wait3A_505, %dma_wait3A_506, %dma_wait3A_507] : memref<4x2x64x128xf32, #tpu.memory_space<vmem>> -> memref<1x1x64x128xf32, #tpu.memory_space<vmem>>
    %dma_wait3A_509 = tpu.memref_squeeze %dma_wait3A_508 : memref<1x1x64x128xf32, #tpu.memory_space<vmem>> -> memref<64x128xf32, #tpu.memory_space<vmem>>
    %dma_wait3A_510 = arith.constant 64 : i32
    %dma_wait3A_511 = tpu.memref_slice %arg13[%dma_wait3A_503, %dma_wait3A_510] : memref<4x128xi32, #tpu.memory_space<vmem>> -> memref<1x64xi32, #tpu.memory_space<vmem>>
    %dma_wait3A_512 = tpu.memref_squeeze %dma_wait3A_511 : memref<1x64xi32, #tpu.memory_space<vmem>> -> memref<64xi32, #tpu.memory_space<vmem>>
    %dma_wait3A_513 = arith.constant 0 : i32
    %dma_wait3A_514 = arith.constant 0 : i32
    %dma_wait3A_515 = tpu.memref_slice %arg7[%dma_wait3A_513, %dma_wait3A_514] : memref<125952x128xf32, #tpu.memory_space<hbm>> -> memref<125952x128xf32, #tpu.memory_space<hbm>>
    tpu.wait_indirect_dma semaphore(%arg15 : memref<!tpu.dma_semaphore, #tpu.memory_space<semaphore_mem>>) src(%dma_wait3A_515 : memref<125952x128xf32, #tpu.memory_space<hbm>>) dst(%dma_wait3A_509 : memref<64x128xf32, #tpu.memory_space<vmem>>)
    %add3A_516 = arith.constant 192 : i32
    %add3A_517 = arith.addi %mul3A_2, %add3A_516 : i32
    %run_scoped3A_518 = arith.constant 0 : i32
    %run_scoped3A_519 = arith.constant 1 : i32
    "tpu.region"() ({
      %run_scoped3A_960 = tpu.sem_alloc : memref<!tpu.dma_semaphore, #tpu.memory_space<semaphore_mem>>
      %dma_start3A_961 = arith.constant 0 : i32
      %dma_start3A_962 = arith.constant 0 : i32
      %dma_start3A_963 = tpu.memref_slice %arg14[%run_scoped3A_518, %run_scoped3A_519, %dma_start3A_961, %dma_start3A_962] : memref<4x2x64x128xf32, #tpu.memory_space<vmem>> -> memref<1x1x64x128xf32, #tpu.memory_space<vmem>>
      %dma_start3A_964 = tpu.memref_squeeze %dma_start3A_963 : memref<1x1x64x128xf32, #tpu.memory_space<vmem>> -> memref<64x128xf32, #tpu.memory_space<vmem>>
      %dma_start3A_965 = arith.constant 0 : i32
      %dma_start3A_966 = tpu.memref_slice %arg8[%add3A_517, %dma_start3A_965] : memref<16384x128xf32, #tpu.memory_space<hbm>> -> memref<64x128xf32, #tpu.memory_space<hbm>>
      %dma_start3A_967 = arith.constant 0 : i32
      %dma_start3A_968 = tpu.memref_slice %arg8[%add3A_517, %dma_start3A_967] : memref<16384x128xf32, #tpu.memory_space<hbm>> -> memref<64x128xf32, #tpu.memory_space<hbm>>
      %dma_start3A_969 = arith.constant 0 : i32
      %dma_start3A_970 = arith.constant 0 : i32
      %dma_start3A_971 = tpu.memref_slice %arg14[%run_scoped3A_518, %run_scoped3A_519, %dma_start3A_969, %dma_start3A_970] : memref<4x2x64x128xf32, #tpu.memory_space<vmem>> -> memref<1x1x64x128xf32, #tpu.memory_space<vmem>>
      %dma_start3A_972 = tpu.memref_squeeze %dma_start3A_971 : memref<1x1x64x128xf32, #tpu.memory_space<vmem>> -> memref<64x128xf32, #tpu.memory_space<vmem>>
      tpu.enqueue_dma source(%dma_start3A_972 : memref<64x128xf32, #tpu.memory_space<vmem>>) target(%dma_start3A_968 : memref<64x128xf32, #tpu.memory_space<hbm>>) target_semaphore(%run_scoped3A_960 : memref<!tpu.dma_semaphore, #tpu.memory_space<semaphore_mem>>)
      %dma_wait3A_973 = arith.constant 0 : i32
      %dma_wait3A_974 = arith.constant 0 : i32
      %dma_wait3A_975 = tpu.memref_slice %arg14[%run_scoped3A_518, %run_scoped3A_519, %dma_wait3A_973, %dma_wait3A_974] : memref<4x2x64x128xf32, #tpu.memory_space<vmem>> -> memref<1x1x64x128xf32, #tpu.memory_space<vmem>>
      %dma_wait3A_976 = tpu.memref_squeeze %dma_wait3A_975 : memref<1x1x64x128xf32, #tpu.memory_space<vmem>> -> memref<64x128xf32, #tpu.memory_space<vmem>>
      %dma_wait3A_977 = arith.constant 0 : i32
      %dma_wait3A_978 = tpu.memref_slice %arg8[%add3A_517, %dma_wait3A_977] : memref<16384x128xf32, #tpu.memory_space<hbm>> -> memref<64x128xf32, #tpu.memory_space<hbm>>
      %dma_wait3A_979 = arith.constant 0 : i32
      %dma_wait3A_980 = tpu.memref_slice %arg8[%add3A_517, %dma_wait3A_979] : memref<16384x128xf32, #tpu.memory_space<hbm>> -> memref<64x128xf32, #tpu.memory_space<hbm>>
      %dma_wait3A_981 = arith.constant 0 : i32
      %dma_wait3A_982 = arith.constant 0 : i32
      %dma_wait3A_983 = tpu.memref_slice %arg14[%run_scoped3A_518, %run_scoped3A_519, %dma_wait3A_981, %dma_wait3A_982] : memref<4x2x64x128xf32, #tpu.memory_space<vmem>> -> memref<1x1x64x128xf32, #tpu.memory_space<vmem>>
      %dma_wait3A_984 = tpu.memref_squeeze %dma_wait3A_983 : memref<1x1x64x128xf32, #tpu.memory_space<vmem>> -> memref<64x128xf32, #tpu.memory_space<vmem>>
      tpu.wait_dma2 semaphore(%run_scoped3A_960 : memref<!tpu.dma_semaphore, #tpu.memory_space<semaphore_mem>>) src(%dma_wait3A_984 : memref<64x128xf32, #tpu.memory_space<vmem>>) dst(%dma_wait3A_980 : memref<64x128xf32, #tpu.memory_space<hbm>>)
      tpu.yield
    }) : () -> ()
    %add3A_520 = arith.constant 192 : i32
    %add3A_521 = arith.addi %mul3A_2, %add3A_520 : i32
    %run_scoped3A_522 = arith.constant 1 : i32
    %run_scoped3A_523 = arith.constant 1 : i32
    "tpu.region"() ({
      %run_scoped3A_960 = tpu.sem_alloc : memref<!tpu.dma_semaphore, #tpu.memory_space<semaphore_mem>>
      %dma_start3A_961 = arith.constant 0 : i32
      %dma_start3A_962 = arith.constant 0 : i32
      %dma_start3A_963 = tpu.memref_slice %arg14[%run_scoped3A_522, %run_scoped3A_523, %dma_start3A_961, %dma_start3A_962] : memref<4x2x64x128xf32, #tpu.memory_space<vmem>> -> memref<1x1x64x128xf32, #tpu.memory_space<vmem>>
      %dma_start3A_964 = tpu.memref_squeeze %dma_start3A_963 : memref<1x1x64x128xf32, #tpu.memory_space<vmem>> -> memref<64x128xf32, #tpu.memory_space<vmem>>
      %dma_start3A_965 = arith.constant 0 : i32
      %dma_start3A_966 = tpu.memref_slice %arg9[%add3A_521, %dma_start3A_965] : memref<16384x128xf32, #tpu.memory_space<hbm>> -> memref<64x128xf32, #tpu.memory_space<hbm>>
      %dma_start3A_967 = arith.constant 0 : i32
      %dma_start3A_968 = tpu.memref_slice %arg9[%add3A_521, %dma_start3A_967] : memref<16384x128xf32, #tpu.memory_space<hbm>> -> memref<64x128xf32, #tpu.memory_space<hbm>>
      %dma_start3A_969 = arith.constant 0 : i32
      %dma_start3A_970 = arith.constant 0 : i32
      %dma_start3A_971 = tpu.memref_slice %arg14[%run_scoped3A_522, %run_scoped3A_523, %dma_start3A_969, %dma_start3A_970] : memref<4x2x64x128xf32, #tpu.memory_space<vmem>> -> memref<1x1x64x128xf32, #tpu.memory_space<vmem>>
      %dma_start3A_972 = tpu.memref_squeeze %dma_start3A_971 : memref<1x1x64x128xf32, #tpu.memory_space<vmem>> -> memref<64x128xf32, #tpu.memory_space<vmem>>
      tpu.enqueue_dma source(%dma_start3A_972 : memref<64x128xf32, #tpu.memory_space<vmem>>) target(%dma_start3A_968 : memref<64x128xf32, #tpu.memory_space<hbm>>) target_semaphore(%run_scoped3A_960 : memref<!tpu.dma_semaphore, #tpu.memory_space<semaphore_mem>>)
      %dma_wait3A_973 = arith.constant 0 : i32
      %dma_wait3A_974 = arith.constant 0 : i32
      %dma_wait3A_975 = tpu.memref_slice %arg14[%run_scoped3A_522, %run_scoped3A_523, %dma_wait3A_973, %dma_wait3A_974] : memref<4x2x64x128xf32, #tpu.memory_space<vmem>> -> memref<1x1x64x128xf32, #tpu.memory_space<vmem>>
      %dma_wait3A_976 = tpu.memref_squeeze %dma_wait3A_975 : memref<1x1x64x128xf32, #tpu.memory_space<vmem>> -> memref<64x128xf32, #tpu.memory_space<vmem>>
      %dma_wait3A_977 = arith.constant 0 : i32
      %dma_wait3A_978 = tpu.memref_slice %arg9[%add3A_521, %dma_wait3A_977] : memref<16384x128xf32, #tpu.memory_space<hbm>> -> memref<64x128xf32, #tpu.memory_space<hbm>>
      %dma_wait3A_979 = arith.constant 0 : i32
      %dma_wait3A_980 = tpu.memref_slice %arg9[%add3A_521, %dma_wait3A_979] : memref<16384x128xf32, #tpu.memory_space<hbm>> -> memref<64x128xf32, #tpu.memory_space<hbm>>
      %dma_wait3A_981 = arith.constant 0 : i32
      %dma_wait3A_982 = arith.constant 0 : i32
      %dma_wait3A_983 = tpu.memref_slice %arg14[%run_scoped3A_522, %run_scoped3A_523, %dma_wait3A_981, %dma_wait3A_982] : memref<4x2x64x128xf32, #tpu.memory_space<vmem>> -> memref<1x1x64x128xf32, #tpu.memory_space<vmem>>
      %dma_wait3A_984 = tpu.memref_squeeze %dma_wait3A_983 : memref<1x1x64x128xf32, #tpu.memory_space<vmem>> -> memref<64x128xf32, #tpu.memory_space<vmem>>
      tpu.wait_dma2 semaphore(%run_scoped3A_960 : memref<!tpu.dma_semaphore, #tpu.memory_space<semaphore_mem>>) src(%dma_wait3A_984 : memref<64x128xf32, #tpu.memory_space<vmem>>) dst(%dma_wait3A_980 : memref<64x128xf32, #tpu.memory_space<hbm>>)
      tpu.yield
    }) : () -> ()
    %add3A_524 = arith.constant 192 : i32
    %add3A_525 = arith.addi %mul3A_2, %add3A_524 : i32
    %run_scoped3A_526 = arith.constant 2 : i32
    %run_scoped3A_527 = arith.constant 1 : i32
    "tpu.region"() ({
      %run_scoped3A_960 = tpu.sem_alloc : memref<!tpu.dma_semaphore, #tpu.memory_space<semaphore_mem>>
      %dma_start3A_961 = arith.constant 0 : i32
      %dma_start3A_962 = arith.constant 0 : i32
      %dma_start3A_963 = tpu.memref_slice %arg14[%run_scoped3A_526, %run_scoped3A_527, %dma_start3A_961, %dma_start3A_962] : memref<4x2x64x128xf32, #tpu.memory_space<vmem>> -> memref<1x1x64x128xf32, #tpu.memory_space<vmem>>
      %dma_start3A_964 = tpu.memref_squeeze %dma_start3A_963 : memref<1x1x64x128xf32, #tpu.memory_space<vmem>> -> memref<64x128xf32, #tpu.memory_space<vmem>>
      %dma_start3A_965 = arith.constant 0 : i32
      %dma_start3A_966 = tpu.memref_slice %arg10[%add3A_525, %dma_start3A_965] : memref<16384x128xf32, #tpu.memory_space<hbm>> -> memref<64x128xf32, #tpu.memory_space<hbm>>
      %dma_start3A_967 = arith.constant 0 : i32
      %dma_start3A_968 = tpu.memref_slice %arg10[%add3A_525, %dma_start3A_967] : memref<16384x128xf32, #tpu.memory_space<hbm>> -> memref<64x128xf32, #tpu.memory_space<hbm>>
      %dma_start3A_969 = arith.constant 0 : i32
      %dma_start3A_970 = arith.constant 0 : i32
      %dma_start3A_971 = tpu.memref_slice %arg14[%run_scoped3A_526, %run_scoped3A_527, %dma_start3A_969, %dma_start3A_970] : memref<4x2x64x128xf32, #tpu.memory_space<vmem>> -> memref<1x1x64x128xf32, #tpu.memory_space<vmem>>
      %dma_start3A_972 = tpu.memref_squeeze %dma_start3A_971 : memref<1x1x64x128xf32, #tpu.memory_space<vmem>> -> memref<64x128xf32, #tpu.memory_space<vmem>>
      tpu.enqueue_dma source(%dma_start3A_972 : memref<64x128xf32, #tpu.memory_space<vmem>>) target(%dma_start3A_968 : memref<64x128xf32, #tpu.memory_space<hbm>>) target_semaphore(%run_scoped3A_960 : memref<!tpu.dma_semaphore, #tpu.memory_space<semaphore_mem>>)
      %dma_wait3A_973 = arith.constant 0 : i32
      %dma_wait3A_974 = arith.constant 0 : i32
      %dma_wait3A_975 = tpu.memref_slice %arg14[%run_scoped3A_526, %run_scoped3A_527, %dma_wait3A_973, %dma_wait3A_974] : memref<4x2x64x128xf32, #tpu.memory_space<vmem>> -> memref<1x1x64x128xf32, #tpu.memory_space<vmem>>
      %dma_wait3A_976 = tpu.memref_squeeze %dma_wait3A_975 : memref<1x1x64x128xf32, #tpu.memory_space<vmem>> -> memref<64x128xf32, #tpu.memory_space<vmem>>
      %dma_wait3A_977 = arith.constant 0 : i32
      %dma_wait3A_978 = tpu.memref_slice %arg10[%add3A_525, %dma_wait3A_977] : memref<16384x128xf32, #tpu.memory_space<hbm>> -> memref<64x128xf32, #tpu.memory_space<hbm>>
      %dma_wait3A_979 = arith.constant 0 : i32
      %dma_wait3A_980 = tpu.memref_slice %arg10[%add3A_525, %dma_wait3A_979] : memref<16384x128xf32, #tpu.memory_space<hbm>> -> memref<64x128xf32, #tpu.memory_space<hbm>>
      %dma_wait3A_981 = arith.constant 0 : i32
      %dma_wait3A_982 = arith.constant 0 : i32
      %dma_wait3A_983 = tpu.memref_slice %arg14[%run_scoped3A_526, %run_scoped3A_527, %dma_wait3A_981, %dma_wait3A_982] : memref<4x2x64x128xf32, #tpu.memory_space<vmem>> -> memref<1x1x64x128xf32, #tpu.memory_space<vmem>>
      %dma_wait3A_984 = tpu.memref_squeeze %dma_wait3A_983 : memref<1x1x64x128xf32, #tpu.memory_space<vmem>> -> memref<64x128xf32, #tpu.memory_space<vmem>>
      tpu.wait_dma2 semaphore(%run_scoped3A_960 : memref<!tpu.dma_semaphore, #tpu.memory_space<semaphore_mem>>) src(%dma_wait3A_984 : memref<64x128xf32, #tpu.memory_space<vmem>>) dst(%dma_wait3A_980 : memref<64x128xf32, #tpu.memory_space<hbm>>)
      tpu.yield
    }) : () -> ()
    %add3A_528 = arith.constant 192 : i32
    %add3A_529 = arith.addi %mul3A_2, %add3A_528 : i32
    %run_scoped3A_530 = arith.constant 3 : i32
    %run_scoped3A_531 = arith.constant 1 : i32
    "tpu.region"() ({
      %run_scoped3A_960 = tpu.sem_alloc : memref<!tpu.dma_semaphore, #tpu.memory_space<semaphore_mem>>
      %dma_start3A_961 = arith.constant 0 : i32
      %dma_start3A_962 = arith.constant 0 : i32
      %dma_start3A_963 = tpu.memref_slice %arg14[%run_scoped3A_530, %run_scoped3A_531, %dma_start3A_961, %dma_start3A_962] : memref<4x2x64x128xf32, #tpu.memory_space<vmem>> -> memref<1x1x64x128xf32, #tpu.memory_space<vmem>>
      %dma_start3A_964 = tpu.memref_squeeze %dma_start3A_963 : memref<1x1x64x128xf32, #tpu.memory_space<vmem>> -> memref<64x128xf32, #tpu.memory_space<vmem>>
      %dma_start3A_965 = arith.constant 0 : i32
      %dma_start3A_966 = tpu.memref_slice %arg11[%add3A_529, %dma_start3A_965] : memref<16384x128xf32, #tpu.memory_space<hbm>> -> memref<64x128xf32, #tpu.memory_space<hbm>>
      %dma_start3A_967 = arith.constant 0 : i32
      %dma_start3A_968 = tpu.memref_slice %arg11[%add3A_529, %dma_start3A_967] : memref<16384x128xf32, #tpu.memory_space<hbm>> -> memref<64x128xf32, #tpu.memory_space<hbm>>
      %dma_start3A_969 = arith.constant 0 : i32
      %dma_start3A_970 = arith.constant 0 : i32
      %dma_start3A_971 = tpu.memref_slice %arg14[%run_scoped3A_530, %run_scoped3A_531, %dma_start3A_969, %dma_start3A_970] : memref<4x2x64x128xf32, #tpu.memory_space<vmem>> -> memref<1x1x64x128xf32, #tpu.memory_space<vmem>>
      %dma_start3A_972 = tpu.memref_squeeze %dma_start3A_971 : memref<1x1x64x128xf32, #tpu.memory_space<vmem>> -> memref<64x128xf32, #tpu.memory_space<vmem>>
      tpu.enqueue_dma source(%dma_start3A_972 : memref<64x128xf32, #tpu.memory_space<vmem>>) target(%dma_start3A_968 : memref<64x128xf32, #tpu.memory_space<hbm>>) target_semaphore(%run_scoped3A_960 : memref<!tpu.dma_semaphore, #tpu.memory_space<semaphore_mem>>)
      %dma_wait3A_973 = arith.constant 0 : i32
      %dma_wait3A_974 = arith.constant 0 : i32
      %dma_wait3A_975 = tpu.memref_slice %arg14[%run_scoped3A_530, %run_scoped3A_531, %dma_wait3A_973, %dma_wait3A_974] : memref<4x2x64x128xf32, #tpu.memory_space<vmem>> -> memref<1x1x64x128xf32, #tpu.memory_space<vmem>>
      %dma_wait3A_976 = tpu.memref_squeeze %dma_wait3A_975 : memref<1x1x64x128xf32, #tpu.memory_space<vmem>> -> memref<64x128xf32, #tpu.memory_space<vmem>>
      %dma_wait3A_977 = arith.constant 0 : i32
      %dma_wait3A_978 = tpu.memref_slice %arg11[%add3A_529, %dma_wait3A_977] : memref<16384x128xf32, #tpu.memory_space<hbm>> -> memref<64x128xf32, #tpu.memory_space<hbm>>
      %dma_wait3A_979 = arith.constant 0 : i32
      %dma_wait3A_980 = tpu.memref_slice %arg11[%add3A_529, %dma_wait3A_979] : memref<16384x128xf32, #tpu.memory_space<hbm>> -> memref<64x128xf32, #tpu.memory_space<hbm>>
      %dma_wait3A_981 = arith.constant 0 : i32
      %dma_wait3A_982 = arith.constant 0 : i32
      %dma_wait3A_983 = tpu.memref_slice %arg14[%run_scoped3A_530, %run_scoped3A_531, %dma_wait3A_981, %dma_wait3A_982] : memref<4x2x64x128xf32, #tpu.memory_space<vmem>> -> memref<1x1x64x128xf32, #tpu.memory_space<vmem>>
      %dma_wait3A_984 = tpu.memref_squeeze %dma_wait3A_983 : memref<1x1x64x128xf32, #tpu.memory_space<vmem>> -> memref<64x128xf32, #tpu.memory_space<vmem>>
      tpu.wait_dma2 semaphore(%run_scoped3A_960 : memref<!tpu.dma_semaphore, #tpu.memory_space<semaphore_mem>>) src(%dma_wait3A_984 : memref<64x128xf32, #tpu.memory_space<vmem>>) dst(%dma_wait3A_980 : memref<64x128xf32, #tpu.memory_space<hbm>>)
      tpu.yield
    }) : () -> ()
    %dma_start3A_532 = arith.constant 2 : i32
    %dma_start3A_533 = arith.constant 0 : i32
    %dma_start3A_534 = arith.constant 1 : i32
    %dma_start3A_535 = arith.constant 0 : i32
    %dma_start3A_536 = arith.constant 0 : i32
    %dma_start3A_537 = tpu.memref_slice %arg14[%dma_start3A_533, %dma_start3A_534, %dma_start3A_535, %dma_start3A_536] : memref<4x2x64x128xf32, #tpu.memory_space<vmem>> -> memref<1x1x64x128xf32, #tpu.memory_space<vmem>>
    %dma_start3A_538 = tpu.memref_squeeze %dma_start3A_537 : memref<1x1x64x128xf32, #tpu.memory_space<vmem>> -> memref<64x128xf32, #tpu.memory_space<vmem>>
    %dma_start3A_539 = arith.constant 64 : i32
    %dma_start3A_540 = tpu.memref_slice %arg12[%dma_start3A_532, %dma_start3A_539] : memref<4x128xi32, #tpu.memory_space<vmem>> -> memref<1x64xi32, #tpu.memory_space<vmem>>
    %dma_start3A_541 = tpu.memref_squeeze %dma_start3A_540 : memref<1x64xi32, #tpu.memory_space<vmem>> -> memref<64xi32, #tpu.memory_space<vmem>>
    %dma_start3A_542 = arith.constant 0 : i32
    %dma_start3A_543 = arith.constant 0 : i32
    %dma_start3A_544 = tpu.memref_slice %arg4[%dma_start3A_542, %dma_start3A_543] : memref<125952x128xf32, #tpu.memory_space<hbm>> -> memref<125952x128xf32, #tpu.memory_space<hbm>>
    tpu.enqueue_indirect_dma source(%dma_start3A_544 : memref<125952x128xf32, #tpu.memory_space<hbm>>) target(%dma_start3A_538 : memref<64x128xf32, #tpu.memory_space<vmem>>) offsets(%dma_start3A_541 : memref<64xi32, #tpu.memory_space<vmem>>) semaphore(%arg15 : memref<!tpu.dma_semaphore, #tpu.memory_space<semaphore_mem>>)
    %dma_start3A_545 = arith.constant 2 : i32
    %dma_start3A_546 = arith.constant 1 : i32
    %dma_start3A_547 = arith.constant 1 : i32
    %dma_start3A_548 = arith.constant 0 : i32
    %dma_start3A_549 = arith.constant 0 : i32
    %dma_start3A_550 = tpu.memref_slice %arg14[%dma_start3A_546, %dma_start3A_547, %dma_start3A_548, %dma_start3A_549] : memref<4x2x64x128xf32, #tpu.memory_space<vmem>> -> memref<1x1x64x128xf32, #tpu.memory_space<vmem>>
    %dma_start3A_551 = tpu.memref_squeeze %dma_start3A_550 : memref<1x1x64x128xf32, #tpu.memory_space<vmem>> -> memref<64x128xf32, #tpu.memory_space<vmem>>
    %dma_start3A_552 = arith.constant 64 : i32
    %dma_start3A_553 = tpu.memref_slice %arg13[%dma_start3A_545, %dma_start3A_552] : memref<4x128xi32, #tpu.memory_space<vmem>> -> memref<1x64xi32, #tpu.memory_space<vmem>>
    %dma_start3A_554 = tpu.memref_squeeze %dma_start3A_553 : memref<1x64xi32, #tpu.memory_space<vmem>> -> memref<64xi32, #tpu.memory_space<vmem>>
    %dma_start3A_555 = arith.constant 0 : i32
    %dma_start3A_556 = arith.constant 0 : i32
    %dma_start3A_557 = tpu.memref_slice %arg5[%dma_start3A_555, %dma_start3A_556] : memref<125952x128xf32, #tpu.memory_space<hbm>> -> memref<125952x128xf32, #tpu.memory_space<hbm>>
    tpu.enqueue_indirect_dma source(%dma_start3A_557 : memref<125952x128xf32, #tpu.memory_space<hbm>>) target(%dma_start3A_551 : memref<64x128xf32, #tpu.memory_space<vmem>>) offsets(%dma_start3A_554 : memref<64xi32, #tpu.memory_space<vmem>>) semaphore(%arg15 : memref<!tpu.dma_semaphore, #tpu.memory_space<semaphore_mem>>)
    %dma_start3A_558 = arith.constant 2 : i32
    %dma_start3A_559 = arith.constant 2 : i32
    %dma_start3A_560 = arith.constant 1 : i32
    %dma_start3A_561 = arith.constant 0 : i32
    %dma_start3A_562 = arith.constant 0 : i32
    %dma_start3A_563 = tpu.memref_slice %arg14[%dma_start3A_559, %dma_start3A_560, %dma_start3A_561, %dma_start3A_562] : memref<4x2x64x128xf32, #tpu.memory_space<vmem>> -> memref<1x1x64x128xf32, #tpu.memory_space<vmem>>
    %dma_start3A_564 = tpu.memref_squeeze %dma_start3A_563 : memref<1x1x64x128xf32, #tpu.memory_space<vmem>> -> memref<64x128xf32, #tpu.memory_space<vmem>>
    %dma_start3A_565 = arith.constant 64 : i32
    %dma_start3A_566 = tpu.memref_slice %arg12[%dma_start3A_558, %dma_start3A_565] : memref<4x128xi32, #tpu.memory_space<vmem>> -> memref<1x64xi32, #tpu.memory_space<vmem>>
    %dma_start3A_567 = tpu.memref_squeeze %dma_start3A_566 : memref<1x64xi32, #tpu.memory_space<vmem>> -> memref<64xi32, #tpu.memory_space<vmem>>
    %dma_start3A_568 = arith.constant 0 : i32
    %dma_start3A_569 = arith.constant 0 : i32
    %dma_start3A_570 = tpu.memref_slice %arg6[%dma_start3A_568, %dma_start3A_569] : memref<125952x128xf32, #tpu.memory_space<hbm>> -> memref<125952x128xf32, #tpu.memory_space<hbm>>
    tpu.enqueue_indirect_dma source(%dma_start3A_570 : memref<125952x128xf32, #tpu.memory_space<hbm>>) target(%dma_start3A_564 : memref<64x128xf32, #tpu.memory_space<vmem>>) offsets(%dma_start3A_567 : memref<64xi32, #tpu.memory_space<vmem>>) semaphore(%arg15 : memref<!tpu.dma_semaphore, #tpu.memory_space<semaphore_mem>>)
    %dma_start3A_571 = arith.constant 2 : i32
    %dma_start3A_572 = arith.constant 3 : i32
    %dma_start3A_573 = arith.constant 1 : i32
    %dma_start3A_574 = arith.constant 0 : i32
    %dma_start3A_575 = arith.constant 0 : i32
    %dma_start3A_576 = tpu.memref_slice %arg14[%dma_start3A_572, %dma_start3A_573, %dma_start3A_574, %dma_start3A_575] : memref<4x2x64x128xf32, #tpu.memory_space<vmem>> -> memref<1x1x64x128xf32, #tpu.memory_space<vmem>>
    %dma_start3A_577 = tpu.memref_squeeze %dma_start3A_576 : memref<1x1x64x128xf32, #tpu.memory_space<vmem>> -> memref<64x128xf32, #tpu.memory_space<vmem>>
    %dma_start3A_578 = arith.constant 64 : i32
    %dma_start3A_579 = tpu.memref_slice %arg13[%dma_start3A_571, %dma_start3A_578] : memref<4x128xi32, #tpu.memory_space<vmem>> -> memref<1x64xi32, #tpu.memory_space<vmem>>
    %dma_start3A_580 = tpu.memref_squeeze %dma_start3A_579 : memref<1x64xi32, #tpu.memory_space<vmem>> -> memref<64xi32, #tpu.memory_space<vmem>>
    %dma_start3A_581 = arith.constant 0 : i32
    %dma_start3A_582 = arith.constant 0 : i32
    %dma_start3A_583 = tpu.memref_slice %arg7[%dma_start3A_581, %dma_start3A_582] : memref<125952x128xf32, #tpu.memory_space<hbm>> -> memref<125952x128xf32, #tpu.memory_space<hbm>>
    tpu.enqueue_indirect_dma source(%dma_start3A_583 : memref<125952x128xf32, #tpu.memory_space<hbm>>) target(%dma_start3A_577 : memref<64x128xf32, #tpu.memory_space<vmem>>) offsets(%dma_start3A_580 : memref<64xi32, #tpu.memory_space<vmem>>) semaphore(%arg15 : memref<!tpu.dma_semaphore, #tpu.memory_space<semaphore_mem>>)
    %dma_wait3A_584 = arith.constant 2 : i32
    %dma_wait3A_585 = arith.constant 0 : i32
    %dma_wait3A_586 = arith.constant 0 : i32
    %dma_wait3A_587 = arith.constant 0 : i32
    %dma_wait3A_588 = arith.constant 0 : i32
    %dma_wait3A_589 = tpu.memref_slice %arg14[%dma_wait3A_585, %dma_wait3A_586, %dma_wait3A_587, %dma_wait3A_588] : memref<4x2x64x128xf32, #tpu.memory_space<vmem>> -> memref<1x1x64x128xf32, #tpu.memory_space<vmem>>
    %dma_wait3A_590 = tpu.memref_squeeze %dma_wait3A_589 : memref<1x1x64x128xf32, #tpu.memory_space<vmem>> -> memref<64x128xf32, #tpu.memory_space<vmem>>
    %dma_wait3A_591 = arith.constant 0 : i32
    %dma_wait3A_592 = tpu.memref_slice %arg12[%dma_wait3A_584, %dma_wait3A_591] : memref<4x128xi32, #tpu.memory_space<vmem>> -> memref<1x64xi32, #tpu.memory_space<vmem>>
    %dma_wait3A_593 = tpu.memref_squeeze %dma_wait3A_592 : memref<1x64xi32, #tpu.memory_space<vmem>> -> memref<64xi32, #tpu.memory_space<vmem>>
    %dma_wait3A_594 = arith.constant 0 : i32
    %dma_wait3A_595 = arith.constant 0 : i32
    %dma_wait3A_596 = tpu.memref_slice %arg4[%dma_wait3A_594, %dma_wait3A_595] : memref<125952x128xf32, #tpu.memory_space<hbm>> -> memref<125952x128xf32, #tpu.memory_space<hbm>>
    tpu.wait_indirect_dma semaphore(%arg15 : memref<!tpu.dma_semaphore, #tpu.memory_space<semaphore_mem>>) src(%dma_wait3A_596 : memref<125952x128xf32, #tpu.memory_space<hbm>>) dst(%dma_wait3A_590 : memref<64x128xf32, #tpu.memory_space<vmem>>)
    %dma_wait3A_597 = arith.constant 2 : i32
    %dma_wait3A_598 = arith.constant 1 : i32
    %dma_wait3A_599 = arith.constant 0 : i32
    %dma_wait3A_600 = arith.constant 0 : i32
    %dma_wait3A_601 = arith.constant 0 : i32
    %dma_wait3A_602 = tpu.memref_slice %arg14[%dma_wait3A_598, %dma_wait3A_599, %dma_wait3A_600, %dma_wait3A_601] : memref<4x2x64x128xf32, #tpu.memory_space<vmem>> -> memref<1x1x64x128xf32, #tpu.memory_space<vmem>>
    %dma_wait3A_603 = tpu.memref_squeeze %dma_wait3A_602 : memref<1x1x64x128xf32, #tpu.memory_space<vmem>> -> memref<64x128xf32, #tpu.memory_space<vmem>>
    %dma_wait3A_604 = arith.constant 0 : i32
    %dma_wait3A_605 = tpu.memref_slice %arg13[%dma_wait3A_597, %dma_wait3A_604] : memref<4x128xi32, #tpu.memory_space<vmem>> -> memref<1x64xi32, #tpu.memory_space<vmem>>
    %dma_wait3A_606 = tpu.memref_squeeze %dma_wait3A_605 : memref<1x64xi32, #tpu.memory_space<vmem>> -> memref<64xi32, #tpu.memory_space<vmem>>
    %dma_wait3A_607 = arith.constant 0 : i32
    %dma_wait3A_608 = arith.constant 0 : i32
    %dma_wait3A_609 = tpu.memref_slice %arg5[%dma_wait3A_607, %dma_wait3A_608] : memref<125952x128xf32, #tpu.memory_space<hbm>> -> memref<125952x128xf32, #tpu.memory_space<hbm>>
    tpu.wait_indirect_dma semaphore(%arg15 : memref<!tpu.dma_semaphore, #tpu.memory_space<semaphore_mem>>) src(%dma_wait3A_609 : memref<125952x128xf32, #tpu.memory_space<hbm>>) dst(%dma_wait3A_603 : memref<64x128xf32, #tpu.memory_space<vmem>>)
    %dma_wait3A_610 = arith.constant 2 : i32
    %dma_wait3A_611 = arith.constant 2 : i32
    %dma_wait3A_612 = arith.constant 0 : i32
    %dma_wait3A_613 = arith.constant 0 : i32
    %dma_wait3A_614 = arith.constant 0 : i32
    %dma_wait3A_615 = tpu.memref_slice %arg14[%dma_wait3A_611, %dma_wait3A_612, %dma_wait3A_613, %dma_wait3A_614] : memref<4x2x64x128xf32, #tpu.memory_space<vmem>> -> memref<1x1x64x128xf32, #tpu.memory_space<vmem>>
    %dma_wait3A_616 = tpu.memref_squeeze %dma_wait3A_615 : memref<1x1x64x128xf32, #tpu.memory_space<vmem>> -> memref<64x128xf32, #tpu.memory_space<vmem>>
    %dma_wait3A_617 = arith.constant 0 : i32
    %dma_wait3A_618 = tpu.memref_slice %arg12[%dma_wait3A_610, %dma_wait3A_617] : memref<4x128xi32, #tpu.memory_space<vmem>> -> memref<1x64xi32, #tpu.memory_space<vmem>>
    %dma_wait3A_619 = tpu.memref_squeeze %dma_wait3A_618 : memref<1x64xi32, #tpu.memory_space<vmem>> -> memref<64xi32, #tpu.memory_space<vmem>>
    %dma_wait3A_620 = arith.constant 0 : i32
    %dma_wait3A_621 = arith.constant 0 : i32
    %dma_wait3A_622 = tpu.memref_slice %arg6[%dma_wait3A_620, %dma_wait3A_621] : memref<125952x128xf32, #tpu.memory_space<hbm>> -> memref<125952x128xf32, #tpu.memory_space<hbm>>
    tpu.wait_indirect_dma semaphore(%arg15 : memref<!tpu.dma_semaphore, #tpu.memory_space<semaphore_mem>>) src(%dma_wait3A_622 : memref<125952x128xf32, #tpu.memory_space<hbm>>) dst(%dma_wait3A_616 : memref<64x128xf32, #tpu.memory_space<vmem>>)
    %dma_wait3A_623 = arith.constant 2 : i32
    %dma_wait3A_624 = arith.constant 3 : i32
    %dma_wait3A_625 = arith.constant 0 : i32
    %dma_wait3A_626 = arith.constant 0 : i32
    %dma_wait3A_627 = arith.constant 0 : i32
    %dma_wait3A_628 = tpu.memref_slice %arg14[%dma_wait3A_624, %dma_wait3A_625, %dma_wait3A_626, %dma_wait3A_627] : memref<4x2x64x128xf32, #tpu.memory_space<vmem>> -> memref<1x1x64x128xf32, #tpu.memory_space<vmem>>
    %dma_wait3A_629 = tpu.memref_squeeze %dma_wait3A_628 : memref<1x1x64x128xf32, #tpu.memory_space<vmem>> -> memref<64x128xf32, #tpu.memory_space<vmem>>
    %dma_wait3A_630 = arith.constant 0 : i32
    %dma_wait3A_631 = tpu.memref_slice %arg13[%dma_wait3A_623, %dma_wait3A_630] : memref<4x128xi32, #tpu.memory_space<vmem>> -> memref<1x64xi32, #tpu.memory_space<vmem>>
    %dma_wait3A_632 = tpu.memref_squeeze %dma_wait3A_631 : memref<1x64xi32, #tpu.memory_space<vmem>> -> memref<64xi32, #tpu.memory_space<vmem>>
    %dma_wait3A_633 = arith.constant 0 : i32
    %dma_wait3A_634 = arith.constant 0 : i32
    %dma_wait3A_635 = tpu.memref_slice %arg7[%dma_wait3A_633, %dma_wait3A_634] : memref<125952x128xf32, #tpu.memory_space<hbm>> -> memref<125952x128xf32, #tpu.memory_space<hbm>>
    tpu.wait_indirect_dma semaphore(%arg15 : memref<!tpu.dma_semaphore, #tpu.memory_space<semaphore_mem>>) src(%dma_wait3A_635 : memref<125952x128xf32, #tpu.memory_space<hbm>>) dst(%dma_wait3A_629 : memref<64x128xf32, #tpu.memory_space<vmem>>)
    %add3A_636 = arith.constant 256 : i32
    %add3A_637 = arith.addi %mul3A_2, %add3A_636 : i32
    %run_scoped3A_638 = arith.constant 0 : i32
    %run_scoped3A_639 = arith.constant 0 : i32
    "tpu.region"() ({
      %run_scoped3A_960 = tpu.sem_alloc : memref<!tpu.dma_semaphore, #tpu.memory_space<semaphore_mem>>
      %dma_start3A_961 = arith.constant 0 : i32
      %dma_start3A_962 = arith.constant 0 : i32
      %dma_start3A_963 = tpu.memref_slice %arg14[%run_scoped3A_638, %run_scoped3A_639, %dma_start3A_961, %dma_start3A_962] : memref<4x2x64x128xf32, #tpu.memory_space<vmem>> -> memref<1x1x64x128xf32, #tpu.memory_space<vmem>>
      %dma_start3A_964 = tpu.memref_squeeze %dma_start3A_963 : memref<1x1x64x128xf32, #tpu.memory_space<vmem>> -> memref<64x128xf32, #tpu.memory_space<vmem>>
      %dma_start3A_965 = arith.constant 0 : i32
      %dma_start3A_966 = tpu.memref_slice %arg8[%add3A_637, %dma_start3A_965] : memref<16384x128xf32, #tpu.memory_space<hbm>> -> memref<64x128xf32, #tpu.memory_space<hbm>>
      %dma_start3A_967 = arith.constant 0 : i32
      %dma_start3A_968 = tpu.memref_slice %arg8[%add3A_637, %dma_start3A_967] : memref<16384x128xf32, #tpu.memory_space<hbm>> -> memref<64x128xf32, #tpu.memory_space<hbm>>
      %dma_start3A_969 = arith.constant 0 : i32
      %dma_start3A_970 = arith.constant 0 : i32
      %dma_start3A_971 = tpu.memref_slice %arg14[%run_scoped3A_638, %run_scoped3A_639, %dma_start3A_969, %dma_start3A_970] : memref<4x2x64x128xf32, #tpu.memory_space<vmem>> -> memref<1x1x64x128xf32, #tpu.memory_space<vmem>>
      %dma_start3A_972 = tpu.memref_squeeze %dma_start3A_971 : memref<1x1x64x128xf32, #tpu.memory_space<vmem>> -> memref<64x128xf32, #tpu.memory_space<vmem>>
      tpu.enqueue_dma source(%dma_start3A_972 : memref<64x128xf32, #tpu.memory_space<vmem>>) target(%dma_start3A_968 : memref<64x128xf32, #tpu.memory_space<hbm>>) target_semaphore(%run_scoped3A_960 : memref<!tpu.dma_semaphore, #tpu.memory_space<semaphore_mem>>)
      %dma_wait3A_973 = arith.constant 0 : i32
      %dma_wait3A_974 = arith.constant 0 : i32
      %dma_wait3A_975 = tpu.memref_slice %arg14[%run_scoped3A_638, %run_scoped3A_639, %dma_wait3A_973, %dma_wait3A_974] : memref<4x2x64x128xf32, #tpu.memory_space<vmem>> -> memref<1x1x64x128xf32, #tpu.memory_space<vmem>>
      %dma_wait3A_976 = tpu.memref_squeeze %dma_wait3A_975 : memref<1x1x64x128xf32, #tpu.memory_space<vmem>> -> memref<64x128xf32, #tpu.memory_space<vmem>>
      %dma_wait3A_977 = arith.constant 0 : i32
      %dma_wait3A_978 = tpu.memref_slice %arg8[%add3A_637, %dma_wait3A_977] : memref<16384x128xf32, #tpu.memory_space<hbm>> -> memref<64x128xf32, #tpu.memory_space<hbm>>
      %dma_wait3A_979 = arith.constant 0 : i32
      %dma_wait3A_980 = tpu.memref_slice %arg8[%add3A_637, %dma_wait3A_979] : memref<16384x128xf32, #tpu.memory_space<hbm>> -> memref<64x128xf32, #tpu.memory_space<hbm>>
      %dma_wait3A_981 = arith.constant 0 : i32
      %dma_wait3A_982 = arith.constant 0 : i32
      %dma_wait3A_983 = tpu.memref_slice %arg14[%run_scoped3A_638, %run_scoped3A_639, %dma_wait3A_981, %dma_wait3A_982] : memref<4x2x64x128xf32, #tpu.memory_space<vmem>> -> memref<1x1x64x128xf32, #tpu.memory_space<vmem>>
      %dma_wait3A_984 = tpu.memref_squeeze %dma_wait3A_983 : memref<1x1x64x128xf32, #tpu.memory_space<vmem>> -> memref<64x128xf32, #tpu.memory_space<vmem>>
      tpu.wait_dma2 semaphore(%run_scoped3A_960 : memref<!tpu.dma_semaphore, #tpu.memory_space<semaphore_mem>>) src(%dma_wait3A_984 : memref<64x128xf32, #tpu.memory_space<vmem>>) dst(%dma_wait3A_980 : memref<64x128xf32, #tpu.memory_space<hbm>>)
      tpu.yield
    }) : () -> ()
    %add3A_640 = arith.constant 256 : i32
    %add3A_641 = arith.addi %mul3A_2, %add3A_640 : i32
    %run_scoped3A_642 = arith.constant 1 : i32
    %run_scoped3A_643 = arith.constant 0 : i32
    "tpu.region"() ({
      %run_scoped3A_960 = tpu.sem_alloc : memref<!tpu.dma_semaphore, #tpu.memory_space<semaphore_mem>>
      %dma_start3A_961 = arith.constant 0 : i32
      %dma_start3A_962 = arith.constant 0 : i32
      %dma_start3A_963 = tpu.memref_slice %arg14[%run_scoped3A_642, %run_scoped3A_643, %dma_start3A_961, %dma_start3A_962] : memref<4x2x64x128xf32, #tpu.memory_space<vmem>> -> memref<1x1x64x128xf32, #tpu.memory_space<vmem>>
      %dma_start3A_964 = tpu.memref_squeeze %dma_start3A_963 : memref<1x1x64x128xf32, #tpu.memory_space<vmem>> -> memref<64x128xf32, #tpu.memory_space<vmem>>
      %dma_start3A_965 = arith.constant 0 : i32
      %dma_start3A_966 = tpu.memref_slice %arg9[%add3A_641, %dma_start3A_965] : memref<16384x128xf32, #tpu.memory_space<hbm>> -> memref<64x128xf32, #tpu.memory_space<hbm>>
      %dma_start3A_967 = arith.constant 0 : i32
      %dma_start3A_968 = tpu.memref_slice %arg9[%add3A_641, %dma_start3A_967] : memref<16384x128xf32, #tpu.memory_space<hbm>> -> memref<64x128xf32, #tpu.memory_space<hbm>>
      %dma_start3A_969 = arith.constant 0 : i32
      %dma_start3A_970 = arith.constant 0 : i32
      %dma_start3A_971 = tpu.memref_slice %arg14[%run_scoped3A_642, %run_scoped3A_643, %dma_start3A_969, %dma_start3A_970] : memref<4x2x64x128xf32, #tpu.memory_space<vmem>> -> memref<1x1x64x128xf32, #tpu.memory_space<vmem>>
      %dma_start3A_972 = tpu.memref_squeeze %dma_start3A_971 : memref<1x1x64x128xf32, #tpu.memory_space<vmem>> -> memref<64x128xf32, #tpu.memory_space<vmem>>
      tpu.enqueue_dma source(%dma_start3A_972 : memref<64x128xf32, #tpu.memory_space<vmem>>) target(%dma_start3A_968 : memref<64x128xf32, #tpu.memory_space<hbm>>) target_semaphore(%run_scoped3A_960 : memref<!tpu.dma_semaphore, #tpu.memory_space<semaphore_mem>>)
      %dma_wait3A_973 = arith.constant 0 : i32
      %dma_wait3A_974 = arith.constant 0 : i32
      %dma_wait3A_975 = tpu.memref_slice %arg14[%run_scoped3A_642, %run_scoped3A_643, %dma_wait3A_973, %dma_wait3A_974] : memref<4x2x64x128xf32, #tpu.memory_space<vmem>> -> memref<1x1x64x128xf32, #tpu.memory_space<vmem>>
      %dma_wait3A_976 = tpu.memref_squeeze %dma_wait3A_975 : memref<1x1x64x128xf32, #tpu.memory_space<vmem>> -> memref<64x128xf32, #tpu.memory_space<vmem>>
      %dma_wait3A_977 = arith.constant 0 : i32
      %dma_wait3A_978 = tpu.memref_slice %arg9[%add3A_641, %dma_wait3A_977] : memref<16384x128xf32, #tpu.memory_space<hbm>> -> memref<64x128xf32, #tpu.memory_space<hbm>>
      %dma_wait3A_979 = arith.constant 0 : i32
      %dma_wait3A_980 = tpu.memref_slice %arg9[%add3A_641, %dma_wait3A_979] : memref<16384x128xf32, #tpu.memory_space<hbm>> -> memref<64x128xf32, #tpu.memory_space<hbm>>
      %dma_wait3A_981 = arith.constant 0 : i32
      %dma_wait3A_982 = arith.constant 0 : i32
      %dma_wait3A_983 = tpu.memref_slice %arg14[%run_scoped3A_642, %run_scoped3A_643, %dma_wait3A_981, %dma_wait3A_982] : memref<4x2x64x128xf32, #tpu.memory_space<vmem>> -> memref<1x1x64x128xf32, #tpu.memory_space<vmem>>
      %dma_wait3A_984 = tpu.memref_squeeze %dma_wait3A_983 : memref<1x1x64x128xf32, #tpu.memory_space<vmem>> -> memref<64x128xf32, #tpu.memory_space<vmem>>
      tpu.wait_dma2 semaphore(%run_scoped3A_960 : memref<!tpu.dma_semaphore, #tpu.memory_space<semaphore_mem>>) src(%dma_wait3A_984 : memref<64x128xf32, #tpu.memory_space<vmem>>) dst(%dma_wait3A_980 : memref<64x128xf32, #tpu.memory_space<hbm>>)
      tpu.yield
    }) : () -> ()
    %add3A_644 = arith.constant 256 : i32
    %add3A_645 = arith.addi %mul3A_2, %add3A_644 : i32
    %run_scoped3A_646 = arith.constant 2 : i32
    %run_scoped3A_647 = arith.constant 0 : i32
    "tpu.region"() ({
      %run_scoped3A_960 = tpu.sem_alloc : memref<!tpu.dma_semaphore, #tpu.memory_space<semaphore_mem>>
      %dma_start3A_961 = arith.constant 0 : i32
      %dma_start3A_962 = arith.constant 0 : i32
      %dma_start3A_963 = tpu.memref_slice %arg14[%run_scoped3A_646, %run_scoped3A_647, %dma_start3A_961, %dma_start3A_962] : memref<4x2x64x128xf32, #tpu.memory_space<vmem>> -> memref<1x1x64x128xf32, #tpu.memory_space<vmem>>
      %dma_start3A_964 = tpu.memref_squeeze %dma_start3A_963 : memref<1x1x64x128xf32, #tpu.memory_space<vmem>> -> memref<64x128xf32, #tpu.memory_space<vmem>>
      %dma_start3A_965 = arith.constant 0 : i32
      %dma_start3A_966 = tpu.memref_slice %arg10[%add3A_645, %dma_start3A_965] : memref<16384x128xf32, #tpu.memory_space<hbm>> -> memref<64x128xf32, #tpu.memory_space<hbm>>
      %dma_start3A_967 = arith.constant 0 : i32
      %dma_start3A_968 = tpu.memref_slice %arg10[%add3A_645, %dma_start3A_967] : memref<16384x128xf32, #tpu.memory_space<hbm>> -> memref<64x128xf32, #tpu.memory_space<hbm>>
      %dma_start3A_969 = arith.constant 0 : i32
      %dma_start3A_970 = arith.constant 0 : i32
      %dma_start3A_971 = tpu.memref_slice %arg14[%run_scoped3A_646, %run_scoped3A_647, %dma_start3A_969, %dma_start3A_970] : memref<4x2x64x128xf32, #tpu.memory_space<vmem>> -> memref<1x1x64x128xf32, #tpu.memory_space<vmem>>
      %dma_start3A_972 = tpu.memref_squeeze %dma_start3A_971 : memref<1x1x64x128xf32, #tpu.memory_space<vmem>> -> memref<64x128xf32, #tpu.memory_space<vmem>>
      tpu.enqueue_dma source(%dma_start3A_972 : memref<64x128xf32, #tpu.memory_space<vmem>>) target(%dma_start3A_968 : memref<64x128xf32, #tpu.memory_space<hbm>>) target_semaphore(%run_scoped3A_960 : memref<!tpu.dma_semaphore, #tpu.memory_space<semaphore_mem>>)
      %dma_wait3A_973 = arith.constant 0 : i32
      %dma_wait3A_974 = arith.constant 0 : i32
      %dma_wait3A_975 = tpu.memref_slice %arg14[%run_scoped3A_646, %run_scoped3A_647, %dma_wait3A_973, %dma_wait3A_974] : memref<4x2x64x128xf32, #tpu.memory_space<vmem>> -> memref<1x1x64x128xf32, #tpu.memory_space<vmem>>
      %dma_wait3A_976 = tpu.memref_squeeze %dma_wait3A_975 : memref<1x1x64x128xf32, #tpu.memory_space<vmem>> -> memref<64x128xf32, #tpu.memory_space<vmem>>
      %dma_wait3A_977 = arith.constant 0 : i32
      %dma_wait3A_978 = tpu.memref_slice %arg10[%add3A_645, %dma_wait3A_977] : memref<16384x128xf32, #tpu.memory_space<hbm>> -> memref<64x128xf32, #tpu.memory_space<hbm>>
      %dma_wait3A_979 = arith.constant 0 : i32
      %dma_wait3A_980 = tpu.memref_slice %arg10[%add3A_645, %dma_wait3A_979] : memref<16384x128xf32, #tpu.memory_space<hbm>> -> memref<64x128xf32, #tpu.memory_space<hbm>>
      %dma_wait3A_981 = arith.constant 0 : i32
      %dma_wait3A_982 = arith.constant 0 : i32
      %dma_wait3A_983 = tpu.memref_slice %arg14[%run_scoped3A_646, %run_scoped3A_647, %dma_wait3A_981, %dma_wait3A_982] : memref<4x2x64x128xf32, #tpu.memory_space<vmem>> -> memref<1x1x64x128xf32, #tpu.memory_space<vmem>>
      %dma_wait3A_984 = tpu.memref_squeeze %dma_wait3A_983 : memref<1x1x64x128xf32, #tpu.memory_space<vmem>> -> memref<64x128xf32, #tpu.memory_space<vmem>>
      tpu.wait_dma2 semaphore(%run_scoped3A_960 : memref<!tpu.dma_semaphore, #tpu.memory_space<semaphore_mem>>) src(%dma_wait3A_984 : memref<64x128xf32, #tpu.memory_space<vmem>>) dst(%dma_wait3A_980 : memref<64x128xf32, #tpu.memory_space<hbm>>)
      tpu.yield
    }) : () -> ()
    %add3A_648 = arith.constant 256 : i32
    %add3A_649 = arith.addi %mul3A_2, %add3A_648 : i32
    %run_scoped3A_650 = arith.constant 3 : i32
    %run_scoped3A_651 = arith.constant 0 : i32
    "tpu.region"() ({
      %run_scoped3A_960 = tpu.sem_alloc : memref<!tpu.dma_semaphore, #tpu.memory_space<semaphore_mem>>
      %dma_start3A_961 = arith.constant 0 : i32
      %dma_start3A_962 = arith.constant 0 : i32
      %dma_start3A_963 = tpu.memref_slice %arg14[%run_scoped3A_650, %run_scoped3A_651, %dma_start3A_961, %dma_start3A_962] : memref<4x2x64x128xf32, #tpu.memory_space<vmem>> -> memref<1x1x64x128xf32, #tpu.memory_space<vmem>>
      %dma_start3A_964 = tpu.memref_squeeze %dma_start3A_963 : memref<1x1x64x128xf32, #tpu.memory_space<vmem>> -> memref<64x128xf32, #tpu.memory_space<vmem>>
      %dma_start3A_965 = arith.constant 0 : i32
      %dma_start3A_966 = tpu.memref_slice %arg11[%add3A_649, %dma_start3A_965] : memref<16384x128xf32, #tpu.memory_space<hbm>> -> memref<64x128xf32, #tpu.memory_space<hbm>>
      %dma_start3A_967 = arith.constant 0 : i32
      %dma_start3A_968 = tpu.memref_slice %arg11[%add3A_649, %dma_start3A_967] : memref<16384x128xf32, #tpu.memory_space<hbm>> -> memref<64x128xf32, #tpu.memory_space<hbm>>
      %dma_start3A_969 = arith.constant 0 : i32
      %dma_start3A_970 = arith.constant 0 : i32
      %dma_start3A_971 = tpu.memref_slice %arg14[%run_scoped3A_650, %run_scoped3A_651, %dma_start3A_969, %dma_start3A_970] : memref<4x2x64x128xf32, #tpu.memory_space<vmem>> -> memref<1x1x64x128xf32, #tpu.memory_space<vmem>>
      %dma_start3A_972 = tpu.memref_squeeze %dma_start3A_971 : memref<1x1x64x128xf32, #tpu.memory_space<vmem>> -> memref<64x128xf32, #tpu.memory_space<vmem>>
      tpu.enqueue_dma source(%dma_start3A_972 : memref<64x128xf32, #tpu.memory_space<vmem>>) target(%dma_start3A_968 : memref<64x128xf32, #tpu.memory_space<hbm>>) target_semaphore(%run_scoped3A_960 : memref<!tpu.dma_semaphore, #tpu.memory_space<semaphore_mem>>)
      %dma_wait3A_973 = arith.constant 0 : i32
      %dma_wait3A_974 = arith.constant 0 : i32
      %dma_wait3A_975 = tpu.memref_slice %arg14[%run_scoped3A_650, %run_scoped3A_651, %dma_wait3A_973, %dma_wait3A_974] : memref<4x2x64x128xf32, #tpu.memory_space<vmem>> -> memref<1x1x64x128xf32, #tpu.memory_space<vmem>>
      %dma_wait3A_976 = tpu.memref_squeeze %dma_wait3A_975 : memref<1x1x64x128xf32, #tpu.memory_space<vmem>> -> memref<64x128xf32, #tpu.memory_space<vmem>>
      %dma_wait3A_977 = arith.constant 0 : i32
      %dma_wait3A_978 = tpu.memref_slice %arg11[%add3A_649, %dma_wait3A_977] : memref<16384x128xf32, #tpu.memory_space<hbm>> -> memref<64x128xf32, #tpu.memory_space<hbm>>
      %dma_wait3A_979 = arith.constant 0 : i32
      %dma_wait3A_980 = tpu.memref_slice %arg11[%add3A_649, %dma_wait3A_979] : memref<16384x128xf32, #tpu.memory_space<hbm>> -> memref<64x128xf32, #tpu.memory_space<hbm>>
      %dma_wait3A_981 = arith.constant 0 : i32
      %dma_wait3A_982 = arith.constant 0 : i32
      %dma_wait3A_983 = tpu.memref_slice %arg14[%run_scoped3A_650, %run_scoped3A_651, %dma_wait3A_981, %dma_wait3A_982] : memref<4x2x64x128xf32, #tpu.memory_space<vmem>> -> memref<1x1x64x128xf32, #tpu.memory_space<vmem>>
      %dma_wait3A_984 = tpu.memref_squeeze %dma_wait3A_983 : memref<1x1x64x128xf32, #tpu.memory_space<vmem>> -> memref<64x128xf32, #tpu.memory_space<vmem>>
      tpu.wait_dma2 semaphore(%run_scoped3A_960 : memref<!tpu.dma_semaphore, #tpu.memory_space<semaphore_mem>>) src(%dma_wait3A_984 : memref<64x128xf32, #tpu.memory_space<vmem>>) dst(%dma_wait3A_980 : memref<64x128xf32, #tpu.memory_space<hbm>>)
      tpu.yield
    }) : () -> ()
    %dma_start3A_652 = arith.constant 3 : i32
    %dma_start3A_653 = arith.constant 0 : i32
    %dma_start3A_654 = arith.constant 0 : i32
    %dma_start3A_655 = arith.constant 0 : i32
    %dma_start3A_656 = arith.constant 0 : i32
    %dma_start3A_657 = tpu.memref_slice %arg14[%dma_start3A_653, %dma_start3A_654, %dma_start3A_655, %dma_start3A_656] : memref<4x2x64x128xf32, #tpu.memory_space<vmem>> -> memref<1x1x64x128xf32, #tpu.memory_space<vmem>>
    %dma_start3A_658 = tpu.memref_squeeze %dma_start3A_657 : memref<1x1x64x128xf32, #tpu.memory_space<vmem>> -> memref<64x128xf32, #tpu.memory_space<vmem>>
    %dma_start3A_659 = arith.constant 0 : i32
    %dma_start3A_660 = tpu.memref_slice %arg12[%dma_start3A_652, %dma_start3A_659] : memref<4x128xi32, #tpu.memory_space<vmem>> -> memref<1x64xi32, #tpu.memory_space<vmem>>
    %dma_start3A_661 = tpu.memref_squeeze %dma_start3A_660 : memref<1x64xi32, #tpu.memory_space<vmem>> -> memref<64xi32, #tpu.memory_space<vmem>>
    %dma_start3A_662 = arith.constant 0 : i32
    %dma_start3A_663 = arith.constant 0 : i32
    %dma_start3A_664 = tpu.memref_slice %arg4[%dma_start3A_662, %dma_start3A_663] : memref<125952x128xf32, #tpu.memory_space<hbm>> -> memref<125952x128xf32, #tpu.memory_space<hbm>>
    tpu.enqueue_indirect_dma source(%dma_start3A_664 : memref<125952x128xf32, #tpu.memory_space<hbm>>) target(%dma_start3A_658 : memref<64x128xf32, #tpu.memory_space<vmem>>) offsets(%dma_start3A_661 : memref<64xi32, #tpu.memory_space<vmem>>) semaphore(%arg15 : memref<!tpu.dma_semaphore, #tpu.memory_space<semaphore_mem>>)
    %dma_start3A_665 = arith.constant 3 : i32
    %dma_start3A_666 = arith.constant 1 : i32
    %dma_start3A_667 = arith.constant 0 : i32
    %dma_start3A_668 = arith.constant 0 : i32
    %dma_start3A_669 = arith.constant 0 : i32
    %dma_start3A_670 = tpu.memref_slice %arg14[%dma_start3A_666, %dma_start3A_667, %dma_start3A_668, %dma_start3A_669] : memref<4x2x64x128xf32, #tpu.memory_space<vmem>> -> memref<1x1x64x128xf32, #tpu.memory_space<vmem>>
    %dma_start3A_671 = tpu.memref_squeeze %dma_start3A_670 : memref<1x1x64x128xf32, #tpu.memory_space<vmem>> -> memref<64x128xf32, #tpu.memory_space<vmem>>
    %dma_start3A_672 = arith.constant 0 : i32
    %dma_start3A_673 = tpu.memref_slice %arg13[%dma_start3A_665, %dma_start3A_672] : memref<4x128xi32, #tpu.memory_space<vmem>> -> memref<1x64xi32, #tpu.memory_space<vmem>>
    %dma_start3A_674 = tpu.memref_squeeze %dma_start3A_673 : memref<1x64xi32, #tpu.memory_space<vmem>> -> memref<64xi32, #tpu.memory_space<vmem>>
    %dma_start3A_675 = arith.constant 0 : i32
    %dma_start3A_676 = arith.constant 0 : i32
    %dma_start3A_677 = tpu.memref_slice %arg5[%dma_start3A_675, %dma_start3A_676] : memref<125952x128xf32, #tpu.memory_space<hbm>> -> memref<125952x128xf32, #tpu.memory_space<hbm>>
    tpu.enqueue_indirect_dma source(%dma_start3A_677 : memref<125952x128xf32, #tpu.memory_space<hbm>>) target(%dma_start3A_671 : memref<64x128xf32, #tpu.memory_space<vmem>>) offsets(%dma_start3A_674 : memref<64xi32, #tpu.memory_space<vmem>>) semaphore(%arg15 : memref<!tpu.dma_semaphore, #tpu.memory_space<semaphore_mem>>)
    %dma_start3A_678 = arith.constant 3 : i32
    %dma_start3A_679 = arith.constant 2 : i32
    %dma_start3A_680 = arith.constant 0 : i32
    %dma_start3A_681 = arith.constant 0 : i32
    %dma_start3A_682 = arith.constant 0 : i32
    %dma_start3A_683 = tpu.memref_slice %arg14[%dma_start3A_679, %dma_start3A_680, %dma_start3A_681, %dma_start3A_682] : memref<4x2x64x128xf32, #tpu.memory_space<vmem>> -> memref<1x1x64x128xf32, #tpu.memory_space<vmem>>
    %dma_start3A_684 = tpu.memref_squeeze %dma_start3A_683 : memref<1x1x64x128xf32, #tpu.memory_space<vmem>> -> memref<64x128xf32, #tpu.memory_space<vmem>>
    %dma_start3A_685 = arith.constant 0 : i32
    %dma_start3A_686 = tpu.memref_slice %arg12[%dma_start3A_678, %dma_start3A_685] : memref<4x128xi32, #tpu.memory_space<vmem>> -> memref<1x64xi32, #tpu.memory_space<vmem>>
    %dma_start3A_687 = tpu.memref_squeeze %dma_start3A_686 : memref<1x64xi32, #tpu.memory_space<vmem>> -> memref<64xi32, #tpu.memory_space<vmem>>
    %dma_start3A_688 = arith.constant 0 : i32
    %dma_start3A_689 = arith.constant 0 : i32
    %dma_start3A_690 = tpu.memref_slice %arg6[%dma_start3A_688, %dma_start3A_689] : memref<125952x128xf32, #tpu.memory_space<hbm>> -> memref<125952x128xf32, #tpu.memory_space<hbm>>
    tpu.enqueue_indirect_dma source(%dma_start3A_690 : memref<125952x128xf32, #tpu.memory_space<hbm>>) target(%dma_start3A_684 : memref<64x128xf32, #tpu.memory_space<vmem>>) offsets(%dma_start3A_687 : memref<64xi32, #tpu.memory_space<vmem>>) semaphore(%arg15 : memref<!tpu.dma_semaphore, #tpu.memory_space<semaphore_mem>>)
    %dma_start3A_691 = arith.constant 3 : i32
    %dma_start3A_692 = arith.constant 3 : i32
    %dma_start3A_693 = arith.constant 0 : i32
    %dma_start3A_694 = arith.constant 0 : i32
    %dma_start3A_695 = arith.constant 0 : i32
    %dma_start3A_696 = tpu.memref_slice %arg14[%dma_start3A_692, %dma_start3A_693, %dma_start3A_694, %dma_start3A_695] : memref<4x2x64x128xf32, #tpu.memory_space<vmem>> -> memref<1x1x64x128xf32, #tpu.memory_space<vmem>>
    %dma_start3A_697 = tpu.memref_squeeze %dma_start3A_696 : memref<1x1x64x128xf32, #tpu.memory_space<vmem>> -> memref<64x128xf32, #tpu.memory_space<vmem>>
    %dma_start3A_698 = arith.constant 0 : i32
    %dma_start3A_699 = tpu.memref_slice %arg13[%dma_start3A_691, %dma_start3A_698] : memref<4x128xi32, #tpu.memory_space<vmem>> -> memref<1x64xi32, #tpu.memory_space<vmem>>
    %dma_start3A_700 = tpu.memref_squeeze %dma_start3A_699 : memref<1x64xi32, #tpu.memory_space<vmem>> -> memref<64xi32, #tpu.memory_space<vmem>>
    %dma_start3A_701 = arith.constant 0 : i32
    %dma_start3A_702 = arith.constant 0 : i32
    %dma_start3A_703 = tpu.memref_slice %arg7[%dma_start3A_701, %dma_start3A_702] : memref<125952x128xf32, #tpu.memory_space<hbm>> -> memref<125952x128xf32, #tpu.memory_space<hbm>>
    tpu.enqueue_indirect_dma source(%dma_start3A_703 : memref<125952x128xf32, #tpu.memory_space<hbm>>) target(%dma_start3A_697 : memref<64x128xf32, #tpu.memory_space<vmem>>) offsets(%dma_start3A_700 : memref<64xi32, #tpu.memory_space<vmem>>) semaphore(%arg15 : memref<!tpu.dma_semaphore, #tpu.memory_space<semaphore_mem>>)
    %dma_wait3A_704 = arith.constant 2 : i32
    %dma_wait3A_705 = arith.constant 0 : i32
    %dma_wait3A_706 = arith.constant 1 : i32
    %dma_wait3A_707 = arith.constant 0 : i32
    %dma_wait3A_708 = arith.constant 0 : i32
    %dma_wait3A_709 = tpu.memref_slice %arg14[%dma_wait3A_705, %dma_wait3A_706, %dma_wait3A_707, %dma_wait3A_708] : memref<4x2x64x128xf32, #tpu.memory_space<vmem>> -> memref<1x1x64x128xf32, #tpu.memory_space<vmem>>
    %dma_wait3A_710 = tpu.memref_squeeze %dma_wait3A_709 : memref<1x1x64x128xf32, #tpu.memory_space<vmem>> -> memref<64x128xf32, #tpu.memory_space<vmem>>
    %dma_wait3A_711 = arith.constant 64 : i32
    %dma_wait3A_712 = tpu.memref_slice %arg12[%dma_wait3A_704, %dma_wait3A_711] : memref<4x128xi32, #tpu.memory_space<vmem>> -> memref<1x64xi32, #tpu.memory_space<vmem>>
    %dma_wait3A_713 = tpu.memref_squeeze %dma_wait3A_712 : memref<1x64xi32, #tpu.memory_space<vmem>> -> memref<64xi32, #tpu.memory_space<vmem>>
    %dma_wait3A_714 = arith.constant 0 : i32
    %dma_wait3A_715 = arith.constant 0 : i32
    %dma_wait3A_716 = tpu.memref_slice %arg4[%dma_wait3A_714, %dma_wait3A_715] : memref<125952x128xf32, #tpu.memory_space<hbm>> -> memref<125952x128xf32, #tpu.memory_space<hbm>>
    tpu.wait_indirect_dma semaphore(%arg15 : memref<!tpu.dma_semaphore, #tpu.memory_space<semaphore_mem>>) src(%dma_wait3A_716 : memref<125952x128xf32, #tpu.memory_space<hbm>>) dst(%dma_wait3A_710 : memref<64x128xf32, #tpu.memory_space<vmem>>)
    %dma_wait3A_717 = arith.constant 2 : i32
    %dma_wait3A_718 = arith.constant 1 : i32
    %dma_wait3A_719 = arith.constant 1 : i32
    %dma_wait3A_720 = arith.constant 0 : i32
    %dma_wait3A_721 = arith.constant 0 : i32
    %dma_wait3A_722 = tpu.memref_slice %arg14[%dma_wait3A_718, %dma_wait3A_719, %dma_wait3A_720, %dma_wait3A_721] : memref<4x2x64x128xf32, #tpu.memory_space<vmem>> -> memref<1x1x64x128xf32, #tpu.memory_space<vmem>>
    %dma_wait3A_723 = tpu.memref_squeeze %dma_wait3A_722 : memref<1x1x64x128xf32, #tpu.memory_space<vmem>> -> memref<64x128xf32, #tpu.memory_space<vmem>>
    %dma_wait3A_724 = arith.constant 64 : i32
    %dma_wait3A_725 = tpu.memref_slice %arg13[%dma_wait3A_717, %dma_wait3A_724] : memref<4x128xi32, #tpu.memory_space<vmem>> -> memref<1x64xi32, #tpu.memory_space<vmem>>
    %dma_wait3A_726 = tpu.memref_squeeze %dma_wait3A_725 : memref<1x64xi32, #tpu.memory_space<vmem>> -> memref<64xi32, #tpu.memory_space<vmem>>
    %dma_wait3A_727 = arith.constant 0 : i32
    %dma_wait3A_728 = arith.constant 0 : i32
    %dma_wait3A_729 = tpu.memref_slice %arg5[%dma_wait3A_727, %dma_wait3A_728] : memref<125952x128xf32, #tpu.memory_space<hbm>> -> memref<125952x128xf32, #tpu.memory_space<hbm>>
    tpu.wait_indirect_dma semaphore(%arg15 : memref<!tpu.dma_semaphore, #tpu.memory_space<semaphore_mem>>) src(%dma_wait3A_729 : memref<125952x128xf32, #tpu.memory_space<hbm>>) dst(%dma_wait3A_723 : memref<64x128xf32, #tpu.memory_space<vmem>>)
    %dma_wait3A_730 = arith.constant 2 : i32
    %dma_wait3A_731 = arith.constant 2 : i32
    %dma_wait3A_732 = arith.constant 1 : i32
    %dma_wait3A_733 = arith.constant 0 : i32
    %dma_wait3A_734 = arith.constant 0 : i32
    %dma_wait3A_735 = tpu.memref_slice %arg14[%dma_wait3A_731, %dma_wait3A_732, %dma_wait3A_733, %dma_wait3A_734] : memref<4x2x64x128xf32, #tpu.memory_space<vmem>> -> memref<1x1x64x128xf32, #tpu.memory_space<vmem>>
    %dma_wait3A_736 = tpu.memref_squeeze %dma_wait3A_735 : memref<1x1x64x128xf32, #tpu.memory_space<vmem>> -> memref<64x128xf32, #tpu.memory_space<vmem>>
    %dma_wait3A_737 = arith.constant 64 : i32
    %dma_wait3A_738 = tpu.memref_slice %arg12[%dma_wait3A_730, %dma_wait3A_737] : memref<4x128xi32, #tpu.memory_space<vmem>> -> memref<1x64xi32, #tpu.memory_space<vmem>>
    %dma_wait3A_739 = tpu.memref_squeeze %dma_wait3A_738 : memref<1x64xi32, #tpu.memory_space<vmem>> -> memref<64xi32, #tpu.memory_space<vmem>>
    %dma_wait3A_740 = arith.constant 0 : i32
    %dma_wait3A_741 = arith.constant 0 : i32
    %dma_wait3A_742 = tpu.memref_slice %arg6[%dma_wait3A_740, %dma_wait3A_741] : memref<125952x128xf32, #tpu.memory_space<hbm>> -> memref<125952x128xf32, #tpu.memory_space<hbm>>
    tpu.wait_indirect_dma semaphore(%arg15 : memref<!tpu.dma_semaphore, #tpu.memory_space<semaphore_mem>>) src(%dma_wait3A_742 : memref<125952x128xf32, #tpu.memory_space<hbm>>) dst(%dma_wait3A_736 : memref<64x128xf32, #tpu.memory_space<vmem>>)
    %dma_wait3A_743 = arith.constant 2 : i32
    %dma_wait3A_744 = arith.constant 3 : i32
    %dma_wait3A_745 = arith.constant 1 : i32
    %dma_wait3A_746 = arith.constant 0 : i32
    %dma_wait3A_747 = arith.constant 0 : i32
    %dma_wait3A_748 = tpu.memref_slice %arg14[%dma_wait3A_744, %dma_wait3A_745, %dma_wait3A_746, %dma_wait3A_747] : memref<4x2x64x128xf32, #tpu.memory_space<vmem>> -> memref<1x1x64x128xf32, #tpu.memory_space<vmem>>
    %dma_wait3A_749 = tpu.memref_squeeze %dma_wait3A_748 : memref<1x1x64x128xf32, #tpu.memory_space<vmem>> -> memref<64x128xf32, #tpu.memory_space<vmem>>
    %dma_wait3A_750 = arith.constant 64 : i32
    %dma_wait3A_751 = tpu.memref_slice %arg13[%dma_wait3A_743, %dma_wait3A_750] : memref<4x128xi32, #tpu.memory_space<vmem>> -> memref<1x64xi32, #tpu.memory_space<vmem>>
    %dma_wait3A_752 = tpu.memref_squeeze %dma_wait3A_751 : memref<1x64xi32, #tpu.memory_space<vmem>> -> memref<64xi32, #tpu.memory_space<vmem>>
    %dma_wait3A_753 = arith.constant 0 : i32
    %dma_wait3A_754 = arith.constant 0 : i32
    %dma_wait3A_755 = tpu.memref_slice %arg7[%dma_wait3A_753, %dma_wait3A_754] : memref<125952x128xf32, #tpu.memory_space<hbm>> -> memref<125952x128xf32, #tpu.memory_space<hbm>>
    tpu.wait_indirect_dma semaphore(%arg15 : memref<!tpu.dma_semaphore, #tpu.memory_space<semaphore_mem>>) src(%dma_wait3A_755 : memref<125952x128xf32, #tpu.memory_space<hbm>>) dst(%dma_wait3A_749 : memref<64x128xf32, #tpu.memory_space<vmem>>)
    %add3A_756 = arith.constant 320 : i32
    %add3A_757 = arith.addi %mul3A_2, %add3A_756 : i32
    %run_scoped3A_758 = arith.constant 0 : i32
    %run_scoped3A_759 = arith.constant 1 : i32
    "tpu.region"() ({
      %run_scoped3A_960 = tpu.sem_alloc : memref<!tpu.dma_semaphore, #tpu.memory_space<semaphore_mem>>
      %dma_start3A_961 = arith.constant 0 : i32
      %dma_start3A_962 = arith.constant 0 : i32
      %dma_start3A_963 = tpu.memref_slice %arg14[%run_scoped3A_758, %run_scoped3A_759, %dma_start3A_961, %dma_start3A_962] : memref<4x2x64x128xf32, #tpu.memory_space<vmem>> -> memref<1x1x64x128xf32, #tpu.memory_space<vmem>>
      %dma_start3A_964 = tpu.memref_squeeze %dma_start3A_963 : memref<1x1x64x128xf32, #tpu.memory_space<vmem>> -> memref<64x128xf32, #tpu.memory_space<vmem>>
      %dma_start3A_965 = arith.constant 0 : i32
      %dma_start3A_966 = tpu.memref_slice %arg8[%add3A_757, %dma_start3A_965] : memref<16384x128xf32, #tpu.memory_space<hbm>> -> memref<64x128xf32, #tpu.memory_space<hbm>>
      %dma_start3A_967 = arith.constant 0 : i32
      %dma_start3A_968 = tpu.memref_slice %arg8[%add3A_757, %dma_start3A_967] : memref<16384x128xf32, #tpu.memory_space<hbm>> -> memref<64x128xf32, #tpu.memory_space<hbm>>
      %dma_start3A_969 = arith.constant 0 : i32
      %dma_start3A_970 = arith.constant 0 : i32
      %dma_start3A_971 = tpu.memref_slice %arg14[%run_scoped3A_758, %run_scoped3A_759, %dma_start3A_969, %dma_start3A_970] : memref<4x2x64x128xf32, #tpu.memory_space<vmem>> -> memref<1x1x64x128xf32, #tpu.memory_space<vmem>>
      %dma_start3A_972 = tpu.memref_squeeze %dma_start3A_971 : memref<1x1x64x128xf32, #tpu.memory_space<vmem>> -> memref<64x128xf32, #tpu.memory_space<vmem>>
      tpu.enqueue_dma source(%dma_start3A_972 : memref<64x128xf32, #tpu.memory_space<vmem>>) target(%dma_start3A_968 : memref<64x128xf32, #tpu.memory_space<hbm>>) target_semaphore(%run_scoped3A_960 : memref<!tpu.dma_semaphore, #tpu.memory_space<semaphore_mem>>)
      %dma_wait3A_973 = arith.constant 0 : i32
      %dma_wait3A_974 = arith.constant 0 : i32
      %dma_wait3A_975 = tpu.memref_slice %arg14[%run_scoped3A_758, %run_scoped3A_759, %dma_wait3A_973, %dma_wait3A_974] : memref<4x2x64x128xf32, #tpu.memory_space<vmem>> -> memref<1x1x64x128xf32, #tpu.memory_space<vmem>>
      %dma_wait3A_976 = tpu.memref_squeeze %dma_wait3A_975 : memref<1x1x64x128xf32, #tpu.memory_space<vmem>> -> memref<64x128xf32, #tpu.memory_space<vmem>>
      %dma_wait3A_977 = arith.constant 0 : i32
      %dma_wait3A_978 = tpu.memref_slice %arg8[%add3A_757, %dma_wait3A_977] : memref<16384x128xf32, #tpu.memory_space<hbm>> -> memref<64x128xf32, #tpu.memory_space<hbm>>
      %dma_wait3A_979 = arith.constant 0 : i32
      %dma_wait3A_980 = tpu.memref_slice %arg8[%add3A_757, %dma_wait3A_979] : memref<16384x128xf32, #tpu.memory_space<hbm>> -> memref<64x128xf32, #tpu.memory_space<hbm>>
      %dma_wait3A_981 = arith.constant 0 : i32
      %dma_wait3A_982 = arith.constant 0 : i32
      %dma_wait3A_983 = tpu.memref_slice %arg14[%run_scoped3A_758, %run_scoped3A_759, %dma_wait3A_981, %dma_wait3A_982] : memref<4x2x64x128xf32, #tpu.memory_space<vmem>> -> memref<1x1x64x128xf32, #tpu.memory_space<vmem>>
      %dma_wait3A_984 = tpu.memref_squeeze %dma_wait3A_983 : memref<1x1x64x128xf32, #tpu.memory_space<vmem>> -> memref<64x128xf32, #tpu.memory_space<vmem>>
      tpu.wait_dma2 semaphore(%run_scoped3A_960 : memref<!tpu.dma_semaphore, #tpu.memory_space<semaphore_mem>>) src(%dma_wait3A_984 : memref<64x128xf32, #tpu.memory_space<vmem>>) dst(%dma_wait3A_980 : memref<64x128xf32, #tpu.memory_space<hbm>>)
      tpu.yield
    }) : () -> ()
    %add3A_760 = arith.constant 320 : i32
    %add3A_761 = arith.addi %mul3A_2, %add3A_760 : i32
    %run_scoped3A_762 = arith.constant 1 : i32
    %run_scoped3A_763 = arith.constant 1 : i32
    "tpu.region"() ({
      %run_scoped3A_960 = tpu.sem_alloc : memref<!tpu.dma_semaphore, #tpu.memory_space<semaphore_mem>>
      %dma_start3A_961 = arith.constant 0 : i32
      %dma_start3A_962 = arith.constant 0 : i32
      %dma_start3A_963 = tpu.memref_slice %arg14[%run_scoped3A_762, %run_scoped3A_763, %dma_start3A_961, %dma_start3A_962] : memref<4x2x64x128xf32, #tpu.memory_space<vmem>> -> memref<1x1x64x128xf32, #tpu.memory_space<vmem>>
      %dma_start3A_964 = tpu.memref_squeeze %dma_start3A_963 : memref<1x1x64x128xf32, #tpu.memory_space<vmem>> -> memref<64x128xf32, #tpu.memory_space<vmem>>
      %dma_start3A_965 = arith.constant 0 : i32
      %dma_start3A_966 = tpu.memref_slice %arg9[%add3A_761, %dma_start3A_965] : memref<16384x128xf32, #tpu.memory_space<hbm>> -> memref<64x128xf32, #tpu.memory_space<hbm>>
      %dma_start3A_967 = arith.constant 0 : i32
      %dma_start3A_968 = tpu.memref_slice %arg9[%add3A_761, %dma_start3A_967] : memref<16384x128xf32, #tpu.memory_space<hbm>> -> memref<64x128xf32, #tpu.memory_space<hbm>>
      %dma_start3A_969 = arith.constant 0 : i32
      %dma_start3A_970 = arith.constant 0 : i32
      %dma_start3A_971 = tpu.memref_slice %arg14[%run_scoped3A_762, %run_scoped3A_763, %dma_start3A_969, %dma_start3A_970] : memref<4x2x64x128xf32, #tpu.memory_space<vmem>> -> memref<1x1x64x128xf32, #tpu.memory_space<vmem>>
      %dma_start3A_972 = tpu.memref_squeeze %dma_start3A_971 : memref<1x1x64x128xf32, #tpu.memory_space<vmem>> -> memref<64x128xf32, #tpu.memory_space<vmem>>
      tpu.enqueue_dma source(%dma_start3A_972 : memref<64x128xf32, #tpu.memory_space<vmem>>) target(%dma_start3A_968 : memref<64x128xf32, #tpu.memory_space<hbm>>) target_semaphore(%run_scoped3A_960 : memref<!tpu.dma_semaphore, #tpu.memory_space<semaphore_mem>>)
      %dma_wait3A_973 = arith.constant 0 : i32
      %dma_wait3A_974 = arith.constant 0 : i32
      %dma_wait3A_975 = tpu.memref_slice %arg14[%run_scoped3A_762, %run_scoped3A_763, %dma_wait3A_973, %dma_wait3A_974] : memref<4x2x64x128xf32, #tpu.memory_space<vmem>> -> memref<1x1x64x128xf32, #tpu.memory_space<vmem>>
      %dma_wait3A_976 = tpu.memref_squeeze %dma_wait3A_975 : memref<1x1x64x128xf32, #tpu.memory_space<vmem>> -> memref<64x128xf32, #tpu.memory_space<vmem>>
      %dma_wait3A_977 = arith.constant 0 : i32
      %dma_wait3A_978 = tpu.memref_slice %arg9[%add3A_761, %dma_wait3A_977] : memref<16384x128xf32, #tpu.memory_space<hbm>> -> memref<64x128xf32, #tpu.memory_space<hbm>>
      %dma_wait3A_979 = arith.constant 0 : i32
      %dma_wait3A_980 = tpu.memref_slice %arg9[%add3A_761, %dma_wait3A_979] : memref<16384x128xf32, #tpu.memory_space<hbm>> -> memref<64x128xf32, #tpu.memory_space<hbm>>
      %dma_wait3A_981 = arith.constant 0 : i32
      %dma_wait3A_982 = arith.constant 0 : i32
      %dma_wait3A_983 = tpu.memref_slice %arg14[%run_scoped3A_762, %run_scoped3A_763, %dma_wait3A_981, %dma_wait3A_982] : memref<4x2x64x128xf32, #tpu.memory_space<vmem>> -> memref<1x1x64x128xf32, #tpu.memory_space<vmem>>
      %dma_wait3A_984 = tpu.memref_squeeze %dma_wait3A_983 : memref<1x1x64x128xf32, #tpu.memory_space<vmem>> -> memref<64x128xf32, #tpu.memory_space<vmem>>
      tpu.wait_dma2 semaphore(%run_scoped3A_960 : memref<!tpu.dma_semaphore, #tpu.memory_space<semaphore_mem>>) src(%dma_wait3A_984 : memref<64x128xf32, #tpu.memory_space<vmem>>) dst(%dma_wait3A_980 : memref<64x128xf32, #tpu.memory_space<hbm>>)
      tpu.yield
    }) : () -> ()
    %add3A_764 = arith.constant 320 : i32
    %add3A_765 = arith.addi %mul3A_2, %add3A_764 : i32
    %run_scoped3A_766 = arith.constant 2 : i32
    %run_scoped3A_767 = arith.constant 1 : i32
    "tpu.region"() ({
      %run_scoped3A_960 = tpu.sem_alloc : memref<!tpu.dma_semaphore, #tpu.memory_space<semaphore_mem>>
      %dma_start3A_961 = arith.constant 0 : i32
      %dma_start3A_962 = arith.constant 0 : i32
      %dma_start3A_963 = tpu.memref_slice %arg14[%run_scoped3A_766, %run_scoped3A_767, %dma_start3A_961, %dma_start3A_962] : memref<4x2x64x128xf32, #tpu.memory_space<vmem>> -> memref<1x1x64x128xf32, #tpu.memory_space<vmem>>
      %dma_start3A_964 = tpu.memref_squeeze %dma_start3A_963 : memref<1x1x64x128xf32, #tpu.memory_space<vmem>> -> memref<64x128xf32, #tpu.memory_space<vmem>>
      %dma_start3A_965 = arith.constant 0 : i32
      %dma_start3A_966 = tpu.memref_slice %arg10[%add3A_765, %dma_start3A_965] : memref<16384x128xf32, #tpu.memory_space<hbm>> -> memref<64x128xf32, #tpu.memory_space<hbm>>
      %dma_start3A_967 = arith.constant 0 : i32
      %dma_start3A_968 = tpu.memref_slice %arg10[%add3A_765, %dma_start3A_967] : memref<16384x128xf32, #tpu.memory_space<hbm>> -> memref<64x128xf32, #tpu.memory_space<hbm>>
      %dma_start3A_969 = arith.constant 0 : i32
      %dma_start3A_970 = arith.constant 0 : i32
      %dma_start3A_971 = tpu.memref_slice %arg14[%run_scoped3A_766, %run_scoped3A_767, %dma_start3A_969, %dma_start3A_970] : memref<4x2x64x128xf32, #tpu.memory_space<vmem>> -> memref<1x1x64x128xf32, #tpu.memory_space<vmem>>
      %dma_start3A_972 = tpu.memref_squeeze %dma_start3A_971 : memref<1x1x64x128xf32, #tpu.memory_space<vmem>> -> memref<64x128xf32, #tpu.memory_space<vmem>>
      tpu.enqueue_dma source(%dma_start3A_972 : memref<64x128xf32, #tpu.memory_space<vmem>>) target(%dma_start3A_968 : memref<64x128xf32, #tpu.memory_space<hbm>>) target_semaphore(%run_scoped3A_960 : memref<!tpu.dma_semaphore, #tpu.memory_space<semaphore_mem>>)
      %dma_wait3A_973 = arith.constant 0 : i32
      %dma_wait3A_974 = arith.constant 0 : i32
      %dma_wait3A_975 = tpu.memref_slice %arg14[%run_scoped3A_766, %run_scoped3A_767, %dma_wait3A_973, %dma_wait3A_974] : memref<4x2x64x128xf32, #tpu.memory_space<vmem>> -> memref<1x1x64x128xf32, #tpu.memory_space<vmem>>
      %dma_wait3A_976 = tpu.memref_squeeze %dma_wait3A_975 : memref<1x1x64x128xf32, #tpu.memory_space<vmem>> -> memref<64x128xf32, #tpu.memory_space<vmem>>
      %dma_wait3A_977 = arith.constant 0 : i32
      %dma_wait3A_978 = tpu.memref_slice %arg10[%add3A_765, %dma_wait3A_977] : memref<16384x128xf32, #tpu.memory_space<hbm>> -> memref<64x128xf32, #tpu.memory_space<hbm>>
      %dma_wait3A_979 = arith.constant 0 : i32
      %dma_wait3A_980 = tpu.memref_slice %arg10[%add3A_765, %dma_wait3A_979] : memref<16384x128xf32, #tpu.memory_space<hbm>> -> memref<64x128xf32, #tpu.memory_space<hbm>>
      %dma_wait3A_981 = arith.constant 0 : i32
      %dma_wait3A_982 = arith.constant 0 : i32
      %dma_wait3A_983 = tpu.memref_slice %arg14[%run_scoped3A_766, %run_scoped3A_767, %dma_wait3A_981, %dma_wait3A_982] : memref<4x2x64x128xf32, #tpu.memory_space<vmem>> -> memref<1x1x64x128xf32, #tpu.memory_space<vmem>>
      %dma_wait3A_984 = tpu.memref_squeeze %dma_wait3A_983 : memref<1x1x64x128xf32, #tpu.memory_space<vmem>> -> memref<64x128xf32, #tpu.memory_space<vmem>>
      tpu.wait_dma2 semaphore(%run_scoped3A_960 : memref<!tpu.dma_semaphore, #tpu.memory_space<semaphore_mem>>) src(%dma_wait3A_984 : memref<64x128xf32, #tpu.memory_space<vmem>>) dst(%dma_wait3A_980 : memref<64x128xf32, #tpu.memory_space<hbm>>)
      tpu.yield
    }) : () -> ()
    %add3A_768 = arith.constant 320 : i32
    %add3A_769 = arith.addi %mul3A_2, %add3A_768 : i32
    %run_scoped3A_770 = arith.constant 3 : i32
    %run_scoped3A_771 = arith.constant 1 : i32
    "tpu.region"() ({
      %run_scoped3A_960 = tpu.sem_alloc : memref<!tpu.dma_semaphore, #tpu.memory_space<semaphore_mem>>
      %dma_start3A_961 = arith.constant 0 : i32
      %dma_start3A_962 = arith.constant 0 : i32
      %dma_start3A_963 = tpu.memref_slice %arg14[%run_scoped3A_770, %run_scoped3A_771, %dma_start3A_961, %dma_start3A_962] : memref<4x2x64x128xf32, #tpu.memory_space<vmem>> -> memref<1x1x64x128xf32, #tpu.memory_space<vmem>>
      %dma_start3A_964 = tpu.memref_squeeze %dma_start3A_963 : memref<1x1x64x128xf32, #tpu.memory_space<vmem>> -> memref<64x128xf32, #tpu.memory_space<vmem>>
      %dma_start3A_965 = arith.constant 0 : i32
      %dma_start3A_966 = tpu.memref_slice %arg11[%add3A_769, %dma_start3A_965] : memref<16384x128xf32, #tpu.memory_space<hbm>> -> memref<64x128xf32, #tpu.memory_space<hbm>>
      %dma_start3A_967 = arith.constant 0 : i32
      %dma_start3A_968 = tpu.memref_slice %arg11[%add3A_769, %dma_start3A_967] : memref<16384x128xf32, #tpu.memory_space<hbm>> -> memref<64x128xf32, #tpu.memory_space<hbm>>
      %dma_start3A_969 = arith.constant 0 : i32
      %dma_start3A_970 = arith.constant 0 : i32
      %dma_start3A_971 = tpu.memref_slice %arg14[%run_scoped3A_770, %run_scoped3A_771, %dma_start3A_969, %dma_start3A_970] : memref<4x2x64x128xf32, #tpu.memory_space<vmem>> -> memref<1x1x64x128xf32, #tpu.memory_space<vmem>>
      %dma_start3A_972 = tpu.memref_squeeze %dma_start3A_971 : memref<1x1x64x128xf32, #tpu.memory_space<vmem>> -> memref<64x128xf32, #tpu.memory_space<vmem>>
      tpu.enqueue_dma source(%dma_start3A_972 : memref<64x128xf32, #tpu.memory_space<vmem>>) target(%dma_start3A_968 : memref<64x128xf32, #tpu.memory_space<hbm>>) target_semaphore(%run_scoped3A_960 : memref<!tpu.dma_semaphore, #tpu.memory_space<semaphore_mem>>)
      %dma_wait3A_973 = arith.constant 0 : i32
      %dma_wait3A_974 = arith.constant 0 : i32
      %dma_wait3A_975 = tpu.memref_slice %arg14[%run_scoped3A_770, %run_scoped3A_771, %dma_wait3A_973, %dma_wait3A_974] : memref<4x2x64x128xf32, #tpu.memory_space<vmem>> -> memref<1x1x64x128xf32, #tpu.memory_space<vmem>>
      %dma_wait3A_976 = tpu.memref_squeeze %dma_wait3A_975 : memref<1x1x64x128xf32, #tpu.memory_space<vmem>> -> memref<64x128xf32, #tpu.memory_space<vmem>>
      %dma_wait3A_977 = arith.constant 0 : i32
      %dma_wait3A_978 = tpu.memref_slice %arg11[%add3A_769, %dma_wait3A_977] : memref<16384x128xf32, #tpu.memory_space<hbm>> -> memref<64x128xf32, #tpu.memory_space<hbm>>
      %dma_wait3A_979 = arith.constant 0 : i32
      %dma_wait3A_980 = tpu.memref_slice %arg11[%add3A_769, %dma_wait3A_979] : memref<16384x128xf32, #tpu.memory_space<hbm>> -> memref<64x128xf32, #tpu.memory_space<hbm>>
      %dma_wait3A_981 = arith.constant 0 : i32
      %dma_wait3A_982 = arith.constant 0 : i32
      %dma_wait3A_983 = tpu.memref_slice %arg14[%run_scoped3A_770, %run_scoped3A_771, %dma_wait3A_981, %dma_wait3A_982] : memref<4x2x64x128xf32, #tpu.memory_space<vmem>> -> memref<1x1x64x128xf32, #tpu.memory_space<vmem>>
      %dma_wait3A_984 = tpu.memref_squeeze %dma_wait3A_983 : memref<1x1x64x128xf32, #tpu.memory_space<vmem>> -> memref<64x128xf32, #tpu.memory_space<vmem>>
      tpu.wait_dma2 semaphore(%run_scoped3A_960 : memref<!tpu.dma_semaphore, #tpu.memory_space<semaphore_mem>>) src(%dma_wait3A_984 : memref<64x128xf32, #tpu.memory_space<vmem>>) dst(%dma_wait3A_980 : memref<64x128xf32, #tpu.memory_space<hbm>>)
      tpu.yield
    }) : () -> ()
    %dma_start3A_772 = arith.constant 3 : i32
    %dma_start3A_773 = arith.constant 0 : i32
    %dma_start3A_774 = arith.constant 1 : i32
    %dma_start3A_775 = arith.constant 0 : i32
    %dma_start3A_776 = arith.constant 0 : i32
    %dma_start3A_777 = tpu.memref_slice %arg14[%dma_start3A_773, %dma_start3A_774, %dma_start3A_775, %dma_start3A_776] : memref<4x2x64x128xf32, #tpu.memory_space<vmem>> -> memref<1x1x64x128xf32, #tpu.memory_space<vmem>>
    %dma_start3A_778 = tpu.memref_squeeze %dma_start3A_777 : memref<1x1x64x128xf32, #tpu.memory_space<vmem>> -> memref<64x128xf32, #tpu.memory_space<vmem>>
    %dma_start3A_779 = arith.constant 64 : i32
    %dma_start3A_780 = tpu.memref_slice %arg12[%dma_start3A_772, %dma_start3A_779] : memref<4x128xi32, #tpu.memory_space<vmem>> -> memref<1x64xi32, #tpu.memory_space<vmem>>
    %dma_start3A_781 = tpu.memref_squeeze %dma_start3A_780 : memref<1x64xi32, #tpu.memory_space<vmem>> -> memref<64xi32, #tpu.memory_space<vmem>>
    %dma_start3A_782 = arith.constant 0 : i32
    %dma_start3A_783 = arith.constant 0 : i32
    %dma_start3A_784 = tpu.memref_slice %arg4[%dma_start3A_782, %dma_start3A_783] : memref<125952x128xf32, #tpu.memory_space<hbm>> -> memref<125952x128xf32, #tpu.memory_space<hbm>>
    tpu.enqueue_indirect_dma source(%dma_start3A_784 : memref<125952x128xf32, #tpu.memory_space<hbm>>) target(%dma_start3A_778 : memref<64x128xf32, #tpu.memory_space<vmem>>) offsets(%dma_start3A_781 : memref<64xi32, #tpu.memory_space<vmem>>) semaphore(%arg15 : memref<!tpu.dma_semaphore, #tpu.memory_space<semaphore_mem>>)
    %dma_start3A_785 = arith.constant 3 : i32
    %dma_start3A_786 = arith.constant 1 : i32
    %dma_start3A_787 = arith.constant 1 : i32
    %dma_start3A_788 = arith.constant 0 : i32
    %dma_start3A_789 = arith.constant 0 : i32
    %dma_start3A_790 = tpu.memref_slice %arg14[%dma_start3A_786, %dma_start3A_787, %dma_start3A_788, %dma_start3A_789] : memref<4x2x64x128xf32, #tpu.memory_space<vmem>> -> memref<1x1x64x128xf32, #tpu.memory_space<vmem>>
    %dma_start3A_791 = tpu.memref_squeeze %dma_start3A_790 : memref<1x1x64x128xf32, #tpu.memory_space<vmem>> -> memref<64x128xf32, #tpu.memory_space<vmem>>
    %dma_start3A_792 = arith.constant 64 : i32
    %dma_start3A_793 = tpu.memref_slice %arg13[%dma_start3A_785, %dma_start3A_792] : memref<4x128xi32, #tpu.memory_space<vmem>> -> memref<1x64xi32, #tpu.memory_space<vmem>>
    %dma_start3A_794 = tpu.memref_squeeze %dma_start3A_793 : memref<1x64xi32, #tpu.memory_space<vmem>> -> memref<64xi32, #tpu.memory_space<vmem>>
    %dma_start3A_795 = arith.constant 0 : i32
    %dma_start3A_796 = arith.constant 0 : i32
    %dma_start3A_797 = tpu.memref_slice %arg5[%dma_start3A_795, %dma_start3A_796] : memref<125952x128xf32, #tpu.memory_space<hbm>> -> memref<125952x128xf32, #tpu.memory_space<hbm>>
    tpu.enqueue_indirect_dma source(%dma_start3A_797 : memref<125952x128xf32, #tpu.memory_space<hbm>>) target(%dma_start3A_791 : memref<64x128xf32, #tpu.memory_space<vmem>>) offsets(%dma_start3A_794 : memref<64xi32, #tpu.memory_space<vmem>>) semaphore(%arg15 : memref<!tpu.dma_semaphore, #tpu.memory_space<semaphore_mem>>)
    %dma_start3A_798 = arith.constant 3 : i32
    %dma_start3A_799 = arith.constant 2 : i32
    %dma_start3A_800 = arith.constant 1 : i32
    %dma_start3A_801 = arith.constant 0 : i32
    %dma_start3A_802 = arith.constant 0 : i32
    %dma_start3A_803 = tpu.memref_slice %arg14[%dma_start3A_799, %dma_start3A_800, %dma_start3A_801, %dma_start3A_802] : memref<4x2x64x128xf32, #tpu.memory_space<vmem>> -> memref<1x1x64x128xf32, #tpu.memory_space<vmem>>
    %dma_start3A_804 = tpu.memref_squeeze %dma_start3A_803 : memref<1x1x64x128xf32, #tpu.memory_space<vmem>> -> memref<64x128xf32, #tpu.memory_space<vmem>>
    %dma_start3A_805 = arith.constant 64 : i32
    %dma_start3A_806 = tpu.memref_slice %arg12[%dma_start3A_798, %dma_start3A_805] : memref<4x128xi32, #tpu.memory_space<vmem>> -> memref<1x64xi32, #tpu.memory_space<vmem>>
    %dma_start3A_807 = tpu.memref_squeeze %dma_start3A_806 : memref<1x64xi32, #tpu.memory_space<vmem>> -> memref<64xi32, #tpu.memory_space<vmem>>
    %dma_start3A_808 = arith.constant 0 : i32
    %dma_start3A_809 = arith.constant 0 : i32
    %dma_start3A_810 = tpu.memref_slice %arg6[%dma_start3A_808, %dma_start3A_809] : memref<125952x128xf32, #tpu.memory_space<hbm>> -> memref<125952x128xf32, #tpu.memory_space<hbm>>
    tpu.enqueue_indirect_dma source(%dma_start3A_810 : memref<125952x128xf32, #tpu.memory_space<hbm>>) target(%dma_start3A_804 : memref<64x128xf32, #tpu.memory_space<vmem>>) offsets(%dma_start3A_807 : memref<64xi32, #tpu.memory_space<vmem>>) semaphore(%arg15 : memref<!tpu.dma_semaphore, #tpu.memory_space<semaphore_mem>>)
    %dma_start3A_811 = arith.constant 3 : i32
    %dma_start3A_812 = arith.constant 3 : i32
    %dma_start3A_813 = arith.constant 1 : i32
    %dma_start3A_814 = arith.constant 0 : i32
    %dma_start3A_815 = arith.constant 0 : i32
    %dma_start3A_816 = tpu.memref_slice %arg14[%dma_start3A_812, %dma_start3A_813, %dma_start3A_814, %dma_start3A_815] : memref<4x2x64x128xf32, #tpu.memory_space<vmem>> -> memref<1x1x64x128xf32, #tpu.memory_space<vmem>>
    %dma_start3A_817 = tpu.memref_squeeze %dma_start3A_816 : memref<1x1x64x128xf32, #tpu.memory_space<vmem>> -> memref<64x128xf32, #tpu.memory_space<vmem>>
    %dma_start3A_818 = arith.constant 64 : i32
    %dma_start3A_819 = tpu.memref_slice %arg13[%dma_start3A_811, %dma_start3A_818] : memref<4x128xi32, #tpu.memory_space<vmem>> -> memref<1x64xi32, #tpu.memory_space<vmem>>
    %dma_start3A_820 = tpu.memref_squeeze %dma_start3A_819 : memref<1x64xi32, #tpu.memory_space<vmem>> -> memref<64xi32, #tpu.memory_space<vmem>>
    %dma_start3A_821 = arith.constant 0 : i32
    %dma_start3A_822 = arith.constant 0 : i32
    %dma_start3A_823 = tpu.memref_slice %arg7[%dma_start3A_821, %dma_start3A_822] : memref<125952x128xf32, #tpu.memory_space<hbm>> -> memref<125952x128xf32, #tpu.memory_space<hbm>>
    tpu.enqueue_indirect_dma source(%dma_start3A_823 : memref<125952x128xf32, #tpu.memory_space<hbm>>) target(%dma_start3A_817 : memref<64x128xf32, #tpu.memory_space<vmem>>) offsets(%dma_start3A_820 : memref<64xi32, #tpu.memory_space<vmem>>) semaphore(%arg15 : memref<!tpu.dma_semaphore, #tpu.memory_space<semaphore_mem>>)
    %dma_wait3A_824 = arith.constant 3 : i32
    %dma_wait3A_825 = arith.constant 0 : i32
    %dma_wait3A_826 = arith.constant 0 : i32
    %dma_wait3A_827 = arith.constant 0 : i32
    %dma_wait3A_828 = arith.constant 0 : i32
    %dma_wait3A_829 = tpu.memref_slice %arg14[%dma_wait3A_825, %dma_wait3A_826, %dma_wait3A_827, %dma_wait3A_828] : memref<4x2x64x128xf32, #tpu.memory_space<vmem>> -> memref<1x1x64x128xf32, #tpu.memory_space<vmem>>
    %dma_wait3A_830 = tpu.memref_squeeze %dma_wait3A_829 : memref<1x1x64x128xf32, #tpu.memory_space<vmem>> -> memref<64x128xf32, #tpu.memory_space<vmem>>
    %dma_wait3A_831 = arith.constant 0 : i32
    %dma_wait3A_832 = tpu.memref_slice %arg12[%dma_wait3A_824, %dma_wait3A_831] : memref<4x128xi32, #tpu.memory_space<vmem>> -> memref<1x64xi32, #tpu.memory_space<vmem>>
    %dma_wait3A_833 = tpu.memref_squeeze %dma_wait3A_832 : memref<1x64xi32, #tpu.memory_space<vmem>> -> memref<64xi32, #tpu.memory_space<vmem>>
    %dma_wait3A_834 = arith.constant 0 : i32
    %dma_wait3A_835 = arith.constant 0 : i32
    %dma_wait3A_836 = tpu.memref_slice %arg4[%dma_wait3A_834, %dma_wait3A_835] : memref<125952x128xf32, #tpu.memory_space<hbm>> -> memref<125952x128xf32, #tpu.memory_space<hbm>>
    tpu.wait_indirect_dma semaphore(%arg15 : memref<!tpu.dma_semaphore, #tpu.memory_space<semaphore_mem>>) src(%dma_wait3A_836 : memref<125952x128xf32, #tpu.memory_space<hbm>>) dst(%dma_wait3A_830 : memref<64x128xf32, #tpu.memory_space<vmem>>)
    %dma_wait3A_837 = arith.constant 3 : i32
    %dma_wait3A_838 = arith.constant 1 : i32
    %dma_wait3A_839 = arith.constant 0 : i32
    %dma_wait3A_840 = arith.constant 0 : i32
    %dma_wait3A_841 = arith.constant 0 : i32
    %dma_wait3A_842 = tpu.memref_slice %arg14[%dma_wait3A_838, %dma_wait3A_839, %dma_wait3A_840, %dma_wait3A_841] : memref<4x2x64x128xf32, #tpu.memory_space<vmem>> -> memref<1x1x64x128xf32, #tpu.memory_space<vmem>>
    %dma_wait3A_843 = tpu.memref_squeeze %dma_wait3A_842 : memref<1x1x64x128xf32, #tpu.memory_space<vmem>> -> memref<64x128xf32, #tpu.memory_space<vmem>>
    %dma_wait3A_844 = arith.constant 0 : i32
    %dma_wait3A_845 = tpu.memref_slice %arg13[%dma_wait3A_837, %dma_wait3A_844] : memref<4x128xi32, #tpu.memory_space<vmem>> -> memref<1x64xi32, #tpu.memory_space<vmem>>
    %dma_wait3A_846 = tpu.memref_squeeze %dma_wait3A_845 : memref<1x64xi32, #tpu.memory_space<vmem>> -> memref<64xi32, #tpu.memory_space<vmem>>
    %dma_wait3A_847 = arith.constant 0 : i32
    %dma_wait3A_848 = arith.constant 0 : i32
    %dma_wait3A_849 = tpu.memref_slice %arg5[%dma_wait3A_847, %dma_wait3A_848] : memref<125952x128xf32, #tpu.memory_space<hbm>> -> memref<125952x128xf32, #tpu.memory_space<hbm>>
    tpu.wait_indirect_dma semaphore(%arg15 : memref<!tpu.dma_semaphore, #tpu.memory_space<semaphore_mem>>) src(%dma_wait3A_849 : memref<125952x128xf32, #tpu.memory_space<hbm>>) dst(%dma_wait3A_843 : memref<64x128xf32, #tpu.memory_space<vmem>>)
    %dma_wait3A_850 = arith.constant 3 : i32
    %dma_wait3A_851 = arith.constant 2 : i32
    %dma_wait3A_852 = arith.constant 0 : i32
    %dma_wait3A_853 = arith.constant 0 : i32
    %dma_wait3A_854 = arith.constant 0 : i32
    %dma_wait3A_855 = tpu.memref_slice %arg14[%dma_wait3A_851, %dma_wait3A_852, %dma_wait3A_853, %dma_wait3A_854] : memref<4x2x64x128xf32, #tpu.memory_space<vmem>> -> memref<1x1x64x128xf32, #tpu.memory_space<vmem>>
    %dma_wait3A_856 = tpu.memref_squeeze %dma_wait3A_855 : memref<1x1x64x128xf32, #tpu.memory_space<vmem>> -> memref<64x128xf32, #tpu.memory_space<vmem>>
    %dma_wait3A_857 = arith.constant 0 : i32
    %dma_wait3A_858 = tpu.memref_slice %arg12[%dma_wait3A_850, %dma_wait3A_857] : memref<4x128xi32, #tpu.memory_space<vmem>> -> memref<1x64xi32, #tpu.memory_space<vmem>>
    %dma_wait3A_859 = tpu.memref_squeeze %dma_wait3A_858 : memref<1x64xi32, #tpu.memory_space<vmem>> -> memref<64xi32, #tpu.memory_space<vmem>>
    %dma_wait3A_860 = arith.constant 0 : i32
    %dma_wait3A_861 = arith.constant 0 : i32
    %dma_wait3A_862 = tpu.memref_slice %arg6[%dma_wait3A_860, %dma_wait3A_861] : memref<125952x128xf32, #tpu.memory_space<hbm>> -> memref<125952x128xf32, #tpu.memory_space<hbm>>
    tpu.wait_indirect_dma semaphore(%arg15 : memref<!tpu.dma_semaphore, #tpu.memory_space<semaphore_mem>>) src(%dma_wait3A_862 : memref<125952x128xf32, #tpu.memory_space<hbm>>) dst(%dma_wait3A_856 : memref<64x128xf32, #tpu.memory_space<vmem>>)
    %dma_wait3A_863 = arith.constant 3 : i32
    %dma_wait3A_864 = arith.constant 3 : i32
    %dma_wait3A_865 = arith.constant 0 : i32
    %dma_wait3A_866 = arith.constant 0 : i32
    %dma_wait3A_867 = arith.constant 0 : i32
    %dma_wait3A_868 = tpu.memref_slice %arg14[%dma_wait3A_864, %dma_wait3A_865, %dma_wait3A_866, %dma_wait3A_867] : memref<4x2x64x128xf32, #tpu.memory_space<vmem>> -> memref<1x1x64x128xf32, #tpu.memory_space<vmem>>
    %dma_wait3A_869 = tpu.memref_squeeze %dma_wait3A_868 : memref<1x1x64x128xf32, #tpu.memory_space<vmem>> -> memref<64x128xf32, #tpu.memory_space<vmem>>
    %dma_wait3A_870 = arith.constant 0 : i32
    %dma_wait3A_871 = tpu.memref_slice %arg13[%dma_wait3A_863, %dma_wait3A_870] : memref<4x128xi32, #tpu.memory_space<vmem>> -> memref<1x64xi32, #tpu.memory_space<vmem>>
    %dma_wait3A_872 = tpu.memref_squeeze %dma_wait3A_871 : memref<1x64xi32, #tpu.memory_space<vmem>> -> memref<64xi32, #tpu.memory_space<vmem>>
    %dma_wait3A_873 = arith.constant 0 : i32
    %dma_wait3A_874 = arith.constant 0 : i32
    %dma_wait3A_875 = tpu.memref_slice %arg7[%dma_wait3A_873, %dma_wait3A_874] : memref<125952x128xf32, #tpu.memory_space<hbm>> -> memref<125952x128xf32, #tpu.memory_space<hbm>>
    tpu.wait_indirect_dma semaphore(%arg15 : memref<!tpu.dma_semaphore, #tpu.memory_space<semaphore_mem>>) src(%dma_wait3A_875 : memref<125952x128xf32, #tpu.memory_space<hbm>>) dst(%dma_wait3A_869 : memref<64x128xf32, #tpu.memory_space<vmem>>)
    %add3A_876 = arith.constant 384 : i32
    %add3A_877 = arith.addi %mul3A_2, %add3A_876 : i32
    %run_scoped3A_878 = arith.constant 0 : i32
    %run_scoped3A_879 = arith.constant 0 : i32
    "tpu.region"() ({
      %run_scoped3A_960 = tpu.sem_alloc : memref<!tpu.dma_semaphore, #tpu.memory_space<semaphore_mem>>
      %dma_start3A_961 = arith.constant 0 : i32
      %dma_start3A_962 = arith.constant 0 : i32
      %dma_start3A_963 = tpu.memref_slice %arg14[%run_scoped3A_878, %run_scoped3A_879, %dma_start3A_961, %dma_start3A_962] : memref<4x2x64x128xf32, #tpu.memory_space<vmem>> -> memref<1x1x64x128xf32, #tpu.memory_space<vmem>>
      %dma_start3A_964 = tpu.memref_squeeze %dma_start3A_963 : memref<1x1x64x128xf32, #tpu.memory_space<vmem>> -> memref<64x128xf32, #tpu.memory_space<vmem>>
      %dma_start3A_965 = arith.constant 0 : i32
      %dma_start3A_966 = tpu.memref_slice %arg8[%add3A_877, %dma_start3A_965] : memref<16384x128xf32, #tpu.memory_space<hbm>> -> memref<64x128xf32, #tpu.memory_space<hbm>>
      %dma_start3A_967 = arith.constant 0 : i32
      %dma_start3A_968 = tpu.memref_slice %arg8[%add3A_877, %dma_start3A_967] : memref<16384x128xf32, #tpu.memory_space<hbm>> -> memref<64x128xf32, #tpu.memory_space<hbm>>
      %dma_start3A_969 = arith.constant 0 : i32
      %dma_start3A_970 = arith.constant 0 : i32
      %dma_start3A_971 = tpu.memref_slice %arg14[%run_scoped3A_878, %run_scoped3A_879, %dma_start3A_969, %dma_start3A_970] : memref<4x2x64x128xf32, #tpu.memory_space<vmem>> -> memref<1x1x64x128xf32, #tpu.memory_space<vmem>>
      %dma_start3A_972 = tpu.memref_squeeze %dma_start3A_971 : memref<1x1x64x128xf32, #tpu.memory_space<vmem>> -> memref<64x128xf32, #tpu.memory_space<vmem>>
      tpu.enqueue_dma source(%dma_start3A_972 : memref<64x128xf32, #tpu.memory_space<vmem>>) target(%dma_start3A_968 : memref<64x128xf32, #tpu.memory_space<hbm>>) target_semaphore(%run_scoped3A_960 : memref<!tpu.dma_semaphore, #tpu.memory_space<semaphore_mem>>)
      %dma_wait3A_973 = arith.constant 0 : i32
      %dma_wait3A_974 = arith.constant 0 : i32
      %dma_wait3A_975 = tpu.memref_slice %arg14[%run_scoped3A_878, %run_scoped3A_879, %dma_wait3A_973, %dma_wait3A_974] : memref<4x2x64x128xf32, #tpu.memory_space<vmem>> -> memref<1x1x64x128xf32, #tpu.memory_space<vmem>>
      %dma_wait3A_976 = tpu.memref_squeeze %dma_wait3A_975 : memref<1x1x64x128xf32, #tpu.memory_space<vmem>> -> memref<64x128xf32, #tpu.memory_space<vmem>>
      %dma_wait3A_977 = arith.constant 0 : i32
      %dma_wait3A_978 = tpu.memref_slice %arg8[%add3A_877, %dma_wait3A_977] : memref<16384x128xf32, #tpu.memory_space<hbm>> -> memref<64x128xf32, #tpu.memory_space<hbm>>
      %dma_wait3A_979 = arith.constant 0 : i32
      %dma_wait3A_980 = tpu.memref_slice %arg8[%add3A_877, %dma_wait3A_979] : memref<16384x128xf32, #tpu.memory_space<hbm>> -> memref<64x128xf32, #tpu.memory_space<hbm>>
      %dma_wait3A_981 = arith.constant 0 : i32
      %dma_wait3A_982 = arith.constant 0 : i32
      %dma_wait3A_983 = tpu.memref_slice %arg14[%run_scoped3A_878, %run_scoped3A_879, %dma_wait3A_981, %dma_wait3A_982] : memref<4x2x64x128xf32, #tpu.memory_space<vmem>> -> memref<1x1x64x128xf32, #tpu.memory_space<vmem>>
      %dma_wait3A_984 = tpu.memref_squeeze %dma_wait3A_983 : memref<1x1x64x128xf32, #tpu.memory_space<vmem>> -> memref<64x128xf32, #tpu.memory_space<vmem>>
      tpu.wait_dma2 semaphore(%run_scoped3A_960 : memref<!tpu.dma_semaphore, #tpu.memory_space<semaphore_mem>>) src(%dma_wait3A_984 : memref<64x128xf32, #tpu.memory_space<vmem>>) dst(%dma_wait3A_980 : memref<64x128xf32, #tpu.memory_space<hbm>>)
      tpu.yield
    }) : () -> ()
    %add3A_880 = arith.constant 384 : i32
    %add3A_881 = arith.addi %mul3A_2, %add3A_880 : i32
    %run_scoped3A_882 = arith.constant 1 : i32
    %run_scoped3A_883 = arith.constant 0 : i32
    "tpu.region"() ({
      %run_scoped3A_960 = tpu.sem_alloc : memref<!tpu.dma_semaphore, #tpu.memory_space<semaphore_mem>>
      %dma_start3A_961 = arith.constant 0 : i32
      %dma_start3A_962 = arith.constant 0 : i32
      %dma_start3A_963 = tpu.memref_slice %arg14[%run_scoped3A_882, %run_scoped3A_883, %dma_start3A_961, %dma_start3A_962] : memref<4x2x64x128xf32, #tpu.memory_space<vmem>> -> memref<1x1x64x128xf32, #tpu.memory_space<vmem>>
      %dma_start3A_964 = tpu.memref_squeeze %dma_start3A_963 : memref<1x1x64x128xf32, #tpu.memory_space<vmem>> -> memref<64x128xf32, #tpu.memory_space<vmem>>
      %dma_start3A_965 = arith.constant 0 : i32
      %dma_start3A_966 = tpu.memref_slice %arg9[%add3A_881, %dma_start3A_965] : memref<16384x128xf32, #tpu.memory_space<hbm>> -> memref<64x128xf32, #tpu.memory_space<hbm>>
      %dma_start3A_967 = arith.constant 0 : i32
      %dma_start3A_968 = tpu.memref_slice %arg9[%add3A_881, %dma_start3A_967] : memref<16384x128xf32, #tpu.memory_space<hbm>> -> memref<64x128xf32, #tpu.memory_space<hbm>>
      %dma_start3A_969 = arith.constant 0 : i32
      %dma_start3A_970 = arith.constant 0 : i32
      %dma_start3A_971 = tpu.memref_slice %arg14[%run_scoped3A_882, %run_scoped3A_883, %dma_start3A_969, %dma_start3A_970] : memref<4x2x64x128xf32, #tpu.memory_space<vmem>> -> memref<1x1x64x128xf32, #tpu.memory_space<vmem>>
      %dma_start3A_972 = tpu.memref_squeeze %dma_start3A_971 : memref<1x1x64x128xf32, #tpu.memory_space<vmem>> -> memref<64x128xf32, #tpu.memory_space<vmem>>
      tpu.enqueue_dma source(%dma_start3A_972 : memref<64x128xf32, #tpu.memory_space<vmem>>) target(%dma_start3A_968 : memref<64x128xf32, #tpu.memory_space<hbm>>) target_semaphore(%run_scoped3A_960 : memref<!tpu.dma_semaphore, #tpu.memory_space<semaphore_mem>>)
      %dma_wait3A_973 = arith.constant 0 : i32
      %dma_wait3A_974 = arith.constant 0 : i32
      %dma_wait3A_975 = tpu.memref_slice %arg14[%run_scoped3A_882, %run_scoped3A_883, %dma_wait3A_973, %dma_wait3A_974] : memref<4x2x64x128xf32, #tpu.memory_space<vmem>> -> memref<1x1x64x128xf32, #tpu.memory_space<vmem>>
      %dma_wait3A_976 = tpu.memref_squeeze %dma_wait3A_975 : memref<1x1x64x128xf32, #tpu.memory_space<vmem>> -> memref<64x128xf32, #tpu.memory_space<vmem>>
      %dma_wait3A_977 = arith.constant 0 : i32
      %dma_wait3A_978 = tpu.memref_slice %arg9[%add3A_881, %dma_wait3A_977] : memref<16384x128xf32, #tpu.memory_space<hbm>> -> memref<64x128xf32, #tpu.memory_space<hbm>>
      %dma_wait3A_979 = arith.constant 0 : i32
      %dma_wait3A_980 = tpu.memref_slice %arg9[%add3A_881, %dma_wait3A_979] : memref<16384x128xf32, #tpu.memory_space<hbm>> -> memref<64x128xf32, #tpu.memory_space<hbm>>
      %dma_wait3A_981 = arith.constant 0 : i32
      %dma_wait3A_982 = arith.constant 0 : i32
      %dma_wait3A_983 = tpu.memref_slice %arg14[%run_scoped3A_882, %run_scoped3A_883, %dma_wait3A_981, %dma_wait3A_982] : memref<4x2x64x128xf32, #tpu.memory_space<vmem>> -> memref<1x1x64x128xf32, #tpu.memory_space<vmem>>
      %dma_wait3A_984 = tpu.memref_squeeze %dma_wait3A_983 : memref<1x1x64x128xf32, #tpu.memory_space<vmem>> -> memref<64x128xf32, #tpu.memory_space<vmem>>
      tpu.wait_dma2 semaphore(%run_scoped3A_960 : memref<!tpu.dma_semaphore, #tpu.memory_space<semaphore_mem>>) src(%dma_wait3A_984 : memref<64x128xf32, #tpu.memory_space<vmem>>) dst(%dma_wait3A_980 : memref<64x128xf32, #tpu.memory_space<hbm>>)
      tpu.yield
    }) : () -> ()
    %add3A_884 = arith.constant 384 : i32
    %add3A_885 = arith.addi %mul3A_2, %add3A_884 : i32
    %run_scoped3A_886 = arith.constant 2 : i32
    %run_scoped3A_887 = arith.constant 0 : i32
    "tpu.region"() ({
      %run_scoped3A_960 = tpu.sem_alloc : memref<!tpu.dma_semaphore, #tpu.memory_space<semaphore_mem>>
      %dma_start3A_961 = arith.constant 0 : i32
      %dma_start3A_962 = arith.constant 0 : i32
      %dma_start3A_963 = tpu.memref_slice %arg14[%run_scoped3A_886, %run_scoped3A_887, %dma_start3A_961, %dma_start3A_962] : memref<4x2x64x128xf32, #tpu.memory_space<vmem>> -> memref<1x1x64x128xf32, #tpu.memory_space<vmem>>
      %dma_start3A_964 = tpu.memref_squeeze %dma_start3A_963 : memref<1x1x64x128xf32, #tpu.memory_space<vmem>> -> memref<64x128xf32, #tpu.memory_space<vmem>>
      %dma_start3A_965 = arith.constant 0 : i32
      %dma_start3A_966 = tpu.memref_slice %arg10[%add3A_885, %dma_start3A_965] : memref<16384x128xf32, #tpu.memory_space<hbm>> -> memref<64x128xf32, #tpu.memory_space<hbm>>
      %dma_start3A_967 = arith.constant 0 : i32
      %dma_start3A_968 = tpu.memref_slice %arg10[%add3A_885, %dma_start3A_967] : memref<16384x128xf32, #tpu.memory_space<hbm>> -> memref<64x128xf32, #tpu.memory_space<hbm>>
      %dma_start3A_969 = arith.constant 0 : i32
      %dma_start3A_970 = arith.constant 0 : i32
      %dma_start3A_971 = tpu.memref_slice %arg14[%run_scoped3A_886, %run_scoped3A_887, %dma_start3A_969, %dma_start3A_970] : memref<4x2x64x128xf32, #tpu.memory_space<vmem>> -> memref<1x1x64x128xf32, #tpu.memory_space<vmem>>
      %dma_start3A_972 = tpu.memref_squeeze %dma_start3A_971 : memref<1x1x64x128xf32, #tpu.memory_space<vmem>> -> memref<64x128xf32, #tpu.memory_space<vmem>>
      tpu.enqueue_dma source(%dma_start3A_972 : memref<64x128xf32, #tpu.memory_space<vmem>>) target(%dma_start3A_968 : memref<64x128xf32, #tpu.memory_space<hbm>>) target_semaphore(%run_scoped3A_960 : memref<!tpu.dma_semaphore, #tpu.memory_space<semaphore_mem>>)
      %dma_wait3A_973 = arith.constant 0 : i32
      %dma_wait3A_974 = arith.constant 0 : i32
      %dma_wait3A_975 = tpu.memref_slice %arg14[%run_scoped3A_886, %run_scoped3A_887, %dma_wait3A_973, %dma_wait3A_974] : memref<4x2x64x128xf32, #tpu.memory_space<vmem>> -> memref<1x1x64x128xf32, #tpu.memory_space<vmem>>
      %dma_wait3A_976 = tpu.memref_squeeze %dma_wait3A_975 : memref<1x1x64x128xf32, #tpu.memory_space<vmem>> -> memref<64x128xf32, #tpu.memory_space<vmem>>
      %dma_wait3A_977 = arith.constant 0 : i32
      %dma_wait3A_978 = tpu.memref_slice %arg10[%add3A_885, %dma_wait3A_977] : memref<16384x128xf32, #tpu.memory_space<hbm>> -> memref<64x128xf32, #tpu.memory_space<hbm>>
      %dma_wait3A_979 = arith.constant 0 : i32
      %dma_wait3A_980 = tpu.memref_slice %arg10[%add3A_885, %dma_wait3A_979] : memref<16384x128xf32, #tpu.memory_space<hbm>> -> memref<64x128xf32, #tpu.memory_space<hbm>>
      %dma_wait3A_981 = arith.constant 0 : i32
      %dma_wait3A_982 = arith.constant 0 : i32
      %dma_wait3A_983 = tpu.memref_slice %arg14[%run_scoped3A_886, %run_scoped3A_887, %dma_wait3A_981, %dma_wait3A_982] : memref<4x2x64x128xf32, #tpu.memory_space<vmem>> -> memref<1x1x64x128xf32, #tpu.memory_space<vmem>>
      %dma_wait3A_984 = tpu.memref_squeeze %dma_wait3A_983 : memref<1x1x64x128xf32, #tpu.memory_space<vmem>> -> memref<64x128xf32, #tpu.memory_space<vmem>>
      tpu.wait_dma2 semaphore(%run_scoped3A_960 : memref<!tpu.dma_semaphore, #tpu.memory_space<semaphore_mem>>) src(%dma_wait3A_984 : memref<64x128xf32, #tpu.memory_space<vmem>>) dst(%dma_wait3A_980 : memref<64x128xf32, #tpu.memory_space<hbm>>)
      tpu.yield
    }) : () -> ()
    %add3A_888 = arith.constant 384 : i32
    %add3A_889 = arith.addi %mul3A_2, %add3A_888 : i32
    %run_scoped3A_890 = arith.constant 3 : i32
    %run_scoped3A_891 = arith.constant 0 : i32
    "tpu.region"() ({
      %run_scoped3A_960 = tpu.sem_alloc : memref<!tpu.dma_semaphore, #tpu.memory_space<semaphore_mem>>
      %dma_start3A_961 = arith.constant 0 : i32
      %dma_start3A_962 = arith.constant 0 : i32
      %dma_start3A_963 = tpu.memref_slice %arg14[%run_scoped3A_890, %run_scoped3A_891, %dma_start3A_961, %dma_start3A_962] : memref<4x2x64x128xf32, #tpu.memory_space<vmem>> -> memref<1x1x64x128xf32, #tpu.memory_space<vmem>>
      %dma_start3A_964 = tpu.memref_squeeze %dma_start3A_963 : memref<1x1x64x128xf32, #tpu.memory_space<vmem>> -> memref<64x128xf32, #tpu.memory_space<vmem>>
      %dma_start3A_965 = arith.constant 0 : i32
      %dma_start3A_966 = tpu.memref_slice %arg11[%add3A_889, %dma_start3A_965] : memref<16384x128xf32, #tpu.memory_space<hbm>> -> memref<64x128xf32, #tpu.memory_space<hbm>>
      %dma_start3A_967 = arith.constant 0 : i32
      %dma_start3A_968 = tpu.memref_slice %arg11[%add3A_889, %dma_start3A_967] : memref<16384x128xf32, #tpu.memory_space<hbm>> -> memref<64x128xf32, #tpu.memory_space<hbm>>
      %dma_start3A_969 = arith.constant 0 : i32
      %dma_start3A_970 = arith.constant 0 : i32
      %dma_start3A_971 = tpu.memref_slice %arg14[%run_scoped3A_890, %run_scoped3A_891, %dma_start3A_969, %dma_start3A_970] : memref<4x2x64x128xf32, #tpu.memory_space<vmem>> -> memref<1x1x64x128xf32, #tpu.memory_space<vmem>>
      %dma_start3A_972 = tpu.memref_squeeze %dma_start3A_971 : memref<1x1x64x128xf32, #tpu.memory_space<vmem>> -> memref<64x128xf32, #tpu.memory_space<vmem>>
      tpu.enqueue_dma source(%dma_start3A_972 : memref<64x128xf32, #tpu.memory_space<vmem>>) target(%dma_start3A_968 : memref<64x128xf32, #tpu.memory_space<hbm>>) target_semaphore(%run_scoped3A_960 : memref<!tpu.dma_semaphore, #tpu.memory_space<semaphore_mem>>)
      %dma_wait3A_973 = arith.constant 0 : i32
      %dma_wait3A_974 = arith.constant 0 : i32
      %dma_wait3A_975 = tpu.memref_slice %arg14[%run_scoped3A_890, %run_scoped3A_891, %dma_wait3A_973, %dma_wait3A_974] : memref<4x2x64x128xf32, #tpu.memory_space<vmem>> -> memref<1x1x64x128xf32, #tpu.memory_space<vmem>>
      %dma_wait3A_976 = tpu.memref_squeeze %dma_wait3A_975 : memref<1x1x64x128xf32, #tpu.memory_space<vmem>> -> memref<64x128xf32, #tpu.memory_space<vmem>>
      %dma_wait3A_977 = arith.constant 0 : i32
      %dma_wait3A_978 = tpu.memref_slice %arg11[%add3A_889, %dma_wait3A_977] : memref<16384x128xf32, #tpu.memory_space<hbm>> -> memref<64x128xf32, #tpu.memory_space<hbm>>
      %dma_wait3A_979 = arith.constant 0 : i32
      %dma_wait3A_980 = tpu.memref_slice %arg11[%add3A_889, %dma_wait3A_979] : memref<16384x128xf32, #tpu.memory_space<hbm>> -> memref<64x128xf32, #tpu.memory_space<hbm>>
      %dma_wait3A_981 = arith.constant 0 : i32
      %dma_wait3A_982 = arith.constant 0 : i32
      %dma_wait3A_983 = tpu.memref_slice %arg14[%run_scoped3A_890, %run_scoped3A_891, %dma_wait3A_981, %dma_wait3A_982] : memref<4x2x64x128xf32, #tpu.memory_space<vmem>> -> memref<1x1x64x128xf32, #tpu.memory_space<vmem>>
      %dma_wait3A_984 = tpu.memref_squeeze %dma_wait3A_983 : memref<1x1x64x128xf32, #tpu.memory_space<vmem>> -> memref<64x128xf32, #tpu.memory_space<vmem>>
      tpu.wait_dma2 semaphore(%run_scoped3A_960 : memref<!tpu.dma_semaphore, #tpu.memory_space<semaphore_mem>>) src(%dma_wait3A_984 : memref<64x128xf32, #tpu.memory_space<vmem>>) dst(%dma_wait3A_980 : memref<64x128xf32, #tpu.memory_space<hbm>>)
      tpu.yield
    }) : () -> ()
    %dma_wait3A_892 = arith.constant 3 : i32
    %dma_wait3A_893 = arith.constant 0 : i32
    %dma_wait3A_894 = arith.constant 1 : i32
    %dma_wait3A_895 = arith.constant 0 : i32
    %dma_wait3A_896 = arith.constant 0 : i32
    %dma_wait3A_897 = tpu.memref_slice %arg14[%dma_wait3A_893, %dma_wait3A_894, %dma_wait3A_895, %dma_wait3A_896] : memref<4x2x64x128xf32, #tpu.memory_space<vmem>> -> memref<1x1x64x128xf32, #tpu.memory_space<vmem>>
    %dma_wait3A_898 = tpu.memref_squeeze %dma_wait3A_897 : memref<1x1x64x128xf32, #tpu.memory_space<vmem>> -> memref<64x128xf32, #tpu.memory_space<vmem>>
    %dma_wait3A_899 = arith.constant 64 : i32
    %dma_wait3A_900 = tpu.memref_slice %arg12[%dma_wait3A_892, %dma_wait3A_899] : memref<4x128xi32, #tpu.memory_space<vmem>> -> memref<1x64xi32, #tpu.memory_space<vmem>>
    %dma_wait3A_901 = tpu.memref_squeeze %dma_wait3A_900 : memref<1x64xi32, #tpu.memory_space<vmem>> -> memref<64xi32, #tpu.memory_space<vmem>>
    %dma_wait3A_902 = arith.constant 0 : i32
    %dma_wait3A_903 = arith.constant 0 : i32
    %dma_wait3A_904 = tpu.memref_slice %arg4[%dma_wait3A_902, %dma_wait3A_903] : memref<125952x128xf32, #tpu.memory_space<hbm>> -> memref<125952x128xf32, #tpu.memory_space<hbm>>
    tpu.wait_indirect_dma semaphore(%arg15 : memref<!tpu.dma_semaphore, #tpu.memory_space<semaphore_mem>>) src(%dma_wait3A_904 : memref<125952x128xf32, #tpu.memory_space<hbm>>) dst(%dma_wait3A_898 : memref<64x128xf32, #tpu.memory_space<vmem>>)
    %dma_wait3A_905 = arith.constant 3 : i32
    %dma_wait3A_906 = arith.constant 1 : i32
    %dma_wait3A_907 = arith.constant 1 : i32
    %dma_wait3A_908 = arith.constant 0 : i32
    %dma_wait3A_909 = arith.constant 0 : i32
    %dma_wait3A_910 = tpu.memref_slice %arg14[%dma_wait3A_906, %dma_wait3A_907, %dma_wait3A_908, %dma_wait3A_909] : memref<4x2x64x128xf32, #tpu.memory_space<vmem>> -> memref<1x1x64x128xf32, #tpu.memory_space<vmem>>
    %dma_wait3A_911 = tpu.memref_squeeze %dma_wait3A_910 : memref<1x1x64x128xf32, #tpu.memory_space<vmem>> -> memref<64x128xf32, #tpu.memory_space<vmem>>
    %dma_wait3A_912 = arith.constant 64 : i32
    %dma_wait3A_913 = tpu.memref_slice %arg13[%dma_wait3A_905, %dma_wait3A_912] : memref<4x128xi32, #tpu.memory_space<vmem>> -> memref<1x64xi32, #tpu.memory_space<vmem>>
    %dma_wait3A_914 = tpu.memref_squeeze %dma_wait3A_913 : memref<1x64xi32, #tpu.memory_space<vmem>> -> memref<64xi32, #tpu.memory_space<vmem>>
    %dma_wait3A_915 = arith.constant 0 : i32
    %dma_wait3A_916 = arith.constant 0 : i32
    %dma_wait3A_917 = tpu.memref_slice %arg5[%dma_wait3A_915, %dma_wait3A_916] : memref<125952x128xf32, #tpu.memory_space<hbm>> -> memref<125952x128xf32, #tpu.memory_space<hbm>>
    tpu.wait_indirect_dma semaphore(%arg15 : memref<!tpu.dma_semaphore, #tpu.memory_space<semaphore_mem>>) src(%dma_wait3A_917 : memref<125952x128xf32, #tpu.memory_space<hbm>>) dst(%dma_wait3A_911 : memref<64x128xf32, #tpu.memory_space<vmem>>)
    %dma_wait3A_918 = arith.constant 3 : i32
    %dma_wait3A_919 = arith.constant 2 : i32
    %dma_wait3A_920 = arith.constant 1 : i32
    %dma_wait3A_921 = arith.constant 0 : i32
    %dma_wait3A_922 = arith.constant 0 : i32
    %dma_wait3A_923 = tpu.memref_slice %arg14[%dma_wait3A_919, %dma_wait3A_920, %dma_wait3A_921, %dma_wait3A_922] : memref<4x2x64x128xf32, #tpu.memory_space<vmem>> -> memref<1x1x64x128xf32, #tpu.memory_space<vmem>>
    %dma_wait3A_924 = tpu.memref_squeeze %dma_wait3A_923 : memref<1x1x64x128xf32, #tpu.memory_space<vmem>> -> memref<64x128xf32, #tpu.memory_space<vmem>>
    %dma_wait3A_925 = arith.constant 64 : i32
    %dma_wait3A_926 = tpu.memref_slice %arg12[%dma_wait3A_918, %dma_wait3A_925] : memref<4x128xi32, #tpu.memory_space<vmem>> -> memref<1x64xi32, #tpu.memory_space<vmem>>
    %dma_wait3A_927 = tpu.memref_squeeze %dma_wait3A_926 : memref<1x64xi32, #tpu.memory_space<vmem>> -> memref<64xi32, #tpu.memory_space<vmem>>
    %dma_wait3A_928 = arith.constant 0 : i32
    %dma_wait3A_929 = arith.constant 0 : i32
    %dma_wait3A_930 = tpu.memref_slice %arg6[%dma_wait3A_928, %dma_wait3A_929] : memref<125952x128xf32, #tpu.memory_space<hbm>> -> memref<125952x128xf32, #tpu.memory_space<hbm>>
    tpu.wait_indirect_dma semaphore(%arg15 : memref<!tpu.dma_semaphore, #tpu.memory_space<semaphore_mem>>) src(%dma_wait3A_930 : memref<125952x128xf32, #tpu.memory_space<hbm>>) dst(%dma_wait3A_924 : memref<64x128xf32, #tpu.memory_space<vmem>>)
    %dma_wait3A_931 = arith.constant 3 : i32
    %dma_wait3A_932 = arith.constant 3 : i32
    %dma_wait3A_933 = arith.constant 1 : i32
    %dma_wait3A_934 = arith.constant 0 : i32
    %dma_wait3A_935 = arith.constant 0 : i32
    %dma_wait3A_936 = tpu.memref_slice %arg14[%dma_wait3A_932, %dma_wait3A_933, %dma_wait3A_934, %dma_wait3A_935] : memref<4x2x64x128xf32, #tpu.memory_space<vmem>> -> memref<1x1x64x128xf32, #tpu.memory_space<vmem>>
    %dma_wait3A_937 = tpu.memref_squeeze %dma_wait3A_936 : memref<1x1x64x128xf32, #tpu.memory_space<vmem>> -> memref<64x128xf32, #tpu.memory_space<vmem>>
    %dma_wait3A_938 = arith.constant 64 : i32
    %dma_wait3A_939 = tpu.memref_slice %arg13[%dma_wait3A_931, %dma_wait3A_938] : memref<4x128xi32, #tpu.memory_space<vmem>> -> memref<1x64xi32, #tpu.memory_space<vmem>>
    %dma_wait3A_940 = tpu.memref_squeeze %dma_wait3A_939 : memref<1x64xi32, #tpu.memory_space<vmem>> -> memref<64xi32, #tpu.memory_space<vmem>>
    %dma_wait3A_941 = arith.constant 0 : i32
    %dma_wait3A_942 = arith.constant 0 : i32
    %dma_wait3A_943 = tpu.memref_slice %arg7[%dma_wait3A_941, %dma_wait3A_942] : memref<125952x128xf32, #tpu.memory_space<hbm>> -> memref<125952x128xf32, #tpu.memory_space<hbm>>
    tpu.wait_indirect_dma semaphore(%arg15 : memref<!tpu.dma_semaphore, #tpu.memory_space<semaphore_mem>>) src(%dma_wait3A_943 : memref<125952x128xf32, #tpu.memory_space<hbm>>) dst(%dma_wait3A_937 : memref<64x128xf32, #tpu.memory_space<vmem>>)
    %add3A_944 = arith.constant 448 : i32
    %add3A_945 = arith.addi %mul3A_2, %add3A_944 : i32
    %run_scoped3A_946 = arith.constant 0 : i32
    %run_scoped3A_947 = arith.constant 1 : i32
    "tpu.region"() ({
      %run_scoped3A_960 = tpu.sem_alloc : memref<!tpu.dma_semaphore, #tpu.memory_space<semaphore_mem>>
      %dma_start3A_961 = arith.constant 0 : i32
      %dma_start3A_962 = arith.constant 0 : i32
      %dma_start3A_963 = tpu.memref_slice %arg14[%run_scoped3A_946, %run_scoped3A_947, %dma_start3A_961, %dma_start3A_962] : memref<4x2x64x128xf32, #tpu.memory_space<vmem>> -> memref<1x1x64x128xf32, #tpu.memory_space<vmem>>
      %dma_start3A_964 = tpu.memref_squeeze %dma_start3A_963 : memref<1x1x64x128xf32, #tpu.memory_space<vmem>> -> memref<64x128xf32, #tpu.memory_space<vmem>>
      %dma_start3A_965 = arith.constant 0 : i32
      %dma_start3A_966 = tpu.memref_slice %arg8[%add3A_945, %dma_start3A_965] : memref<16384x128xf32, #tpu.memory_space<hbm>> -> memref<64x128xf32, #tpu.memory_space<hbm>>
      %dma_start3A_967 = arith.constant 0 : i32
      %dma_start3A_968 = tpu.memref_slice %arg8[%add3A_945, %dma_start3A_967] : memref<16384x128xf32, #tpu.memory_space<hbm>> -> memref<64x128xf32, #tpu.memory_space<hbm>>
      %dma_start3A_969 = arith.constant 0 : i32
      %dma_start3A_970 = arith.constant 0 : i32
      %dma_start3A_971 = tpu.memref_slice %arg14[%run_scoped3A_946, %run_scoped3A_947, %dma_start3A_969, %dma_start3A_970] : memref<4x2x64x128xf32, #tpu.memory_space<vmem>> -> memref<1x1x64x128xf32, #tpu.memory_space<vmem>>
      %dma_start3A_972 = tpu.memref_squeeze %dma_start3A_971 : memref<1x1x64x128xf32, #tpu.memory_space<vmem>> -> memref<64x128xf32, #tpu.memory_space<vmem>>
      tpu.enqueue_dma source(%dma_start3A_972 : memref<64x128xf32, #tpu.memory_space<vmem>>) target(%dma_start3A_968 : memref<64x128xf32, #tpu.memory_space<hbm>>) target_semaphore(%run_scoped3A_960 : memref<!tpu.dma_semaphore, #tpu.memory_space<semaphore_mem>>)
      %dma_wait3A_973 = arith.constant 0 : i32
      %dma_wait3A_974 = arith.constant 0 : i32
      %dma_wait3A_975 = tpu.memref_slice %arg14[%run_scoped3A_946, %run_scoped3A_947, %dma_wait3A_973, %dma_wait3A_974] : memref<4x2x64x128xf32, #tpu.memory_space<vmem>> -> memref<1x1x64x128xf32, #tpu.memory_space<vmem>>
      %dma_wait3A_976 = tpu.memref_squeeze %dma_wait3A_975 : memref<1x1x64x128xf32, #tpu.memory_space<vmem>> -> memref<64x128xf32, #tpu.memory_space<vmem>>
      %dma_wait3A_977 = arith.constant 0 : i32
      %dma_wait3A_978 = tpu.memref_slice %arg8[%add3A_945, %dma_wait3A_977] : memref<16384x128xf32, #tpu.memory_space<hbm>> -> memref<64x128xf32, #tpu.memory_space<hbm>>
      %dma_wait3A_979 = arith.constant 0 : i32
      %dma_wait3A_980 = tpu.memref_slice %arg8[%add3A_945, %dma_wait3A_979] : memref<16384x128xf32, #tpu.memory_space<hbm>> -> memref<64x128xf32, #tpu.memory_space<hbm>>
      %dma_wait3A_981 = arith.constant 0 : i32
      %dma_wait3A_982 = arith.constant 0 : i32
      %dma_wait3A_983 = tpu.memref_slice %arg14[%run_scoped3A_946, %run_scoped3A_947, %dma_wait3A_981, %dma_wait3A_982] : memref<4x2x64x128xf32, #tpu.memory_space<vmem>> -> memref<1x1x64x128xf32, #tpu.memory_space<vmem>>
      %dma_wait3A_984 = tpu.memref_squeeze %dma_wait3A_983 : memref<1x1x64x128xf32, #tpu.memory_space<vmem>> -> memref<64x128xf32, #tpu.memory_space<vmem>>
      tpu.wait_dma2 semaphore(%run_scoped3A_960 : memref<!tpu.dma_semaphore, #tpu.memory_space<semaphore_mem>>) src(%dma_wait3A_984 : memref<64x128xf32, #tpu.memory_space<vmem>>) dst(%dma_wait3A_980 : memref<64x128xf32, #tpu.memory_space<hbm>>)
      tpu.yield
    }) : () -> ()
    %add3A_948 = arith.constant 448 : i32
    %add3A_949 = arith.addi %mul3A_2, %add3A_948 : i32
    %run_scoped3A_950 = arith.constant 1 : i32
    %run_scoped3A_951 = arith.constant 1 : i32
    "tpu.region"() ({
      %run_scoped3A_960 = tpu.sem_alloc : memref<!tpu.dma_semaphore, #tpu.memory_space<semaphore_mem>>
      %dma_start3A_961 = arith.constant 0 : i32
      %dma_start3A_962 = arith.constant 0 : i32
      %dma_start3A_963 = tpu.memref_slice %arg14[%run_scoped3A_950, %run_scoped3A_951, %dma_start3A_961, %dma_start3A_962] : memref<4x2x64x128xf32, #tpu.memory_space<vmem>> -> memref<1x1x64x128xf32, #tpu.memory_space<vmem>>
      %dma_start3A_964 = tpu.memref_squeeze %dma_start3A_963 : memref<1x1x64x128xf32, #tpu.memory_space<vmem>> -> memref<64x128xf32, #tpu.memory_space<vmem>>
      %dma_start3A_965 = arith.constant 0 : i32
      %dma_start3A_966 = tpu.memref_slice %arg9[%add3A_949, %dma_start3A_965] : memref<16384x128xf32, #tpu.memory_space<hbm>> -> memref<64x128xf32, #tpu.memory_space<hbm>>
      %dma_start3A_967 = arith.constant 0 : i32
      %dma_start3A_968 = tpu.memref_slice %arg9[%add3A_949, %dma_start3A_967] : memref<16384x128xf32, #tpu.memory_space<hbm>> -> memref<64x128xf32, #tpu.memory_space<hbm>>
      %dma_start3A_969 = arith.constant 0 : i32
      %dma_start3A_970 = arith.constant 0 : i32
      %dma_start3A_971 = tpu.memref_slice %arg14[%run_scoped3A_950, %run_scoped3A_951, %dma_start3A_969, %dma_start3A_970] : memref<4x2x64x128xf32, #tpu.memory_space<vmem>> -> memref<1x1x64x128xf32, #tpu.memory_space<vmem>>
      %dma_start3A_972 = tpu.memref_squeeze %dma_start3A_971 : memref<1x1x64x128xf32, #tpu.memory_space<vmem>> -> memref<64x128xf32, #tpu.memory_space<vmem>>
      tpu.enqueue_dma source(%dma_start3A_972 : memref<64x128xf32, #tpu.memory_space<vmem>>) target(%dma_start3A_968 : memref<64x128xf32, #tpu.memory_space<hbm>>) target_semaphore(%run_scoped3A_960 : memref<!tpu.dma_semaphore, #tpu.memory_space<semaphore_mem>>)
      %dma_wait3A_973 = arith.constant 0 : i32
      %dma_wait3A_974 = arith.constant 0 : i32
      %dma_wait3A_975 = tpu.memref_slice %arg14[%run_scoped3A_950, %run_scoped3A_951, %dma_wait3A_973, %dma_wait3A_974] : memref<4x2x64x128xf32, #tpu.memory_space<vmem>> -> memref<1x1x64x128xf32, #tpu.memory_space<vmem>>
      %dma_wait3A_976 = tpu.memref_squeeze %dma_wait3A_975 : memref<1x1x64x128xf32, #tpu.memory_space<vmem>> -> memref<64x128xf32, #tpu.memory_space<vmem>>
      %dma_wait3A_977 = arith.constant 0 : i32
      %dma_wait3A_978 = tpu.memref_slice %arg9[%add3A_949, %dma_wait3A_977] : memref<16384x128xf32, #tpu.memory_space<hbm>> -> memref<64x128xf32, #tpu.memory_space<hbm>>
      %dma_wait3A_979 = arith.constant 0 : i32
      %dma_wait3A_980 = tpu.memref_slice %arg9[%add3A_949, %dma_wait3A_979] : memref<16384x128xf32, #tpu.memory_space<hbm>> -> memref<64x128xf32, #tpu.memory_space<hbm>>
      %dma_wait3A_981 = arith.constant 0 : i32
      %dma_wait3A_982 = arith.constant 0 : i32
      %dma_wait3A_983 = tpu.memref_slice %arg14[%run_scoped3A_950, %run_scoped3A_951, %dma_wait3A_981, %dma_wait3A_982] : memref<4x2x64x128xf32, #tpu.memory_space<vmem>> -> memref<1x1x64x128xf32, #tpu.memory_space<vmem>>
      %dma_wait3A_984 = tpu.memref_squeeze %dma_wait3A_983 : memref<1x1x64x128xf32, #tpu.memory_space<vmem>> -> memref<64x128xf32, #tpu.memory_space<vmem>>
      tpu.wait_dma2 semaphore(%run_scoped3A_960 : memref<!tpu.dma_semaphore, #tpu.memory_space<semaphore_mem>>) src(%dma_wait3A_984 : memref<64x128xf32, #tpu.memory_space<vmem>>) dst(%dma_wait3A_980 : memref<64x128xf32, #tpu.memory_space<hbm>>)
      tpu.yield
    }) : () -> ()
    %add3A_952 = arith.constant 448 : i32
    %add3A_953 = arith.addi %mul3A_2, %add3A_952 : i32
    %run_scoped3A_954 = arith.constant 2 : i32
    %run_scoped3A_955 = arith.constant 1 : i32
    "tpu.region"() ({
      %run_scoped3A_960 = tpu.sem_alloc : memref<!tpu.dma_semaphore, #tpu.memory_space<semaphore_mem>>
      %dma_start3A_961 = arith.constant 0 : i32
      %dma_start3A_962 = arith.constant 0 : i32
      %dma_start3A_963 = tpu.memref_slice %arg14[%run_scoped3A_954, %run_scoped3A_955, %dma_start3A_961, %dma_start3A_962] : memref<4x2x64x128xf32, #tpu.memory_space<vmem>> -> memref<1x1x64x128xf32, #tpu.memory_space<vmem>>
      %dma_start3A_964 = tpu.memref_squeeze %dma_start3A_963 : memref<1x1x64x128xf32, #tpu.memory_space<vmem>> -> memref<64x128xf32, #tpu.memory_space<vmem>>
      %dma_start3A_965 = arith.constant 0 : i32
      %dma_start3A_966 = tpu.memref_slice %arg10[%add3A_953, %dma_start3A_965] : memref<16384x128xf32, #tpu.memory_space<hbm>> -> memref<64x128xf32, #tpu.memory_space<hbm>>
      %dma_start3A_967 = arith.constant 0 : i32
      %dma_start3A_968 = tpu.memref_slice %arg10[%add3A_953, %dma_start3A_967] : memref<16384x128xf32, #tpu.memory_space<hbm>> -> memref<64x128xf32, #tpu.memory_space<hbm>>
      %dma_start3A_969 = arith.constant 0 : i32
      %dma_start3A_970 = arith.constant 0 : i32
      %dma_start3A_971 = tpu.memref_slice %arg14[%run_scoped3A_954, %run_scoped3A_955, %dma_start3A_969, %dma_start3A_970] : memref<4x2x64x128xf32, #tpu.memory_space<vmem>> -> memref<1x1x64x128xf32, #tpu.memory_space<vmem>>
      %dma_start3A_972 = tpu.memref_squeeze %dma_start3A_971 : memref<1x1x64x128xf32, #tpu.memory_space<vmem>> -> memref<64x128xf32, #tpu.memory_space<vmem>>
      tpu.enqueue_dma source(%dma_start3A_972 : memref<64x128xf32, #tpu.memory_space<vmem>>) target(%dma_start3A_968 : memref<64x128xf32, #tpu.memory_space<hbm>>) target_semaphore(%run_scoped3A_960 : memref<!tpu.dma_semaphore, #tpu.memory_space<semaphore_mem>>)
      %dma_wait3A_973 = arith.constant 0 : i32
      %dma_wait3A_974 = arith.constant 0 : i32
      %dma_wait3A_975 = tpu.memref_slice %arg14[%run_scoped3A_954, %run_scoped3A_955, %dma_wait3A_973, %dma_wait3A_974] : memref<4x2x64x128xf32, #tpu.memory_space<vmem>> -> memref<1x1x64x128xf32, #tpu.memory_space<vmem>>
      %dma_wait3A_976 = tpu.memref_squeeze %dma_wait3A_975 : memref<1x1x64x128xf32, #tpu.memory_space<vmem>> -> memref<64x128xf32, #tpu.memory_space<vmem>>
      %dma_wait3A_977 = arith.constant 0 : i32
      %dma_wait3A_978 = tpu.memref_slice %arg10[%add3A_953, %dma_wait3A_977] : memref<16384x128xf32, #tpu.memory_space<hbm>> -> memref<64x128xf32, #tpu.memory_space<hbm>>
      %dma_wait3A_979 = arith.constant 0 : i32
      %dma_wait3A_980 = tpu.memref_slice %arg10[%add3A_953, %dma_wait3A_979] : memref<16384x128xf32, #tpu.memory_space<hbm>> -> memref<64x128xf32, #tpu.memory_space<hbm>>
      %dma_wait3A_981 = arith.constant 0 : i32
      %dma_wait3A_982 = arith.constant 0 : i32
      %dma_wait3A_983 = tpu.memref_slice %arg14[%run_scoped3A_954, %run_scoped3A_955, %dma_wait3A_981, %dma_wait3A_982] : memref<4x2x64x128xf32, #tpu.memory_space<vmem>> -> memref<1x1x64x128xf32, #tpu.memory_space<vmem>>
      %dma_wait3A_984 = tpu.memref_squeeze %dma_wait3A_983 : memref<1x1x64x128xf32, #tpu.memory_space<vmem>> -> memref<64x128xf32, #tpu.memory_space<vmem>>
      tpu.wait_dma2 semaphore(%run_scoped3A_960 : memref<!tpu.dma_semaphore, #tpu.memory_space<semaphore_mem>>) src(%dma_wait3A_984 : memref<64x128xf32, #tpu.memory_space<vmem>>) dst(%dma_wait3A_980 : memref<64x128xf32, #tpu.memory_space<hbm>>)
      tpu.yield
    }) : () -> ()
    %add3A_956 = arith.constant 448 : i32
    %add3A_957 = arith.addi %mul3A_2, %add3A_956 : i32
    %run_scoped3A_958 = arith.constant 3 : i32
    %run_scoped3A_959 = arith.constant 1 : i32
    "tpu.region"() ({
      %run_scoped3A_960 = tpu.sem_alloc : memref<!tpu.dma_semaphore, #tpu.memory_space<semaphore_mem>>
      %dma_start3A_961 = arith.constant 0 : i32
      %dma_start3A_962 = arith.constant 0 : i32
      %dma_start3A_963 = tpu.memref_slice %arg14[%run_scoped3A_958, %run_scoped3A_959, %dma_start3A_961, %dma_start3A_962] : memref<4x2x64x128xf32, #tpu.memory_space<vmem>> -> memref<1x1x64x128xf32, #tpu.memory_space<vmem>>
      %dma_start3A_964 = tpu.memref_squeeze %dma_start3A_963 : memref<1x1x64x128xf32, #tpu.memory_space<vmem>> -> memref<64x128xf32, #tpu.memory_space<vmem>>
      %dma_start3A_965 = arith.constant 0 : i32
      %dma_start3A_966 = tpu.memref_slice %arg11[%add3A_957, %dma_start3A_965] : memref<16384x128xf32, #tpu.memory_space<hbm>> -> memref<64x128xf32, #tpu.memory_space<hbm>>
      %dma_start3A_967 = arith.constant 0 : i32
      %dma_start3A_968 = tpu.memref_slice %arg11[%add3A_957, %dma_start3A_967] : memref<16384x128xf32, #tpu.memory_space<hbm>> -> memref<64x128xf32, #tpu.memory_space<hbm>>
      %dma_start3A_969 = arith.constant 0 : i32
      %dma_start3A_970 = arith.constant 0 : i32
      %dma_start3A_971 = tpu.memref_slice %arg14[%run_scoped3A_958, %run_scoped3A_959, %dma_start3A_969, %dma_start3A_970] : memref<4x2x64x128xf32, #tpu.memory_space<vmem>> -> memref<1x1x64x128xf32, #tpu.memory_space<vmem>>
      %dma_start3A_972 = tpu.memref_squeeze %dma_start3A_971 : memref<1x1x64x128xf32, #tpu.memory_space<vmem>> -> memref<64x128xf32, #tpu.memory_space<vmem>>
      tpu.enqueue_dma source(%dma_start3A_972 : memref<64x128xf32, #tpu.memory_space<vmem>>) target(%dma_start3A_968 : memref<64x128xf32, #tpu.memory_space<hbm>>) target_semaphore(%run_scoped3A_960 : memref<!tpu.dma_semaphore, #tpu.memory_space<semaphore_mem>>)
      %dma_wait3A_973 = arith.constant 0 : i32
      %dma_wait3A_974 = arith.constant 0 : i32
      %dma_wait3A_975 = tpu.memref_slice %arg14[%run_scoped3A_958, %run_scoped3A_959, %dma_wait3A_973, %dma_wait3A_974] : memref<4x2x64x128xf32, #tpu.memory_space<vmem>> -> memref<1x1x64x128xf32, #tpu.memory_space<vmem>>
      %dma_wait3A_976 = tpu.memref_squeeze %dma_wait3A_975 : memref<1x1x64x128xf32, #tpu.memory_space<vmem>> -> memref<64x128xf32, #tpu.memory_space<vmem>>
      %dma_wait3A_977 = arith.constant 0 : i32
      %dma_wait3A_978 = tpu.memref_slice %arg11[%add3A_957, %dma_wait3A_977] : memref<16384x128xf32, #tpu.memory_space<hbm>> -> memref<64x128xf32, #tpu.memory_space<hbm>>
      %dma_wait3A_979 = arith.constant 0 : i32
      %dma_wait3A_980 = tpu.memref_slice %arg11[%add3A_957, %dma_wait3A_979] : memref<16384x128xf32, #tpu.memory_space<hbm>> -> memref<64x128xf32, #tpu.memory_space<hbm>>
      %dma_wait3A_981 = arith.constant 0 : i32
      %dma_wait3A_982 = arith.constant 0 : i32
      %dma_wait3A_983 = tpu.memref_slice %arg14[%run_scoped3A_958, %run_scoped3A_959, %dma_wait3A_981, %dma_wait3A_982] : memref<4x2x64x128xf32, #tpu.memory_space<vmem>> -> memref<1x1x64x128xf32, #tpu.memory_space<vmem>>
      %dma_wait3A_984 = tpu.memref_squeeze %dma_wait3A_983 : memref<1x1x64x128xf32, #tpu.memory_space<vmem>> -> memref<64x128xf32, #tpu.memory_space<vmem>>
      tpu.wait_dma2 semaphore(%run_scoped3A_960 : memref<!tpu.dma_semaphore, #tpu.memory_space<semaphore_mem>>) src(%dma_wait3A_984 : memref<64x128xf32, #tpu.memory_space<vmem>>) dst(%dma_wait3A_980 : memref<64x128xf32, #tpu.memory_space<hbm>>)
      tpu.yield
    }) : () -> ()
    return
  }
}

module attributes {stable_mosaic.version = 14 : i64} {
  func.func @_repack_body(%arg0: i32, %arg1: memref<16x8192xf32, #tpu.memory_space<vmem>>, %arg2: memref<16x8192xf32, #tpu.memory_space<vmem>>, %arg3: memref<16x8192xf32, #tpu.memory_space<vmem>>, %arg4: memref<16x8192xf32, #tpu.memory_space<vmem>>, %arg5: memref<1024x128xf32, #tpu.memory_space<vmem>>, %arg6: memref<1024x128xf32, #tpu.memory_space<vmem>>, %arg7: memref<1024x128xf32, #tpu.memory_space<vmem>>, %arg8: memref<1024x128xf32, #tpu.memory_space<vmem>>) attributes {dimension_semantics = [#tpu.dimension_semantics<arbitrary>], iteration_bounds = array<i64: 123>, scalar_prefetch = 0 : i64, scratch_operands = 0 : i64, tpu.core_type = #tpu.core_type<tc>, window_params = [{transform_indices = @transform_0, window_bounds = array<i64: 16, 8192>}, {transform_indices = @transform_1, window_bounds = array<i64: 16, 8192>}, {transform_indices = @transform_2, window_bounds = array<i64: 16, 8192>}, {transform_indices = @transform_3, window_bounds = array<i64: 16, 8192>}, {transform_indices = @transform_4, window_bounds = array<i64: 1024, 128>}, {transform_indices = @transform_5, window_bounds = array<i64: 1024, 128>}, {transform_indices = @transform_6, window_bounds = array<i64: 1024, 128>}, {transform_indices = @transform_7, window_bounds = array<i64: 1024, 128>}]} {
    %get3A = arith.constant 0 : index
    %get3A_0 = arith.constant 0 : index
    %get3A_1 = vector.load %arg1[%get3A, %get3A_0] : memref<16x8192xf32, #tpu.memory_space<vmem>>, vector<16x8192xf32>
    %reshape3A = vector.shape_cast %get3A_1 : vector<16x8192xf32> to vector<16x8x1024xf32>
    %transpose3A = tpu.transpose %reshape3A, [1, 0, 2] : vector<16x8x1024xf32> -> vector<8x16x1024xf32>
    %reshape3A_2 = vector.shape_cast %transpose3A : vector<8x16x1024xf32> to vector<128x1024xf32>
    %transpose3A_3 = tpu.transpose %reshape3A_2, [1, 0] : vector<128x1024xf32> -> vector<1024x128xf32>
    %swap3A = arith.constant 0 : index
    %swap3A_4 = arith.constant 0 : index
    %swap3A_5 = vector.load %arg5[%swap3A, %swap3A_4] : memref<1024x128xf32, #tpu.memory_space<vmem>>, vector<1024x128xf32>
    tpu.vector_store %arg5[%swap3A, %swap3A_4], %transpose3A_3 {strides = array<i32>} : memref<1024x128xf32, #tpu.memory_space<vmem>>, vector<1024x128xf32>,
    %get3A_6 = arith.constant 0 : index
    %get3A_7 = arith.constant 0 : index
    %get3A_8 = vector.load %arg2[%get3A_6, %get3A_7] : memref<16x8192xf32, #tpu.memory_space<vmem>>, vector<16x8192xf32>
    %reshape3A_9 = vector.shape_cast %get3A_8 : vector<16x8192xf32> to vector<16x8x1024xf32>
    %transpose3A_10 = tpu.transpose %reshape3A_9, [1, 0, 2] : vector<16x8x1024xf32> -> vector<8x16x1024xf32>
    %reshape3A_11 = vector.shape_cast %transpose3A_10 : vector<8x16x1024xf32> to vector<128x1024xf32>
    %transpose3A_12 = tpu.transpose %reshape3A_11, [1, 0] : vector<128x1024xf32> -> vector<1024x128xf32>
    %swap3A_13 = arith.constant 0 : index
    %swap3A_14 = arith.constant 0 : index
    %swap3A_15 = vector.load %arg6[%swap3A_13, %swap3A_14] : memref<1024x128xf32, #tpu.memory_space<vmem>>, vector<1024x128xf32>
    tpu.vector_store %arg6[%swap3A_13, %swap3A_14], %transpose3A_12 {strides = array<i32>} : memref<1024x128xf32, #tpu.memory_space<vmem>>, vector<1024x128xf32>,
    %get3A_16 = arith.constant 0 : index
    %get3A_17 = arith.constant 0 : index
    %get3A_18 = vector.load %arg3[%get3A_16, %get3A_17] : memref<16x8192xf32, #tpu.memory_space<vmem>>, vector<16x8192xf32>
    %reshape3A_19 = vector.shape_cast %get3A_18 : vector<16x8192xf32> to vector<16x8x1024xf32>
    %transpose3A_20 = tpu.transpose %reshape3A_19, [1, 0, 2] : vector<16x8x1024xf32> -> vector<8x16x1024xf32>
    %reshape3A_21 = vector.shape_cast %transpose3A_20 : vector<8x16x1024xf32> to vector<128x1024xf32>
    %transpose3A_22 = tpu.transpose %reshape3A_21, [1, 0] : vector<128x1024xf32> -> vector<1024x128xf32>
    %swap3A_23 = arith.constant 0 : index
    %swap3A_24 = arith.constant 0 : index
    %swap3A_25 = vector.load %arg7[%swap3A_23, %swap3A_24] : memref<1024x128xf32, #tpu.memory_space<vmem>>, vector<1024x128xf32>
    tpu.vector_store %arg7[%swap3A_23, %swap3A_24], %transpose3A_22 {strides = array<i32>} : memref<1024x128xf32, #tpu.memory_space<vmem>>, vector<1024x128xf32>,
    %get3A_26 = arith.constant 0 : index
    %get3A_27 = arith.constant 0 : index
    %get3A_28 = vector.load %arg4[%get3A_26, %get3A_27] : memref<16x8192xf32, #tpu.memory_space<vmem>>, vector<16x8192xf32>
    %reshape3A_29 = vector.shape_cast %get3A_28 : vector<16x8192xf32> to vector<16x8x1024xf32>
    %transpose3A_30 = tpu.transpose %reshape3A_29, [1, 0, 2] : vector<16x8x1024xf32> -> vector<8x16x1024xf32>
    %reshape3A_31 = vector.shape_cast %transpose3A_30 : vector<8x16x1024xf32> to vector<128x1024xf32>
    %transpose3A_32 = tpu.transpose %reshape3A_31, [1, 0] : vector<128x1024xf32> -> vector<1024x128xf32>
    %swap3A_33 = arith.constant 0 : index
    %swap3A_34 = arith.constant 0 : index
    %swap3A_35 = vector.load %arg8[%swap3A_33, %swap3A_34] : memref<1024x128xf32, #tpu.memory_space<vmem>>, vector<1024x128xf32>
    tpu.vector_store %arg8[%swap3A_33, %swap3A_34], %transpose3A_32 {strides = array<i32>} : memref<1024x128xf32, #tpu.memory_space<vmem>>, vector<1024x128xf32>,
    return
  }
  func.func @transform_0(%arg0: i32) -> (i32, i32) {
    %c0_i32 = arith.constant 0 : i32
    %c0_i32_0 = arith.constant 0 : i32
    return %c0_i32, %arg0 : i32, i32
  }
  func.func @transform_1(%arg0: i32) -> (i32, i32) {
    %c0_i32 = arith.constant 0 : i32
    %c0_i32_0 = arith.constant 0 : i32
    return %c0_i32, %arg0 : i32, i32
  }
  func.func @transform_2(%arg0: i32) -> (i32, i32) {
    %c0_i32 = arith.constant 0 : i32
    %c0_i32_0 = arith.constant 0 : i32
    return %c0_i32, %arg0 : i32, i32
  }
  func.func @transform_3(%arg0: i32) -> (i32, i32) {
    %c0_i32 = arith.constant 0 : i32
    %c0_i32_0 = arith.constant 0 : i32
    return %c0_i32, %arg0 : i32, i32
  }
  func.func @transform_4(%arg0: i32) -> (i32, i32) {
    %c0_i32 = arith.constant 0 : i32
    %c0_i32_0 = arith.constant 0 : i32
    return %arg0, %c0_i32 : i32, i32
  }
  func.func @transform_5(%arg0: i32) -> (i32, i32) {
    %c0_i32 = arith.constant 0 : i32
    %c0_i32_0 = arith.constant 0 : i32
    return %arg0, %c0_i32 : i32, i32
  }
  func.func @transform_6(%arg0: i32) -> (i32, i32) {
    %c0_i32 = arith.constant 0 : i32
    %c0_i32_0 = arith.constant 0 : i32
    return %arg0, %c0_i32 : i32, i32
  }
  func.func @transform_7(%arg0: i32) -> (i32, i32) {
    %c0_i32 = arith.constant 0 : i32
    %c0_i32_0 = arith.constant 0 : i32
    return %arg0, %c0_i32 : i32, i32
  }
}

module attributes {stable_mosaic.version = 14 : i64} {
  func.func @_tc_dense_body(%arg0: i32, %arg1: memref<2048x128xf32, #tpu.memory_space<vmem>>, %arg2: memref<2048x128xf32, #tpu.memory_space<vmem>>, %arg3: memref<2048x128xf32, #tpu.memory_space<vmem>>, %arg4: memref<2048x128xf32, #tpu.memory_space<vmem>>, %arg5: memref<2048x1xi32, #tpu.memory_space<vmem>>, %arg6: memref<2048x1xi32, #tpu.memory_space<vmem>>, %arg7: memref<16x64xf32, #tpu.memory_space<vmem>>, %arg8: memref<16x64xf32, #tpu.memory_space<vmem>>, %arg9: memref<1x64xf32, #tpu.memory_space<vmem>>, %arg10: memref<64x32xf32, #tpu.memory_space<vmem>>, %arg11: memref<1x32xf32, #tpu.memory_space<vmem>>, %arg12: memref<1x16xf32, #tpu.memory_space<vmem>>, %arg13: memref<1x32xf32, #tpu.memory_space<vmem>>, %arg14: memref<1x1xf32, #tpu.memory_space<vmem>>, %arg15: memref<2048x1xf32, #tpu.memory_space<vmem>>) attributes {dimension_semantics = [#tpu.dimension_semantics<arbitrary>], iteration_bounds = array<i64: 8>, scalar_prefetch = 0 : i64, scratch_operands = 0 : i64, tpu.core_type = #tpu.core_type<tc>, window_params = [{transform_indices = @transform_0, window_bounds = array<i64: 2048, 128>}, {transform_indices = @transform_1, window_bounds = array<i64: 2048, 128>}, {transform_indices = @transform_2, window_bounds = array<i64: 2048, 128>}, {transform_indices = @transform_3, window_bounds = array<i64: 2048, 128>}, {transform_indices = @transform_4, window_bounds = array<i64: 2048, 1>}, {transform_indices = @transform_5, window_bounds = array<i64: 2048, 1>}, {pipeline_mode = #tpu.pipeline_mode<synchronous>, transform_indices = @transform_6, window_bounds = array<i64: 16, 64>}, {pipeline_mode = #tpu.pipeline_mode<synchronous>, transform_indices = @transform_7, window_bounds = array<i64: 16, 64>}, {pipeline_mode = #tpu.pipeline_mode<synchronous>, transform_indices = @transform_8, window_bounds = array<i64: 1, 64>}, {pipeline_mode = #tpu.pipeline_mode<synchronous>, transform_indices = @transform_9, window_bounds = array<i64: 64, 32>}, {pipeline_mode = #tpu.pipeline_mode<synchronous>, transform_indices = @transform_10, window_bounds = array<i64: 1, 32>}, {pipeline_mode = #tpu.pipeline_mode<synchronous>, transform_indices = @transform_11, window_bounds = array<i64: 1, 16>}, {pipeline_mode = #tpu.pipeline_mode<synchronous>, transform_indices = @transform_12, window_bounds = array<i64: 1, 32>}, {pipeline_mode = #tpu.pipeline_mode<synchronous>, transform_indices = @transform_13, window_bounds = array<i64: 1, 1>}, {transform_indices = @transform_14, window_bounds = array<i64: 2048, 1>}]} {
    %iota3A = tpu.iota {dimensions = array<i32: 1>} : vector<2048x128xi32>
    %jit3A = arith.constant 16 : i32
    %div3A = vector.broadcast %jit3A : i32 to vector<2048x128xi32>
    %div3A_0 = arith.divsi %iota3A, %div3A : vector<2048x128xi32>
    %sign3A = arith.constant 0 : i32
    %sign3A_1 = vector.broadcast %sign3A : i32 to vector<2048x128xi32>
    %sign3A_2 = arith.cmpi sgt, %iota3A, %sign3A_1 : vector<2048x128xi32>
    %sign3A_3 = arith.extui %sign3A_2 : vector<2048x128xi1> to vector<2048x128xi32>
    %sign3A_4 = arith.constant 0 : i32
    %sign3A_5 = vector.broadcast %sign3A_4 : i32 to vector<2048x128xi32>
    %sign3A_6 = arith.cmpi slt, %iota3A, %sign3A_5 : vector<2048x128xi32>
    %sign3A_7 = arith.extui %sign3A_6 : vector<2048x128xi1> to vector<2048x128xi32>
    %sign3A_8 = arith.subi %sign3A_3, %sign3A_7 : vector<2048x128xi32>
    %sign3A_9 = arith.constant 0 : i32
    %sign3A_10 = arith.cmpi sgt, %jit3A, %sign3A_9 : i32
    %sign3A_11 = arith.extui %sign3A_10 : i1 to i32
    %sign3A_12 = arith.constant 0 : i32
    %sign3A_13 = arith.cmpi slt, %jit3A, %sign3A_12 : i32
    %sign3A_14 = arith.extui %sign3A_13 : i1 to i32
    %sign3A_15 = arith.subi %sign3A_11, %sign3A_14 : i32
    %ne3A = vector.broadcast %sign3A_15 : i32 to vector<2048x128xi32>
    %ne3A_16 = arith.cmpi ne, %sign3A_8, %ne3A : vector<2048x128xi32>
    %rem3A = vector.broadcast %jit3A : i32 to vector<2048x128xi32>
    %rem3A_17 = arith.remsi %iota3A, %rem3A : vector<2048x128xi32>
    %ne3A_18 = arith.constant 0 : i32
    %ne3A_19 = vector.broadcast %ne3A_18 : i32 to vector<2048x128xi32>
    %ne3A_20 = arith.cmpi ne, %rem3A_17, %ne3A_19 : vector<2048x128xi32>
    %and3A = arith.andi %ne3A_16, %ne3A_20 : vector<2048x128xi1>
    %sub3A = arith.constant 1 : i32
    %sub3A_21 = vector.broadcast %sub3A : i32 to vector<2048x128xi32>
    %sub3A_22 = arith.subi %div3A_0, %sub3A_21 : vector<2048x128xi32>
    %select_n3A = arith.select %and3A, %sub3A_22, %div3A_0 : vector<2048x128xi1>, vector<2048x128xi32>
    %iota3A_23 = tpu.iota {dimensions = array<i32: 0>} : vector<128x16xi32>
    %jit3A_24 = arith.constant 16 : i32
    %eq3A = arith.constant 0 : i32
    %eq3A_25 = arith.cmpi eq, %jit3A_24, %eq3A : i32
    %jit3A_26 = arith.constant 1 : i32
    %select_n3A_27 = arith.select %eq3A_25, %jit3A_26, %jit3A_24 : i32
    %rem3A_28 = vector.broadcast %select_n3A_27 : i32 to vector<128x16xi32>
    %rem3A_29 = arith.remsi %iota3A_23, %rem3A_28 : vector<128x16xi32>
    %ne3A_30 = arith.constant 0 : i32
    %ne3A_31 = vector.broadcast %ne3A_30 : i32 to vector<128x16xi32>
    %ne3A_32 = arith.cmpi ne, %rem3A_29, %ne3A_31 : vector<128x16xi32>
    %lt3A = arith.constant 0 : i32
    %lt3A_33 = vector.broadcast %lt3A : i32 to vector<128x16xi32>
    %lt3A_34 = arith.cmpi slt, %rem3A_29, %lt3A_33 : vector<128x16xi32>
    %lt3A_35 = arith.constant 0 : i32
    %lt3A_36 = arith.cmpi slt, %select_n3A_27, %lt3A_35 : i32
    %ne3A_37 = vector.broadcast %lt3A_36 : i1 to vector<128x16xi1>
    %ne3A_38 = vector.broadcast %ne3A_37 : vector<128x16xi1> to vector<128x16xi1>
    %ne3A_39 = arith.xori %lt3A_34, %ne3A_38 : vector<128x16xi1>
    %and3A_40 = arith.andi %ne3A_39, %ne3A_32 : vector<128x16xi1>
    %add3A = vector.broadcast %select_n3A_27 : i32 to vector<128x16xi32>
    %add3A_41 = arith.addi %rem3A_29, %add3A : vector<128x16xi32>
    %select_n3A_42 = arith.select %and3A_40, %add3A_41, %rem3A_29 : vector<128x16xi1>, vector<128x16xi32>
    %iota3A_43 = tpu.iota {dimensions = array<i32: 1>} : vector<128x16xi32>
    %eq3A_44 = arith.cmpi eq, %select_n3A_42, %iota3A_43 : vector<128x16xi32>
    %convert_element_type3A = arith.extui %eq3A_44 : vector<128x16xi1> to vector<128x16xi32>
    %convert_element_type3A_45 = arith.sitofp %convert_element_type3A : vector<128x16xi32> to vector<128x16xf32>
    %get3A = arith.constant 0 : index
    %get3A_46 = arith.constant 0 : index
    %get3A_47 = vector.load %arg5[%get3A, %get3A_46] : memref<2048x1xi32, #tpu.memory_space<vmem>>, vector<2048x1xi32>
    %eq3A_48 = vector.broadcast %get3A_47 : vector<2048x1xi32> to vector<2048x128xi32>
    %eq3A_49 = arith.cmpi eq, %select_n3A, %eq3A_48 : vector<2048x128xi32>
    %convert_element_type3A_50 = arith.extui %eq3A_49 : vector<2048x128xi1> to vector<2048x128xi32>
    %convert_element_type3A_51 = arith.sitofp %convert_element_type3A_50 : vector<2048x128xi32> to vector<2048x128xf32>
    %get3A_52 = arith.constant 0 : index
    %get3A_53 = arith.constant 0 : index
    %get3A_54 = vector.load %arg6[%get3A_52, %get3A_53] : memref<2048x1xi32, #tpu.memory_space<vmem>>, vector<2048x1xi32>
    %eq3A_55 = vector.broadcast %get3A_54 : vector<2048x1xi32> to vector<2048x128xi32>
    %eq3A_56 = arith.cmpi eq, %select_n3A, %eq3A_55 : vector<2048x128xi32>
    %convert_element_type3A_57 = arith.extui %eq3A_56 : vector<2048x128xi1> to vector<2048x128xi32>
    %convert_element_type3A_58 = arith.sitofp %convert_element_type3A_57 : vector<2048x128xi32> to vector<2048x128xf32>
    %get3A_59 = arith.constant 0 : index
    %get3A_60 = arith.constant 0 : index
    %get3A_61 = vector.load %arg1[%get3A_59, %get3A_60] : memref<2048x128xf32, #tpu.memory_space<vmem>>, vector<2048x128xf32>
    %mul3A = arith.mulf %get3A_61, %convert_element_type3A_51 : vector<2048x128xf32>
    %dot_general3A = arith.constant dense<0.000000e+00> : vector<2048x16xf32>
    %dot_general3A_62 = tpu.matmul %mul3A, %convert_element_type3A_45, %dot_general3A {dimension_numbers = #tpu.dot_dimension_numbers<[1], [0], [0], [1], [0, 0, 1, 1], [], []>, transpose_lhs_hint = false} : vector<2048x128xf32>, vector<128x16xf32>, vector<2048x16xf32> -> vector<2048x16xf32>
    %get3A_63 = arith.constant 0 : index
    %get3A_64 = arith.constant 0 : index
    %get3A_65 = vector.load %arg2[%get3A_63, %get3A_64] : memref<2048x128xf32, #tpu.memory_space<vmem>>, vector<2048x128xf32>
    %mul3A_66 = arith.mulf %get3A_65, %convert_element_type3A_58 : vector<2048x128xf32>
    %dot_general3A_67 = arith.constant dense<0.000000e+00> : vector<2048x16xf32>
    %dot_general3A_68 = tpu.matmul %mul3A_66, %convert_element_type3A_45, %dot_general3A_67 {dimension_numbers = #tpu.dot_dimension_numbers<[1], [0], [0], [1], [0, 0, 1, 1], [], []>, transpose_lhs_hint = false} : vector<2048x128xf32>, vector<128x16xf32>, vector<2048x16xf32> -> vector<2048x16xf32>
    %get3A_69 = arith.constant 0 : index
    %get3A_70 = arith.constant 0 : index
    %get3A_71 = vector.load %arg3[%get3A_69, %get3A_70] : memref<2048x128xf32, #tpu.memory_space<vmem>>, vector<2048x128xf32>
    %mul3A_72 = arith.mulf %get3A_71, %convert_element_type3A_51 : vector<2048x128xf32>
    %dot_general3A_73 = arith.constant dense<0.000000e+00> : vector<2048x16xf32>
    %dot_general3A_74 = tpu.matmul %mul3A_72, %convert_element_type3A_45, %dot_general3A_73 {dimension_numbers = #tpu.dot_dimension_numbers<[1], [0], [0], [1], [0, 0, 1, 1], [], []>, transpose_lhs_hint = false} : vector<2048x128xf32>, vector<128x16xf32>, vector<2048x16xf32> -> vector<2048x16xf32>
    %get3A_75 = arith.constant 0 : index
    %get3A_76 = arith.constant 0 : index
    %get3A_77 = vector.load %arg4[%get3A_75, %get3A_76] : memref<2048x128xf32, #tpu.memory_space<vmem>>, vector<2048x128xf32>
    %mul3A_78 = arith.mulf %get3A_77, %convert_element_type3A_58 : vector<2048x128xf32>
    %dot_general3A_79 = arith.constant dense<0.000000e+00> : vector<2048x16xf32>
    %dot_general3A_80 = tpu.matmul %mul3A_78, %convert_element_type3A_45, %dot_general3A_79 {dimension_numbers = #tpu.dot_dimension_numbers<[1], [0], [0], [1], [0, 0, 1, 1], [], []>, transpose_lhs_hint = false} : vector<2048x128xf32>, vector<128x16xf32>, vector<2048x16xf32> -> vector<2048x16xf32>
    %get3A_81 = arith.constant 0 : index
    %get3A_82 = arith.constant 0 : index
    %get3A_83 = vector.load %arg7[%get3A_81, %get3A_82] : memref<16x64xf32, #tpu.memory_space<vmem>>, vector<16x64xf32>
    %dot_general3A_84 = arith.constant dense<0.000000e+00> : vector<2048x64xf32>
    %dot_general3A_85 = tpu.matmul %dot_general3A_74, %get3A_83, %dot_general3A_84 {dimension_numbers = #tpu.dot_dimension_numbers<[1], [0], [0], [1], [0, 0, 1, 1], [], []>, transpose_lhs_hint = false} : vector<2048x16xf32>, vector<16x64xf32>, vector<2048x64xf32> -> vector<2048x64xf32>
    %get3A_86 = arith.constant 0 : index
    %get3A_87 = arith.constant 0 : index
    %get3A_88 = vector.load %arg8[%get3A_86, %get3A_87] : memref<16x64xf32, #tpu.memory_space<vmem>>, vector<16x64xf32>
    %dot_general3A_89 = arith.constant dense<0.000000e+00> : vector<2048x64xf32>
    %dot_general3A_90 = tpu.matmul %dot_general3A_80, %get3A_88, %dot_general3A_89 {dimension_numbers = #tpu.dot_dimension_numbers<[1], [0], [0], [1], [0, 0, 1, 1], [], []>, transpose_lhs_hint = false} : vector<2048x16xf32>, vector<16x64xf32>, vector<2048x64xf32> -> vector<2048x64xf32>
    %add3A_91 = arith.addf %dot_general3A_85, %dot_general3A_90 : vector<2048x64xf32>
    %get3A_92 = arith.constant 0 : index
    %get3A_93 = arith.constant 0 : index
    %get3A_94 = vector.load %arg9[%get3A_92, %get3A_93] : memref<1x64xf32, #tpu.memory_space<vmem>>, vector<1x64xf32>
    %add3A_95 = vector.broadcast %get3A_94 : vector<1x64xf32> to vector<2048x64xf32>
    %add3A_96 = arith.addf %add3A_91, %add3A_95 : vector<2048x64xf32>
    %max3A = arith.constant 0.000000e+00 : f32
    %max3A_97 = vector.broadcast %max3A : f32 to vector<2048x64xf32>
    %max3A_98 = arith.maximumf %add3A_96, %max3A_97 : vector<2048x64xf32>
    %get3A_99 = arith.constant 0 : index
    %get3A_100 = arith.constant 0 : index
    %get3A_101 = vector.load %arg10[%get3A_99, %get3A_100] : memref<64x32xf32, #tpu.memory_space<vmem>>, vector<64x32xf32>
    %dot_general3A_102 = arith.constant dense<0.000000e+00> : vector<2048x32xf32>
    %dot_general3A_103 = tpu.matmul %max3A_98, %get3A_101, %dot_general3A_102 {dimension_numbers = #tpu.dot_dimension_numbers<[1], [0], [0], [1], [0, 0, 1, 1], [], []>, transpose_lhs_hint = false} : vector<2048x64xf32>, vector<64x32xf32>, vector<2048x32xf32> -> vector<2048x32xf32>
    %get3A_104 = arith.constant 0 : index
    %get3A_105 = arith.constant 0 : index
    %get3A_106 = vector.load %arg11[%get3A_104, %get3A_105] : memref<1x32xf32, #tpu.memory_space<vmem>>, vector<1x32xf32>
    %add3A_107 = vector.broadcast %get3A_106 : vector<1x32xf32> to vector<2048x32xf32>
    %add3A_108 = arith.addf %dot_general3A_103, %add3A_107 : vector<2048x32xf32>
    %max3A_109 = arith.constant 0.000000e+00 : f32
    %max3A_110 = vector.broadcast %max3A_109 : f32 to vector<2048x32xf32>
    %max3A_111 = arith.maximumf %add3A_108, %max3A_110 : vector<2048x32xf32>
    %mul3A_112 = arith.mulf %dot_general3A_62, %dot_general3A_68 : vector<2048x16xf32>
    %get3A_113 = arith.constant 0 : index
    %get3A_114 = arith.constant 0 : index
    %get3A_115 = vector.load %arg12[%get3A_113, %get3A_114] : memref<1x16xf32, #tpu.memory_space<vmem>>, vector<1x16xf32>
    %mul3A_116 = vector.broadcast %get3A_115 : vector<1x16xf32> to vector<2048x16xf32>
    %mul3A_117 = arith.mulf %mul3A_112, %mul3A_116 : vector<2048x16xf32>
    %reduce_sum3A = arith.constant dense<0.000000e+00> : vector<2048xf32>
    %reduce_sum3A_118 = vector.multi_reduction <add>, %mul3A_117, %reduce_sum3A [1] : vector<2048x16xf32> to vector<2048xf32>
    %broadcast_in_dim3A = vector.shape_cast %reduce_sum3A_118 : vector<2048xf32> to vector<2048x1xf32>
    %get3A_119 = arith.constant 0 : index
    %get3A_120 = arith.constant 0 : index
    %get3A_121 = vector.load %arg13[%get3A_119, %get3A_120] : memref<1x32xf32, #tpu.memory_space<vmem>>, vector<1x32xf32>
    %mul3A_122 = vector.broadcast %get3A_121 : vector<1x32xf32> to vector<2048x32xf32>
    %mul3A_123 = arith.mulf %max3A_111, %mul3A_122 : vector<2048x32xf32>
    %reduce_sum3A_124 = arith.constant dense<0.000000e+00> : vector<2048xf32>
    %reduce_sum3A_125 = vector.multi_reduction <add>, %mul3A_123, %reduce_sum3A_124 [1] : vector<2048x32xf32> to vector<2048xf32>
    %broadcast_in_dim3A_126 = vector.shape_cast %reduce_sum3A_125 : vector<2048xf32> to vector<2048x1xf32>
    %add3A_127 = arith.addf %broadcast_in_dim3A, %broadcast_in_dim3A_126 : vector<2048x1xf32>
    %get3A_128 = arith.constant 0 : index
    %get3A_129 = arith.constant 0 : index
    %get3A_130 = vector.load %arg14[%get3A_128, %get3A_129] : memref<1x1xf32, #tpu.memory_space<vmem>>, vector<1x1xf32>
    %get3A_131 = vector.extract %get3A_130[0, 0] : f32 from vector<1x1xf32>
    %add3A_132 = vector.broadcast %get3A_131 : f32 to vector<2048x1xf32>
    %add3A_133 = arith.addf %add3A_127, %add3A_132 : vector<2048x1xf32>
    %neg3A = arith.constant 0.000000e+00 : f32
    %neg3A_134 = vector.broadcast %neg3A : f32 to vector<2048x1xf32>
    %neg3A_135 = arith.subf %neg3A_134, %add3A_133 : vector<2048x1xf32>
    %exp3A = math.exp %neg3A_135 : vector<2048x1xf32>
    %add3A_136 = arith.constant 1.000000e+00 : f32
    %add3A_137 = vector.broadcast %add3A_136 : f32 to vector<2048x1xf32>
    %add3A_138 = arith.addf %add3A_137, %exp3A : vector<2048x1xf32>
    %div3A_139 = arith.constant 1.000000e+00 : f32
    %div3A_140 = vector.broadcast %div3A_139 : f32 to vector<2048x1xf32>
    %div3A_141 = arith.divf %div3A_140, %add3A_138 : vector<2048x1xf32>
    %swap3A = arith.constant 0 : index
    %swap3A_142 = arith.constant 0 : index
    %swap3A_143 = vector.load %arg15[%swap3A, %swap3A_142] : memref<2048x1xf32, #tpu.memory_space<vmem>>, vector<2048x1xf32>
    tpu.vector_store %arg15[%swap3A, %swap3A_142], %div3A_141 {strides = array<i32>} : memref<2048x1xf32, #tpu.memory_space<vmem>>, vector<2048x1xf32>,
    return
  }
  func.func @transform_0(%arg0: i32) -> (i32, i32) {
    %c0_i32 = arith.constant 0 : i32
    %c0_i32_0 = arith.constant 0 : i32
    return %arg0, %c0_i32 : i32, i32
  }
  func.func @transform_1(%arg0: i32) -> (i32, i32) {
    %c0_i32 = arith.constant 0 : i32
    %c0_i32_0 = arith.constant 0 : i32
    return %arg0, %c0_i32 : i32, i32
  }
  func.func @transform_2(%arg0: i32) -> (i32, i32) {
    %c0_i32 = arith.constant 0 : i32
    %c0_i32_0 = arith.constant 0 : i32
    return %arg0, %c0_i32 : i32, i32
  }
  func.func @transform_3(%arg0: i32) -> (i32, i32) {
    %c0_i32 = arith.constant 0 : i32
    %c0_i32_0 = arith.constant 0 : i32
    return %arg0, %c0_i32 : i32, i32
  }
  func.func @transform_4(%arg0: i32) -> (i32, i32) {
    %c0_i32 = arith.constant 0 : i32
    %c0_i32_0 = arith.constant 0 : i32
    return %arg0, %c0_i32 : i32, i32
  }
  func.func @transform_5(%arg0: i32) -> (i32, i32) {
    %c0_i32 = arith.constant 0 : i32
    %c0_i32_0 = arith.constant 0 : i32
    return %arg0, %c0_i32 : i32, i32
  }
  func.func @transform_6(%arg0: i32) -> (i32, i32) {
    %c0_i32 = arith.constant 0 : i32
    %c0_i32_0 = arith.constant 0 : i32
    %c0_i32_1 = arith.constant 0 : i32
    return %c0_i32, %c0_i32_0 : i32, i32
  }
  func.func @transform_7(%arg0: i32) -> (i32, i32) {
    %c0_i32 = arith.constant 0 : i32
    %c0_i32_0 = arith.constant 0 : i32
    %c0_i32_1 = arith.constant 0 : i32
    return %c0_i32, %c0_i32_0 : i32, i32
  }
  func.func @transform_8(%arg0: i32) -> (i32, i32) {
    %c0_i32 = arith.constant 0 : i32
    %c0_i32_0 = arith.constant 0 : i32
    %c0_i32_1 = arith.constant 0 : i32
    return %c0_i32, %c0_i32_0 : i32, i32
  }
  func.func @transform_9(%arg0: i32) -> (i32, i32) {
    %c0_i32 = arith.constant 0 : i32
    %c0_i32_0 = arith.constant 0 : i32
    %c0_i32_1 = arith.constant 0 : i32
    return %c0_i32, %c0_i32_0 : i32, i32
  }
  func.func @transform_10(%arg0: i32) -> (i32, i32) {
    %c0_i32 = arith.constant 0 : i32
    %c0_i32_0 = arith.constant 0 : i32
    %c0_i32_1 = arith.constant 0 : i32
    return %c0_i32, %c0_i32_0 : i32, i32
  }
  func.func @transform_11(%arg0: i32) -> (i32, i32) {
    %c0_i32 = arith.constant 0 : i32
    %c0_i32_0 = arith.constant 0 : i32
    %c0_i32_1 = arith.constant 0 : i32
    return %c0_i32, %c0_i32_0 : i32, i32
  }
  func.func @transform_12(%arg0: i32) -> (i32, i32) {
    %c0_i32 = arith.constant 0 : i32
    %c0_i32_0 = arith.constant 0 : i32
    %c0_i32_1 = arith.constant 0 : i32
    return %c0_i32, %c0_i32_0 : i32, i32
  }
  func.func @transform_13(%arg0: i32) -> (i32, i32) {
    %c0_i32 = arith.constant 0 : i32
    %c0_i32_0 = arith.constant 0 : i32
    %c0_i32_1 = arith.constant 0 : i32
    return %c0_i32, %c0_i32_0 : i32, i32
  }
  func.func @transform_14(%arg0: i32) -> (i32, i32) {
    %c0_i32 = arith.constant 0 : i32
    %c0_i32_0 = arith.constant 0 : i32
    return %arg0, %c0_i32 : i32, i32
  }
}

</mosaic_0001>

<sc_bundles>
// kernel: kernel.5.cloned.1.call-start
scs
__scs_entry_jumppad:
0x0: {  	(pc) =	sbr.rel $0x88, $3  }
0x1: {  	(tag) =	ssettag $0x0;
	lr =	simm.s32 $0x1  }
0x2: {  	[smem:$0x3F95] =	sst lr;
	_ =	strace $0xD0000000  }
0x3: {  	_ = 	snop  }
0x4: {  	_ = 	snop  }
0x5: {  	_ = 	snop  }
0x6: {  	_ = 	snop  }
0x7: {  	_ = 	snop  }
__scs_overlays_trampoline_lowered:
0x8: {  	[smem:$0x3FA4] =	sst s0  }
0x9: {  	[smem:$0x3FA5] =	sst s1  }
0xa: {  	[smem:$0x3FA6] =	sst s2  }
0xb: {  	[smem:$0x3FA7] =	sst s3  }
0xc: {  	[smem:$0x3FA8] =	sst s4  }
0xd: {  	[smem:$0x3FA9] =	sst s5  }
0xe: {  	[smem:$0x3FAA] =	sst s6  }
0xf: {  	[smem:$0x3FAB] =	sst s7  }
0x10: {  	[smem:$0x3FAC] =	sst s8  }
0x11: {  	[smem:$0x3FAD] =	sst s9;
	s0 =	simm.s32 @!p0 $0x0  }
0x12: {  	s1 =	sld [smem:$0x3F93];
	s0 =	simm.s32 @p0 $0x1  }
0x13: {  	[smem:$0x3FAE] =	sst s0;
	s0 =	simm.s32 @!p1 $0x0  }
0x14: {  	s2 =	sld [smem:$0x3F92];
	s0 =	simm.s32 @p1 $0x1  }
0x15: {  	[smem:$0x3FAF] =	sst s0;
	s0 =	simm.s32 @!p2 $0x0  }
0x16: {  	s3 =	sld [smem:$0x3FDB];
	s0 =	simm.s32 @p2 $0x1  }
0x17: {  	s4 =	simm.s32 $0x1BF5;
	[smem:$0x3FB1] =	sst s0  }
0x18: {  	s0 =	sld [smem:$0x3F94];
	_ =	swait.ge [sflag:s4], $0x0  }
0x19: {  	s7 =	sld [smem:$0x3F95]  }
0x1a: {  	s8 =	sadd.s32 $0xFFFFE003, lr  }
0x1b: {  	s9 =	sadd.s32 $0xFFFFFEF7, lr;
	s5 =	simm.s32 $0xFFFFFFFF;
	p2 =	slt.u32 s8, $0xFFFFF086  }
0x1c: {  	p1 =	slt.u32 s9, $0xF7A;
	s5 =	simm.s32 @!p2 $0x0  }
0x1d: {  	s5 =	simm.s32 @p1 $0x1;
	p0 =	seq.s32 s7, s2  }
0x1e: {  	s7 =	smul.u32 @!p0 $0xF7A, s2;
	p2 =	seq.s32 @!p0 s5, $0x0  }
0x1f: {  	s9 =	smul.u32 $0xF7A, s1;
	s8 =	simm.s32 @!p0 $0x1BF5;
	p2 =	por !p2, p0  }
0x20: {  	[sflag:s8] =	ssyncset.s32 @!p0 $0xFFFFF086;
	s6 =	sadd.s32 @!p0 s3, s7;
	s7 =	simm.s32 @!p0 $0x108  }
0x21: {  	s3 =	sadd.s32 s3, s9;
	s6 =	sadd.s32 @!p0 $0x88, s6;
	s7 =	simm.s32 @p2 $0x1082  }
0x22: {  	[simem:s7], [sflag:s8] =	dma.local @!p0 [hbm:s6], $0xF7A  }
0x23: {  	s9 =	sor.u32 $0xD0000000, s2;
	s6 =	simm.s32 $0x108;
	_ =	swait.ge @!p0 [sflag:s8], $0x0  }
0x24: {  	s3 =	sadd.s32 $0x88, s3;
	s6 =	simm.s32 @!p1 $0x1082;
	[sflag:s4] =	ssyncset.s32 $0xFFFFF086  }
0x25: {  	[simem:s6], [sflag:s4] =	dma.local [hbm:s3], $0xF7A  }
0x26: {  	[smem:$0x3F95] =	sst s1;
	(tag) =	ssettag s2;
	_ =	strace s9  }
0x27: {  	s1 =	sld [smem:$0x3FA5]  }
0x28: {  	s2 =	sld [smem:$0x3FA6]  }
0x29: {  	s4 =	sld [smem:$0x3FA8]  }
0x2a: {  	p0 =	seq.s32 s5, $0x0;
	s5 =	sld [smem:$0x3FA9]  }
0x2b: {  	s6 =	sld [smem:$0x3FAA]  }
0x2c: {  	s7 =	sld [smem:$0x3FAB]  }
0x2d: {  	s3 =	simm.s32 $0x108;
	s8 =	sld [smem:$0x3FAC]  }
0x2e: {  	s3 =	simm.s32 @!p0 $0x1082;
	s9 =	sld [smem:$0x3FAD]  }
0x2f: {  	lr =	sadd.s32 s0, s3;
	s0 =	sld [smem:$0x3FA4]  }
0x30: {  	s3 =	sld [smem:$0x3FA7]  }
0x31: {  	[smem:$0x3FB0] =	sst s10  }
0x32: {  	s10 =	sld [smem:$0x3FAE];
	_ =	sdelay $0x3  }
0x33: {  	p0 =	seq.s32 s10, $0x1;
	s10 =	sld [smem:$0x3FB0];
	_ =	sdelay $0x3  }
0x34: {  	[smem:$0x3FB0] =	sst s10  }
0x35: {  	s10 =	sld [smem:$0x3FAF];
	_ =	sdelay $0x3  }
0x36: {  	p1 =	seq.s32 s10, $0x1;
	s10 =	sld [smem:$0x3FB0];
	_ =	sdelay $0x3  }
0x37: {  	[smem:$0x3FB0] =	sst s10  }
0x38: {  	s10 =	sld [smem:$0x3FB1]  }
0x39: {  	_ = 	snop;
	(pc) =	sbr.ind lr, $3  }
0x3a: {  	_ = 	snop  }
0x3b: {  	_ = 	snop  }
0x3c: {  	p2 =	seq.s32 s10, $0x1;
	s10 =	sld [smem:$0x3FB0]  }
0x3d: {  	_ =	shalt  }
0x3e: {  	_ =	shalt  }
0x3f: {  	_ =	shalt  }
0x40: {  	_ =	shalt  }
0x41: {  	_ =	shalt  }
0x42: {  	_ =	shalt  }
0x43: {  	_ =	shalt  }
0x44: {  	_ =	shalt  }
0x45: {  	_ =	shalt  }
0x46: {  	_ =	shalt  }
0x47: {  	_ =	shalt  }
0x48: {  	_ =	shalt  }
0x49: {  	_ =	shalt  }
0x4a: {  	_ =	shalt  }
0x4b: {  	_ =	shalt  }
0x4c: {  	_ =	shalt  }
0x4d: {  	_ =	shalt  }
0x4e: {  	_ =	shalt  }
0x4f: {  	_ =	shalt  }
0x50: {  	_ =	shalt  }
0x51: {  	_ =	shalt  }
0x52: {  	_ =	shalt  }
0x53: {  	_ =	shalt  }
0x54: {  	_ =	shalt  }
0x55: {  	_ =	shalt  }
0x56: {  	_ =	shalt  }
0x57: {  	_ =	shalt  }
0x58: {  	_ =	shalt  }
0x59: {  	_ =	shalt  }
0x5a: {  	_ =	shalt  }
0x5b: {  	_ =	shalt  }
0x5c: {  	_ =	shalt  }
0x5d: {  	_ =	shalt  }
0x5e: {  	_ =	shalt  }
0x5f: {  	_ =	shalt  }
0x60: {  	_ =	shalt  }
0x61: {  	_ =	shalt  }
0x62: {  	_ =	shalt  }
0x63: {  	_ =	shalt  }
0x64: {  	_ =	shalt  }
0x65: {  	_ =	shalt  }
0x66: {  	_ =	shalt  }
0x67: {  	_ =	shalt  }
0x68: {  	_ =	shalt  }
0x69: {  	_ =	shalt  }
0x6a: {  	_ =	shalt  }
0x6b: {  	_ =	shalt  }
0x6c: {  	_ =	shalt  }
0x6d: {  	_ =	shalt  }
0x6e: {  	_ =	shalt  }
0x6f: {  	_ =	shalt  }
0x70: {  	_ =	shalt  }
0x71: {  	_ =	shalt  }
0x72: {  	_ =	shalt  }
0x73: {  	_ =	shalt  }
0x74: {  	_ =	shalt  }
0x75: {  	_ =	shalt  }
0x76: {  	_ =	shalt  }
0x77: {  	_ =	shalt  }
0x78: {  	_ =	shalt  }
0x79: {  	_ =	shalt  }
0x7a: {  	_ =	shalt  }
0x7b: {  	_ =	shalt  }
0x7c: {  	_ =	shalt  }
0x7d: {  	_ =	shalt  }
0x7e: {  	_ =	shalt  }
0x7f: {  	_ =	shalt  }
0x80: {  	_ =	shalt  }
0x81: {  	_ =	shalt  }
0x82: {  	_ =	shalt  }
0x83: {  	_ =	shalt  }
0x84: {  	_ =	shalt  }
0x85: {  	_ =	shalt  }
0x86: {  	_ =	shalt  }
0x87: {  	_ =	shalt  }
.Lfunc_end0:
.L_simem_size_0:
called_computation_lowered:
.L_overlay_start_0:
0x88: {  	s2 =	sld [smem:$0x3FD9]  }
0x89: {  	s3 =	sld [smem:$0x3FFE];
	_ =	sdelay $0x1  }
0x8a: {  	s1 =	srdreg.scid  }
0x8b: {  	s0 =	sand.u32 $0x1, s1  }
0x8c: {  	s16 =	sshll.u32 s0, $0xA;
	s2 =	sadd.s32 s3, s2  }
0x8d: {  	s2 =	sadd.s32 s2, s16  }
0x8e: {  	[smem:$0x3FBC] =	sst s2  }
0x8f: {  	_ = 	snop  }
0x90: {  	(tm) =	ssettm $0x1  }
0x91: {  	s17 =	sld [smem:$0x3FFB];
	_ =	sdelay $0x3  }
0x92: {  	_ =	strace s17  }
0x93: {  	s2 =	sld [smem:$0x3FFC];
	_ =	sdelay $0x3  }
0x94: {  	_ =	strace s2  }
0x95: {  	s2 =	sld [smem:$0x3FFD];
	_ =	sdelay $0x3  }
0x96: {  	_ =	strace s2  }
0x97: {  	_ =	strace $0x8FFFFFFF  }
0x98: {  	s18 =	sld [smem:$0x3FDB];
	_ =	sdelay $0x1  }
0x99: {  	s19 =	simm.s32 $_scs_section_size  }
0x9a: {  	s4 =	simm.s32 $_size__tile_overlayer_lowered;
	s5 =	simm.s32 $_tile_overlayer_lowered  }
0x9b: {  	s22 =	simm.s32 $0x1BFF;
	s21 =	sshll.u32 s5, $0x1;
	s2 =	sadd.s32 s19, s18  }
0x9c: {  	s6 =	simm.s32 $0x0;
	s20 =	sshll.u32 s4, $0x1;
	s4 =	sadd.s32 s21, s2  }
0x9d: {  	[timem:s6], [sflag:s22] =	dma.local [hbm:s4], s20  }
0x9e: {  	_ =	swait.ge [sflag:s22], s20  }
0x9f: {  	s3 =	ssub.s32 $0x0, s20;
	[sflag:s22] =	ssyncset.done $0x0  }
0xa0: {  	[sflag:s22] =	ssyncadd.s32 s3;
	_ =	sdelay $0x1  }
0xa1: {  	s23 =	simm.s32 $0x1B8B  }
0xa2: {  	_ =	swait.ge [sflag:s23], $0x1  }
0xa3: {  	[sflag:s23] =	ssyncset.done $0x0  }
0xa4: {  	s25 =	simm.s32 $0x1B8E;
	s24 =	sld [smem:$0x3FFE];
	[sflag:s23] =	ssyncadd.s32 $0xFFFFFFFF  }
0xa5: {  	s26 =	simm.s32 $execute0_lowered;
	[smem:$0x3FD2] =	sst s25  }
0xa6: {  	s4 =	sshll.u32 s26, $0x1;
	_ =	strace $0x80000046;
	[dreg:$0x1] =	wrdreg $0xFFFFFFFF  }
0xa7: {  	s28 =	simm.s32 $_size_execute0_lowered;
	s2 =	sadd.s32 s2, s4;
	[dreg:$0x0] =	wrdreg $0x0  }
0xa8: {  	s4 =	sshll.u32 s28, $0x1;
	[dreg:$0x2] =	wrdreg s2  }
0xa9: {  	[dreg:$0x3] =	wrdreg s4  }
0xaa: {  	[dreg:$0x4] =	wrdreg $0xC0  }
0xab: {  	_ =	task [dreg:s6], $0x5FFFF  }
0xac: {  	[dreg:$0x1] =	wrdreg $0xFFFFFFFF  }
0xad: {  	[dreg:$0x0] =	wrdreg $0x60  }
0xae: {  	[dreg:$0x2] =	wrdreg s24  }
0xaf: {  	[dreg:$0x3] =	wrdreg $0x9  }
0xb0: {  	_ =	task.clear_ibuf [dreg:s6], $0x4FFFF;
	_ =	strace $0x90000046  }
0xb1: {  	s29 =	simm.s32 $0x9;
	_ =	strace $0x80000048  }
0xb2: {  	_ =	swait.ge [sflag:s29], $0x1  }
0xb3: {  	[sflag:s29] =	ssyncadd.s32 $0xFFFFFFFF  }
0xb4: {  	_ =	strace $0x90000048  }
0xb5: {  	_ =	sfence  }
0xb6: {  	s30 =	sld [smem:$0x0];
	_ =	sdelay $0x2  }
0xb7: {  	s31 =	sshll.u32 s1, $0xD;
	s1 =	sshrl.u32 s1, $0x2  }
0xb8: {  	s3 =	sand.u32 $0x4000, s31;
	s1 =	sadd.s32 s1, s30  }
0xb9: {  	s0 =	sor.u32 s3, s0;
	s1 =	sshll.u32 s1, $0x11  }
0xba: {  	s0 =	sor.u32 s1, s0  }
0xbb: {  	s0 =	sadd.s32 $0x8F2B, s0  }
0xbc: {  	[sflag:s0] =	ssyncadd.remote.s32 $0x1  }
0xbd: {  	_ =	sfence.sel $0xFFFF  }
0xbe: {  	[dreg:$0x0] =	wrdreg $0xFFFFFFFF;
	(pc) =	sbr.abs _section_cstart, $3  }
0xbf: {  	[dreg:$0x1] =	wrdreg $0xFFFFFFFF  }
0xc0: {  	_ =	task.clear_ibuf [dreg:s6], $0x2FFFF;
	_ =	strace $0x9FFFFFFF  }
0xc1: {  	(tm) =	ssettm $0x7FFFFFFF  }
tec
execute0_lowered:
.L_overlay_start_1:
0x0: {  	(tag) =	ssettag $0x1  }
0x1: {  	s0 =	srdreg.scid  }
0x2: {  	s2 =	stileid.u32;
	s1 =	sand.u32 $0x1, s0  }
0x3: {  	s3 =	sshll.u32 s2, $0xA;
	s4 =	sshll.u32 s1, $0x9  }
0x4: {  	s0 =	rddreg [dreg:$0x0];
	s2 =	simm.s32 $0x0;
	s4 =	sor.u32 s4, s3  }
0x5: {  	s3 =	sshrl.u32 s4, $0x3;
	s7 =	sshll.u32 s4, $0x4;
	s4 =	sadd.s32 $0x7F3800, s0  }
0x6: {  	[smem:$0x7FF] =	sst s2;
	s5 =	sadd.s32 s3, s0;
	s8 =	sadd.s32 s4, s7  }
0x7: {  	_ =	strace $0x80000047;
	s6 =	sadd.s32 $0x2000, s5;
	[dreg:$0x5] =	wrdreg s8  }
0x8: {  	s3 =	sadd.s32 $0x7B3800, s0;
	s5 =	sadd.s32 $0x3000, s5;
	[dreg:$0x2] =	wrdreg s6  }
0x9: {  	s9 =	sor.u32 $0x400, s7;
	s24 =	sadd.s32 s3, s7;
	[dreg:$0x3] =	wrdreg s5  }
0xa: {  	s10 =	sadd.s32 s3, s9;
	[dreg:$0x4] =	wrdreg s24  }
0xb: {  	s14 =	sor.u32 $0x800, s7;
	s11 =	sadd.s32 s4, s9;
	[dreg:$0x8] =	wrdreg s10  }
0xc: {  	s15 =	sadd.s32 s3, s14;
	[dreg:$0x9] =	wrdreg s11  }
0xd: {  	s19 =	sor.u32 $0xC00, s7;
	s16 =	sadd.s32 s4, s14;
	[dreg:$0xc] =	wrdreg s15  }
0xe: {  	s31 =	simm.s32 $0x200;
	s20 =	sadd.s32 s3, s19;
	[dreg:$0xd] =	wrdreg s16  }
0xf: {  	s21 =	sadd.s32 s4, s19;
	s5 =	sadd.s32 $0x833800, s0;
	[dreg:$0x10] =	wrdreg s20  }
0x10: {  	s6 =	sadd.s32 $0x873800, s0;
	[dreg:$0x11] =	wrdreg s21;
	s25 =	sadd.s32 s5, s7  }
0x11: {  	s30 =	simm.s32 $0x80;
	s26 =	sadd.s32 s6, s7;
	[dreg:$0x6] =	wrdreg s25  }
0x12: {  	s28 =	simm.s32 $0xC0;
	s12 =	sadd.s32 s5, s9;
	[dreg:$0x7] =	wrdreg s26  }
0x13: {  	s29 =	simm.s32 $0x2C0;
	s13 =	sadd.s32 s6, s9;
	[dreg:$0xa] =	wrdreg s12  }
0x14: {  	p0 =	por $0x0, $0x0;
	s17 =	sadd.s32 s5, s14;
	[dreg:$0xb] =	wrdreg s13  }
0x15: {  	s1 =	ssub.s32 $0x2, s1;
	s18 =	sadd.s32 s6, s14;
	[dreg:$0xe] =	wrdreg s17  }
0x16: {  	s8 =	simm.s32 $0x1;
	s22 =	sadd.s32 s5, s19;
	[dreg:$0xf] =	wrdreg s18  }
0x17: {  	s24 =	sor.u32 $0x1000, s7;
	s23 =	sadd.s32 s6, s19;
	[dreg:$0x12] =	wrdreg s22  }
0x18: {  	s10 =	sadd.s32 s5, s24;
	s11 =	sadd.s32 s6, s24;
	[dreg:$0x13] =	wrdreg s23  }
0x19: {  	s9 =	simm.s32 $0xC400;
	s25 =	sadd.s32 s3, s24;
	[dreg:$0x16] =	wrdreg s10  }
0x1a: {  	s26 =	sadd.s32 s4, s24;
	s12 =	sor.u32 $0x1400, s7;
	[dreg:$0x17] =	wrdreg s11  }
0x1b: {  	s17 =	sor.u32 $0x1800, s7;
	s10 =	sadd.s32 $0x3800, s0;
	s7 =	sor.u32 $0x1C00, s7  }
0x1c: {  	s24 =	sshrl.u32 s1, $0x1;
	s11 =	simm.s32 $0x8400;
	[dreg:$0x14] =	wrdreg s25  }
0x1d: {  	[dreg:$0x15] =	wrdreg s26;
	s13 =	sadd.s32 s3, s12;
	s14 =	sadd.s32 s4, s12  }
0x1e: {  	s15 =	sadd.s32 s5, s12;
	s16 =	sadd.s32 s6, s12;
	s18 =	sadd.s32 s3, s17  }
0x1f: {  	s19 =	sadd.s32 s4, s17;
	s20 =	sadd.s32 s5, s17;
	[dreg:$0x18] =	wrdreg s13  }
0x20: {  	s21 =	sadd.s32 s6, s17;
	s3 =	sadd.s32 s3, s7;
	[dreg:$0x19] =	wrdreg s14  }
0x21: {  	s22 =	sadd.s32 s4, s7;
	s23 =	sadd.s32 s5, s7;
	[dreg:$0x1a] =	wrdreg s15  }
0x22: {  	s25 =	sadd.s32 s6, s7;
	s26 =	ssub.s32 s1, s24;
	[dreg:$0x1b] =	wrdreg s16  }
0x23: {  	s17 =	simm.s32 $0x40;
	s12 =	simm.s32 $0x4400;
	[dreg:$0x1c] =	wrdreg s18  }
0x24: {  	s7 =	simm.s32 $0x2400;
	s6 =	simm.s32 $0x6400;
	[dreg:$0x1d] =	wrdreg s19  }
0x25: {  	s5 =	simm.s32 $0xA400;
	s4 =	simm.s32 $0xE400;
	[dreg:$0x1e] =	wrdreg s20  }
0x26: {  	s13 =	sadd.s32 $0x1EF800, s0;
	[dreg:$0x1f] =	wrdreg s21;
	s14 =	sadd.s32 $0x3DB800, s0  }
0x27: {  	[smem:$0x7FA] =	sst s3;
	s16 =	sadd.s32 $0x5C7800, s0;
	s0 =	smax.u32 s26, $0x1  }
0x28: {  	s1 =	simm.s32 $0x280;
	[smem:$0x7FB] =	sst s22;
	p1 =	sne.s32 s0, $0x1  }
.Ltmp0:
0x29: {  	s24 =	simm.s32 $0x340;
	[smem:$0x7FC] =	sst s23;
	(pc) =	sbr.rel @!p1 .LBB2_3-.Ltmp0, $4  }
0x2a: {  	[smem:$0x7FD] =	sst s25;
	s3 =	simm.s32 $0x2;
	s15 =	simm.s32 $0x400  }
0x2b: {  	s25 =	simm.s32 $0x100;
	s26 =	simm.s32 $0x300;
	s23 =	simm.s32 $0x140  }
0x2c: {  	s21 =	simm.s32 $0x180;
	s22 =	simm.s32 $0x380;
	s19 =	simm.s32 $0x1C0  }
0x2d: {  	s20 =	simm.s32 $0x3C0;
	s18 =	rddreg [dreg:$0x2];
	s0 =	sadd.s32 $0xFFFFFFFF, s0  }
0x2e: {  	[tilespmem:s2], [sflag:$0x2] =	stream.linear.gather [hbm4b:s18+s2], $0x200, $0x38;
	[tilespmem:$0x10400] =	vst v63  }
0x2f: {  	_ =	swait.ge [sflag:s3], $0x200  }
0x30: {  	[sflag:s3] =	ssyncset.done $0x0  }
0x31: {  	s18 =	rddreg [dreg:$0x3];
	[sflag:s3] =	ssyncadd.s32 $0xFFFFFE00  }
0x32: {  	[tilespmem:s31], [sflag:$0x2] =	stream.linear.gather [hbm4b:s18+s2], $0x200, $0x38;
	[tilespmem:$0x10400] =	vst v63  }
0x33: {  	_ =	swait.ge [sflag:s3], $0x200  }
0x34: {  	[sflag:s3] =	ssyncset.done $0x0  }
0x35: {  	[sflag:s3] =	ssyncadd.s32 $0xFFFFFE00  }
0x36: {  	[tilespmem:s15], [sflag:$0x1] =	stream.indirect.gather [hbm4b:s10+s17], $0x80, s2, s17, $0xb8;
	[tilespmem:$0x10400] =	vst v63  }
0x37: {  	_ = 	snop  }
0x38: {  	[tilespmem:s12], [sflag:$0x1] =	stream.indirect.gather [hbm4b:s13+s17], $0x80, s31, s17, $0xb8;
	[tilespmem:$0x10400] =	vst v63  }
0x39: {  	_ = 	snop  }
0x3a: {  	[tilespmem:s11], [sflag:$0x1] =	stream.indirect.gather [hbm4b:s14+s17], $0x80, s2, s17, $0xb8;
	[tilespmem:$0x10400] =	vst v63  }
0x3b: {  	_ = 	snop  }
0x3c: {  	[tilespmem:s9], [sflag:$0x1] =	stream.indirect.gather [hbm4b:s16+s17], $0x80, s31, s17, $0xb8;
	[tilespmem:$0x10400] =	vst v63  }
0x3d: {  	_ = 	snop  }
0x3e: {  	[tilespmem:s7], [sflag:$0x1] =	stream.indirect.gather [hbm4b:s10+s17], $0x80, s17, s17, $0xb8;
	[tilespmem:$0x10400] =	vst v63  }
0x3f: {  	s18 =	simm.s32 $0x240  }
0x40: {  	[tilespmem:s6], [sflag:$0x1] =	stream.indirect.gather [hbm4b:s13+s17], $0x80, s18, s17, $0xb8;
	[tilespmem:$0x10400] =	vst v63  }
0x41: {  	_ = 	snop  }
0x42: {  	[tilespmem:s5], [sflag:$0x1] =	stream.indirect.gather [hbm4b:s14+s17], $0x80, s17, s17, $0xb8;
	[tilespmem:$0x10400] =	vst v63  }
0x43: {  	_ = 	snop  }
0x44: {  	[tilespmem:s4], [sflag:$0x1] =	stream.indirect.gather [hbm4b:s16+s17], $0x80, s18, s17, $0xb8;
	[tilespmem:$0x10400] =	vst v63  }
0x45: {  	_ =	swait.ge [sflag:s8], $0x2000  }
0x46: {  	[sflag:s8] =	ssyncset.done $0x0  }
0x47: {  	[sflag:s8] =	ssyncadd.s32 $0xFFFFE000  }
0x48: {  	_ =	swait.ge [sflag:s8], $0x2000  }
0x49: {  	[sflag:s8] =	ssyncset.done $0x0  }
0x4a: {  	[sflag:s8] =	ssyncadd.s32 $0xFFFFE000  }
0x4b: {  	_ =	swait.ge [sflag:s8], $0x2000  }
0x4c: {  	[sflag:s8] =	ssyncset.done $0x0  }
0x4d: {  	[sflag:s8] =	ssyncadd.s32 $0xFFFFE000  }
0x4e: {  	_ =	swait.ge [sflag:s8], $0x2000  }
0x4f: {  	[sflag:s8] =	ssyncset.done $0x0  }
0x50: {  	s18 =	rddreg [dreg:$0x4];
	[sflag:s8] =	ssyncadd.s32 $0xFFFFE000  }
0x51: {  	[hbm4b:s18+s2] =	stream.linear.scatter [tilespmem:s15], [sflag:$0x2], $0x2000, $0x38;
	[tilespmem:$0x10400] =	vst v63  }
0x52: {  	_ =	swait.ge [sflag:s3], $0x2000  }
0x53: {  	[sflag:s3] =	ssyncset.done $0x0  }
0x54: {  	s18 =	rddreg [dreg:$0x5];
	[sflag:s3] =	ssyncadd.s32 $0xFFFFE000  }
0x55: {  	[hbm4b:s18+s2] =	stream.linear.scatter [tilespmem:s12], [sflag:$0x2], $0x2000, $0x38;
	[tilespmem:$0x10400] =	vst v63  }
0x56: {  	_ =	swait.ge [sflag:s3], $0x2000  }
0x57: {  	[sflag:s3] =	ssyncset.done $0x0  }
0x58: {  	s18 =	rddreg [dreg:$0x6];
	[sflag:s3] =	ssyncadd.s32 $0xFFFFE000  }
0x59: {  	[hbm4b:s18+s2] =	stream.linear.scatter [tilespmem:s11], [sflag:$0x2], $0x2000, $0x38;
	[tilespmem:$0x10400] =	vst v63  }
0x5a: {  	_ =	swait.ge [sflag:s3], $0x2000  }
0x5b: {  	[sflag:s3] =	ssyncset.done $0x0  }
0x5c: {  	s18 =	rddreg [dreg:$0x7];
	[sflag:s3] =	ssyncadd.s32 $0xFFFFE000  }
0x5d: {  	[hbm4b:s18+s2] =	stream.linear.scatter [tilespmem:s9], [sflag:$0x2], $0x2000, $0x38;
	[tilespmem:$0x10400] =	vst v63  }
0x5e: {  	_ =	swait.ge [sflag:s3], $0x2000  }
0x5f: {  	[sflag:s3] =	ssyncset.done $0x0  }
0x60: {  	[sflag:s3] =	ssyncadd.s32 $0xFFFFE000  }
0x61: {  	[tilespmem:s15], [sflag:$0x1] =	stream.indirect.gather [hbm4b:s10+s17], $0x80, s30, s17, $0xb8;
	[tilespmem:$0x10400] =	vst v63  }
0x62: {  	_ = 	snop  }
0x63: {  	[tilespmem:s12], [sflag:$0x1] =	stream.indirect.gather [hbm4b:s13+s17], $0x80, s1, s17, $0xb8;
	[tilespmem:$0x10400] =	vst v63  }
0x64: {  	_ = 	snop  }
0x65: {  	[tilespmem:s11], [sflag:$0x1] =	stream.indirect.gather [hbm4b:s14+s17], $0x80, s30, s17, $0xb8;
	[tilespmem:$0x10400] =	vst v63  }
0x66: {  	_ = 	snop  }
0x67: {  	[tilespmem:s9], [sflag:$0x1] =	stream.indirect.gather [hbm4b:s16+s17], $0x80, s1, s17, $0xb8;
	[tilespmem:$0x10400] =	vst v63  }
0x68: {  	_ =	swait.ge [sflag:s8], $0x2000  }
0x69: {  	[sflag:s8] =	ssyncset.done $0x0  }
0x6a: {  	[sflag:s8] =	ssyncadd.s32 $0xFFFFE000  }
0x6b: {  	_ =	swait.ge [sflag:s8], $0x2000  }
0x6c: {  	[sflag:s8] =	ssyncset.done $0x0  }
0x6d: {  	[sflag:s8] =	ssyncadd.s32 $0xFFFFE000  }
0x6e: {  	_ =	swait.ge [sflag:s8], $0x2000  }
0x6f: {  	[sflag:s8] =	ssyncset.done $0x0  }
0x70: {  	[sflag:s8] =	ssyncadd.s32 $0xFFFFE000  }
0x71: {  	_ =	swait.ge [sflag:s8], $0x2000  }
0x72: {  	[sflag:s8] =	ssyncset.done $0x0  }
0x73: {  	s18 =	rddreg [dreg:$0x8];
	[sflag:s8] =	ssyncadd.s32 $0xFFFFE000  }
0x74: {  	[hbm4b:s18+s2] =	stream.linear.scatter [tilespmem:s7], [sflag:$0x2], $0x2000, $0x38;
	[tilespmem:$0x10400] =	vst v63  }
0x75: {  	_ =	swait.ge [sflag:s3], $0x2000  }
0x76: {  	[sflag:s3] =	ssyncset.done $0x0  }
0x77: {  	s18 =	rddreg [dreg:$0x9];
	[sflag:s3] =	ssyncadd.s32 $0xFFFFE000  }
0x78: {  	[hbm4b:s18+s2] =	stream.linear.scatter [tilespmem:s6], [sflag:$0x2], $0x2000, $0x38;
	[tilespmem:$0x10400] =	vst v63  }
0x79: {  	_ =	swait.ge [sflag:s3], $0x2000  }
0x7a: {  	[sflag:s3] =	ssyncset.done $0x0  }
0x7b: {  	s18 =	rddreg [dreg:$0xa];
	[sflag:s3] =	ssyncadd.s32 $0xFFFFE000  }
0x7c: {  	[hbm4b:s18+s2] =	stream.linear.scatter [tilespmem:s5], [sflag:$0x2], $0x2000, $0x38;
	[tilespmem:$0x10400] =	vst v63  }
0x7d: {  	_ =	swait.ge [sflag:s3], $0x2000  }
0x7e: {  	[sflag:s3] =	ssyncset.done $0x0  }
0x7f: {  	s18 =	rddreg [dreg:$0xb];
	[sflag:s3] =	ssyncadd.s32 $0xFFFFE000  }
0x80: {  	[hbm4b:s18+s2] =	stream.linear.scatter [tilespmem:s4], [sflag:$0x2], $0x2000, $0x38;
	[tilespmem:$0x10400] =	vst v63  }
0x81: {  	_ =	swait.ge [sflag:s3], $0x2000  }
0x82: {  	[sflag:s3] =	ssyncset.done $0x0  }
0x83: {  	[sflag:s3] =	ssyncadd.s32 $0xFFFFE000  }
0x84: {  	[tilespmem:s7], [sflag:$0x1] =	stream.indirect.gather [hbm4b:s10+s17], $0x80, s28, s17, $0xb8;
	[tilespmem:$0x10400] =	vst v63  }
0x85: {  	_ = 	snop  }
0x86: {  	[tilespmem:s6], [sflag:$0x1] =	stream.indirect.gather [hbm4b:s13+s17], $0x80, s29, s17, $0xb8;
	[tilespmem:$0x10400] =	vst v63  }
0x87: {  	_ = 	snop  }
0x88: {  	[tilespmem:s5], [sflag:$0x1] =	stream.indirect.gather [hbm4b:s14+s17], $0x80, s28, s17, $0xb8;
	[tilespmem:$0x10400] =	vst v63  }
0x89: {  	_ = 	snop  }
0x8a: {  	[tilespmem:s4], [sflag:$0x1] =	stream.indirect.gather [hbm4b:s16+s17], $0x80, s29, s17, $0xb8;
	[tilespmem:$0x10400] =	vst v63  }
0x8b: {  	_ =	swait.ge [sflag:s8], $0x2000  }
0x8c: {  	[sflag:s8] =	ssyncset.done $0x0  }
0x8d: {  	[sflag:s8] =	ssyncadd.s32 $0xFFFFE000  }
0x8e: {  	_ =	swait.ge [sflag:s8], $0x2000  }
0x8f: {  	[sflag:s8] =	ssyncset.done $0x0  }
0x90: {  	[sflag:s8] =	ssyncadd.s32 $0xFFFFE000  }
0x91: {  	_ =	swait.ge [sflag:s8], $0x2000  }
0x92: {  	[sflag:s8] =	ssyncset.done $0x0  }
0x93: {  	[sflag:s8] =	ssyncadd.s32 $0xFFFFE000  }
0x94: {  	_ =	swait.ge [sflag:s8], $0x2000  }
0x95: {  	[sflag:s8] =	ssyncset.done $0x0  }
0x96: {  	s18 =	rddreg [dreg:$0xc];
	[sflag:s8] =	ssyncadd.s32 $0xFFFFE000  }
0x97: {  	[hbm4b:s18+s2] =	stream.linear.scatter [tilespmem:s15], [sflag:$0x2], $0x2000, $0x38;
	[tilespmem:$0x10400] =	vst v63  }
0x98: {  	_ =	swait.ge [sflag:s3], $0x2000  }
0x99: {  	[sflag:s3] =	ssyncset.done $0x0  }
0x9a: {  	s18 =	rddreg [dreg:$0xd];
	[sflag:s3] =	ssyncadd.s32 $0xFFFFE000  }
0x9b: {  	[hbm4b:s18+s2] =	stream.linear.scatter [tilespmem:s12], [sflag:$0x2], $0x2000, $0x38;
	[tilespmem:$0x10400] =	vst v63  }
0x9c: {  	_ =	swait.ge [sflag:s3], $0x2000  }
0x9d: {  	[sflag:s3] =	ssyncset.done $0x0  }
0x9e: {  	s18 =	rddreg [dreg:$0xe];
	[sflag:s3] =	ssyncadd.s32 $0xFFFFE000  }
0x9f: {  	[hbm4b:s18+s2] =	stream.linear.scatter [tilespmem:s11], [sflag:$0x2], $0x2000, $0x38;
	[tilespmem:$0x10400] =	vst v63  }
0xa0: {  	_ =	swait.ge [sflag:s3], $0x2000  }
0xa1: {  	[sflag:s3] =	ssyncset.done $0x0  }
0xa2: {  	s18 =	rddreg [dreg:$0xf];
	[sflag:s3] =	ssyncadd.s32 $0xFFFFE000  }
0xa3: {  	[hbm4b:s18+s2] =	stream.linear.scatter [tilespmem:s9], [sflag:$0x2], $0x2000, $0x38;
	[tilespmem:$0x10400] =	vst v63  }
0xa4: {  	_ =	swait.ge [sflag:s3], $0x2000  }
0xa5: {  	[sflag:s3] =	ssyncset.done $0x0  }
0xa6: {  	[sflag:s3] =	ssyncadd.s32 $0xFFFFE000  }
0xa7: {  	[tilespmem:s15], [sflag:$0x1] =	stream.indirect.gather [hbm4b:s10+s17], $0x80, s25, s17, $0xb8;
	[tilespmem:$0x10400] =	vst v63  }
0xa8: {  	_ = 	snop  }
0xa9: {  	[tilespmem:s12], [sflag:$0x1] =	stream.indirect.gather [hbm4b:s13+s17], $0x80, s26, s17, $0xb8;
	[tilespmem:$0x10400] =	vst v63  }
0xaa: {  	_ = 	snop  }
0xab: {  	[tilespmem:s11], [sflag:$0x1] =	stream.indirect.gather [hbm4b:s14+s17], $0x80, s25, s17, $0xb8;
	[tilespmem:$0x10400] =	vst v63  }
0xac: {  	_ = 	snop  }
0xad: {  	[tilespmem:s9], [sflag:$0x1] =	stream.indirect.gather [hbm4b:s16+s17], $0x80, s26, s17, $0xb8;
	[tilespmem:$0x10400] =	vst v63  }
0xae: {  	_ =	swait.ge [sflag:s8], $0x2000  }
0xaf: {  	[sflag:s8] =	ssyncset.done $0x0  }
0xb0: {  	[sflag:s8] =	ssyncadd.s32 $0xFFFFE000  }
0xb1: {  	_ =	swait.ge [sflag:s8], $0x2000  }
0xb2: {  	[sflag:s8] =	ssyncset.done $0x0  }
0xb3: {  	[sflag:s8] =	ssyncadd.s32 $0xFFFFE000  }
0xb4: {  	_ =	swait.ge [sflag:s8], $0x2000  }
0xb5: {  	[sflag:s8] =	ssyncset.done $0x0  }
0xb6: {  	[sflag:s8] =	ssyncadd.s32 $0xFFFFE000  }
0xb7: {  	_ =	swait.ge [sflag:s8], $0x2000  }
0xb8: {  	[sflag:s8] =	ssyncset.done $0x0  }
0xb9: {  	s18 =	rddreg [dreg:$0x10];
	[sflag:s8] =	ssyncadd.s32 $0xFFFFE000  }
0xba: {  	[hbm4b:s18+s2] =	stream.linear.scatter [tilespmem:s7], [sflag:$0x2], $0x2000, $0x38;
	[tilespmem:$0x10400] =	vst v63  }
0xbb: {  	_ =	swait.ge [sflag:s3], $0x2000  }
0xbc: {  	[sflag:s3] =	ssyncset.done $0x0  }
0xbd: {  	s18 =	rddreg [dreg:$0x11];
	[sflag:s3] =	ssyncadd.s32 $0xFFFFE000  }
0xbe: {  	[hbm4b:s18+s2] =	stream.linear.scatter [tilespmem:s6], [sflag:$0x2], $0x2000, $0x38;
	[tilespmem:$0x10400] =	vst v63  }
0xbf: {  	_ =	swait.ge [sflag:s3], $0x2000  }
0xc0: {  	[sflag:s3] =	ssyncset.done $0x0  }
0xc1: {  	s18 =	rddreg [dreg:$0x12];
	[sflag:s3] =	ssyncadd.s32 $0xFFFFE000  }
0xc2: {  	[hbm4b:s18+s2] =	stream.linear.scatter [tilespmem:s5], [sflag:$0x2], $0x2000, $0x38;
	[tilespmem:$0x10400] =	vst v63  }
0xc3: {  	_ =	swait.ge [sflag:s3], $0x2000  }
0xc4: {  	[sflag:s3] =	ssyncset.done $0x0  }
0xc5: {  	s18 =	rddreg [dreg:$0x13];
	[sflag:s3] =	ssyncadd.s32 $0xFFFFE000  }
0xc6: {  	[hbm4b:s18+s2] =	stream.linear.scatter [tilespmem:s4], [sflag:$0x2], $0x2000, $0x38;
	[tilespmem:$0x10400] =	vst v63  }
0xc7: {  	_ =	swait.ge [sflag:s3], $0x2000  }
0xc8: {  	[sflag:s3] =	ssyncset.done $0x0  }
0xc9: {  	[sflag:s3] =	ssyncadd.s32 $0xFFFFE000  }
0xca: {  	[tilespmem:s7], [sflag:$0x1] =	stream.indirect.gather [hbm4b:s10+s17], $0x80, s23, s17, $0xb8;
	[tilespmem:$0x10400] =	vst v63  }
0xcb: {  	_ = 	snop  }
0xcc: {  	[tilespmem:s6], [sflag:$0x1] =	stream.indirect.gather [hbm4b:s13+s17], $0x80, s24, s17, $0xb8;
	[tilespmem:$0x10400] =	vst v63  }
0xcd: {  	_ = 	snop  }
0xce: {  	[tilespmem:s5], [sflag:$0x1] =	stream.indirect.gather [hbm4b:s14+s17], $0x80, s23, s17, $0xb8;
	[tilespmem:$0x10400] =	vst v63  }
0xcf: {  	_ = 	snop  }
0xd0: {  	[tilespmem:s4], [sflag:$0x1] =	stream.indirect.gather [hbm4b:s16+s17], $0x80, s24, s17, $0xb8;
	[tilespmem:$0x10400] =	vst v63  }
0xd1: {  	_ =	swait.ge [sflag:s8], $0x2000  }
0xd2: {  	[sflag:s8] =	ssyncset.done $0x0  }
0xd3: {  	[sflag:s8] =	ssyncadd.s32 $0xFFFFE000  }
0xd4: {  	_ =	swait.ge [sflag:s8], $0x2000  }
0xd5: {  	[sflag:s8] =	ssyncset.done $0x0  }
0xd6: {  	[sflag:s8] =	ssyncadd.s32 $0xFFFFE000  }
0xd7: {  	_ =	swait.ge [sflag:s8], $0x2000  }
0xd8: {  	[sflag:s8] =	ssyncset.done $0x0  }
0xd9: {  	[sflag:s8] =	ssyncadd.s32 $0xFFFFE000  }
0xda: {  	_ =	swait.ge [sflag:s8], $0x2000  }
0xdb: {  	[sflag:s8] =	ssyncset.done $0x0  }
0xdc: {  	s18 =	rddreg [dreg:$0x14];
	[sflag:s8] =	ssyncadd.s32 $0xFFFFE000  }
0xdd: {  	[hbm4b:s18+s2] =	stream.linear.scatter [tilespmem:s15], [sflag:$0x2], $0x2000, $0x38;
	[tilespmem:$0x10400] =	vst v63  }
0xde: {  	_ =	swait.ge [sflag:s3], $0x2000  }
0xdf: {  	[sflag:s3] =	ssyncset.done $0x0  }
0xe0: {  	s18 =	rddreg [dreg:$0x15];
	[sflag:s3] =	ssyncadd.s32 $0xFFFFE000  }
0xe1: {  	[hbm4b:s18+s2] =	stream.linear.scatter [tilespmem:s12], [sflag:$0x2], $0x2000, $0x38;
	[tilespmem:$0x10400] =	vst v63  }
0xe2: {  	_ =	swait.ge [sflag:s3], $0x2000  }
0xe3: {  	[sflag:s3] =	ssyncset.done $0x0  }
0xe4: {  	s18 =	rddreg [dreg:$0x16];
	[sflag:s3] =	ssyncadd.s32 $0xFFFFE000  }
0xe5: {  	[hbm4b:s18+s2] =	stream.linear.scatter [tilespmem:s11], [sflag:$0x2], $0x2000, $0x38;
	[tilespmem:$0x10400] =	vst v63  }
0xe6: {  	_ =	swait.ge [sflag:s3], $0x2000  }
0xe7: {  	[sflag:s3] =	ssyncset.done $0x0  }
0xe8: {  	s18 =	rddreg [dreg:$0x17];
	[sflag:s3] =	ssyncadd.s32 $0xFFFFE000  }
0xe9: {  	[hbm4b:s18+s2] =	stream.linear.scatter [tilespmem:s9], [sflag:$0x2], $0x2000, $0x38;
	[tilespmem:$0x10400] =	vst v63  }
0xea: {  	_ =	swait.ge [sflag:s3], $0x2000  }
0xeb: {  	[sflag:s3] =	ssyncset.done $0x0  }
0xec: {  	[sflag:s3] =	ssyncadd.s32 $0xFFFFE000  }
0xed: {  	[tilespmem:s15], [sflag:$0x1] =	stream.indirect.gather [hbm4b:s10+s17], $0x80, s21, s17, $0xb8;
	[tilespmem:$0x10400] =	vst v63  }
0xee: {  	_ = 	snop  }
0xef: {  	[tilespmem:s12], [sflag:$0x1] =	stream.indirect.gather [hbm4b:s13+s17], $0x80, s22, s17, $0xb8;
	[tilespmem:$0x10400] =	vst v63  }
0xf0: {  	_ = 	snop  }
0xf1: {  	[tilespmem:s11], [sflag:$0x1] =	stream.indirect.gather [hbm4b:s14+s17], $0x80, s21, s17, $0xb8;
	[tilespmem:$0x10400] =	vst v63  }
0xf2: {  	_ = 	snop  }
0xf3: {  	[tilespmem:s9], [sflag:$0x1] =	stream.indirect.gather [hbm4b:s16+s17], $0x80, s22, s17, $0xb8;
	[tilespmem:$0x10400] =	vst v63  }
0xf4: {  	_ =	swait.ge [sflag:s8], $0x2000  }
0xf5: {  	[sflag:s8] =	ssyncset.done $0x0  }
0xf6: {  	[sflag:s8] =	ssyncadd.s32 $0xFFFFE000  }
0xf7: {  	_ =	swait.ge [sflag:s8], $0x2000  }
0xf8: {  	[sflag:s8] =	ssyncset.done $0x0  }
0xf9: {  	[sflag:s8] =	ssyncadd.s32 $0xFFFFE000  }
0xfa: {  	_ =	swait.ge [sflag:s8], $0x2000  }
0xfb: {  	[sflag:s8] =	ssyncset.done $0x0  }
0xfc: {  	[sflag:s8] =	ssyncadd.s32 $0xFFFFE000  }
0xfd: {  	_ =	swait.ge [sflag:s8], $0x2000  }
0xfe: {  	[sflag:s8] =	ssyncset.done $0x0  }
0xff: {  	s18 =	rddreg [dreg:$0x18];
	[sflag:s8] =	ssyncadd.s32 $0xFFFFE000  }
0x100: {  	[hbm4b:s18+s2] =	stream.linear.scatter [tilespmem:s7], [sflag:$0x2], $0x2000, $0x38;
	[tilespmem:$0x10400] =	vst v63  }
0x101: {  	_ =	swait.ge [sflag:s3], $0x2000  }
0x102: {  	[sflag:s3] =	ssyncset.done $0x0  }
0x103: {  	s18 =	rddreg [dreg:$0x19];
	[sflag:s3] =	ssyncadd.s32 $0xFFFFE000  }
0x104: {  	[hbm4b:s18+s2] =	stream.linear.scatter [tilespmem:s6], [sflag:$0x2], $0x2000, $0x38;
	[tilespmem:$0x10400] =	vst v63  }
0x105: {  	_ =	swait.ge [sflag:s3], $0x2000  }
0x106: {  	[sflag:s3] =	ssyncset.done $0x0  }
0x107: {  	s18 =	rddreg [dreg:$0x1a];
	[sflag:s3] =	ssyncadd.s32 $0xFFFFE000  }
0x108: {  	[hbm4b:s18+s2] =	stream.linear.scatter [tilespmem:s5], [sflag:$0x2], $0x2000, $0x38;
	[tilespmem:$0x10400] =	vst v63  }
0x109: {  	_ =	swait.ge [sflag:s3], $0x2000  }
0x10a: {  	[sflag:s3] =	ssyncset.done $0x0  }
0x10b: {  	s18 =	rddreg [dreg:$0x1b];
	[sflag:s3] =	ssyncadd.s32 $0xFFFFE000  }
0x10c: {  	[hbm4b:s18+s2] =	stream.linear.scatter [tilespmem:s4], [sflag:$0x2], $0x2000, $0x38;
	[tilespmem:$0x10400] =	vst v63  }
0x10d: {  	_ =	swait.ge [sflag:s3], $0x2000  }
0x10e: {  	[sflag:s3] =	ssyncset.done $0x0  }
0x10f: {  	[sflag:s3] =	ssyncadd.s32 $0xFFFFE000  }
0x110: {  	[tilespmem:s7], [sflag:$0x1] =	stream.indirect.gather [hbm4b:s10+s17], $0x80, s19, s17, $0xb8;
	[tilespmem:$0x10400] =	vst v63  }
0x111: {  	_ = 	snop  }
0x112: {  	[tilespmem:s6], [sflag:$0x1] =	stream.indirect.gather [hbm4b:s13+s17], $0x80, s20, s17, $0xb8;
	[tilespmem:$0x10400] =	vst v63  }
0x113: {  	_ = 	snop  }
0x114: {  	[tilespmem:s5], [sflag:$0x1] =	stream.indirect.gather [hbm4b:s14+s17], $0x80, s19, s17, $0xb8;
	[tilespmem:$0x10400] =	vst v63  }
0x115: {  	_ = 	snop  }
0x116: {  	[tilespmem:s4], [sflag:$0x1] =	stream.indirect.gather [hbm4b:s16+s17], $0x80, s20, s17, $0xb8;
	[tilespmem:$0x10400] =	vst v63  }
0x117: {  	_ =	swait.ge [sflag:s8], $0x2000  }
0x118: {  	[sflag:s8] =	ssyncset.done $0x0  }
0x119: {  	[sflag:s8] =	ssyncadd.s32 $0xFFFFE000  }
0x11a: {  	_ =	swait.ge [sflag:s8], $0x2000  }
0x11b: {  	[sflag:s8] =	ssyncset.done $0x0  }
0x11c: {  	[sflag:s8] =	ssyncadd.s32 $0xFFFFE000  }
0x11d: {  	_ =	swait.ge [sflag:s8], $0x2000  }
0x11e: {  	[sflag:s8] =	ssyncset.done $0x0  }
0x11f: {  	[sflag:s8] =	ssyncadd.s32 $0xFFFFE000  }
0x120: {  	_ =	swait.ge [sflag:s8], $0x2000  }
0x121: {  	[sflag:s8] =	ssyncset.done $0x0  }
0x122: {  	s18 =	rddreg [dreg:$0x1c];
	[sflag:s8] =	ssyncadd.s32 $0xFFFFE000  }
0x123: {  	[hbm4b:s18+s2] =	stream.linear.scatter [tilespmem:s15], [sflag:$0x2], $0x2000, $0x38;
	[tilespmem:$0x10400] =	vst v63  }
0x124: {  	_ =	swait.ge [sflag:s3], $0x2000  }
0x125: {  	[sflag:s3] =	ssyncset.done $0x0  }
0x126: {  	s18 =	rddreg [dreg:$0x1d];
	[sflag:s3] =	ssyncadd.s32 $0xFFFFE000  }
0x127: {  	[hbm4b:s18+s2] =	stream.linear.scatter [tilespmem:s12], [sflag:$0x2], $0x2000, $0x38;
	[tilespmem:$0x10400] =	vst v63  }
0x128: {  	_ =	swait.ge [sflag:s3], $0x2000  }
0x129: {  	[sflag:s3] =	ssyncset.done $0x0  }
0x12a: {  	s18 =	rddreg [dreg:$0x1e];
	[sflag:s3] =	ssyncadd.s32 $0xFFFFE000  }
0x12b: {  	[hbm4b:s18+s2] =	stream.linear.scatter [tilespmem:s11], [sflag:$0x2], $0x2000, $0x38;
	[tilespmem:$0x10400] =	vst v63  }
0x12c: {  	_ =	swait.ge [sflag:s3], $0x2000  }
0x12d: {  	[sflag:s3] =	ssyncset.done $0x0  }
0x12e: {  	s18 =	rddreg [dreg:$0x1f];
	[sflag:s3] =	ssyncadd.s32 $0xFFFFE000  }
0x12f: {  	[hbm4b:s18+s2] =	stream.linear.scatter [tilespmem:s9], [sflag:$0x2], $0x2000, $0x38;
	[tilespmem:$0x10400] =	vst v63  }
0x130: {  	_ =	swait.ge [sflag:s3], $0x2000  }
0x131: {  	[sflag:s3] =	ssyncset.done $0x0  }
0x132: {  	[sflag:s3] =	ssyncadd.s32 $0xFFFFE000  }
0x133: {  	_ =	swait.ge [sflag:s8], $0x2000  }
0x134: {  	[sflag:s8] =	ssyncset.done $0x0  }
0x135: {  	[sflag:s8] =	ssyncadd.s32 $0xFFFFE000  }
0x136: {  	_ =	swait.ge [sflag:s8], $0x2000  }
0x137: {  	[sflag:s8] =	ssyncset.done $0x0  }
0x138: {  	[sflag:s8] =	ssyncadd.s32 $0xFFFFE000  }
0x139: {  	_ =	swait.ge [sflag:s8], $0x2000  }
0x13a: {  	[sflag:s8] =	ssyncset.done $0x0  }
0x13b: {  	[sflag:s8] =	ssyncadd.s32 $0xFFFFE000  }
0x13c: {  	_ =	swait.ge [sflag:s8], $0x2000  }
0x13d: {  	s18 =	sld [smem:$0x7FA]  }
0x13e: {  	[sflag:s8] =	ssyncset.done $0x0  }
0x13f: {  	[sflag:s8] =	ssyncadd.s32 $0xFFFFE000  }
0x140: {  	[hbm4b:s18+s2] =	stream.linear.scatter [tilespmem:s7], [sflag:$0x2], $0x2000, $0x38;
	[tilespmem:$0x10400] =	vst v63  }
0x141: {  	_ =	swait.ge [sflag:s3], $0x2000  }
0x142: {  	s18 =	sld [smem:$0x7FB]  }
0x143: {  	[sflag:s3] =	ssyncset.done $0x0  }
0x144: {  	[sflag:s3] =	ssyncadd.s32 $0xFFFFE000  }
0x145: {  	[hbm4b:s18+s2] =	stream.linear.scatter [tilespmem:s6], [sflag:$0x2], $0x2000, $0x38;
	[tilespmem:$0x10400] =	vst v63  }
0x146: {  	_ =	swait.ge [sflag:s3], $0x2000  }
0x147: {  	s18 =	sld [smem:$0x7FC]  }
0x148: {  	[sflag:s3] =	ssyncset.done $0x0  }
0x149: {  	[sflag:s3] =	ssyncadd.s32 $0xFFFFE000  }
0x14a: {  	[hbm4b:s18+s2] =	stream.linear.scatter [tilespmem:s5], [sflag:$0x2], $0x2000, $0x38;
	[tilespmem:$0x10400] =	vst v63  }
0x14b: {  	_ =	swait.ge [sflag:s3], $0x2000  }
0x14c: {  	p1 =	sne.s32 s0, $0x1;
	s18 =	sld [smem:$0x7FD]  }
.Ltmp1:
0x14d: {  	[sflag:s3] =	ssyncset.done $0x0;
	(pc) =	sbr.rel @!p1 .LBB2_3-.Ltmp1, $4  }
0x14e: {  	[sflag:s3] =	ssyncadd.s32 $0xFFFFE000  }
0x14f: {  	[hbm4b:s18+s2] =	stream.linear.scatter [tilespmem:s4], [sflag:$0x2], $0x2000, $0x38;
	[tilespmem:$0x10400] =	vst v63  }
0x150: {  	s0 =	sadd.s32 $0xFFFFFFFF, s0;
	_ =	swait.ge [sflag:s3], $0x2000  }
0x151: {  	p0 =	por $0x1, $0x1;
	s18 =	rddreg [dreg:$0x2];
	[sflag:s3] =	ssyncset.done $0x0  }
.LBB2_2:
0x152: {  	[sflag:s3] =	ssyncadd.s32 $0xFFFFE000  }
0x153: {  	[tilespmem:s2], [sflag:$0x2] =	stream.linear.gather [hbm4b:s18+s2], $0x200, $0x38;
	[tilespmem:$0x10400] =	vst v63  }
0x154: {  	_ =	swait.ge [sflag:s3], $0x200  }
0x155: {  	[sflag:s3] =	ssyncset.done $0x0  }
0x156: {  	s18 =	rddreg [dreg:$0x3];
	[sflag:s3] =	ssyncadd.s32 $0xFFFFFE00  }
0x157: {  	[tilespmem:s31], [sflag:$0x2] =	stream.linear.gather [hbm4b:s18+s2], $0x200, $0x38;
	[tilespmem:$0x10400] =	vst v63  }
0x158: {  	_ =	swait.ge [sflag:s3], $0x200  }
0x159: {  	[sflag:s3] =	ssyncset.done $0x0  }
0x15a: {  	[sflag:s3] =	ssyncadd.s32 $0xFFFFFE00  }
0x15b: {  	[tilespmem:s15], [sflag:$0x1] =	stream.indirect.gather [hbm4b:s10+s17], $0x80, s2, s17, $0xb8;
	[tilespmem:$0x10400] =	vst v63  }
0x15c: {  	_ = 	snop  }
0x15d: {  	[tilespmem:s12], [sflag:$0x1] =	stream.indirect.gather [hbm4b:s13+s17], $0x80, s31, s17, $0xb8;
	[tilespmem:$0x10400] =	vst v63  }
0x15e: {  	_ = 	snop  }
0x15f: {  	[tilespmem:s11], [sflag:$0x1] =	stream.indirect.gather [hbm4b:s14+s17], $0x80, s2, s17, $0xb8;
	[tilespmem:$0x10400] =	vst v63  }
0x160: {  	_ = 	snop  }
0x161: {  	[tilespmem:s9], [sflag:$0x1] =	stream.indirect.gather [hbm4b:s16+s17], $0x80, s31, s17, $0xb8;
	[tilespmem:$0x10400] =	vst v63  }
0x162: {  	_ = 	snop  }
0x163: {  	[tilespmem:s7], [sflag:$0x1] =	stream.indirect.gather [hbm4b:s10+s17], $0x80, s17, s17, $0xb8;
	[tilespmem:$0x10400] =	vst v63  }
0x164: {  	s18 =	simm.s32 $0x240  }
0x165: {  	[tilespmem:s6], [sflag:$0x1] =	stream.indirect.gather [hbm4b:s13+s17], $0x80, s18, s17, $0xb8;
	[tilespmem:$0x10400] =	vst v63  }
0x166: {  	_ = 	snop  }
0x167: {  	[tilespmem:s5], [sflag:$0x1] =	stream.indirect.gather [hbm4b:s14+s17], $0x80, s17, s17, $0xb8;
	[tilespmem:$0x10400] =	vst v63  }
0x168: {  	_ = 	snop  }
0x169: {  	[tilespmem:s4], [sflag:$0x1] =	stream.indirect.gather [hbm4b:s16+s17], $0x80, s18, s17, $0xb8;
	[tilespmem:$0x10400] =	vst v63  }
0x16a: {  	_ =	swait.ge [sflag:s8], $0x2000  }
0x16b: {  	[sflag:s8] =	ssyncset.done $0x0  }
0x16c: {  	[sflag:s8] =	ssyncadd.s32 $0xFFFFE000  }
0x16d: {  	_ =	swait.ge [sflag:s8], $0x2000  }
0x16e: {  	[sflag:s8] =	ssyncset.done $0x0  }
0x16f: {  	[sflag:s8] =	ssyncadd.s32 $0xFFFFE000  }
0x170: {  	_ =	swait.ge [sflag:s8], $0x2000  }
0x171: {  	[sflag:s8] =	ssyncset.done $0x0  }
0x172: {  	[sflag:s8] =	ssyncadd.s32 $0xFFFFE000  }
0x173: {  	_ =	swait.ge [sflag:s8], $0x2000  }
0x174: {  	[sflag:s8] =	ssyncset.done $0x0  }
0x175: {  	s18 =	rddreg [dreg:$0x4];
	[sflag:s8] =	ssyncadd.s32 $0xFFFFE000  }
0x176: {  	[hbm4b:s18+s2] =	stream.linear.scatter [tilespmem:s15], [sflag:$0x2], $0x2000, $0x38;
	[tilespmem:$0x10400] =	vst v63  }
0x177: {  	_ =	swait.ge [sflag:s3], $0x2000  }
0x178: {  	[sflag:s3] =	ssyncset.done $0x0  }
0x179: {  	s18 =	rddreg [dreg:$0x5];
	[sflag:s3] =	ssyncadd.s32 $0xFFFFE000  }
0x17a: {  	[hbm4b:s18+s2] =	stream.linear.scatter [tilespmem:s12], [sflag:$0x2], $0x2000, $0x38;
	[tilespmem:$0x10400] =	vst v63  }
0x17b: {  	_ =	swait.ge [sflag:s3], $0x2000  }
0x17c: {  	[sflag:s3] =	ssyncset.done $0x0  }
0x17d: {  	s18 =	rddreg [dreg:$0x6];
	[sflag:s3] =	ssyncadd.s32 $0xFFFFE000  }
0x17e: {  	[hbm4b:s18+s2] =	stream.linear.scatter [tilespmem:s11], [sflag:$0x2], $0x2000, $0x38;
	[tilespmem:$0x10400] =	vst v63  }
0x17f: {  	_ =	swait.ge [sflag:s3], $0x2000  }
0x180: {  	[sflag:s3] =	ssyncset.done $0x0  }
0x181: {  	s18 =	rddreg [dreg:$0x7];
	[sflag:s3] =	ssyncadd.s32 $0xFFFFE000  }
0x182: {  	[hbm4b:s18+s2] =	stream.linear.scatter [tilespmem:s9], [sflag:$0x2], $0x2000, $0x38;
	[tilespmem:$0x10400] =	vst v63  }
0x183: {  	_ =	swait.ge [sflag:s3], $0x2000  }
0x184: {  	[sflag:s3] =	ssyncset.done $0x0  }
0x185: {  	[sflag:s3] =	ssyncadd.s32 $0xFFFFE000  }
0x186: {  	[tilespmem:s15], [sflag:$0x1] =	stream.indirect.gather [hbm4b:s10+s17], $0x80, s30, s17, $0xb8;
	[tilespmem:$0x10400] =	vst v63  }
0x187: {  	_ = 	snop  }
0x188: {  	[tilespmem:s12], [sflag:$0x1] =	stream.indirect.gather [hbm4b:s13+s17], $0x80, s1, s17, $0xb8;
	[tilespmem:$0x10400] =	vst v63  }
0x189: {  	_ = 	snop  }
0x18a: {  	[tilespmem:s11], [sflag:$0x1] =	stream.indirect.gather [hbm4b:s14+s17], $0x80, s30, s17, $0xb8;
	[tilespmem:$0x10400] =	vst v63  }
0x18b: {  	_ = 	snop  }
0x18c: {  	[tilespmem:s9], [sflag:$0x1] =	stream.indirect.gather [hbm4b:s16+s17], $0x80, s1, s17, $0xb8;
	[tilespmem:$0x10400] =	vst v63  }
0x18d: {  	_ =	swait.ge [sflag:s8], $0x2000  }
0x18e: {  	[sflag:s8] =	ssyncset.done $0x0  }
0x18f: {  	[sflag:s8] =	ssyncadd.s32 $0xFFFFE000  }
0x190: {  	_ =	swait.ge [sflag:s8], $0x2000  }
0x191: {  	[sflag:s8] =	ssyncset.done $0x0  }
0x192: {  	[sflag:s8] =	ssyncadd.s32 $0xFFFFE000  }
0x193: {  	_ =	swait.ge [sflag:s8], $0x2000  }
0x194: {  	[sflag:s8] =	ssyncset.done $0x0  }
0x195: {  	[sflag:s8] =	ssyncadd.s32 $0xFFFFE000  }
0x196: {  	_ =	swait.ge [sflag:s8], $0x2000  }
0x197: {  	[sflag:s8] =	ssyncset.done $0x0  }
0x198: {  	s18 =	rddreg [dreg:$0x8];
	[sflag:s8] =	ssyncadd.s32 $0xFFFFE000  }
0x199: {  	[hbm4b:s18+s2] =	stream.linear.scatter [tilespmem:s7], [sflag:$0x2], $0x2000, $0x38;
	[tilespmem:$0x10400] =	vst v63  }
0x19a: {  	_ =	swait.ge [sflag:s3], $0x2000  }
0x19b: {  	[sflag:s3] =	ssyncset.done $0x0  }
0x19c: {  	s18 =	rddreg [dreg:$0x9];
	[sflag:s3] =	ssyncadd.s32 $0xFFFFE000  }
0x19d: {  	[hbm4b:s18+s2] =	stream.linear.scatter [tilespmem:s6], [sflag:$0x2], $0x2000, $0x38;
	[tilespmem:$0x10400] =	vst v63  }
0x19e: {  	_ =	swait.ge [sflag:s3], $0x2000  }
0x19f: {  	[sflag:s3] =	ssyncset.done $0x0  }
0x1a0: {  	s18 =	rddreg [dreg:$0xa];
	[sflag:s3] =	ssyncadd.s32 $0xFFFFE000  }
0x1a1: {  	[hbm4b:s18+s2] =	stream.linear.scatter [tilespmem:s5], [sflag:$0x2], $0x2000, $0x38;
	[tilespmem:$0x10400] =	vst v63  }
0x1a2: {  	_ =	swait.ge [sflag:s3], $0x2000  }
0x1a3: {  	[sflag:s3] =	ssyncset.done $0x0  }
0x1a4: {  	s18 =	rddreg [dreg:$0xb];
	[sflag:s3] =	ssyncadd.s32 $0xFFFFE000  }
0x1a5: {  	[hbm4b:s18+s2] =	stream.linear.scatter [tilespmem:s4], [sflag:$0x2], $0x2000, $0x38;
	[tilespmem:$0x10400] =	vst v63  }
0x1a6: {  	_ =	swait.ge [sflag:s3], $0x2000  }
0x1a7: {  	[sflag:s3] =	ssyncset.done $0x0  }
0x1a8: {  	[sflag:s3] =	ssyncadd.s32 $0xFFFFE000  }
0x1a9: {  	[tilespmem:s7], [sflag:$0x1] =	stream.indirect.gather [hbm4b:s10+s17], $0x80, s28, s17, $0xb8;
	[tilespmem:$0x10400] =	vst v63  }
0x1aa: {  	_ = 	snop  }
0x1ab: {  	[tilespmem:s6], [sflag:$0x1] =	stream.indirect.gather [hbm4b:s13+s17], $0x80, s29, s17, $0xb8;
	[tilespmem:$0x10400] =	vst v63  }
0x1ac: {  	_ = 	snop  }
0x1ad: {  	[tilespmem:s5], [sflag:$0x1] =	stream.indirect.gather [hbm4b:s14+s17], $0x80, s28, s17, $0xb8;
	[tilespmem:$0x10400] =	vst v63  }
0x1ae: {  	_ = 	snop  }
0x1af: {  	[tilespmem:s4], [sflag:$0x1] =	stream.indirect.gather [hbm4b:s16+s17], $0x80, s29, s17, $0xb8;
	[tilespmem:$0x10400] =	vst v63  }
0x1b0: {  	_ =	swait.ge [sflag:s8], $0x2000  }
0x1b1: {  	[sflag:s8] =	ssyncset.done $0x0  }
0x1b2: {  	[sflag:s8] =	ssyncadd.s32 $0xFFFFE000  }
0x1b3: {  	_ =	swait.ge [sflag:s8], $0x2000  }
0x1b4: {  	[sflag:s8] =	ssyncset.done $0x0  }
0x1b5: {  	[sflag:s8] =	ssyncadd.s32 $0xFFFFE000  }
0x1b6: {  	_ =	swait.ge [sflag:s8], $0x2000  }
0x1b7: {  	[sflag:s8] =	ssyncset.done $0x0  }
0x1b8: {  	[sflag:s8] =	ssyncadd.s32 $0xFFFFE000  }
0x1b9: {  	_ =	swait.ge [sflag:s8], $0x2000  }
0x1ba: {  	[sflag:s8] =	ssyncset.done $0x0  }
0x1bb: {  	s18 =	rddreg [dreg:$0xc];
	[sflag:s8] =	ssyncadd.s32 $0xFFFFE000  }
0x1bc: {  	[hbm4b:s18+s2] =	stream.linear.scatter [tilespmem:s15], [sflag:$0x2], $0x2000, $0x38;
	[tilespmem:$0x10400] =	vst v63  }
0x1bd: {  	_ =	swait.ge [sflag:s3], $0x2000  }
0x1be: {  	[sflag:s3] =	ssyncset.done $0x0  }
0x1bf: {  	s18 =	rddreg [dreg:$0xd];
	[sflag:s3] =	ssyncadd.s32 $0xFFFFE000  }
0x1c0: {  	[hbm4b:s18+s2] =	stream.linear.scatter [tilespmem:s12], [sflag:$0x2], $0x2000, $0x38;
	[tilespmem:$0x10400] =	vst v63  }
0x1c1: {  	_ =	swait.ge [sflag:s3], $0x2000  }
0x1c2: {  	[sflag:s3] =	ssyncset.done $0x0  }
0x1c3: {  	s18 =	rddreg [dreg:$0xe];
	[sflag:s3] =	ssyncadd.s32 $0xFFFFE000  }
0x1c4: {  	[hbm4b:s18+s2] =	stream.linear.scatter [tilespmem:s11], [sflag:$0x2], $0x2000, $0x38;
	[tilespmem:$0x10400] =	vst v63  }
0x1c5: {  	_ =	swait.ge [sflag:s3], $0x2000  }
0x1c6: {  	[sflag:s3] =	ssyncset.done $0x0  }
0x1c7: {  	s18 =	rddreg [dreg:$0xf];
	[sflag:s3] =	ssyncadd.s32 $0xFFFFE000  }
0x1c8: {  	[hbm4b:s18+s2] =	stream.linear.scatter [tilespmem:s9], [sflag:$0x2], $0x2000, $0x38;
	[tilespmem:$0x10400] =	vst v63  }
0x1c9: {  	_ =	swait.ge [sflag:s3], $0x2000  }
0x1ca: {  	[sflag:s3] =	ssyncset.done $0x0  }
0x1cb: {  	[sflag:s3] =	ssyncadd.s32 $0xFFFFE000  }
0x1cc: {  	[tilespmem:s15], [sflag:$0x1] =	stream.indirect.gather [hbm4b:s10+s17], $0x80, s25, s17, $0xb8;
	[tilespmem:$0x10400] =	vst v63  }
0x1cd: {  	_ = 	snop  }
0x1ce: {  	[tilespmem:s12], [sflag:$0x1] =	stream.indirect.gather [hbm4b:s13+s17], $0x80, s26, s17, $0xb8;
	[tilespmem:$0x10400] =	vst v63  }
0x1cf: {  	_ = 	snop  }
0x1d0: {  	[tilespmem:s11], [sflag:$0x1] =	stream.indirect.gather [hbm4b:s14+s17], $0x80, s25, s17, $0xb8;
	[tilespmem:$0x10400] =	vst v63  }
0x1d1: {  	_ = 	snop  }
0x1d2: {  	[tilespmem:s9], [sflag:$0x1] =	stream.indirect.gather [hbm4b:s16+s17], $0x80, s26, s17, $0xb8;
	[tilespmem:$0x10400] =	vst v63  }
0x1d3: {  	_ =	swait.ge [sflag:s8], $0x2000  }
0x1d4: {  	[sflag:s8] =	ssyncset.done $0x0  }
0x1d5: {  	[sflag:s8] =	ssyncadd.s32 $0xFFFFE000  }
0x1d6: {  	_ =	swait.ge [sflag:s8], $0x2000  }
0x1d7: {  	[sflag:s8] =	ssyncset.done $0x0  }
0x1d8: {  	[sflag:s8] =	ssyncadd.s32 $0xFFFFE000  }
0x1d9: {  	_ =	swait.ge [sflag:s8], $0x2000  }
0x1da: {  	[sflag:s8] =	ssyncset.done $0x0  }
0x1db: {  	[sflag:s8] =	ssyncadd.s32 $0xFFFFE000  }
0x1dc: {  	_ =	swait.ge [sflag:s8], $0x2000  }
0x1dd: {  	[sflag:s8] =	ssyncset.done $0x0  }
0x1de: {  	s18 =	rddreg [dreg:$0x10];
	[sflag:s8] =	ssyncadd.s32 $0xFFFFE000  }
0x1df: {  	[hbm4b:s18+s2] =	stream.linear.scatter [tilespmem:s7], [sflag:$0x2], $0x2000, $0x38;
	[tilespmem:$0x10400] =	vst v63  }
0x1e0: {  	_ =	swait.ge [sflag:s3], $0x2000  }
0x1e1: {  	[sflag:s3] =	ssyncset.done $0x0  }
0x1e2: {  	s18 =	rddreg [dreg:$0x11];
	[sflag:s3] =	ssyncadd.s32 $0xFFFFE000  }
0x1e3: {  	[hbm4b:s18+s2] =	stream.linear.scatter [tilespmem:s6], [sflag:$0x2], $0x2000, $0x38;
	[tilespmem:$0x10400] =	vst v63  }
0x1e4: {  	_ =	swait.ge [sflag:s3], $0x2000  }
0x1e5: {  	[sflag:s3] =	ssyncset.done $0x0  }
0x1e6: {  	s18 =	rddreg [dreg:$0x12];
	[sflag:s3] =	ssyncadd.s32 $0xFFFFE000  }
0x1e7: {  	[hbm4b:s18+s2] =	stream.linear.scatter [tilespmem:s5], [sflag:$0x2], $0x2000, $0x38;
	[tilespmem:$0x10400] =	vst v63  }
0x1e8: {  	_ =	swait.ge [sflag:s3], $0x2000  }
0x1e9: {  	[sflag:s3] =	ssyncset.done $0x0  }
0x1ea: {  	s18 =	rddreg [dreg:$0x13];
	[sflag:s3] =	ssyncadd.s32 $0xFFFFE000  }
0x1eb: {  	[hbm4b:s18+s2] =	stream.linear.scatter [tilespmem:s4], [sflag:$0x2], $0x2000, $0x38;
	[tilespmem:$0x10400] =	vst v63  }
0x1ec: {  	_ =	swait.ge [sflag:s3], $0x2000  }
0x1ed: {  	[sflag:s3] =	ssyncset.done $0x0  }
0x1ee: {  	[sflag:s3] =	ssyncadd.s32 $0xFFFFE000  }
0x1ef: {  	[tilespmem:s7], [sflag:$0x1] =	stream.indirect.gather [hbm4b:s10+s17], $0x80, s23, s17, $0xb8;
	[tilespmem:$0x10400] =	vst v63  }
0x1f0: {  	_ = 	snop  }
0x1f1: {  	[tilespmem:s6], [sflag:$0x1] =	stream.indirect.gather [hbm4b:s13+s17], $0x80, s24, s17, $0xb8;
	[tilespmem:$0x10400] =	vst v63  }
0x1f2: {  	_ = 	snop  }
0x1f3: {  	[tilespmem:s5], [sflag:$0x1] =	stream.indirect.gather [hbm4b:s14+s17], $0x80, s23, s17, $0xb8;
	[tilespmem:$0x10400] =	vst v63  }
0x1f4: {  	_ = 	snop  }
0x1f5: {  	[tilespmem:s4], [sflag:$0x1] =	stream.indirect.gather [hbm4b:s16+s17], $0x80, s24, s17, $0xb8;
	[tilespmem:$0x10400] =	vst v63  }
0x1f6: {  	_ =	swait.ge [sflag:s8], $0x2000  }
0x1f7: {  	[sflag:s8] =	ssyncset.done $0x0  }
0x1f8: {  	[sflag:s8] =	ssyncadd.s32 $0xFFFFE000  }
0x1f9: {  	_ =	swait.ge [sflag:s8], $0x2000  }
0x1fa: {  	[sflag:s8] =	ssyncset.done $0x0  }
0x1fb: {  	[sflag:s8] =	ssyncadd.s32 $0xFFFFE000  }
0x1fc: {  	_ =	swait.ge [sflag:s8], $0x2000  }
0x1fd: {  	[sflag:s8] =	ssyncset.done $0x0  }
0x1fe: {  	[sflag:s8] =	ssyncadd.s32 $0xFFFFE000  }
0x1ff: {  	_ =	swait.ge [sflag:s8], $0x2000  }
0x200: {  	[sflag:s8] =	ssyncset.done $0x0  }
0x201: {  	s18 =	rddreg [dreg:$0x14];
	[sflag:s8] =	ssyncadd.s32 $0xFFFFE000  }
0x202: {  	[hbm4b:s18+s2] =	stream.linear.scatter [tilespmem:s15], [sflag:$0x2], $0x2000, $0x38;
	[tilespmem:$0x10400] =	vst v63  }
0x203: {  	_ =	swait.ge [sflag:s3], $0x2000  }
0x204: {  	[sflag:s3] =	ssyncset.done $0x0  }
0x205: {  	s18 =	rddreg [dreg:$0x15];
	[sflag:s3] =	ssyncadd.s32 $0xFFFFE000  }
0x206: {  	[hbm4b:s18+s2] =	stream.linear.scatter [tilespmem:s12], [sflag:$0x2], $0x2000, $0x38;
	[tilespmem:$0x10400] =	vst v63  }
0x207: {  	_ =	swait.ge [sflag:s3], $0x2000  }
0x208: {  	[sflag:s3] =	ssyncset.done $0x0  }
0x209: {  	s18 =	rddreg [dreg:$0x16];
	[sflag:s3] =	ssyncadd.s32 $0xFFFFE000  }
0x20a: {  	[hbm4b:s18+s2] =	stream.linear.scatter [tilespmem:s11], [sflag:$0x2], $0x2000, $0x38;
	[tilespmem:$0x10400] =	vst v63  }
0x20b: {  	_ =	swait.ge [sflag:s3], $0x2000  }
0x20c: {  	[sflag:s3] =	ssyncset.done $0x0  }
0x20d: {  	s18 =	rddreg [dreg:$0x17];
	[sflag:s3] =	ssyncadd.s32 $0xFFFFE000  }
0x20e: {  	[hbm4b:s18+s2] =	stream.linear.scatter [tilespmem:s9], [sflag:$0x2], $0x2000, $0x38;
	[tilespmem:$0x10400] =	vst v63  }
0x20f: {  	_ =	swait.ge [sflag:s3], $0x2000  }
0x210: {  	[sflag:s3] =	ssyncset.done $0x0  }
0x211: {  	[sflag:s3] =	ssyncadd.s32 $0xFFFFE000  }
0x212: {  	[tilespmem:s15], [sflag:$0x1] =	stream.indirect.gather [hbm4b:s10+s17], $0x80, s21, s17, $0xb8;
	[tilespmem:$0x10400] =	vst v63  }
0x213: {  	_ = 	snop  }
0x214: {  	[tilespmem:s12], [sflag:$0x1] =	stream.indirect.gather [hbm4b:s13+s17], $0x80, s22, s17, $0xb8;
	[tilespmem:$0x10400] =	vst v63  }
0x215: {  	_ = 	snop  }
0x216: {  	[tilespmem:s11], [sflag:$0x1] =	stream.indirect.gather [hbm4b:s14+s17], $0x80, s21, s17, $0xb8;
	[tilespmem:$0x10400] =	vst v63  }
0x217: {  	_ = 	snop  }
0x218: {  	[tilespmem:s9], [sflag:$0x1] =	stream.indirect.gather [hbm4b:s16+s17], $0x80, s22, s17, $0xb8;
	[tilespmem:$0x10400] =	vst v63  }
0x219: {  	_ =	swait.ge [sflag:s8], $0x2000  }
0x21a: {  	[sflag:s8] =	ssyncset.done $0x0  }
0x21b: {  	[sflag:s8] =	ssyncadd.s32 $0xFFFFE000  }
0x21c: {  	_ =	swait.ge [sflag:s8], $0x2000  }
0x21d: {  	[sflag:s8] =	ssyncset.done $0x0  }
0x21e: {  	[sflag:s8] =	ssyncadd.s32 $0xFFFFE000  }
0x21f: {  	_ =	swait.ge [sflag:s8], $0x2000  }
0x220: {  	[sflag:s8] =	ssyncset.done $0x0  }
0x221: {  	[sflag:s8] =	ssyncadd.s32 $0xFFFFE000  }
0x222: {  	_ =	swait.ge [sflag:s8], $0x2000  }
0x223: {  	[sflag:s8] =	ssyncset.done $0x0  }
0x224: {  	s18 =	rddreg [dreg:$0x18];
	[sflag:s8] =	ssyncadd.s32 $0xFFFFE000  }
0x225: {  	[hbm4b:s18+s2] =	stream.linear.scatter [tilespmem:s7], [sflag:$0x2], $0x2000, $0x38;
	[tilespmem:$0x10400] =	vst v63  }
0x226: {  	_ =	swait.ge [sflag:s3], $0x2000  }
0x227: {  	[sflag:s3] =	ssyncset.done $0x0  }
0x228: {  	s18 =	rddreg [dreg:$0x19];
	[sflag:s3] =	ssyncadd.s32 $0xFFFFE000  }
0x229: {  	[hbm4b:s18+s2] =	stream.linear.scatter [tilespmem:s6], [sflag:$0x2], $0x2000, $0x38;
	[tilespmem:$0x10400] =	vst v63  }
0x22a: {  	_ =	swait.ge [sflag:s3], $0x2000  }
0x22b: {  	[sflag:s3] =	ssyncset.done $0x0  }
0x22c: {  	s18 =	rddreg [dreg:$0x1a];
	[sflag:s3] =	ssyncadd.s32 $0xFFFFE000  }
0x22d: {  	[hbm4b:s18+s2] =	stream.linear.scatter [tilespmem:s5], [sflag:$0x2], $0x2000, $0x38;
	[tilespmem:$0x10400] =	vst v63  }
0x22e: {  	_ =	swait.ge [sflag:s3], $0x2000  }
0x22f: {  	[sflag:s3] =	ssyncset.done $0x0  }
0x230: {  	s18 =	rddreg [dreg:$0x1b];
	[sflag:s3] =	ssyncadd.s32 $0xFFFFE000  }
0x231: {  	[hbm4b:s18+s2] =	stream.linear.scatter [tilespmem:s4], [sflag:$0x2], $0x2000, $0x38;
	[tilespmem:$0x10400] =	vst v63  }
0x232: {  	_ =	swait.ge [sflag:s3], $0x2000  }
0x233: {  	[sflag:s3] =	ssyncset.done $0x0  }
0x234: {  	[sflag:s3] =	ssyncadd.s32 $0xFFFFE000  }
0x235: {  	[tilespmem:s7], [sflag:$0x1] =	stream.indirect.gather [hbm4b:s10+s17], $0x80, s19, s17, $0xb8;
	[tilespmem:$0x10400] =	vst v63  }
0x236: {  	_ = 	snop  }
0x237: {  	[tilespmem:s6], [sflag:$0x1] =	stream.indirect.gather [hbm4b:s13+s17], $0x80, s20, s17, $0xb8;
	[tilespmem:$0x10400] =	vst v63  }
0x238: {  	_ = 	snop  }
0x239: {  	[tilespmem:s5], [sflag:$0x1] =	stream.indirect.gather [hbm4b:s14+s17], $0x80, s19, s17, $0xb8;
	[tilespmem:$0x10400] =	vst v63  }
0x23a: {  	_ = 	snop  }
0x23b: {  	[tilespmem:s4], [sflag:$0x1] =	stream.indirect.gather [hbm4b:s16+s17], $0x80, s20, s17, $0xb8;
	[tilespmem:$0x10400] =	vst v63  }
0x23c: {  	_ =	swait.ge [sflag:s8], $0x2000  }
0x23d: {  	[sflag:s8] =	ssyncset.done $0x0  }
0x23e: {  	[sflag:s8] =	ssyncadd.s32 $0xFFFFE000  }
0x23f: {  	_ =	swait.ge [sflag:s8], $0x2000  }
0x240: {  	[sflag:s8] =	ssyncset.done $0x0  }
0x241: {  	[sflag:s8] =	ssyncadd.s32 $0xFFFFE000  }
0x242: {  	_ =	swait.ge [sflag:s8], $0x2000  }
0x243: {  	[sflag:s8] =	ssyncset.done $0x0  }
0x244: {  	[sflag:s8] =	ssyncadd.s32 $0xFFFFE000  }
0x245: {  	_ =	swait.ge [sflag:s8], $0x2000  }
0x246: {  	[sflag:s8] =	ssyncset.done $0x0  }
0x247: {  	s18 =	rddreg [dreg:$0x1c];
	[sflag:s8] =	ssyncadd.s32 $0xFFFFE000  }
0x248: {  	[hbm4b:s18+s2] =	stream.linear.scatter [tilespmem:s15], [sflag:$0x2], $0x2000, $0x38;
	[tilespmem:$0x10400] =	vst v63  }
0x249: {  	_ =	swait.ge [sflag:s3], $0x2000  }
0x24a: {  	[sflag:s3] =	ssyncset.done $0x0  }
0x24b: {  	s18 =	rddreg [dreg:$0x1d];
	[sflag:s3] =	ssyncadd.s32 $0xFFFFE000  }
0x24c: {  	[hbm4b:s18+s2] =	stream.linear.scatter [tilespmem:s12], [sflag:$0x2], $0x2000, $0x38;
	[tilespmem:$0x10400] =	vst v63  }
0x24d: {  	_ =	swait.ge [sflag:s3], $0x2000  }
0x24e: {  	[sflag:s3] =	ssyncset.done $0x0  }
0x24f: {  	s18 =	rddreg [dreg:$0x1e];
	[sflag:s3] =	ssyncadd.s32 $0xFFFFE000  }
0x250: {  	[hbm4b:s18+s2] =	stream.linear.scatter [tilespmem:s11], [sflag:$0x2], $0x2000, $0x38;
	[tilespmem:$0x10400] =	vst v63  }
0x251: {  	_ =	swait.ge [sflag:s3], $0x2000  }
0x252: {  	[sflag:s3] =	ssyncset.done $0x0  }
0x253: {  	s18 =	rddreg [dreg:$0x1f];
	[sflag:s3] =	ssyncadd.s32 $0xFFFFE000  }
0x254: {  	[hbm4b:s18+s2] =	stream.linear.scatter [tilespmem:s9], [sflag:$0x2], $0x2000, $0x38;
	[tilespmem:$0x10400] =	vst v63  }
0x255: {  	_ =	swait.ge [sflag:s3], $0x2000  }
0x256: {  	[sflag:s3] =	ssyncset.done $0x0  }
0x257: {  	[sflag:s3] =	ssyncadd.s32 $0xFFFFE000  }
0x258: {  	_ =	swait.ge [sflag:s8], $0x2000  }
0x259: {  	[sflag:s8] =	ssyncset.done $0x0  }
0x25a: {  	[sflag:s8] =	ssyncadd.s32 $0xFFFFE000  }
0x25b: {  	_ =	swait.ge [sflag:s8], $0x2000  }
0x25c: {  	[sflag:s8] =	ssyncset.done $0x0  }
0x25d: {  	[sflag:s8] =	ssyncadd.s32 $0xFFFFE000  }
0x25e: {  	_ =	swait.ge [sflag:s8], $0x2000  }
0x25f: {  	[sflag:s8] =	ssyncset.done $0x0  }
0x260: {  	[sflag:s8] =	ssyncadd.s32 $0xFFFFE000  }
0x261: {  	_ =	swait.ge [sflag:s8], $0x2000  }
0x262: {  	s18 =	sld [smem:$0x7FA]  }
0x263: {  	[sflag:s8] =	ssyncset.done $0x0  }
0x264: {  	[sflag:s8] =	ssyncadd.s32 $0xFFFFE000  }
0x265: {  	[hbm4b:s18+s2] =	stream.linear.scatter [tilespmem:s7], [sflag:$0x2], $0x2000, $0x38;
	[tilespmem:$0x10400] =	vst v63  }
0x266: {  	_ =	swait.ge [sflag:s3], $0x2000  }
0x267: {  	s18 =	sld [smem:$0x7FB]  }
0x268: {  	[sflag:s3] =	ssyncset.done $0x0  }
0x269: {  	[sflag:s3] =	ssyncadd.s32 $0xFFFFE000  }
0x26a: {  	[hbm4b:s18+s2] =	stream.linear.scatter [tilespmem:s6], [sflag:$0x2], $0x2000, $0x38;
	[tilespmem:$0x10400] =	vst v63  }
0x26b: {  	_ =	swait.ge [sflag:s3], $0x2000  }
0x26c: {  	s18 =	sld [smem:$0x7FC]  }
0x26d: {  	[sflag:s3] =	ssyncset.done $0x0  }
0x26e: {  	[sflag:s3] =	ssyncadd.s32 $0xFFFFE000  }
0x26f: {  	[hbm4b:s18+s2] =	stream.linear.scatter [tilespmem:s5], [sflag:$0x2], $0x2000, $0x38;
	[tilespmem:$0x10400] =	vst v63  }
0x270: {  	_ =	swait.ge [sflag:s3], $0x2000  }
0x271: {  	p1 =	sne.s32 s0, $0x1;
	s18 =	sld [smem:$0x7FD]  }
.Ltmp2:
0x272: {  	[sflag:s3] =	ssyncset.done $0x0;
	(pc) =	sbr.rel @p1 .LBB2_2-.Ltmp2, $4  }
0x273: {  	[sflag:s3] =	ssyncadd.s32 $0xFFFFE000  }
0x274: {  	[hbm4b:s18+s2] =	stream.linear.scatter [tilespmem:s4], [sflag:$0x2], $0x2000, $0x38;
	[tilespmem:$0x10400] =	vst v63  }
0x275: {  	_ =	swait.ge [sflag:s3], $0x2000  }
0x276: {  	s0 =	sadd.s32 $0xFFFFFFFF, s0;
	s18 =	rddreg [dreg:$0x2];
	[sflag:s3] =	ssyncset.done $0x0  }
.LBB2_3:
0x277: {  	[sflag:s3] =	ssyncadd.s32 @p0 $0xFFFFE000  }
0x278: {  	[tilespmem:s2], [sflag:$0x2] =	stream.linear.gather [hbm4b:s18+s2], $0x200, $0x38;
	[tilespmem:$0x10400] =	vst v63  }
0x279: {  	_ =	swait.ge [sflag:s3], $0x200  }
0x27a: {  	[sflag:s3] =	ssyncset.done $0x0  }
0x27b: {  	s0 =	rddreg [dreg:$0x3];
	[sflag:s3] =	ssyncadd.s32 $0xFFFFFE00  }
0x27c: {  	[tilespmem:s31], [sflag:$0x2] =	stream.linear.gather [hbm4b:s0+s2], $0x200, $0x38;
	[tilespmem:$0x10400] =	vst v63  }
0x27d: {  	_ =	swait.ge [sflag:s3], $0x200  }
0x27e: {  	[sflag:s3] =	ssyncset.done $0x0  }
0x27f: {  	[sflag:s3] =	ssyncadd.s32 $0xFFFFFE00  }
0x280: {  	[tilespmem:s15], [sflag:$0x1] =	stream.indirect.gather [hbm4b:s10+s17], $0x80, s2, s17, $0xb8;
	[tilespmem:$0x10400] =	vst v63  }
0x281: {  	_ = 	snop  }
0x282: {  	[tilespmem:s12], [sflag:$0x1] =	stream.indirect.gather [hbm4b:s13+s17], $0x80, s31, s17, $0xb8;
	[tilespmem:$0x10400] =	vst v63  }
0x283: {  	_ = 	snop  }
0x284: {  	[tilespmem:s11], [sflag:$0x1] =	stream.indirect.gather [hbm4b:s14+s17], $0x80, s2, s17, $0xb8;
	[tilespmem:$0x10400] =	vst v63  }
0x285: {  	_ = 	snop  }
0x286: {  	[tilespmem:s9], [sflag:$0x1] =	stream.indirect.gather [hbm4b:s16+s17], $0x80, s31, s17, $0xb8;
	[tilespmem:$0x10400] =	vst v63  }
0x287: {  	_ = 	snop  }
0x288: {  	[tilespmem:s7], [sflag:$0x1] =	stream.indirect.gather [hbm4b:s10+s17], $0x80, s17, s17, $0xb8;
	[tilespmem:$0x10400] =	vst v63  }
0x289: {  	s28 =	simm.s32 $0x240  }
0x28a: {  	[tilespmem:s6], [sflag:$0x1] =	stream.indirect.gather [hbm4b:s13+s17], $0x80, s28, s17, $0xb8;
	[tilespmem:$0x10400] =	vst v63  }
0x28b: {  	_ = 	snop  }
0x28c: {  	[tilespmem:s5], [sflag:$0x1] =	stream.indirect.gather [hbm4b:s14+s17], $0x80, s17, s17, $0xb8;
	[tilespmem:$0x10400] =	vst v63  }
0x28d: {  	_ = 	snop  }
0x28e: {  	[tilespmem:s4], [sflag:$0x1] =	stream.indirect.gather [hbm4b:s16+s17], $0x80, s28, s17, $0xb8;
	[tilespmem:$0x10400] =	vst v63  }
0x28f: {  	_ =	swait.ge [sflag:s8], $0x2000  }
0x290: {  	[sflag:s8] =	ssyncset.done $0x0  }
0x291: {  	[sflag:s8] =	ssyncadd.s32 $0xFFFFE000  }
0x292: {  	_ =	swait.ge [sflag:s8], $0x2000  }
0x293: {  	[sflag:s8] =	ssyncset.done $0x0  }
0x294: {  	[sflag:s8] =	ssyncadd.s32 $0xFFFFE000  }
0x295: {  	_ =	swait.ge [sflag:s8], $0x2000  }
0x296: {  	[sflag:s8] =	ssyncset.done $0x0  }
0x297: {  	[sflag:s8] =	ssyncadd.s32 $0xFFFFE000  }
0x298: {  	_ =	swait.ge [sflag:s8], $0x2000  }
0x299: {  	[sflag:s8] =	ssyncset.done $0x0  }
0x29a: {  	s29 =	rddreg [dreg:$0x4];
	[sflag:s8] =	ssyncadd.s32 $0xFFFFE000  }
0x29b: {  	[hbm4b:s29+s2] =	stream.linear.scatter [tilespmem:s15], [sflag:$0x2], $0x2000, $0x38;
	[tilespmem:$0x10400] =	vst v63  }
0x29c: {  	_ =	swait.ge [sflag:s3], $0x2000  }
0x29d: {  	[sflag:s3] =	ssyncset.done $0x0  }
0x29e: {  	s30 =	rddreg [dreg:$0x5];
	[sflag:s3] =	ssyncadd.s32 $0xFFFFE000  }
0x29f: {  	[hbm4b:s30+s2] =	stream.linear.scatter [tilespmem:s12], [sflag:$0x2], $0x2000, $0x38;
	[tilespmem:$0x10400] =	vst v63  }
0x2a0: {  	_ =	swait.ge [sflag:s3], $0x2000  }
0x2a1: {  	[sflag:s3] =	ssyncset.done $0x0  }
0x2a2: {  	s31 =	rddreg [dreg:$0x6];
	[sflag:s3] =	ssyncadd.s32 $0xFFFFE000  }
0x2a3: {  	[hbm4b:s31+s2] =	stream.linear.scatter [tilespmem:s11], [sflag:$0x2], $0x2000, $0x38;
	[tilespmem:$0x10400] =	vst v63  }
0x2a4: {  	_ =	swait.ge [sflag:s3], $0x2000  }
0x2a5: {  	[sflag:s3] =	ssyncset.done $0x0  }
0x2a6: {  	s1 =	rddreg [dreg:$0x7];
	[sflag:s3] =	ssyncadd.s32 $0xFFFFE000  }
0x2a7: {  	[hbm4b:s1+s2] =	stream.linear.scatter [tilespmem:s9], [sflag:$0x2], $0x2000, $0x38;
	[tilespmem:$0x10400] =	vst v63  }
0x2a8: {  	_ =	swait.ge [sflag:s3], $0x2000  }
0x2a9: {  	[sflag:s3] =	ssyncset.done $0x0  }
0x2aa: {  	s18 =	simm.s32 $0x80;
	[sflag:s3] =	ssyncadd.s32 $0xFFFFE000  }
0x2ab: {  	[tilespmem:s15], [sflag:$0x1] =	stream.indirect.gather [hbm4b:s10+s17], $0x80, s18, s17, $0xb8;
	[tilespmem:$0x10400] =	vst v63  }
0x2ac: {  	s1 =	simm.s32 $0x280  }
0x2ad: {  	[tilespmem:s12], [sflag:$0x1] =	stream.indirect.gather [hbm4b:s13+s17], $0x80, s1, s17, $0xb8;
	[tilespmem:$0x10400] =	vst v63  }
0x2ae: {  	_ = 	snop  }
0x2af: {  	[tilespmem:s11], [sflag:$0x1] =	stream.indirect.gather [hbm4b:s14+s17], $0x80, s18, s17, $0xb8;
	[tilespmem:$0x10400] =	vst v63  }
0x2b0: {  	_ = 	snop  }
0x2b1: {  	[tilespmem:s9], [sflag:$0x1] =	stream.indirect.gather [hbm4b:s16+s17], $0x80, s1, s17, $0xb8;
	[tilespmem:$0x10400] =	vst v63  }
0x2b2: {  	_ =	swait.ge [sflag:s8], $0x2000  }
0x2b3: {  	[sflag:s8] =	ssyncset.done $0x0  }
0x2b4: {  	[sflag:s8] =	ssyncadd.s32 $0xFFFFE000  }
0x2b5: {  	_ =	swait.ge [sflag:s8], $0x2000  }
0x2b6: {  	[sflag:s8] =	ssyncset.done $0x0  }
0x2b7: {  	[sflag:s8] =	ssyncadd.s32 $0xFFFFE000  }
0x2b8: {  	_ =	swait.ge [sflag:s8], $0x2000  }
0x2b9: {  	[sflag:s8] =	ssyncset.done $0x0  }
0x2ba: {  	[sflag:s8] =	ssyncadd.s32 $0xFFFFE000  }
0x2bb: {  	_ =	swait.ge [sflag:s8], $0x2000  }
0x2bc: {  	[sflag:s8] =	ssyncset.done $0x0  }
0x2bd: {  	s19 =	rddreg [dreg:$0x8];
	[sflag:s8] =	ssyncadd.s32 $0xFFFFE000  }
0x2be: {  	[hbm4b:s19+s2] =	stream.linear.scatter [tilespmem:s7], [sflag:$0x2], $0x2000, $0x38;
	[tilespmem:$0x10400] =	vst v63  }
0x2bf: {  	_ =	swait.ge [sflag:s3], $0x2000  }
0x2c0: {  	[sflag:s3] =	ssyncset.done $0x0  }
0x2c1: {  	s20 =	rddreg [dreg:$0x9];
	[sflag:s3] =	ssyncadd.s32 $0xFFFFE000  }
0x2c2: {  	[hbm4b:s20+s2] =	stream.linear.scatter [tilespmem:s6], [sflag:$0x2], $0x2000, $0x38;
	[tilespmem:$0x10400] =	vst v63  }
0x2c3: {  	_ =	swait.ge [sflag:s3], $0x2000  }
0x2c4: {  	[sflag:s3] =	ssyncset.done $0x0  }
0x2c5: {  	s21 =	rddreg [dreg:$0xa];
	[sflag:s3] =	ssyncadd.s32 $0xFFFFE000  }
0x2c6: {  	[hbm4b:s21+s2] =	stream.linear.scatter [tilespmem:s5], [sflag:$0x2], $0x2000, $0x38;
	[tilespmem:$0x10400] =	vst v63  }
0x2c7: {  	_ =	swait.ge [sflag:s3], $0x2000  }
0x2c8: {  	[sflag:s3] =	ssyncset.done $0x0  }
0x2c9: {  	s22 =	rddreg [dreg:$0xb];
	[sflag:s3] =	ssyncadd.s32 $0xFFFFE000  }
0x2ca: {  	[hbm4b:s22+s2] =	stream.linear.scatter [tilespmem:s4], [sflag:$0x2], $0x2000, $0x38;
	[tilespmem:$0x10400] =	vst v63  }
0x2cb: {  	_ =	swait.ge [sflag:s3], $0x2000  }
0x2cc: {  	[sflag:s3] =	ssyncset.done $0x0  }
0x2cd: {  	s23 =	simm.s32 $0xC0;
	[sflag:s3] =	ssyncadd.s32 $0xFFFFE000  }
0x2ce: {  	[tilespmem:s7], [sflag:$0x1] =	stream.indirect.gather [hbm4b:s10+s17], $0x80, s23, s17, $0xb8;
	[tilespmem:$0x10400] =	vst v63  }
0x2cf: {  	s24 =	simm.s32 $0x2C0  }
0x2d0: {  	[tilespmem:s6], [sflag:$0x1] =	stream.indirect.gather [hbm4b:s13+s17], $0x80, s24, s17, $0xb8;
	[tilespmem:$0x10400] =	vst v63  }
0x2d1: {  	_ = 	snop  }
0x2d2: {  	[tilespmem:s5], [sflag:$0x1] =	stream.indirect.gather [hbm4b:s14+s17], $0x80, s23, s17, $0xb8;
	[tilespmem:$0x10400] =	vst v63  }
0x2d3: {  	_ = 	snop  }
0x2d4: {  	[tilespmem:s4], [sflag:$0x1] =	stream.indirect.gather [hbm4b:s16+s17], $0x80, s24, s17, $0xb8;
	[tilespmem:$0x10400] =	vst v63  }
0x2d5: {  	_ =	swait.ge [sflag:s8], $0x2000  }
0x2d6: {  	[sflag:s8] =	ssyncset.done $0x0  }
0x2d7: {  	[sflag:s8] =	ssyncadd.s32 $0xFFFFE000  }
0x2d8: {  	_ =	swait.ge [sflag:s8], $0x2000  }
0x2d9: {  	[sflag:s8] =	ssyncset.done $0x0  }
0x2da: {  	[sflag:s8] =	ssyncadd.s32 $0xFFFFE000  }
0x2db: {  	_ =	swait.ge [sflag:s8], $0x2000  }
0x2dc: {  	[sflag:s8] =	ssyncset.done $0x0  }
0x2dd: {  	[sflag:s8] =	ssyncadd.s32 $0xFFFFE000  }
0x2de: {  	_ =	swait.ge [sflag:s8], $0x2000  }
0x2df: {  	[sflag:s8] =	ssyncset.done $0x0  }
0x2e0: {  	s25 =	rddreg [dreg:$0xc];
	[sflag:s8] =	ssyncadd.s32 $0xFFFFE000  }
0x2e1: {  	[hbm4b:s25+s2] =	stream.linear.scatter [tilespmem:s15], [sflag:$0x2], $0x2000, $0x38;
	[tilespmem:$0x10400] =	vst v63  }
0x2e2: {  	_ =	swait.ge [sflag:s3], $0x2000  }
0x2e3: {  	[sflag:s3] =	ssyncset.done $0x0  }
0x2e4: {  	s26 =	rddreg [dreg:$0xd];
	[sflag:s3] =	ssyncadd.s32 $0xFFFFE000  }
0x2e5: {  	[hbm4b:s26+s2] =	stream.linear.scatter [tilespmem:s12], [sflag:$0x2], $0x2000, $0x38;
	[tilespmem:$0x10400] =	vst v63  }
0x2e6: {  	_ =	swait.ge [sflag:s3], $0x2000  }
0x2e7: {  	[sflag:s3] =	ssyncset.done $0x0  }
0x2e8: {  	s28 =	rddreg [dreg:$0xe];
	[sflag:s3] =	ssyncadd.s32 $0xFFFFE000  }
0x2e9: {  	[hbm4b:s28+s2] =	stream.linear.scatter [tilespmem:s11], [sflag:$0x2], $0x2000, $0x38;
	[tilespmem:$0x10400] =	vst v63  }
0x2ea: {  	_ =	swait.ge [sflag:s3], $0x2000  }
0x2eb: {  	[sflag:s3] =	ssyncset.done $0x0  }
0x2ec: {  	s29 =	rddreg [dreg:$0xf];
	[sflag:s3] =	ssyncadd.s32 $0xFFFFE000  }
0x2ed: {  	[hbm4b:s29+s2] =	stream.linear.scatter [tilespmem:s9], [sflag:$0x2], $0x2000, $0x38;
	[tilespmem:$0x10400] =	vst v63  }
0x2ee: {  	_ =	swait.ge [sflag:s3], $0x2000  }
0x2ef: {  	[sflag:s3] =	ssyncset.done $0x0  }
0x2f0: {  	s30 =	simm.s32 $0x100;
	[sflag:s3] =	ssyncadd.s32 $0xFFFFE000  }
0x2f1: {  	[tilespmem:s15], [sflag:$0x1] =	stream.indirect.gather [hbm4b:s10+s17], $0x80, s30, s17, $0xb8;
	[tilespmem:$0x10400] =	vst v63  }
0x2f2: {  	s31 =	simm.s32 $0x300  }
0x2f3: {  	[tilespmem:s12], [sflag:$0x1] =	stream.indirect.gather [hbm4b:s13+s17], $0x80, s31, s17, $0xb8;
	[tilespmem:$0x10400] =	vst v63  }
0x2f4: {  	_ = 	snop  }
0x2f5: {  	[tilespmem:s11], [sflag:$0x1] =	stream.indirect.gather [hbm4b:s14+s17], $0x80, s30, s17, $0xb8;
	[tilespmem:$0x10400] =	vst v63  }
0x2f6: {  	_ = 	snop  }
0x2f7: {  	[tilespmem:s9], [sflag:$0x1] =	stream.indirect.gather [hbm4b:s16+s17], $0x80, s31, s17, $0xb8;
	[tilespmem:$0x10400] =	vst v63  }
0x2f8: {  	_ =	swait.ge [sflag:s8], $0x2000  }
0x2f9: {  	[sflag:s8] =	ssyncset.done $0x0  }
0x2fa: {  	[sflag:s8] =	ssyncadd.s32 $0xFFFFE000  }
0x2fb: {  	_ =	swait.ge [sflag:s8], $0x2000  }
0x2fc: {  	[sflag:s8] =	ssyncset.done $0x0  }
0x2fd: {  	[sflag:s8] =	ssyncadd.s32 $0xFFFFE000  }
0x2fe: {  	_ =	swait.ge [sflag:s8], $0x2000  }
0x2ff: {  	[sflag:s8] =	ssyncset.done $0x0  }
0x300: {  	[sflag:s8] =	ssyncadd.s32 $0xFFFFE000  }
0x301: {  	_ =	swait.ge [sflag:s8], $0x2000  }
0x302: {  	[sflag:s8] =	ssyncset.done $0x0  }
0x303: {  	s18 =	rddreg [dreg:$0x10];
	[sflag:s8] =	ssyncadd.s32 $0xFFFFE000  }
0x304: {  	[hbm4b:s18+s2] =	stream.linear.scatter [tilespmem:s7], [sflag:$0x2], $0x2000, $0x38;
	[tilespmem:$0x10400] =	vst v63  }
0x305: {  	_ =	swait.ge [sflag:s3], $0x2000  }
0x306: {  	[sflag:s3] =	ssyncset.done $0x0  }
0x307: {  	s19 =	rddreg [dreg:$0x11];
	[sflag:s3] =	ssyncadd.s32 $0xFFFFE000  }
0x308: {  	[hbm4b:s19+s2] =	stream.linear.scatter [tilespmem:s6], [sflag:$0x2], $0x2000, $0x38;
	[tilespmem:$0x10400] =	vst v63  }
0x309: {  	_ =	swait.ge [sflag:s3], $0x2000  }
0x30a: {  	[sflag:s3] =	ssyncset.done $0x0  }
0x30b: {  	s20 =	rddreg [dreg:$0x12];
	[sflag:s3] =	ssyncadd.s32 $0xFFFFE000  }
0x30c: {  	[hbm4b:s20+s2] =	stream.linear.scatter [tilespmem:s5], [sflag:$0x2], $0x2000, $0x38;
	[tilespmem:$0x10400] =	vst v63  }
0x30d: {  	_ =	swait.ge [sflag:s3], $0x2000  }
0x30e: {  	[sflag:s3] =	ssyncset.done $0x0  }
0x30f: {  	s21 =	rddreg [dreg:$0x13];
	[sflag:s3] =	ssyncadd.s32 $0xFFFFE000  }
0x310: {  	[hbm4b:s21+s2] =	stream.linear.scatter [tilespmem:s4], [sflag:$0x2], $0x2000, $0x38;
	[tilespmem:$0x10400] =	vst v63  }
0x311: {  	_ =	swait.ge [sflag:s3], $0x2000  }
0x312: {  	[sflag:s3] =	ssyncset.done $0x0  }
0x313: {  	s22 =	simm.s32 $0x140;
	[sflag:s3] =	ssyncadd.s32 $0xFFFFE000  }
0x314: {  	[tilespmem:s7], [sflag:$0x1] =	stream.indirect.gather [hbm4b:s10+s17], $0x80, s22, s17, $0xb8;
	[tilespmem:$0x10400] =	vst v63  }
0x315: {  	s23 =	simm.s32 $0x340  }
0x316: {  	[tilespmem:s6], [sflag:$0x1] =	stream.indirect.gather [hbm4b:s13+s17], $0x80, s23, s17, $0xb8;
	[tilespmem:$0x10400] =	vst v63  }
0x317: {  	_ = 	snop  }
0x318: {  	[tilespmem:s5], [sflag:$0x1] =	stream.indirect.gather [hbm4b:s14+s17], $0x80, s22, s17, $0xb8;
	[tilespmem:$0x10400] =	vst v63  }
0x319: {  	_ = 	snop  }
0x31a: {  	[tilespmem:s4], [sflag:$0x1] =	stream.indirect.gather [hbm4b:s16+s17], $0x80, s23, s17, $0xb8;
	[tilespmem:$0x10400] =	vst v63  }
0x31b: {  	_ =	swait.ge [sflag:s8], $0x2000  }
0x31c: {  	[sflag:s8] =	ssyncset.done $0x0  }
0x31d: {  	[sflag:s8] =	ssyncadd.s32 $0xFFFFE000  }
0x31e: {  	_ =	swait.ge [sflag:s8], $0x2000  }
0x31f: {  	[sflag:s8] =	ssyncset.done $0x0  }
0x320: {  	[sflag:s8] =	ssyncadd.s32 $0xFFFFE000  }
0x321: {  	_ =	swait.ge [sflag:s8], $0x2000  }
0x322: {  	[sflag:s8] =	ssyncset.done $0x0  }
0x323: {  	[sflag:s8] =	ssyncadd.s32 $0xFFFFE000  }
0x324: {  	_ =	swait.ge [sflag:s8], $0x2000  }
0x325: {  	[sflag:s8] =	ssyncset.done $0x0  }
0x326: {  	s24 =	rddreg [dreg:$0x14];
	[sflag:s8] =	ssyncadd.s32 $0xFFFFE000  }
0x327: {  	[hbm4b:s24+s2] =	stream.linear.scatter [tilespmem:s15], [sflag:$0x2], $0x2000, $0x38;
	[tilespmem:$0x10400] =	vst v63  }
0x328: {  	_ =	swait.ge [sflag:s3], $0x2000  }
0x329: {  	[sflag:s3] =	ssyncset.done $0x0  }
0x32a: {  	s25 =	rddreg [dreg:$0x15];
	[sflag:s3] =	ssyncadd.s32 $0xFFFFE000  }
0x32b: {  	[hbm4b:s25+s2] =	stream.linear.scatter [tilespmem:s12], [sflag:$0x2], $0x2000, $0x38;
	[tilespmem:$0x10400] =	vst v63  }
0x32c: {  	_ =	swait.ge [sflag:s3], $0x2000  }
0x32d: {  	[sflag:s3] =	ssyncset.done $0x0  }
0x32e: {  	s26 =	rddreg [dreg:$0x16];
	[sflag:s3] =	ssyncadd.s32 $0xFFFFE000  }
0x32f: {  	[hbm4b:s26+s2] =	stream.linear.scatter [tilespmem:s11], [sflag:$0x2], $0x2000, $0x38;
	[tilespmem:$0x10400] =	vst v63  }
0x330: {  	_ =	swait.ge [sflag:s3], $0x2000  }
0x331: {  	[sflag:s3] =	ssyncset.done $0x0  }
0x332: {  	s28 =	rddreg [dreg:$0x17];
	[sflag:s3] =	ssyncadd.s32 $0xFFFFE000  }
0x333: {  	[hbm4b:s28+s2] =	stream.linear.scatter [tilespmem:s9], [sflag:$0x2], $0x2000, $0x38;
	[tilespmem:$0x10400] =	vst v63  }
0x334: {  	_ =	swait.ge [sflag:s3], $0x2000  }
0x335: {  	[sflag:s3] =	ssyncset.done $0x0  }
0x336: {  	s29 =	simm.s32 $0x180;
	[sflag:s3] =	ssyncadd.s32 $0xFFFFE000  }
0x337: {  	[tilespmem:s15], [sflag:$0x1] =	stream.indirect.gather [hbm4b:s10+s17], $0x80, s29, s17, $0xb8;
	[tilespmem:$0x10400] =	vst v63  }
0x338: {  	s30 =	simm.s32 $0x380  }
0x339: {  	[tilespmem:s12], [sflag:$0x1] =	stream.indirect.gather [hbm4b:s13+s17], $0x80, s30, s17, $0xb8;
	[tilespmem:$0x10400] =	vst v63  }
0x33a: {  	_ = 	snop  }
0x33b: {  	[tilespmem:s11], [sflag:$0x1] =	stream.indirect.gather [hbm4b:s14+s17], $0x80, s29, s17, $0xb8;
	[tilespmem:$0x10400] =	vst v63  }
0x33c: {  	_ = 	snop  }
0x33d: {  	[tilespmem:s9], [sflag:$0x1] =	stream.indirect.gather [hbm4b:s16+s17], $0x80, s30, s17, $0xb8;
	[tilespmem:$0x10400] =	vst v63  }
0x33e: {  	_ =	swait.ge [sflag:s8], $0x2000  }
0x33f: {  	[sflag:s8] =	ssyncset.done $0x0  }
0x340: {  	[sflag:s8] =	ssyncadd.s32 $0xFFFFE000  }
0x341: {  	_ =	swait.ge [sflag:s8], $0x2000  }
0x342: {  	[sflag:s8] =	ssyncset.done $0x0  }
0x343: {  	[sflag:s8] =	ssyncadd.s32 $0xFFFFE000  }
0x344: {  	_ =	swait.ge [sflag:s8], $0x2000  }
0x345: {  	[sflag:s8] =	ssyncset.done $0x0  }
0x346: {  	[sflag:s8] =	ssyncadd.s32 $0xFFFFE000  }
0x347: {  	_ =	swait.ge [sflag:s8], $0x2000  }
0x348: {  	[sflag:s8] =	ssyncset.done $0x0  }
0x349: {  	s31 =	rddreg [dreg:$0x18];
	[sflag:s8] =	ssyncadd.s32 $0xFFFFE000  }
0x34a: {  	[hbm4b:s31+s2] =	stream.linear.scatter [tilespmem:s7], [sflag:$0x2], $0x2000, $0x38;
	[tilespmem:$0x10400] =	vst v63  }
0x34b: {  	_ =	swait.ge [sflag:s3], $0x2000  }
0x34c: {  	[sflag:s3] =	ssyncset.done $0x0  }
0x34d: {  	s1 =	rddreg [dreg:$0x19];
	[sflag:s3] =	ssyncadd.s32 $0xFFFFE000  }
0x34e: {  	[hbm4b:s1+s2] =	stream.linear.scatter [tilespmem:s6], [sflag:$0x2], $0x2000, $0x38;
	[tilespmem:$0x10400] =	vst v63  }
0x34f: {  	_ =	swait.ge [sflag:s3], $0x2000  }
0x350: {  	[sflag:s3] =	ssyncset.done $0x0  }
0x351: {  	s18 =	rddreg [dreg:$0x1a];
	[sflag:s3] =	ssyncadd.s32 $0xFFFFE000  }
0x352: {  	[hbm4b:s18+s2] =	stream.linear.scatter [tilespmem:s5], [sflag:$0x2], $0x2000, $0x38;
	[tilespmem:$0x10400] =	vst v63  }
0x353: {  	_ =	swait.ge [sflag:s3], $0x2000  }
0x354: {  	[sflag:s3] =	ssyncset.done $0x0  }
0x355: {  	s19 =	rddreg [dreg:$0x1b];
	[sflag:s3] =	ssyncadd.s32 $0xFFFFE000  }
0x356: {  	[hbm4b:s19+s2] =	stream.linear.scatter [tilespmem:s4], [sflag:$0x2], $0x2000, $0x38;
	[tilespmem:$0x10400] =	vst v63  }
0x357: {  	_ =	swait.ge [sflag:s3], $0x2000  }
0x358: {  	[sflag:s3] =	ssyncset.done $0x0  }
0x359: {  	s20 =	simm.s32 $0x1C0;
	[sflag:s3] =	ssyncadd.s32 $0xFFFFE000  }
0x35a: {  	[tilespmem:s7], [sflag:$0x1] =	stream.indirect.gather [hbm4b:s10+s17], $0x80, s20, s17, $0xb8;
	[tilespmem:$0x10400] =	vst v63  }
0x35b: {  	s21 =	simm.s32 $0x3C0  }
0x35c: {  	[tilespmem:s6], [sflag:$0x1] =	stream.indirect.gather [hbm4b:s13+s17], $0x80, s21, s17, $0xb8;
	[tilespmem:$0x10400] =	vst v63  }
0x35d: {  	_ = 	snop  }
0x35e: {  	[tilespmem:s5], [sflag:$0x1] =	stream.indirect.gather [hbm4b:s14+s17], $0x80, s20, s17, $0xb8;
	[tilespmem:$0x10400] =	vst v63  }
0x35f: {  	_ = 	snop  }
0x360: {  	[tilespmem:s4], [sflag:$0x1] =	stream.indirect.gather [hbm4b:s16+s17], $0x80, s21, s17, $0xb8;
	[tilespmem:$0x10400] =	vst v63  }
0x361: {  	_ =	swait.ge [sflag:s8], $0x2000  }
0x362: {  	[sflag:s8] =	ssyncset.done $0x0  }
0x363: {  	[sflag:s8] =	ssyncadd.s32 $0xFFFFE000  }
0x364: {  	_ =	swait.ge [sflag:s8], $0x2000  }
0x365: {  	[sflag:s8] =	ssyncset.done $0x0  }
0x366: {  	[sflag:s8] =	ssyncadd.s32 $0xFFFFE000  }
0x367: {  	_ =	swait.ge [sflag:s8], $0x2000  }
0x368: {  	[sflag:s8] =	ssyncset.done $0x0  }
0x369: {  	[sflag:s8] =	ssyncadd.s32 $0xFFFFE000  }
0x36a: {  	_ =	swait.ge [sflag:s8], $0x2000  }
0x36b: {  	[sflag:s8] =	ssyncset.done $0x0  }
0x36c: {  	s22 =	rddreg [dreg:$0x1c];
	[sflag:s8] =	ssyncadd.s32 $0xFFFFE000  }
0x36d: {  	[hbm4b:s22+s2] =	stream.linear.scatter [tilespmem:s15], [sflag:$0x2], $0x2000, $0x38;
	[tilespmem:$0x10400] =	vst v63  }
0x36e: {  	_ =	swait.ge [sflag:s3], $0x2000  }
0x36f: {  	[sflag:s3] =	ssyncset.done $0x0  }
0x370: {  	s23 =	rddreg [dreg:$0x1d];
	[sflag:s3] =	ssyncadd.s32 $0xFFFFE000  }
0x371: {  	[hbm4b:s23+s2] =	stream.linear.scatter [tilespmem:s12], [sflag:$0x2], $0x2000, $0x38;
	[tilespmem:$0x10400] =	vst v63  }
0x372: {  	_ =	swait.ge [sflag:s3], $0x2000  }
0x373: {  	[sflag:s3] =	ssyncset.done $0x0  }
0x374: {  	s24 =	rddreg [dreg:$0x1e];
	[sflag:s3] =	ssyncadd.s32 $0xFFFFE000  }
0x375: {  	[hbm4b:s24+s2] =	stream.linear.scatter [tilespmem:s11], [sflag:$0x2], $0x2000, $0x38;
	[tilespmem:$0x10400] =	vst v63  }
0x376: {  	_ =	swait.ge [sflag:s3], $0x2000  }
0x377: {  	[sflag:s3] =	ssyncset.done $0x0  }
0x378: {  	s25 =	rddreg [dreg:$0x1f];
	[sflag:s3] =	ssyncadd.s32 $0xFFFFE000  }
0x379: {  	[hbm4b:s25+s2] =	stream.linear.scatter [tilespmem:s9], [sflag:$0x2], $0x2000, $0x38;
	[tilespmem:$0x10400] =	vst v63  }
0x37a: {  	_ =	swait.ge [sflag:s3], $0x2000  }
0x37b: {  	[sflag:s3] =	ssyncset.done $0x0  }
0x37c: {  	[sflag:s3] =	ssyncadd.s32 $0xFFFFE000  }
0x37d: {  	_ =	swait.ge [sflag:s8], $0x2000  }
0x37e: {  	[sflag:s8] =	ssyncset.done $0x0  }
0x37f: {  	[sflag:s8] =	ssyncadd.s32 $0xFFFFE000  }
0x380: {  	_ =	swait.ge [sflag:s8], $0x2000  }
0x381: {  	[sflag:s8] =	ssyncset.done $0x0  }
0x382: {  	[sflag:s8] =	ssyncadd.s32 $0xFFFFE000  }
0x383: {  	_ =	swait.ge [sflag:s8], $0x2000  }
0x384: {  	[sflag:s8] =	ssyncset.done $0x0  }
0x385: {  	[sflag:s8] =	ssyncadd.s32 $0xFFFFE000  }
0x386: {  	_ =	swait.ge [sflag:s8], $0x2000  }
0x387: {  	s26 =	sld [smem:$0x7FA]  }
0x388: {  	[sflag:s8] =	ssyncset.done $0x0  }
0x389: {  	[sflag:s8] =	ssyncadd.s32 $0xFFFFE000  }
0x38a: {  	[hbm4b:s26+s2] =	stream.linear.scatter [tilespmem:s7], [sflag:$0x2], $0x2000, $0x38;
	[tilespmem:$0x10400] =	vst v63  }
0x38b: {  	_ =	swait.ge [sflag:s3], $0x2000  }
0x38c: {  	s28 =	sld [smem:$0x7FB]  }
0x38d: {  	[sflag:s3] =	ssyncset.done $0x0  }
0x38e: {  	[sflag:s3] =	ssyncadd.s32 $0xFFFFE000  }
0x38f: {  	[hbm4b:s28+s2] =	stream.linear.scatter [tilespmem:s6], [sflag:$0x2], $0x2000, $0x38;
	[tilespmem:$0x10400] =	vst v63  }
0x390: {  	_ =	swait.ge [sflag:s3], $0x2000  }
0x391: {  	s29 =	sld [smem:$0x7FC]  }
0x392: {  	[sflag:s3] =	ssyncset.done $0x0  }
0x393: {  	[sflag:s3] =	ssyncadd.s32 $0xFFFFE000  }
0x394: {  	[hbm4b:s29+s2] =	stream.linear.scatter [tilespmem:s5], [sflag:$0x2], $0x2000, $0x38;
	[tilespmem:$0x10400] =	vst v63  }
0x395: {  	_ =	swait.ge [sflag:s3], $0x2000  }
0x396: {  	s30 =	sld [smem:$0x7FD]  }
0x397: {  	[sflag:s3] =	ssyncset.done $0x0  }
0x398: {  	[sflag:s3] =	ssyncadd.s32 $0xFFFFE000  }
0x399: {  	[hbm4b:s30+s2] =	stream.linear.scatter [tilespmem:s4], [sflag:$0x2], $0x2000, $0x38;
	[tilespmem:$0x10400] =	vst v63  }
0x39a: {  	_ =	swait.ge [sflag:s3], $0x2000  }
0x39b: {  	[sflag:s3] =	ssyncset.done $0x0  }
0x39c: {  	[sflag:s3] =	ssyncadd.s32 $0xFFFFE000  }
0x39d: {  	_ =	sfence.sel $0x180000  }
0x39e: {  	[bflag:$0x0] =	sbarrier.arrive $0xFFFF  }
0x39f: {  	_ =	strace $0x90000047  }
0x3a0: {  	s31 =	stileid.u32;
	[bflag:$0x2] =	sbarrier.arrive $0xFFFF  }
0x3a1: {  	p0 =	sne.s32 s31, $0x0;
	s0 =	rddreg [dreg:$0x1]  }
0x3a2: {  	s0 =	sadd.s32 @!p0 $0x100000, s0  }
0x3a3: {  	[sflag:s0] =	ssyncadd.tile.s32 @!p0 $0x1;
	_ =	shalt  }
.Lfunc_end2:
_tile_overlayer_lowered:
.L_overlay_start_2:
0x3a4: {  	(tag) =	ssettag $0x2  }
0x3a5: {  	s0 =	rddreg [dreg:$0x0];
	s2 =	stileid.u32  }
0x3a6: {  	s1 =	rddreg [dreg:$0x1];
	p0 =	sne.s32 s2, $0x0  }
0x3a7: {  	s3 =	rddreg [dreg:$0x2];
	[bflag:$0x3] =	sbarrier.arrive $0xFFFF;
	s2 =	simm.s32 @!p0 $0x1C02  }
0x3a8: {  	[timem:s3], [sflag:s2] =	dma.local @!p0 [hbm:s0], s1  }
0x3a9: {  	s0 =	simm.s32 @!p0 $0x2  }
0x3aa: {  	_ =	swait.ge @!p0 [sflag:s0], s1  }
0x3ab: {  	s1 =	ssub.s32 @!p0 $0x0, s1;
	[sflag:s0] =	ssyncset.done @!p0 $0x0  }
0x3ac: {  	[sflag:s0] =	ssyncadd.s32 @!p0 s1  }
0x3ad: {  	[bflag:$0x3] =	sbarrier.arrive $0xFFFF  }
0x3ae: {  	_ =	shalt  }

</sc_bundles>
